<compile_context>
chip_gen: v7x
topology: tpu7x:2x2x1
jax: 0.10.2.dev20260603
libtpu: 0.0.44.dev20260713+nightly
codegen_flags: <defaults>
</compile_context>

<pallas_src>
import jax
import jax.numpy as jnp
import numpy as np
from jax import lax
from jax.experimental import pallas as pl
from jax.experimental.pallas import tpu as pltpu
from jax.experimental.pallas import tpu_sc as plsc

N = 50000
E = 1600000
C = 32
E_DIM = 11

NC = 2
NS = 16
NW = NC * NS

NSUB = 25
KB = NSUB * 128
NBLK = 16
EPT = NBLK * KB
EPAD = NW * EPT

NP = 50176
RPS = NP // NS
BN = 1024
INV_SQRT_EMB = float(1.0 / np.sqrt(32.0))


def _mesh():
    return plsc.VectorSubcoreMesh(core_axis_name="c", subcore_axis_name="s")


_SC_PARAMS = pltpu.CompilerParams(needs_layout_passes=False,
                                  use_tc_tiling_on_sc=False)


def _embdot_body(emb_hbm, src_hbm, dst_hbm, out_hbm,
                 sbuf, dbuf, obuf, srows, drows, tbuf, sem):
    c = lax.axis_index("c")
    s = lax.axis_index("s")
    wid = c * NS + s
    lane = lax.iota(jnp.int32, 16)

    def type_body(t, _):
        def blk_body(blk, _):
            pltpu.sync_copy(src_hbm.at[t, wid, blk], sbuf)
            pltpu.sync_copy(dst_hbm.at[t, wid, blk], dbuf)

            def sub_body(j, _):
                cp1 = pltpu.async_copy(emb_hbm.at[sbuf.at[j]], srows, sem)
                cp2 = pltpu.async_copy(emb_hbm.at[dbuf.at[j]], drows, sem)
                cp1.wait()
                cp2.wait()

                def grp_body(g, _):
                    lane16 = lane * 16
                    for k in range(16):
                        eidx = g * 16 + k
                        p = (srows[eidx, pl.ds(0, 16)] * drows[eidx, pl.ds(0, 16)]
                             + srows[eidx, pl.ds(16, 16)] * drows[eidx, pl.ds(16, 16)])
                        plsc.store_scatter(tbuf, [lane16 + k], p)
                    dots = tbuf[pl.ds(0, 16)]
                    for l in range(1, 16):
                        dots = dots + tbuf[pl.ds(l * 16, 16)]
                    obuf[j, pl.ds(g * 16, 16)] = dots * INV_SQRT_EMB
                    return 0

                lax.fori_loop(0, 8, grp_body, 0)
                return 0

            lax.fori_loop(0, NSUB, sub_body, 0)
            pltpu.sync_copy(obuf, out_hbm.at[t, wid, blk])
            return 0

        lax.fori_loop(0, NBLK, blk_body, 0)
        return 0

    lax.fori_loop(0, 4, type_body, 0)


def _embdot_call(emb, src_all, dst_all):
    kfn = pl.kernel(
        _embdot_body,
        out_type=jax.ShapeDtypeStruct((4, NW, NBLK, NSUB, 128), jnp.float32),
        mesh=_mesh(),
        scratch_types=[
            pltpu.VMEM((NSUB, 128), jnp.int32),
            pltpu.VMEM((NSUB, 128), jnp.int32),
            pltpu.VMEM((NSUB, 128), jnp.float32),
            pltpu.VMEM((128, 32), jnp.float32),
            pltpu.VMEM((128, 32), jnp.float32),
            pltpu.VMEM((256,), jnp.float32),
            pltpu.SemaphoreType.DMA,
        ],
        compiler_params=_SC_PARAMS,
    )
    return kfn(emb, src_all, dst_all)


QNP = NP // 4
QNPS = QNP // NS


def _convall_body(h_hbm, asad_hbm, src_hbm, dst_hbm, base_hbm,
                  zr_hbm, out_hbm, den_hbm,
                  astab, adtab, sbuf, dbuf, dlbuf, bbuf, rows,
                  acc, sem):
    c = lax.axis_index("c")
    s = lax.axis_index("s")
    stripe = pl.ds(s * QNPS, QNPS)
    onescol = jnp.where(lax.iota(jnp.int32, 16) == 0, 1.0, 0.0)

    def type_body(tr, _):
        t = tr // 2
        r = tr % 2
        cbase = (2 * r + c) * QNP
        pltpu.sync_copy(asad_hbm.at[2 * t], astab)
        pltpu.sync_copy(asad_hbm.at[2 * t + 1], adtab)

        def sweep_body(q, _):
            pltpu.sync_copy(zr_hbm.at[stripe], acc.at[stripe])
            plsc.subcore_barrier()

            def blk_body(i, _):
                wid = 2 * s + i // NBLK
                blk = i % NBLK
                pltpu.sync_copy(src_hbm.at[t, wid, blk], sbuf)
                pltpu.sync_copy(dst_hbm.at[t, wid, blk], dbuf)
                pltpu.sync_copy(base_hbm.at[t, wid, blk], bbuf)

                def sub_body(j, _):
                    @pl.when(q < 2)
                    def _():
                        pltpu.async_copy(h_hbm.at[t, q].at[sbuf.at[j]],
                                         rows, sem).wait()

                    def grp_body(g, _):
                        sl = pl.ds(g * 16, 16)
                        s16 = sbuf[j, sl]
                        d16 = dbuf[j, sl]
                        e16 = (plsc.load_gather(astab, [s16])
                               + plsc.load_gather(adtab, [d16])
                               + bbuf[j, sl])
                        e16 = jnp.where(e16 > 0, e16, e16 * 0.2)
                        w16 = jnp.exp(e16)
                        dloc = d16 - cbase
                        valid = (dloc >= 0) & (dloc < QNP)
                        w16 = jnp.where(valid, w16, 0.0)
                        dlbuf[j, sl] = jnp.where(valid, dloc, 0)

                        @pl.when(q < 2)
                        def _():
                            for k in range(16):
                                eidx = g * 16 + k
                                rows[eidx, :] = rows[eidx, :] * w16[k]

                        @pl.when(q == 2)
                        def _():
                            for k in range(16):
                                rows[g * 16 + k, :] = onescol * w16[k]

                        return 0

                    lax.fori_loop(0, 8, grp_body, 0)
                    pltpu.sync_copy(rows, acc.at[dlbuf.at[j]], add=True)
                    return 0

                lax.fori_loop(0, NSUB, sub_body, 0)
                return 0

            lax.fori_loop(0, 2 * NBLK, blk_body, 0)
            plsc.subcore_barrier()

            @pl.when(q < 2)
            def _():
                pltpu.sync_copy(
                    acc.at[stripe],
                    out_hbm.at[t, pl.ds(cbase + s * QNPS, QNPS),
                               pl.ds(16 * q, 16)])

            @pl.when(q == 2)
            def _():
                pltpu.sync_copy(
                    acc.at[stripe],
                    den_hbm.at[t, pl.ds(cbase + s * QNPS, QNPS)])

            return 0

        lax.fori_loop(0, 3, sweep_body, 0)
        return 0

    lax.fori_loop(0, 8, type_body, 0)


def _convall_call(h_all, asadT, src_all, dst_all, base_all, zr):
    kfn = pl.kernel(
        _convall_body,
        out_type=(jax.ShapeDtypeStruct((4, NP, 32), jnp.float32),
                  jax.ShapeDtypeStruct((4, NP, 16), jnp.float32)),
        mesh=_mesh(),
        scratch_types=[
            pltpu.VMEM((NP,), jnp.float32),
            pltpu.VMEM((NP,), jnp.float32),
            pltpu.VMEM((NSUB, 128), jnp.int32),
            pltpu.VMEM((NSUB, 128), jnp.int32),
            pltpu.VMEM((NSUB, 128), jnp.int32),
            pltpu.VMEM((NSUB, 128), jnp.float32),
            pltpu.VMEM((128, 16), jnp.float32),
            pltpu.VMEM_SHARED((QNP, 16), jnp.float32),
            pltpu.SemaphoreType.DMA,
        ],
        compiler_params=_SC_PARAMS,
    )
    return kfn(h_all, asadT, src_all, dst_all, base_all, zr)


def _k1_body(x_ref, w_ref, a_ref, h_ref, *asad_refs):
    hcat = jnp.dot(x_ref[...], w_ref[...], preferred_element_type=jnp.float32)
    for t in range(4):
        h_ref[t, 0, :, :] = hcat[:, 32 * t:32 * t + 16]
        h_ref[t, 1, :, :] = hcat[:, 32 * t + 16:32 * t + 32]
    asad_refs[0][...] = jnp.dot(hcat, a_ref[...],
                                preferred_element_type=jnp.float32)


def _k1_call(xp, wcat, amat):
    grid = NP // BN
    return pl.pallas_call(
        _k1_body,
        grid=(grid,),
        in_specs=[
            pl.BlockSpec((BN, 54), lambda i: (i, 0)),
            pl.BlockSpec((54, 128), lambda i: (0, 0)),
            pl.BlockSpec((128, 8), lambda i: (0, 0)),
        ],
        out_specs=[pl.BlockSpec((4, 2, BN, 16), lambda i: (0, 0, i, 0)),
                   pl.BlockSpec((BN, 8), lambda i: (i, 0))],
        out_shape=[jax.ShapeDtypeStruct((4, 2, NP, 16), jnp.float32),
                   jax.ShapeDtypeStruct((NP, 8), jnp.float32)],
    )(xp, wcat, amat)


def _kadd_body(a_ref, b_ref, o_ref):
    o_ref[...] = a_ref[...] + b_ref[...]


def _kadd_call(a_flat, b_flat):
    BEA = 8192
    return pl.pallas_call(
        _kadd_body,
        grid=(EPAD // BEA,),
        in_specs=[pl.BlockSpec((BEA,), lambda i: (i,))] * 2,
        out_specs=pl.BlockSpec((BEA,), lambda i: (i,)),
        out_shape=jax.ShapeDtypeStruct((EPAD,), jnp.float32),
    )(a_flat, b_flat)


def _kinv_body(x_ref, we0_ref, ae0_ref, we1_ref, ae1_ref, out_ref):
    v0 = jnp.sum(we0_ref[...] * ae0_ref[...], axis=1)
    v1 = jnp.sum(we1_ref[...] * ae1_ref[...], axis=1)
    vm = jnp.stack([v0, v1], axis=1)
    out_ref[...] = jnp.dot(x_ref[...], vm, preferred_element_type=jnp.float32)


def _kinv_call(edge_attr, we0, ae0, we1, ae1):
    BE = 8000
    grid = E // BE
    return pl.pallas_call(
        _kinv_body,
        grid=(grid,),
        in_specs=[
            pl.BlockSpec((BE, E_DIM), lambda i: (i, 0)),
            pl.BlockSpec((E_DIM, 32), lambda i: (0, 0)),
            pl.BlockSpec((1, 32), lambda i: (0, 0)),
            pl.BlockSpec((E_DIM, 32), lambda i: (0, 0)),
            pl.BlockSpec((1, 32), lambda i: (0, 0)),
        ],
        out_specs=pl.BlockSpec((BE, 2), lambda i: (i, 0)),
        out_shape=jax.ShapeDtypeStruct((E, 2), jnp.float32),
    )(edge_attr, we0, ae0.reshape(1, 32), we1, ae1.reshape(1, 32))


def _k2_body(gp_ref, o_ref, d_ref, w2_ref, a2_ref, g_ref, h_ref, *asad_refs):
    gs = []
    for t in range(4):
        gt = gp_ref[t] + o_ref[t] / (d_ref[t][:, 0:1] + 1e-16)
        g_ref[t, :, :] = gt
        gs.append(gt)
    gcat = jnp.concatenate(gs, axis=1)
    h2cat = jnp.dot(gcat, w2_ref[...], preferred_element_type=jnp.float32)
    for t in range(4):
        h_ref[t, 0, :, :] = h2cat[:, 32 * t:32 * t + 16]
        h_ref[t, 1, :, :] = h2cat[:, 32 * t + 16:32 * t + 32]
    asad_refs[0][...] = jnp.dot(h2cat, a2_ref[...],
                                preferred_element_type=jnp.float32)


def _k2_call(g_prev, o_all, d_all, w2bd, a2):
    grid = NP // BN
    return pl.pallas_call(
        _k2_body,
        grid=(grid,),
        in_specs=[
            pl.BlockSpec((4, BN, 32), lambda i: (0, i, 0)),
            pl.BlockSpec((4, BN, 32), lambda i: (0, i, 0)),
            pl.BlockSpec((4, BN, 16), lambda i: (0, i, 0)),
            pl.BlockSpec((128, 128), lambda i: (0, 0)),
            pl.BlockSpec((128, 8), lambda i: (0, 0)),
        ],
        out_specs=[pl.BlockSpec((4, BN, 32), lambda i: (0, i, 0)),
                   pl.BlockSpec((4, 2, BN, 16), lambda i: (0, 0, i, 0)),
                   pl.BlockSpec((BN, 8), lambda i: (i, 0))],
        out_shape=[jax.ShapeDtypeStruct((4, NP, 32), jnp.float32),
                   jax.ShapeDtypeStruct((4, 2, NP, 16), jnp.float32),
                   jax.ShapeDtypeStruct((NP, 8), jnp.float32)],
    )(g_prev, o_all, d_all, w2bd, a2)


def _k3_body(g_ref,
             wa_ref, ba_ref, va_ref, w1_ref, b1_ref, w2_ref, b2_ref,
             out_ref):
    wa = wa_ref[...]
    ba = ba_ref[...]
    va = va_ref[...]
    gf = []
    ss = []
    for t in range(4):
        gt = g_ref[t]
        gf.append(gt)
        at = jnp.tanh(jnp.dot(gt, wa, preferred_element_type=jnp.float32) + ba)
        ss.append(jnp.sum(at * va, axis=1, keepdims=True))
    m = jnp.maximum(jnp.maximum(ss[0], ss[1]), jnp.maximum(ss[2], ss[3]))
    es = [jnp.exp(sv - m) for sv in ss]
    dsum = es[0] + es[1] + es[2] + es[3]
    g = (es[0] * gf[0] + es[1] * gf[1] + es[2] * gf[2] + es[3] * gf[3]) / dsum
    h = jnp.dot(g, w1_ref[...], preferred_element_type=jnp.float32) + b1_ref[...]
    h = jax.nn.gelu(h)
    o = jnp.dot(h, w2_ref[...], preferred_element_type=jnp.float32) + b2_ref[...]
    out_ref[...] = jax.nn.sigmoid(o)


def _k3_call(g_all, attn, dense):
    grid = NP // BN
    return pl.pallas_call(
        _k3_body,
        grid=(grid,),
        in_specs=[
            pl.BlockSpec((4, BN, 32), lambda i: (0, i, 0)),
            pl.BlockSpec((32, 32), lambda i: (0, 0)),
            pl.BlockSpec((1, 32), lambda i: (0, 0)),
            pl.BlockSpec((1, 32), lambda i: (0, 0)),
            pl.BlockSpec((32, 32), lambda i: (0, 0)),
            pl.BlockSpec((1, 32), lambda i: (0, 0)),
            pl.BlockSpec((32, 1), lambda i: (0, 0)),
            pl.BlockSpec((1, 1), lambda i: (0, 0)),
        ],
        out_specs=pl.BlockSpec((BN, 1), lambda i: (i, 0)),
        out_shape=jax.ShapeDtypeStruct((NP, 1), jnp.float32),
    )(g_all,
      attn['Wa'], attn['ba'].reshape(1, 32), attn['va'].reshape(1, 32),
      dense['W1'], dense['b1'].reshape(1, 32), dense['W2'],
      dense['b2'].reshape(1, 1))


def _edge_stream(v, pad_value):
    v = jnp.pad(v.astype(jnp.int32), (0, EPAD - E), constant_values=pad_value)
    return v.reshape(NW, NBLK, NSUB, 128)


def _f32_stream(v):
    v = jnp.pad(v.astype(jnp.float32), (0, EPAD - E))
    return v.reshape(NW, NBLK, NSUB, 128)


TYPES = ('invoke', 'internal', 'resource', 'latent')


@jax.jit
def kernel(x, embedding, invoke_edge_attr, params, invoke_edge_index,
           internal_edge_index, resource_edge_index, latent_edge_index):
    eis = {'invoke': invoke_edge_index, 'internal': internal_edge_index,
           'resource': resource_edge_index, 'latent': latent_edge_index}

    xp = jnp.pad(x, ((0, NP - N), (0, 0)))
    embp = jnp.pad(embedding, ((0, NP - N), (0, 0)))
    src_all = jnp.stack([_edge_stream(eis[k][0], 0) for k in TYPES])
    dst_all = jnp.stack([_edge_stream(eis[k][1], N) for k in TYPES])
    zr = jnp.zeros((NP, 16), jnp.float32)

    wcat1 = jnp.concatenate([params[k][0]['W'] for k in TYPES], axis=1)
    w2bd = jax.scipy.linalg.block_diag(*[params[k][1]['W'] for k in TYPES])
    a1 = jax.scipy.linalg.block_diag(
        *[jnp.stack([params[k][0]['a_src'], params[k][0]['a_dst']], axis=1)
          for k in TYPES])
    a2 = jax.scipy.linalg.block_diag(
        *[jnp.stack([params[k][1]['a_src'], params[k][1]['a_dst']], axis=1)
          for k in TYPES])

    base_all = _embdot_call(embp, src_all, dst_all)

    pinv0, pinv1 = params['invoke'][0], params['invoke'][1]
    ea01 = _kinv_call(invoke_edge_attr, pinv0['We'], pinv0['a_e'],
                      pinv1['We'], pinv1['a_e'])

    b0_flat = base_all[0].reshape(EPAD)
    base_rest = base_all[1:]
    base_i = []
    for i in range(2):
        binv = _kadd_call(b0_flat, _f32_stream(ea01[:, i]).reshape(EPAD))
        base_i.append(jnp.concatenate(
            [binv.reshape(1, NW, NBLK, NSUB, 128), base_rest], axis=0))

    h1_all, asad1 = _k1_call(xp, wcat1, a1)
    g0 = jnp.zeros((4, NP, 32), jnp.float32)

    o0, d0 = _convall_call(h1_all, jnp.transpose(asad1), src_all, dst_all,
                           base_i[0], zr)
    g1, h2_all, asad2 = _k2_call(g0, o0, d0, w2bd, a2)

    o1, d1 = _convall_call(h2_all, jnp.transpose(asad2), src_all, dst_all,
                           base_i[1], zr)
    g_final, _, _ = _k2_call(g1, o1, d1, w2bd, a2)

    out = _k3_call(g_final, params['attn'], params['dense'])
    return out[:N, 0]

# --- scband reference (transcript-rebuilt; emitter-appended) ---
"""Pipeline reference for scband-rcl-model-74122545595001 (READ-ONLY COPY).

The authoritative reference and input builder live on the scoring server;
editing this copy changes nothing except your own understanding.
"""

import jax, jax.numpy as jnp
import numpy as np

N = 50000
E = 1600000
D_IN = 54
C = 32
E_DIM = 11
EMB = 32
ITER = 2


def _gat_params(key, din, edge=False):
    ks = jax.random.split(key, 5)
    p = {
        'W': jax.random.normal(ks[0], (din, C), dtype=jnp.float32) * 0.1,
        'a_src': jax.random.normal(ks[1], (C,), dtype=jnp.float32) * 0.1,
        'a_dst': jax.random.normal(ks[2], (C,), dtype=jnp.float32) * 0.1,
    }
    if edge:
        p['We'] = jax.random.normal(ks[3], (E_DIM, C), dtype=jnp.float32) * 0.1
        p['a_e'] = jax.random.normal(ks[4], (C,), dtype=jnp.float32) * 0.1
    return p


def _make_params(key):
    ks = jax.random.split(key, 16)
    params = {
        'invoke': [_gat_params(ks[0], D_IN, True), _gat_params(ks[1], C, True)],
        'internal': [_gat_params(ks[2], D_IN, False), _gat_params(ks[3], C, False)],
        'resource': [_gat_params(ks[4], D_IN, False), _gat_params(ks[5], C, False)],
        'latent': [_gat_params(ks[6], D_IN, False), _gat_params(ks[7], C, False)],
        'attn': {
            'Wa': jax.random.normal(ks[8], (C, C), dtype=jnp.float32) * 0.1,
            'ba': jnp.zeros((C,), dtype=jnp.float32),
            'va': jax.random.normal(ks[9], (C,), dtype=jnp.float32) * 0.1,
        },
        'dense': {
            'W1': jax.random.normal(ks[10], (C, 32), dtype=jnp.float32) * 0.1,
            'b1': jnp.zeros((32,), dtype=jnp.float32),
            'W2': jax.random.normal(ks[11], (32, 1), dtype=jnp.float32) * 0.1,
            'b2': jnp.zeros((1,), dtype=jnp.float32),
        },
    }
    return params


def setup_inputs(seed: int = 0) -> dict:
    key = jax.random.key(seed)
    ks = jax.random.split(key, 8)
    x = jax.random.normal(ks[0], (N, D_IN), dtype=jnp.float32)
    embedding = jax.random.normal(ks[1], (N, EMB), dtype=jnp.float32)
    invoke_edge_index = jax.random.randint(ks[2], (2, E), 0, N)
    internal_edge_index = jax.random.randint(ks[3], (2, E), 0, N)
    resource_edge_index = jax.random.randint(ks[4], (2, E), 0, N)
    latent_edge_index = jax.random.randint(ks[5], (2, E), 0, N)
    invoke_edge_attr = jax.random.normal(ks[6], (E, E_DIM), dtype=jnp.float32)
    params = _make_params(ks[7])
    return {
        'x': x,
        'embedding': embedding,
        'invoke_edge_attr': invoke_edge_attr,
        'params': params,
        'invoke_edge_index': invoke_edge_index,
        'internal_edge_index': internal_edge_index,
        'resource_edge_index': resource_edge_index,
        'latent_edge_index': latent_edge_index,
    }


def _segment_softmax(e, seg, n):
    seg_max = jax.ops.segment_max(e, seg, num_segments=n)
    seg_max = jnp.where(jnp.isfinite(seg_max), seg_max, 0.0)
    e = jnp.exp(e - seg_max[seg])
    denom = jax.ops.segment_sum(e, seg, num_segments=n)
    return e / (denom[seg] + 1e-16)


def _gat_conv(x, edge_index, embedding, p, edge_attr=None):
    n = x.shape[0]
    h = x @ p['W']
    src = edge_index[0]
    dst = edge_index[1]
    e = (h @ p['a_src'])[src] + (h @ p['a_dst'])[dst]
    e = e + jnp.sum(embedding[src] * embedding[dst], axis=-1) / np.sqrt(embedding.shape[1])
    if edge_attr is not None:
        he = edge_attr @ p['We']
        e = e + he @ p['a_e']
    e = jax.nn.leaky_relu(e, 0.2)
    a = _segment_softmax(e, dst, n)
    out = jax.ops.segment_sum(h[src] * a[:, None], dst, num_segments=n)
    return out


def _forward(x, embedding, invoke_edge_attr, params, invoke_ei, internal_ei, resource_ei, latent_ei):
    g_inv = x
    g_int = x
    g_res = x
    g_lat = x
    for i in range(ITER):
        n_inv = _gat_conv(g_inv, invoke_ei, embedding, params['invoke'][i], invoke_edge_attr)
        n_int = _gat_conv(g_int, internal_ei, embedding, params['internal'][i])
        n_res = _gat_conv(g_res, resource_ei, embedding, params['resource'][i])
        n_lat = _gat_conv(g_lat, latent_ei, embedding, params['latent'][i])
        if i >= 1:
            g_inv = g_inv + n_inv
            g_int = g_int + n_int
            g_res = g_res + n_res
            g_lat = g_lat + n_lat
        else:
            g_inv = n_inv
            g_int = n_int
            g_res = n_res
            g_lat = n_lat
    g = jnp.stack([g_inv, g_int, g_res, g_lat], axis=1)
    s = jnp.tanh(g @ params['attn']['Wa'] + params['attn']['ba']) @ params['attn']['va']
    w = jax.nn.softmax(s, axis=1)
    g = jnp.sum(w[..., None] * g, axis=1)
    h = jax.nn.gelu(g @ params['dense']['W1'] + params['dense']['b1'])
    out = jax.nn.sigmoid(h @ params['dense']['W2'] + params['dense']['b2'])
    return jnp.squeeze(out, axis=-1)


def reference(x, embedding, invoke_edge_attr, params, invoke_edge_index, internal_edge_index, resource_edge_index, latent_edge_index):
    return _forward(x, embedding, invoke_edge_attr, params, invoke_edge_index, internal_edge_index, resource_edge_index, latent_edge_index)

if __name__ == "__main__":
    import jax
    _d = setup_inputs()
    print(jax.jit(kernel)(*tuple(_d.values())))

</pallas_src>

<mosaic_0001>
#map = affine_map<(d0, d1) -> (0, 0)>
#map1 = affine_map<(d0, d1) -> (0, 0, 0, 0, 0)>
module attributes {stable_mosaic.version = 14 : i64} {
  func.func @_embdot_body(%arg0: i32, %arg1: i32, %arg2: memref<50176x32xf32, #tpu.memory_space<hbm>>, %arg3: memref<4x32x16x25x128xi32, #tpu.memory_space<hbm>>, %arg4: memref<4x32x16x25x128xi32, #tpu.memory_space<hbm>>, %arg5: memref<4x32x16x25x128xf32, #tpu.memory_space<hbm>>, %arg6: memref<25x128xi32, #tpu.memory_space<vmem>>, %arg7: memref<25x128xi32, #tpu.memory_space<vmem>>, %arg8: memref<25x128xf32, #tpu.memory_space<vmem>>, %arg9: memref<128x32xf32, #tpu.memory_space<vmem>>, %arg10: memref<128x32xf32, #tpu.memory_space<vmem>>, %arg11: memref<256xf32, #tpu.memory_space<vmem>>, %arg12: memref<!tpu.dma_semaphore, #tpu.memory_space<semaphore_mem>>) attributes {dimension_semantics = [#tpu.dimension_semantics<core_parallel>, #tpu.dimension_semantics<subcore_parallel>], iteration_bounds = array<i64: 2, 16>, scalar_prefetch = 0 : i64, scratch_operands = 7 : i64, tpu.core_type = #tpu.core_type<sc_vector_subcore>, window_params = [{transform_indices = #map}, {transform_indices = #map1}, {transform_indices = #map1}, {transform_indices = #map1}]} {
    %mul3A = arith.constant 16 : i32
    %mul3A_0 = arith.muli %arg0, %mul3A : i32
    %add3A = arith.addi %mul3A_0, %arg1 : i32
    %iota3A = tpu.iota {dimensions = array<i32: 0>} : vector<16xi32>
    %scan3A = arith.constant 0 : i32
    %scan3A_1 = arith.constant 0 : i32
    %scan3A_2 = arith.constant 4 : i32
    %scan3A_3 = arith.addi %scan3A_1, %scan3A_2 : i32
    %scan3A_4 = arith.constant 1 : i32
    %scan3A_5 = scf.for %scan3A_7 = %scan3A_1 to %scan3A_3 step %scan3A_4 iter_args(%scan3A_8 = %scan3A) -> (i32)  : i32 {
      %scan3A_9 = arith.constant 0 : i32
      %scan3A_10 = arith.constant 0 : i32
      %scan3A_11 = arith.constant 16 : i32
      %scan3A_12 = arith.addi %scan3A_10, %scan3A_11 : i32
      %scan3A_13 = arith.constant 1 : i32
      %scan3A_14 = scf.for %scan3A_17 = %scan3A_10 to %scan3A_12 step %scan3A_13 iter_args(%scan3A_18 = %scan3A_9) -> (i32)  : i32 {
        "tpu.region"() ({
          %run_scoped3A = tpu.sem_alloc : memref<!tpu.dma_semaphore, #tpu.memory_space<semaphore_mem>>
          %dma_start3A = arith.constant 0 : i32
          %dma_start3A_27 = arith.constant 0 : i32
          %dma_start3A_28 = tpu.memref_slice %arg3[%scan3A_7, %add3A, %scan3A_17, %dma_start3A, %dma_start3A_27] : memref<4x32x16x25x128xi32, #tpu.memory_space<hbm>> -> memref<1x1x1x25x128xi32, #tpu.memory_space<hbm>>
          %dma_start3A_29 = tpu.memref_squeeze %dma_start3A_28 : memref<1x1x1x25x128xi32, #tpu.memory_space<hbm>> -> memref<25x128xi32, #tpu.memory_space<hbm>>
          %dma_start3A_30 = arith.constant 0 : i32
          %dma_start3A_31 = arith.constant 0 : i32
          %dma_start3A_32 = tpu.memref_slice %arg3[%scan3A_7, %add3A, %scan3A_17, %dma_start3A_30, %dma_start3A_31] : memref<4x32x16x25x128xi32, #tpu.memory_space<hbm>> -> memref<1x1x1x25x128xi32, #tpu.memory_space<hbm>>
          %dma_start3A_33 = tpu.memref_squeeze %dma_start3A_32 : memref<1x1x1x25x128xi32, #tpu.memory_space<hbm>> -> memref<25x128xi32, #tpu.memory_space<hbm>>
          tpu.enqueue_dma source(%dma_start3A_33 : memref<25x128xi32, #tpu.memory_space<hbm>>) target(%arg6 : memref<25x128xi32, #tpu.memory_space<vmem>>) target_semaphore(%run_scoped3A : memref<!tpu.dma_semaphore, #tpu.memory_space<semaphore_mem>>)
          %dma_wait3A = arith.constant 0 : i32
          %dma_wait3A_34 = arith.constant 0 : i32
          %dma_wait3A_35 = tpu.memref_slice %arg3[%scan3A_7, %add3A, %scan3A_17, %dma_wait3A, %dma_wait3A_34] : memref<4x32x16x25x128xi32, #tpu.memory_space<hbm>> -> memref<1x1x1x25x128xi32, #tpu.memory_space<hbm>>
          %dma_wait3A_36 = tpu.memref_squeeze %dma_wait3A_35 : memref<1x1x1x25x128xi32, #tpu.memory_space<hbm>> -> memref<25x128xi32, #tpu.memory_space<hbm>>
          %dma_wait3A_37 = arith.constant 0 : i32
          %dma_wait3A_38 = arith.constant 0 : i32
          %dma_wait3A_39 = tpu.memref_slice %arg3[%scan3A_7, %add3A, %scan3A_17, %dma_wait3A_37, %dma_wait3A_38] : memref<4x32x16x25x128xi32, #tpu.memory_space<hbm>> -> memref<1x1x1x25x128xi32, #tpu.memory_space<hbm>>
          %dma_wait3A_40 = tpu.memref_squeeze %dma_wait3A_39 : memref<1x1x1x25x128xi32, #tpu.memory_space<hbm>> -> memref<25x128xi32, #tpu.memory_space<hbm>>
          tpu.wait_dma2 semaphore(%run_scoped3A : memref<!tpu.dma_semaphore, #tpu.memory_space<semaphore_mem>>) src(%dma_wait3A_40 : memref<25x128xi32, #tpu.memory_space<hbm>>) dst(%arg6 : memref<25x128xi32, #tpu.memory_space<vmem>>)
          tpu.yield
        }) : () -> ()
        "tpu.region"() ({
          %run_scoped3A = tpu.sem_alloc : memref<!tpu.dma_semaphore, #tpu.memory_space<semaphore_mem>>
          %dma_start3A = arith.constant 0 : i32
          %dma_start3A_27 = arith.constant 0 : i32
          %dma_start3A_28 = tpu.memref_slice %arg4[%scan3A_7, %add3A, %scan3A_17, %dma_start3A, %dma_start3A_27] : memref<4x32x16x25x128xi32, #tpu.memory_space<hbm>> -> memref<1x1x1x25x128xi32, #tpu.memory_space<hbm>>
          %dma_start3A_29 = tpu.memref_squeeze %dma_start3A_28 : memref<1x1x1x25x128xi32, #tpu.memory_space<hbm>> -> memref<25x128xi32, #tpu.memory_space<hbm>>
          %dma_start3A_30 = arith.constant 0 : i32
          %dma_start3A_31 = arith.constant 0 : i32
          %dma_start3A_32 = tpu.memref_slice %arg4[%scan3A_7, %add3A, %scan3A_17, %dma_start3A_30, %dma_start3A_31] : memref<4x32x16x25x128xi32, #tpu.memory_space<hbm>> -> memref<1x1x1x25x128xi32, #tpu.memory_space<hbm>>
          %dma_start3A_33 = tpu.memref_squeeze %dma_start3A_32 : memref<1x1x1x25x128xi32, #tpu.memory_space<hbm>> -> memref<25x128xi32, #tpu.memory_space<hbm>>
          tpu.enqueue_dma source(%dma_start3A_33 : memref<25x128xi32, #tpu.memory_space<hbm>>) target(%arg7 : memref<25x128xi32, #tpu.memory_space<vmem>>) target_semaphore(%run_scoped3A : memref<!tpu.dma_semaphore, #tpu.memory_space<semaphore_mem>>)
          %dma_wait3A = arith.constant 0 : i32
          %dma_wait3A_34 = arith.constant 0 : i32
          %dma_wait3A_35 = tpu.memref_slice %arg4[%scan3A_7, %add3A, %scan3A_17, %dma_wait3A, %dma_wait3A_34] : memref<4x32x16x25x128xi32, #tpu.memory_space<hbm>> -> memref<1x1x1x25x128xi32, #tpu.memory_space<hbm>>
          %dma_wait3A_36 = tpu.memref_squeeze %dma_wait3A_35 : memref<1x1x1x25x128xi32, #tpu.memory_space<hbm>> -> memref<25x128xi32, #tpu.memory_space<hbm>>
          %dma_wait3A_37 = arith.constant 0 : i32
          %dma_wait3A_38 = arith.constant 0 : i32
          %dma_wait3A_39 = tpu.memref_slice %arg4[%scan3A_7, %add3A, %scan3A_17, %dma_wait3A_37, %dma_wait3A_38] : memref<4x32x16x25x128xi32, #tpu.memory_space<hbm>> -> memref<1x1x1x25x128xi32, #tpu.memory_space<hbm>>
          %dma_wait3A_40 = tpu.memref_squeeze %dma_wait3A_39 : memref<1x1x1x25x128xi32, #tpu.memory_space<hbm>> -> memref<25x128xi32, #tpu.memory_space<hbm>>
          tpu.wait_dma2 semaphore(%run_scoped3A : memref<!tpu.dma_semaphore, #tpu.memory_space<semaphore_mem>>) src(%dma_wait3A_40 : memref<25x128xi32, #tpu.memory_space<hbm>>) dst(%arg7 : memref<25x128xi32, #tpu.memory_space<vmem>>)
          tpu.yield
        }) : () -> ()
        %scan3A_19 = arith.constant 0 : i32
        %scan3A_20 = arith.constant 0 : i32
        %scan3A_21 = arith.constant 25 : i32
        %scan3A_22 = arith.addi %scan3A_20, %scan3A_21 : i32
        %scan3A_23 = arith.constant 1 : i32
        %scan3A_24 = scf.for %scan3A_27 = %scan3A_20 to %scan3A_22 step %scan3A_23 iter_args(%scan3A_28 = %scan3A_19) -> (i32)  : i32 {
          %dma_start3A = arith.constant 0 : i32
          %dma_start3A_29 = tpu.memref_slice %arg6[%scan3A_27, %dma_start3A] : memref<25x128xi32, #tpu.memory_space<vmem>> -> memref<1x128xi32, #tpu.memory_space<vmem>>
          %dma_start3A_30 = tpu.memref_squeeze %dma_start3A_29 : memref<1x128xi32, #tpu.memory_space<vmem>> -> memref<128xi32, #tpu.memory_space<vmem>>
          %dma_start3A_31 = arith.constant 0 : i32
          %dma_start3A_32 = arith.constant 0 : i32
          %dma_start3A_33 = tpu.memref_slice %arg2[%dma_start3A_31, %dma_start3A_32] : memref<50176x32xf32, #tpu.memory_space<hbm>> -> memref<50176x32xf32, #tpu.memory_space<hbm>>
          tpu.enqueue_indirect_dma source(%dma_start3A_33 : memref<50176x32xf32, #tpu.memory_space<hbm>>) target(%arg9 : memref<128x32xf32, #tpu.memory_space<vmem>>) offsets(%dma_start3A_30 : memref<128xi32, #tpu.memory_space<vmem>>) semaphore(%arg12 : memref<!tpu.dma_semaphore, #tpu.memory_space<semaphore_mem>>)
          %dma_start3A_34 = arith.constant 0 : i32
          %dma_start3A_35 = tpu.memref_slice %arg7[%scan3A_27, %dma_start3A_34] : memref<25x128xi32, #tpu.memory_space<vmem>> -> memref<1x128xi32, #tpu.memory_space<vmem>>
          %dma_start3A_36 = tpu.memref_squeeze %dma_start3A_35 : memref<1x128xi32, #tpu.memory_space<vmem>> -> memref<128xi32, #tpu.memory_space<vmem>>
          %dma_start3A_37 = arith.constant 0 : i32
          %dma_start3A_38 = arith.constant 0 : i32
          %dma_start3A_39 = tpu.memref_slice %arg2[%dma_start3A_37, %dma_start3A_38] : memref<50176x32xf32, #tpu.memory_space<hbm>> -> memref<50176x32xf32, #tpu.memory_space<hbm>>
          tpu.enqueue_indirect_dma source(%dma_start3A_39 : memref<50176x32xf32, #tpu.memory_space<hbm>>) target(%arg10 : memref<128x32xf32, #tpu.memory_space<vmem>>) offsets(%dma_start3A_36 : memref<128xi32, #tpu.memory_space<vmem>>) semaphore(%arg12 : memref<!tpu.dma_semaphore, #tpu.memory_space<semaphore_mem>>)
          %dma_wait3A = arith.constant 0 : i32
          %dma_wait3A_40 = tpu.memref_slice %arg6[%scan3A_27, %dma_wait3A] : memref<25x128xi32, #tpu.memory_space<vmem>> -> memref<1x128xi32, #tpu.memory_space<vmem>>
          %dma_wait3A_41 = tpu.memref_squeeze %dma_wait3A_40 : memref<1x128xi32, #tpu.memory_space<vmem>> -> memref<128xi32, #tpu.memory_space<vmem>>
          %dma_wait3A_42 = arith.constant 0 : i32
          %dma_wait3A_43 = arith.constant 0 : i32
          %dma_wait3A_44 = tpu.memref_slice %arg2[%dma_wait3A_42, %dma_wait3A_43] : memref<50176x32xf32, #tpu.memory_space<hbm>> -> memref<50176x32xf32, #tpu.memory_space<hbm>>
          tpu.wait_indirect_dma semaphore(%arg12 : memref<!tpu.dma_semaphore, #tpu.memory_space<semaphore_mem>>) src(%dma_wait3A_44 : memref<50176x32xf32, #tpu.memory_space<hbm>>) dst(%arg9 : memref<128x32xf32, #tpu.memory_space<vmem>>)
          %dma_wait3A_45 = arith.constant 0 : i32
          %dma_wait3A_46 = tpu.memref_slice %arg7[%scan3A_27, %dma_wait3A_45] : memref<25x128xi32, #tpu.memory_space<vmem>> -> memref<1x128xi32, #tpu.memory_space<vmem>>
          %dma_wait3A_47 = tpu.memref_squeeze %dma_wait3A_46 : memref<1x128xi32, #tpu.memory_space<vmem>> -> memref<128xi32, #tpu.memory_space<vmem>>
          %dma_wait3A_48 = arith.constant 0 : i32
          %dma_wait3A_49 = arith.constant 0 : i32
          %dma_wait3A_50 = tpu.memref_slice %arg2[%dma_wait3A_48, %dma_wait3A_49] : memref<50176x32xf32, #tpu.memory_space<hbm>> -> memref<50176x32xf32, #tpu.memory_space<hbm>>
          tpu.wait_indirect_dma semaphore(%arg12 : memref<!tpu.dma_semaphore, #tpu.memory_space<semaphore_mem>>) src(%dma_wait3A_50 : memref<50176x32xf32, #tpu.memory_space<hbm>>) dst(%arg10 : memref<128x32xf32, #tpu.memory_space<vmem>>)
          %scan3A_51 = arith.constant 0 : i32
          %scan3A_52 = arith.constant 0 : i32
          %scan3A_53 = arith.constant 8 : i32
          %scan3A_54 = arith.addi %scan3A_52, %scan3A_53 : i32
          %scan3A_55 = arith.constant 1 : i32
          %scan3A_56 = scf.for %scan3A_59 = %scan3A_52 to %scan3A_54 step %scan3A_55 iter_args(%scan3A_60 = %scan3A_51) -> (i32)  : i32 {
            %mul3A_61 = arith.constant 16 : i32
            %mul3A_62 = vector.broadcast %mul3A_61 : i32 to vector<16xi32>
            %mul3A_63 = arith.muli %iota3A, %mul3A_62 : vector<16xi32>
            %mul3A_64 = arith.constant 16 : i32
            %mul3A_65 = arith.muli %scan3A_59, %mul3A_64 : i32
            %add3A_66 = arith.constant 0 : i32
            %add3A_67 = arith.addi %mul3A_65, %add3A_66 : i32
            %get3A = arith.index_cast %add3A_67 : i32 to index
            %get3A_68 = arith.constant 0 : index
            %get3A_69 = tpu.vector_load %arg9[%get3A, %get3A_68] {strides = array<i32>} : memref<128x32xf32, #tpu.memory_space<vmem>>, vector<16xf32>,
            %get3A_70 = arith.index_cast %add3A_67 : i32 to index
            %get3A_71 = arith.constant 0 : index
            %get3A_72 = tpu.vector_load %arg10[%get3A_70, %get3A_71] {strides = array<i32>} : memref<128x32xf32, #tpu.memory_space<vmem>>, vector<16xf32>,
            %mul3A_73 = arith.mulf %get3A_69, %get3A_72 : vector<16xf32>
            %get3A_74 = arith.index_cast %add3A_67 : i32 to index
            %get3A_75 = arith.constant 16 : index
            %get3A_76 = tpu.vector_load %arg9[%get3A_74, %get3A_75] {strides = array<i32>} : memref<128x32xf32, #tpu.memory_space<vmem>>, vector<16xf32>,
            %get3A_77 = arith.index_cast %add3A_67 : i32 to index
            %get3A_78 = arith.constant 16 : index
            %get3A_79 = tpu.vector_load %arg10[%get3A_77, %get3A_78] {strides = array<i32>} : memref<128x32xf32, #tpu.memory_space<vmem>>, vector<16xf32>,
            %mul3A_80 = arith.mulf %get3A_76, %get3A_79 : vector<16xf32>
            %add3A_81 = arith.addf %mul3A_73, %mul3A_80 : vector<16xf32>
            %add3A_82 = arith.constant 0 : i32
            %add3A_83 = vector.broadcast %add3A_82 : i32 to vector<16xi32>
            %add3A_84 = arith.addi %mul3A_63, %add3A_83 : vector<16xi32>
            tpu.vector_store_idx %arg11[%add3A_84], %add3A_81 : memref<256xf32, #tpu.memory_space<vmem>>[vector<16xi32>], vector<16xf32>,
            %mul3A_85 = arith.constant 16 : i32
            %mul3A_86 = arith.muli %scan3A_59, %mul3A_85 : i32
            %add3A_87 = arith.constant 1 : i32
            %add3A_88 = arith.addi %mul3A_86, %add3A_87 : i32
            %get3A_89 = arith.index_cast %add3A_88 : i32 to index
            %get3A_90 = arith.constant 0 : index
            %get3A_91 = tpu.vector_load %arg9[%get3A_89, %get3A_90] {strides = array<i32>} : memref<128x32xf32, #tpu.memory_space<vmem>>, vector<16xf32>,
            %get3A_92 = arith.index_cast %add3A_88 : i32 to index
            %get3A_93 = arith.constant 0 : index
            %get3A_94 = tpu.vector_load %arg10[%get3A_92, %get3A_93] {strides = array<i32>} : memref<128x32xf32, #tpu.memory_space<vmem>>, vector<16xf32>,
            %mul3A_95 = arith.mulf %get3A_91, %get3A_94 : vector<16xf32>
            %get3A_96 = arith.index_cast %add3A_88 : i32 to index
            %get3A_97 = arith.constant 16 : index
            %get3A_98 = tpu.vector_load %arg9[%get3A_96, %get3A_97] {strides = array<i32>} : memref<128x32xf32, #tpu.memory_space<vmem>>, vector<16xf32>,
            %get3A_99 = arith.index_cast %add3A_88 : i32 to index
            %get3A_100 = arith.constant 16 : index
            %get3A_101 = tpu.vector_load %arg10[%get3A_99, %get3A_100] {strides = array<i32>} : memref<128x32xf32, #tpu.memory_space<vmem>>, vector<16xf32>,
            %mul3A_102 = arith.mulf %get3A_98, %get3A_101 : vector<16xf32>
            %add3A_103 = arith.addf %mul3A_95, %mul3A_102 : vector<16xf32>
            %add3A_104 = arith.constant 1 : i32
            %add3A_105 = vector.broadcast %add3A_104 : i32 to vector<16xi32>
            %add3A_106 = arith.addi %mul3A_63, %add3A_105 : vector<16xi32>
            tpu.vector_store_idx %arg11[%add3A_106], %add3A_103 : memref<256xf32, #tpu.memory_space<vmem>>[vector<16xi32>], vector<16xf32>,
            %mul3A_107 = arith.constant 16 : i32
            %mul3A_108 = arith.muli %scan3A_59, %mul3A_107 : i32
            %add3A_109 = arith.constant 2 : i32
            %add3A_110 = arith.addi %mul3A_108, %add3A_109 : i32
            %get3A_111 = arith.index_cast %add3A_110 : i32 to index
            %get3A_112 = arith.constant 0 : index
            %get3A_113 = tpu.vector_load %arg9[%get3A_111, %get3A_112] {strides = array<i32>} : memref<128x32xf32, #tpu.memory_space<vmem>>, vector<16xf32>,
            %get3A_114 = arith.index_cast %add3A_110 : i32 to index
            %get3A_115 = arith.constant 0 : index
            %get3A_116 = tpu.vector_load %arg10[%get3A_114, %get3A_115] {strides = array<i32>} : memref<128x32xf32, #tpu.memory_space<vmem>>, vector<16xf32>,
            %mul3A_117 = arith.mulf %get3A_113, %get3A_116 : vector<16xf32>
            %get3A_118 = arith.index_cast %add3A_110 : i32 to index
            %get3A_119 = arith.constant 16 : index
            %get3A_120 = tpu.vector_load %arg9[%get3A_118, %get3A_119] {strides = array<i32>} : memref<128x32xf32, #tpu.memory_space<vmem>>, vector<16xf32>,
            %get3A_121 = arith.index_cast %add3A_110 : i32 to index
            %get3A_122 = arith.constant 16 : index
            %get3A_123 = tpu.vector_load %arg10[%get3A_121, %get3A_122] {strides = array<i32>} : memref<128x32xf32, #tpu.memory_space<vmem>>, vector<16xf32>,
            %mul3A_124 = arith.mulf %get3A_120, %get3A_123 : vector<16xf32>
            %add3A_125 = arith.addf %mul3A_117, %mul3A_124 : vector<16xf32>
            %add3A_126 = arith.constant 2 : i32
            %add3A_127 = vector.broadcast %add3A_126 : i32 to vector<16xi32>
            %add3A_128 = arith.addi %mul3A_63, %add3A_127 : vector<16xi32>
            tpu.vector_store_idx %arg11[%add3A_128], %add3A_125 : memref<256xf32, #tpu.memory_space<vmem>>[vector<16xi32>], vector<16xf32>,
            %mul3A_129 = arith.constant 16 : i32
            %mul3A_130 = arith.muli %scan3A_59, %mul3A_129 : i32
            %add3A_131 = arith.constant 3 : i32
            %add3A_132 = arith.addi %mul3A_130, %add3A_131 : i32
            %get3A_133 = arith.index_cast %add3A_132 : i32 to index
            %get3A_134 = arith.constant 0 : index
            %get3A_135 = tpu.vector_load %arg9[%get3A_133, %get3A_134] {strides = array<i32>} : memref<128x32xf32, #tpu.memory_space<vmem>>, vector<16xf32>,
            %get3A_136 = arith.index_cast %add3A_132 : i32 to index
            %get3A_137 = arith.constant 0 : index
            %get3A_138 = tpu.vector_load %arg10[%get3A_136, %get3A_137] {strides = array<i32>} : memref<128x32xf32, #tpu.memory_space<vmem>>, vector<16xf32>,
            %mul3A_139 = arith.mulf %get3A_135, %get3A_138 : vector<16xf32>
            %get3A_140 = arith.index_cast %add3A_132 : i32 to index
            %get3A_141 = arith.constant 16 : index
            %get3A_142 = tpu.vector_load %arg9[%get3A_140, %get3A_141] {strides = array<i32>} : memref<128x32xf32, #tpu.memory_space<vmem>>, vector<16xf32>,
            %get3A_143 = arith.index_cast %add3A_132 : i32 to index
            %get3A_144 = arith.constant 16 : index
            %get3A_145 = tpu.vector_load %arg10[%get3A_143, %get3A_144] {strides = array<i32>} : memref<128x32xf32, #tpu.memory_space<vmem>>, vector<16xf32>,
            %mul3A_146 = arith.mulf %get3A_142, %get3A_145 : vector<16xf32>
            %add3A_147 = arith.addf %mul3A_139, %mul3A_146 : vector<16xf32>
            %add3A_148 = arith.constant 3 : i32
            %add3A_149 = vector.broadcast %add3A_148 : i32 to vector<16xi32>
            %add3A_150 = arith.addi %mul3A_63, %add3A_149 : vector<16xi32>
            tpu.vector_store_idx %arg11[%add3A_150], %add3A_147 : memref<256xf32, #tpu.memory_space<vmem>>[vector<16xi32>], vector<16xf32>,
            %mul3A_151 = arith.constant 16 : i32
            %mul3A_152 = arith.muli %scan3A_59, %mul3A_151 : i32
            %add3A_153 = arith.constant 4 : i32
            %add3A_154 = arith.addi %mul3A_152, %add3A_153 : i32
            %get3A_155 = arith.index_cast %add3A_154 : i32 to index
            %get3A_156 = arith.constant 0 : index
            %get3A_157 = tpu.vector_load %arg9[%get3A_155, %get3A_156] {strides = array<i32>} : memref<128x32xf32, #tpu.memory_space<vmem>>, vector<16xf32>,
            %get3A_158 = arith.index_cast %add3A_154 : i32 to index
            %get3A_159 = arith.constant 0 : index
            %get3A_160 = tpu.vector_load %arg10[%get3A_158, %get3A_159] {strides = array<i32>} : memref<128x32xf32, #tpu.memory_space<vmem>>, vector<16xf32>,
            %mul3A_161 = arith.mulf %get3A_157, %get3A_160 : vector<16xf32>
            %get3A_162 = arith.index_cast %add3A_154 : i32 to index
            %get3A_163 = arith.constant 16 : index
            %get3A_164 = tpu.vector_load %arg9[%get3A_162, %get3A_163] {strides = array<i32>} : memref<128x32xf32, #tpu.memory_space<vmem>>, vector<16xf32>,
            %get3A_165 = arith.index_cast %add3A_154 : i32 to index
            %get3A_166 = arith.constant 16 : index
            %get3A_167 = tpu.vector_load %arg10[%get3A_165, %get3A_166] {strides = array<i32>} : memref<128x32xf32, #tpu.memory_space<vmem>>, vector<16xf32>,
            %mul3A_168 = arith.mulf %get3A_164, %get3A_167 : vector<16xf32>
            %add3A_169 = arith.addf %mul3A_161, %mul3A_168 : vector<16xf32>
            %add3A_170 = arith.constant 4 : i32
            %add3A_171 = vector.broadcast %add3A_170 : i32 to vector<16xi32>
            %add3A_172 = arith.addi %mul3A_63, %add3A_171 : vector<16xi32>
            tpu.vector_store_idx %arg11[%add3A_172], %add3A_169 : memref<256xf32, #tpu.memory_space<vmem>>[vector<16xi32>], vector<16xf32>,
            %mul3A_173 = arith.constant 16 : i32
            %mul3A_174 = arith.muli %scan3A_59, %mul3A_173 : i32
            %add3A_175 = arith.constant 5 : i32
            %add3A_176 = arith.addi %mul3A_174, %add3A_175 : i32
            %get3A_177 = arith.index_cast %add3A_176 : i32 to index
            %get3A_178 = arith.constant 0 : index
            %get3A_179 = tpu.vector_load %arg9[%get3A_177, %get3A_178] {strides = array<i32>} : memref<128x32xf32, #tpu.memory_space<vmem>>, vector<16xf32>,
            %get3A_180 = arith.index_cast %add3A_176 : i32 to index
            %get3A_181 = arith.constant 0 : index
            %get3A_182 = tpu.vector_load %arg10[%get3A_180, %get3A_181] {strides = array<i32>} : memref<128x32xf32, #tpu.memory_space<vmem>>, vector<16xf32>,
            %mul3A_183 = arith.mulf %get3A_179, %get3A_182 : vector<16xf32>
            %get3A_184 = arith.index_cast %add3A_176 : i32 to index
            %get3A_185 = arith.constant 16 : index
            %get3A_186 = tpu.vector_load %arg9[%get3A_184, %get3A_185] {strides = array<i32>} : memref<128x32xf32, #tpu.memory_space<vmem>>, vector<16xf32>,
            %get3A_187 = arith.index_cast %add3A_176 : i32 to index
            %get3A_188 = arith.constant 16 : index
            %get3A_189 = tpu.vector_load %arg10[%get3A_187, %get3A_188] {strides = array<i32>} : memref<128x32xf32, #tpu.memory_space<vmem>>, vector<16xf32>,
            %mul3A_190 = arith.mulf %get3A_186, %get3A_189 : vector<16xf32>
            %add3A_191 = arith.addf %mul3A_183, %mul3A_190 : vector<16xf32>
            %add3A_192 = arith.constant 5 : i32
            %add3A_193 = vector.broadcast %add3A_192 : i32 to vector<16xi32>
            %add3A_194 = arith.addi %mul3A_63, %add3A_193 : vector<16xi32>
            tpu.vector_store_idx %arg11[%add3A_194], %add3A_191 : memref<256xf32, #tpu.memory_space<vmem>>[vector<16xi32>], vector<16xf32>,
            %mul3A_195 = arith.constant 16 : i32
            %mul3A_196 = arith.muli %scan3A_59, %mul3A_195 : i32
            %add3A_197 = arith.constant 6 : i32
            %add3A_198 = arith.addi %mul3A_196, %add3A_197 : i32
            %get3A_199 = arith.index_cast %add3A_198 : i32 to index
            %get3A_200 = arith.constant 0 : index
            %get3A_201 = tpu.vector_load %arg9[%get3A_199, %get3A_200] {strides = array<i32>} : memref<128x32xf32, #tpu.memory_space<vmem>>, vector<16xf32>,
            %get3A_202 = arith.index_cast %add3A_198 : i32 to index
            %get3A_203 = arith.constant 0 : index
            %get3A_204 = tpu.vector_load %arg10[%get3A_202, %get3A_203] {strides = array<i32>} : memref<128x32xf32, #tpu.memory_space<vmem>>, vector<16xf32>,
            %mul3A_205 = arith.mulf %get3A_201, %get3A_204 : vector<16xf32>
            %get3A_206 = arith.index_cast %add3A_198 : i32 to index
            %get3A_207 = arith.constant 16 : index
            %get3A_208 = tpu.vector_load %arg9[%get3A_206, %get3A_207] {strides = array<i32>} : memref<128x32xf32, #tpu.memory_space<vmem>>, vector<16xf32>,
            %get3A_209 = arith.index_cast %add3A_198 : i32 to index
            %get3A_210 = arith.constant 16 : index
            %get3A_211 = tpu.vector_load %arg10[%get3A_209, %get3A_210] {strides = array<i32>} : memref<128x32xf32, #tpu.memory_space<vmem>>, vector<16xf32>,
            %mul3A_212 = arith.mulf %get3A_208, %get3A_211 : vector<16xf32>
            %add3A_213 = arith.addf %mul3A_205, %mul3A_212 : vector<16xf32>
            %add3A_214 = arith.constant 6 : i32
            %add3A_215 = vector.broadcast %add3A_214 : i32 to vector<16xi32>
            %add3A_216 = arith.addi %mul3A_63, %add3A_215 : vector<16xi32>
            tpu.vector_store_idx %arg11[%add3A_216], %add3A_213 : memref<256xf32, #tpu.memory_space<vmem>>[vector<16xi32>], vector<16xf32>,
            %mul3A_217 = arith.constant 16 : i32
            %mul3A_218 = arith.muli %scan3A_59, %mul3A_217 : i32
            %add3A_219 = arith.constant 7 : i32
            %add3A_220 = arith.addi %mul3A_218, %add3A_219 : i32
            %get3A_221 = arith.index_cast %add3A_220 : i32 to index
            %get3A_222 = arith.constant 0 : index
            %get3A_223 = tpu.vector_load %arg9[%get3A_221, %get3A_222] {strides = array<i32>} : memref<128x32xf32, #tpu.memory_space<vmem>>, vector<16xf32>,
            %get3A_224 = arith.index_cast %add3A_220 : i32 to index
            %get3A_225 = arith.constant 0 : index
            %get3A_226 = tpu.vector_load %arg10[%get3A_224, %get3A_225] {strides = array<i32>} : memref<128x32xf32, #tpu.memory_space<vmem>>, vector<16xf32>,
            %mul3A_227 = arith.mulf %get3A_223, %get3A_226 : vector<16xf32>
            %get3A_228 = arith.index_cast %add3A_220 : i32 to index
            %get3A_229 = arith.constant 16 : index
            %get3A_230 = tpu.vector_load %arg9[%get3A_228, %get3A_229] {strides = array<i32>} : memref<128x32xf32, #tpu.memory_space<vmem>>, vector<16xf32>,
            %get3A_231 = arith.index_cast %add3A_220 : i32 to index
            %get3A_232 = arith.constant 16 : index
            %get3A_233 = tpu.vector_load %arg10[%get3A_231, %get3A_232] {strides = array<i32>} : memref<128x32xf32, #tpu.memory_space<vmem>>, vector<16xf32>,
            %mul3A_234 = arith.mulf %get3A_230, %get3A_233 : vector<16xf32>
            %add3A_235 = arith.addf %mul3A_227, %mul3A_234 : vector<16xf32>
            %add3A_236 = arith.constant 7 : i32
            %add3A_237 = vector.broadcast %add3A_236 : i32 to vector<16xi32>
            %add3A_238 = arith.addi %mul3A_63, %add3A_237 : vector<16xi32>
            tpu.vector_store_idx %arg11[%add3A_238], %add3A_235 : memref<256xf32, #tpu.memory_space<vmem>>[vector<16xi32>], vector<16xf32>,
            %mul3A_239 = arith.constant 16 : i32
            %mul3A_240 = arith.muli %scan3A_59, %mul3A_239 : i32
            %add3A_241 = arith.constant 8 : i32
            %add3A_242 = arith.addi %mul3A_240, %add3A_241 : i32
            %get3A_243 = arith.index_cast %add3A_242 : i32 to index
            %get3A_244 = arith.constant 0 : index
            %get3A_245 = tpu.vector_load %arg9[%get3A_243, %get3A_244] {strides = array<i32>} : memref<128x32xf32, #tpu.memory_space<vmem>>, vector<16xf32>,
            %get3A_246 = arith.index_cast %add3A_242 : i32 to index
            %get3A_247 = arith.constant 0 : index
            %get3A_248 = tpu.vector_load %arg10[%get3A_246, %get3A_247] {strides = array<i32>} : memref<128x32xf32, #tpu.memory_space<vmem>>, vector<16xf32>,
            %mul3A_249 = arith.mulf %get3A_245, %get3A_248 : vector<16xf32>
            %get3A_250 = arith.index_cast %add3A_242 : i32 to index
            %get3A_251 = arith.constant 16 : index
            %get3A_252 = tpu.vector_load %arg9[%get3A_250, %get3A_251] {strides = array<i32>} : memref<128x32xf32, #tpu.memory_space<vmem>>, vector<16xf32>,
            %get3A_253 = arith.index_cast %add3A_242 : i32 to index
            %get3A_254 = arith.constant 16 : index
            %get3A_255 = tpu.vector_load %arg10[%get3A_253, %get3A_254] {strides = array<i32>} : memref<128x32xf32, #tpu.memory_space<vmem>>, vector<16xf32>,
            %mul3A_256 = arith.mulf %get3A_252, %get3A_255 : vector<16xf32>
            %add3A_257 = arith.addf %mul3A_249, %mul3A_256 : vector<16xf32>
            %add3A_258 = arith.constant 8 : i32
            %add3A_259 = vector.broadcast %add3A_258 : i32 to vector<16xi32>
            %add3A_260 = arith.addi %mul3A_63, %add3A_259 : vector<16xi32>
            tpu.vector_store_idx %arg11[%add3A_260], %add3A_257 : memref<256xf32, #tpu.memory_space<vmem>>[vector<16xi32>], vector<16xf32>,
            %mul3A_261 = arith.constant 16 : i32
            %mul3A_262 = arith.muli %scan3A_59, %mul3A_261 : i32
            %add3A_263 = arith.constant 9 : i32
            %add3A_264 = arith.addi %mul3A_262, %add3A_263 : i32
            %get3A_265 = arith.index_cast %add3A_264 : i32 to index
            %get3A_266 = arith.constant 0 : index
            %get3A_267 = tpu.vector_load %arg9[%get3A_265, %get3A_266] {strides = array<i32>} : memref<128x32xf32, #tpu.memory_space<vmem>>, vector<16xf32>,
            %get3A_268 = arith.index_cast %add3A_264 : i32 to index
            %get3A_269 = arith.constant 0 : index
            %get3A_270 = tpu.vector_load %arg10[%get3A_268, %get3A_269] {strides = array<i32>} : memref<128x32xf32, #tpu.memory_space<vmem>>, vector<16xf32>,
            %mul3A_271 = arith.mulf %get3A_267, %get3A_270 : vector<16xf32>
            %get3A_272 = arith.index_cast %add3A_264 : i32 to index
            %get3A_273 = arith.constant 16 : index
            %get3A_274 = tpu.vector_load %arg9[%get3A_272, %get3A_273] {strides = array<i32>} : memref<128x32xf32, #tpu.memory_space<vmem>>, vector<16xf32>,
            %get3A_275 = arith.index_cast %add3A_264 : i32 to index
            %get3A_276 = arith.constant 16 : index
            %get3A_277 = tpu.vector_load %arg10[%get3A_275, %get3A_276] {strides = array<i32>} : memref<128x32xf32, #tpu.memory_space<vmem>>, vector<16xf32>,
            %mul3A_278 = arith.mulf %get3A_274, %get3A_277 : vector<16xf32>
            %add3A_279 = arith.addf %mul3A_271, %mul3A_278 : vector<16xf32>
            %add3A_280 = arith.constant 9 : i32
            %add3A_281 = vector.broadcast %add3A_280 : i32 to vector<16xi32>
            %add3A_282 = arith.addi %mul3A_63, %add3A_281 : vector<16xi32>
            tpu.vector_store_idx %arg11[%add3A_282], %add3A_279 : memref<256xf32, #tpu.memory_space<vmem>>[vector<16xi32>], vector<16xf32>,
            %mul3A_283 = arith.constant 16 : i32
            %mul3A_284 = arith.muli %scan3A_59, %mul3A_283 : i32
            %add3A_285 = arith.constant 10 : i32
            %add3A_286 = arith.addi %mul3A_284, %add3A_285 : i32
            %get3A_287 = arith.index_cast %add3A_286 : i32 to index
            %get3A_288 = arith.constant 0 : index
            %get3A_289 = tpu.vector_load %arg9[%get3A_287, %get3A_288] {strides = array<i32>} : memref<128x32xf32, #tpu.memory_space<vmem>>, vector<16xf32>,
            %get3A_290 = arith.index_cast %add3A_286 : i32 to index
            %get3A_291 = arith.constant 0 : index
            %get3A_292 = tpu.vector_load %arg10[%get3A_290, %get3A_291] {strides = array<i32>} : memref<128x32xf32, #tpu.memory_space<vmem>>, vector<16xf32>,
            %mul3A_293 = arith.mulf %get3A_289, %get3A_292 : vector<16xf32>
            %get3A_294 = arith.index_cast %add3A_286 : i32 to index
            %get3A_295 = arith.constant 16 : index
            %get3A_296 = tpu.vector_load %arg9[%get3A_294, %get3A_295] {strides = array<i32>} : memref<128x32xf32, #tpu.memory_space<vmem>>, vector<16xf32>,
            %get3A_297 = arith.index_cast %add3A_286 : i32 to index
            %get3A_298 = arith.constant 16 : index
            %get3A_299 = tpu.vector_load %arg10[%get3A_297, %get3A_298] {strides = array<i32>} : memref<128x32xf32, #tpu.memory_space<vmem>>, vector<16xf32>,
            %mul3A_300 = arith.mulf %get3A_296, %get3A_299 : vector<16xf32>
            %add3A_301 = arith.addf %mul3A_293, %mul3A_300 : vector<16xf32>
            %add3A_302 = arith.constant 10 : i32
            %add3A_303 = vector.broadcast %add3A_302 : i32 to vector<16xi32>
            %add3A_304 = arith.addi %mul3A_63, %add3A_303 : vector<16xi32>
            tpu.vector_store_idx %arg11[%add3A_304], %add3A_301 : memref<256xf32, #tpu.memory_space<vmem>>[vector<16xi32>], vector<16xf32>,
            %mul3A_305 = arith.constant 16 : i32
            %mul3A_306 = arith.muli %scan3A_59, %mul3A_305 : i32
            %add3A_307 = arith.constant 11 : i32
            %add3A_308 = arith.addi %mul3A_306, %add3A_307 : i32
            %get3A_309 = arith.index_cast %add3A_308 : i32 to index
            %get3A_310 = arith.constant 0 : index
            %get3A_311 = tpu.vector_load %arg9[%get3A_309, %get3A_310] {strides = array<i32>} : memref<128x32xf32, #tpu.memory_space<vmem>>, vector<16xf32>,
            %get3A_312 = arith.index_cast %add3A_308 : i32 to index
            %get3A_313 = arith.constant 0 : index
            %get3A_314 = tpu.vector_load %arg10[%get3A_312, %get3A_313] {strides = array<i32>} : memref<128x32xf32, #tpu.memory_space<vmem>>, vector<16xf32>,
            %mul3A_315 = arith.mulf %get3A_311, %get3A_314 : vector<16xf32>
            %get3A_316 = arith.index_cast %add3A_308 : i32 to index
            %get3A_317 = arith.constant 16 : index
            %get3A_318 = tpu.vector_load %arg9[%get3A_316, %get3A_317] {strides = array<i32>} : memref<128x32xf32, #tpu.memory_space<vmem>>, vector<16xf32>,
            %get3A_319 = arith.index_cast %add3A_308 : i32 to index
            %get3A_320 = arith.constant 16 : index
            %get3A_321 = tpu.vector_load %arg10[%get3A_319, %get3A_320] {strides = array<i32>} : memref<128x32xf32, #tpu.memory_space<vmem>>, vector<16xf32>,
            %mul3A_322 = arith.mulf %get3A_318, %get3A_321 : vector<16xf32>
            %add3A_323 = arith.addf %mul3A_315, %mul3A_322 : vector<16xf32>
            %add3A_324 = arith.constant 11 : i32
            %add3A_325 = vector.broadcast %add3A_324 : i32 to vector<16xi32>
            %add3A_326 = arith.addi %mul3A_63, %add3A_325 : vector<16xi32>
            tpu.vector_store_idx %arg11[%add3A_326], %add3A_323 : memref<256xf32, #tpu.memory_space<vmem>>[vector<16xi32>], vector<16xf32>,
            %mul3A_327 = arith.constant 16 : i32
            %mul3A_328 = arith.muli %scan3A_59, %mul3A_327 : i32
            %add3A_329 = arith.constant 12 : i32
            %add3A_330 = arith.addi %mul3A_328, %add3A_329 : i32
            %get3A_331 = arith.index_cast %add3A_330 : i32 to index
            %get3A_332 = arith.constant 0 : index
            %get3A_333 = tpu.vector_load %arg9[%get3A_331, %get3A_332] {strides = array<i32>} : memref<128x32xf32, #tpu.memory_space<vmem>>, vector<16xf32>,
            %get3A_334 = arith.index_cast %add3A_330 : i32 to index
            %get3A_335 = arith.constant 0 : index
            %get3A_336 = tpu.vector_load %arg10[%get3A_334, %get3A_335] {strides = array<i32>} : memref<128x32xf32, #tpu.memory_space<vmem>>, vector<16xf32>,
            %mul3A_337 = arith.mulf %get3A_333, %get3A_336 : vector<16xf32>
            %get3A_338 = arith.index_cast %add3A_330 : i32 to index
            %get3A_339 = arith.constant 16 : index
            %get3A_340 = tpu.vector_load %arg9[%get3A_338, %get3A_339] {strides = array<i32>} : memref<128x32xf32, #tpu.memory_space<vmem>>, vector<16xf32>,
            %get3A_341 = arith.index_cast %add3A_330 : i32 to index
            %get3A_342 = arith.constant 16 : index
            %get3A_343 = tpu.vector_load %arg10[%get3A_341, %get3A_342] {strides = array<i32>} : memref<128x32xf32, #tpu.memory_space<vmem>>, vector<16xf32>,
            %mul3A_344 = arith.mulf %get3A_340, %get3A_343 : vector<16xf32>
            %add3A_345 = arith.addf %mul3A_337, %mul3A_344 : vector<16xf32>
            %add3A_346 = arith.constant 12 : i32
            %add3A_347 = vector.broadcast %add3A_346 : i32 to vector<16xi32>
            %add3A_348 = arith.addi %mul3A_63, %add3A_347 : vector<16xi32>
            tpu.vector_store_idx %arg11[%add3A_348], %add3A_345 : memref<256xf32, #tpu.memory_space<vmem>>[vector<16xi32>], vector<16xf32>,
            %mul3A_349 = arith.constant 16 : i32
            %mul3A_350 = arith.muli %scan3A_59, %mul3A_349 : i32
            %add3A_351 = arith.constant 13 : i32
            %add3A_352 = arith.addi %mul3A_350, %add3A_351 : i32
            %get3A_353 = arith.index_cast %add3A_352 : i32 to index
            %get3A_354 = arith.constant 0 : index
            %get3A_355 = tpu.vector_load %arg9[%get3A_353, %get3A_354] {strides = array<i32>} : memref<128x32xf32, #tpu.memory_space<vmem>>, vector<16xf32>,
            %get3A_356 = arith.index_cast %add3A_352 : i32 to index
            %get3A_357 = arith.constant 0 : index
            %get3A_358 = tpu.vector_load %arg10[%get3A_356, %get3A_357] {strides = array<i32>} : memref<128x32xf32, #tpu.memory_space<vmem>>, vector<16xf32>,
            %mul3A_359 = arith.mulf %get3A_355, %get3A_358 : vector<16xf32>
            %get3A_360 = arith.index_cast %add3A_352 : i32 to index
            %get3A_361 = arith.constant 16 : index
            %get3A_362 = tpu.vector_load %arg9[%get3A_360, %get3A_361] {strides = array<i32>} : memref<128x32xf32, #tpu.memory_space<vmem>>, vector<16xf32>,
            %get3A_363 = arith.index_cast %add3A_352 : i32 to index
            %get3A_364 = arith.constant 16 : index
            %get3A_365 = tpu.vector_load %arg10[%get3A_363, %get3A_364] {strides = array<i32>} : memref<128x32xf32, #tpu.memory_space<vmem>>, vector<16xf32>,
            %mul3A_366 = arith.mulf %get3A_362, %get3A_365 : vector<16xf32>
            %add3A_367 = arith.addf %mul3A_359, %mul3A_366 : vector<16xf32>
            %add3A_368 = arith.constant 13 : i32
            %add3A_369 = vector.broadcast %add3A_368 : i32 to vector<16xi32>
            %add3A_370 = arith.addi %mul3A_63, %add3A_369 : vector<16xi32>
            tpu.vector_store_idx %arg11[%add3A_370], %add3A_367 : memref<256xf32, #tpu.memory_space<vmem>>[vector<16xi32>], vector<16xf32>,
            %mul3A_371 = arith.constant 16 : i32
            %mul3A_372 = arith.muli %scan3A_59, %mul3A_371 : i32
            %add3A_373 = arith.constant 14 : i32
            %add3A_374 = arith.addi %mul3A_372, %add3A_373 : i32
            %get3A_375 = arith.index_cast %add3A_374 : i32 to index
            %get3A_376 = arith.constant 0 : index
            %get3A_377 = tpu.vector_load %arg9[%get3A_375, %get3A_376] {strides = array<i32>} : memref<128x32xf32, #tpu.memory_space<vmem>>, vector<16xf32>,
            %get3A_378 = arith.index_cast %add3A_374 : i32 to index
            %get3A_379 = arith.constant 0 : index
            %get3A_380 = tpu.vector_load %arg10[%get3A_378, %get3A_379] {strides = array<i32>} : memref<128x32xf32, #tpu.memory_space<vmem>>, vector<16xf32>,
            %mul3A_381 = arith.mulf %get3A_377, %get3A_380 : vector<16xf32>
            %get3A_382 = arith.index_cast %add3A_374 : i32 to index
            %get3A_383 = arith.constant 16 : index
            %get3A_384 = tpu.vector_load %arg9[%get3A_382, %get3A_383] {strides = array<i32>} : memref<128x32xf32, #tpu.memory_space<vmem>>, vector<16xf32>,
            %get3A_385 = arith.index_cast %add3A_374 : i32 to index
            %get3A_386 = arith.constant 16 : index
            %get3A_387 = tpu.vector_load %arg10[%get3A_385, %get3A_386] {strides = array<i32>} : memref<128x32xf32, #tpu.memory_space<vmem>>, vector<16xf32>,
            %mul3A_388 = arith.mulf %get3A_384, %get3A_387 : vector<16xf32>
            %add3A_389 = arith.addf %mul3A_381, %mul3A_388 : vector<16xf32>
            %add3A_390 = arith.constant 14 : i32
            %add3A_391 = vector.broadcast %add3A_390 : i32 to vector<16xi32>
            %add3A_392 = arith.addi %mul3A_63, %add3A_391 : vector<16xi32>
            tpu.vector_store_idx %arg11[%add3A_392], %add3A_389 : memref<256xf32, #tpu.memory_space<vmem>>[vector<16xi32>], vector<16xf32>,
            %mul3A_393 = arith.constant 16 : i32
            %mul3A_394 = arith.muli %scan3A_59, %mul3A_393 : i32
            %add3A_395 = arith.constant 15 : i32
            %add3A_396 = arith.addi %mul3A_394, %add3A_395 : i32
            %get3A_397 = arith.index_cast %add3A_396 : i32 to index
            %get3A_398 = arith.constant 0 : index
            %get3A_399 = tpu.vector_load %arg9[%get3A_397, %get3A_398] {strides = array<i32>} : memref<128x32xf32, #tpu.memory_space<vmem>>, vector<16xf32>,
            %get3A_400 = arith.index_cast %add3A_396 : i32 to index
            %get3A_401 = arith.constant 0 : index
            %get3A_402 = tpu.vector_load %arg10[%get3A_400, %get3A_401] {strides = array<i32>} : memref<128x32xf32, #tpu.memory_space<vmem>>, vector<16xf32>,
            %mul3A_403 = arith.mulf %get3A_399, %get3A_402 : vector<16xf32>
            %get3A_404 = arith.index_cast %add3A_396 : i32 to index
            %get3A_405 = arith.constant 16 : index
            %get3A_406 = tpu.vector_load %arg9[%get3A_404, %get3A_405] {strides = array<i32>} : memref<128x32xf32, #tpu.memory_space<vmem>>, vector<16xf32>,
            %get3A_407 = arith.index_cast %add3A_396 : i32 to index
            %get3A_408 = arith.constant 16 : index
            %get3A_409 = tpu.vector_load %arg10[%get3A_407, %get3A_408] {strides = array<i32>} : memref<128x32xf32, #tpu.memory_space<vmem>>, vector<16xf32>,
            %mul3A_410 = arith.mulf %get3A_406, %get3A_409 : vector<16xf32>
            %add3A_411 = arith.addf %mul3A_403, %mul3A_410 : vector<16xf32>
            %add3A_412 = arith.constant 15 : i32
            %add3A_413 = vector.broadcast %add3A_412 : i32 to vector<16xi32>
            %add3A_414 = arith.addi %mul3A_63, %add3A_413 : vector<16xi32>
            tpu.vector_store_idx %arg11[%add3A_414], %add3A_411 : memref<256xf32, #tpu.memory_space<vmem>>[vector<16xi32>], vector<16xf32>,
            %get3A_415 = arith.constant 0 : index
            %get3A_416 = tpu.vector_load %arg11[%get3A_415] {strides = array<i32>} : memref<256xf32, #tpu.memory_space<vmem>>, vector<16xf32>,
            %get3A_417 = arith.constant 16 : index
            %get3A_418 = tpu.vector_load %arg11[%get3A_417] {strides = array<i32>} : memref<256xf32, #tpu.memory_space<vmem>>, vector<16xf32>,
            %add3A_419 = arith.addf %get3A_416, %get3A_418 : vector<16xf32>
            %get3A_420 = arith.constant 32 : index
            %get3A_421 = tpu.vector_load %arg11[%get3A_420] {strides = array<i32>} : memref<256xf32, #tpu.memory_space<vmem>>, vector<16xf32>,
            %add3A_422 = arith.addf %add3A_419, %get3A_421 : vector<16xf32>
            %get3A_423 = arith.constant 48 : index
            %get3A_424 = tpu.vector_load %arg11[%get3A_423] {strides = array<i32>} : memref<256xf32, #tpu.memory_space<vmem>>, vector<16xf32>,
            %add3A_425 = arith.addf %add3A_422, %get3A_424 : vector<16xf32>
            %get3A_426 = arith.constant 64 : index
            %get3A_427 = tpu.vector_load %arg11[%get3A_426] {strides = array<i32>} : memref<256xf32, #tpu.memory_space<vmem>>, vector<16xf32>,
            %add3A_428 = arith.addf %add3A_425, %get3A_427 : vector<16xf32>
            %get3A_429 = arith.constant 80 : index
            %get3A_430 = tpu.vector_load %arg11[%get3A_429] {strides = array<i32>} : memref<256xf32, #tpu.memory_space<vmem>>, vector<16xf32>,
            %add3A_431 = arith.addf %add3A_428, %get3A_430 : vector<16xf32>
            %get3A_432 = arith.constant 96 : index
            %get3A_433 = tpu.vector_load %arg11[%get3A_432] {strides = array<i32>} : memref<256xf32, #tpu.memory_space<vmem>>, vector<16xf32>,
            %add3A_434 = arith.addf %add3A_431, %get3A_433 : vector<16xf32>
            %get3A_435 = arith.constant 112 : index
            %get3A_436 = tpu.vector_load %arg11[%get3A_435] {strides = array<i32>} : memref<256xf32, #tpu.memory_space<vmem>>, vector<16xf32>,
            %add3A_437 = arith.addf %add3A_434, %get3A_436 : vector<16xf32>
            %get3A_438 = arith.constant 128 : index
            %get3A_439 = tpu.vector_load %arg11[%get3A_438] {strides = array<i32>} : memref<256xf32, #tpu.memory_space<vmem>>, vector<16xf32>,
            %add3A_440 = arith.addf %add3A_437, %get3A_439 : vector<16xf32>
            %get3A_441 = arith.constant 144 : index
            %get3A_442 = tpu.vector_load %arg11[%get3A_441] {strides = array<i32>} : memref<256xf32, #tpu.memory_space<vmem>>, vector<16xf32>,
            %add3A_443 = arith.addf %add3A_440, %get3A_442 : vector<16xf32>
            %get3A_444 = arith.constant 160 : index
            %get3A_445 = tpu.vector_load %arg11[%get3A_444] {strides = array<i32>} : memref<256xf32, #tpu.memory_space<vmem>>, vector<16xf32>,
            %add3A_446 = arith.addf %add3A_443, %get3A_445 : vector<16xf32>
            %get3A_447 = arith.constant 176 : index
            %get3A_448 = tpu.vector_load %arg11[%get3A_447] {strides = array<i32>} : memref<256xf32, #tpu.memory_space<vmem>>, vector<16xf32>,
            %add3A_449 = arith.addf %add3A_446, %get3A_448 : vector<16xf32>
            %get3A_450 = arith.constant 192 : index
            %get3A_451 = tpu.vector_load %arg11[%get3A_450] {strides = array<i32>} : memref<256xf32, #tpu.memory_space<vmem>>, vector<16xf32>,
            %add3A_452 = arith.addf %add3A_449, %get3A_451 : vector<16xf32>
            %get3A_453 = arith.constant 208 : index
            %get3A_454 = tpu.vector_load %arg11[%get3A_453] {strides = array<i32>} : memref<256xf32, #tpu.memory_space<vmem>>, vector<16xf32>,
            %add3A_455 = arith.addf %add3A_452, %get3A_454 : vector<16xf32>
            %get3A_456 = arith.constant 224 : index
            %get3A_457 = tpu.vector_load %arg11[%get3A_456] {strides = array<i32>} : memref<256xf32, #tpu.memory_space<vmem>>, vector<16xf32>,
            %add3A_458 = arith.addf %add3A_455, %get3A_457 : vector<16xf32>
            %get3A_459 = arith.constant 240 : index
            %get3A_460 = tpu.vector_load %arg11[%get3A_459] {strides = array<i32>} : memref<256xf32, #tpu.memory_space<vmem>>, vector<16xf32>,
            %add3A_461 = arith.addf %add3A_458, %get3A_460 : vector<16xf32>
            %mul3A_462 = arith.constant 0.176776692 : f32
            %mul3A_463 = vector.broadcast %mul3A_462 : f32 to vector<16xf32>
            %mul3A_464 = arith.mulf %add3A_461, %mul3A_463 : vector<16xf32>
            %mul3A_465 = arith.constant 16 : i32
            %mul3A_466 = arith.muli %scan3A_59, %mul3A_465 : i32
            %swap3A = arith.index_cast %scan3A_27 : i32 to index
            %swap3A_467 = arith.index_cast %mul3A_466 : i32 to index
            %swap3A_468 = tpu.vector_load %arg8[%swap3A, %swap3A_467] {strides = array<i32>} : memref<25x128xf32, #tpu.memory_space<vmem>>, vector<16xf32>,
            tpu.vector_store %arg8[%swap3A, %swap3A_467], %mul3A_464 {strides = array<i32>} : memref<25x128xf32, #tpu.memory_space<vmem>>, vector<16xf32>,
            %scan3A_469 = arith.constant 0 : i32
            scf.yield %scan3A_469 : i32
          }
          %scan3A_57 = arith.constant 8 : i32
          %scan3A_58 = arith.constant 0 : i32
          scf.yield %scan3A_58 : i32
        }
        %scan3A_25 = arith.constant 25 : i32
        "tpu.region"() ({
          %run_scoped3A = tpu.sem_alloc : memref<!tpu.dma_semaphore, #tpu.memory_space<semaphore_mem>>
          %dma_start3A = arith.constant 0 : i32
          %dma_start3A_27 = arith.constant 0 : i32
          %dma_start3A_28 = tpu.memref_slice %arg5[%scan3A_7, %add3A, %scan3A_17, %dma_start3A, %dma_start3A_27] : memref<4x32x16x25x128xf32, #tpu.memory_space<hbm>> -> memref<1x1x1x25x128xf32, #tpu.memory_space<hbm>>
          %dma_start3A_29 = tpu.memref_squeeze %dma_start3A_28 : memref<1x1x1x25x128xf32, #tpu.memory_space<hbm>> -> memref<25x128xf32, #tpu.memory_space<hbm>>
          %dma_start3A_30 = arith.constant 0 : i32
          %dma_start3A_31 = arith.constant 0 : i32
          %dma_start3A_32 = tpu.memref_slice %arg5[%scan3A_7, %add3A, %scan3A_17, %dma_start3A_30, %dma_start3A_31] : memref<4x32x16x25x128xf32, #tpu.memory_space<hbm>> -> memref<1x1x1x25x128xf32, #tpu.memory_space<hbm>>
          %dma_start3A_33 = tpu.memref_squeeze %dma_start3A_32 : memref<1x1x1x25x128xf32, #tpu.memory_space<hbm>> -> memref<25x128xf32, #tpu.memory_space<hbm>>
          tpu.enqueue_dma source(%arg8 : memref<25x128xf32, #tpu.memory_space<vmem>>) target(%dma_start3A_33 : memref<25x128xf32, #tpu.memory_space<hbm>>) target_semaphore(%run_scoped3A : memref<!tpu.dma_semaphore, #tpu.memory_space<semaphore_mem>>)
          %dma_wait3A = arith.constant 0 : i32
          %dma_wait3A_34 = arith.constant 0 : i32
          %dma_wait3A_35 = tpu.memref_slice %arg5[%scan3A_7, %add3A, %scan3A_17, %dma_wait3A, %dma_wait3A_34] : memref<4x32x16x25x128xf32, #tpu.memory_space<hbm>> -> memref<1x1x1x25x128xf32, #tpu.memory_space<hbm>>
          %dma_wait3A_36 = tpu.memref_squeeze %dma_wait3A_35 : memref<1x1x1x25x128xf32, #tpu.memory_space<hbm>> -> memref<25x128xf32, #tpu.memory_space<hbm>>
          %dma_wait3A_37 = arith.constant 0 : i32
          %dma_wait3A_38 = arith.constant 0 : i32
          %dma_wait3A_39 = tpu.memref_slice %arg5[%scan3A_7, %add3A, %scan3A_17, %dma_wait3A_37, %dma_wait3A_38] : memref<4x32x16x25x128xf32, #tpu.memory_space<hbm>> -> memref<1x1x1x25x128xf32, #tpu.memory_space<hbm>>
          %dma_wait3A_40 = tpu.memref_squeeze %dma_wait3A_39 : memref<1x1x1x25x128xf32, #tpu.memory_space<hbm>> -> memref<25x128xf32, #tpu.memory_space<hbm>>
          tpu.wait_dma2 semaphore(%run_scoped3A : memref<!tpu.dma_semaphore, #tpu.memory_space<semaphore_mem>>) src(%arg8 : memref<25x128xf32, #tpu.memory_space<vmem>>) dst(%dma_wait3A_40 : memref<25x128xf32, #tpu.memory_space<hbm>>)
          tpu.yield
        }) : () -> ()
        %scan3A_26 = arith.constant 0 : i32
        scf.yield %scan3A_26 : i32
      }
      %scan3A_15 = arith.constant 16 : i32
      %scan3A_16 = arith.constant 0 : i32
      scf.yield %scan3A_16 : i32
    }
    %scan3A_6 = arith.constant 4 : i32
    return
  }
}

#map = affine_map<(d0, d1) -> (0, 0, 0, 0)>
#map1 = affine_map<(d0, d1) -> (0, 0)>
#map2 = affine_map<(d0, d1) -> (0, 0, 0, 0, 0)>
#map3 = affine_map<(d0, d1) -> (0, 0, 0)>
module attributes {stable_mosaic.version = 14 : i64} {
  func.func @_convall_body(%arg0: i32, %arg1: i32, %arg2: memref<4x2x50176x16xf32, #tpu.memory_space<hbm>>, %arg3: memref<8x50176xf32, #tpu.memory_space<hbm>>, %arg4: memref<4x32x16x25x128xi32, #tpu.memory_space<hbm>>, %arg5: memref<4x32x16x25x128xi32, #tpu.memory_space<hbm>>, %arg6: memref<4x32x16x25x128xf32, #tpu.memory_space<hbm>>, %arg7: memref<50176x16xf32, #tpu.memory_space<hbm>>, %arg8: memref<4x50176x32xf32, #tpu.memory_space<hbm>>, %arg9: memref<4x50176x16xf32, #tpu.memory_space<hbm>>, %arg10: memref<50176xf32, #tpu.memory_space<vmem>>, %arg11: memref<50176xf32, #tpu.memory_space<vmem>>, %arg12: memref<25x128xi32, #tpu.memory_space<vmem>>, %arg13: memref<25x128xi32, #tpu.memory_space<vmem>>, %arg14: memref<25x128xi32, #tpu.memory_space<vmem>>, %arg15: memref<25x128xf32, #tpu.memory_space<vmem>>, %arg16: memref<128x16xf32, #tpu.memory_space<vmem>>, %arg17: memref<12544x16xf32, #tpu.memory_space<vmem_shared>>, %arg18: memref<!tpu.dma_semaphore, #tpu.memory_space<semaphore_mem>>) attributes {dimension_semantics = [#tpu.dimension_semantics<core_parallel>, #tpu.dimension_semantics<subcore_parallel>], iteration_bounds = array<i64: 2, 16>, scalar_prefetch = 0 : i64, scratch_operands = 9 : i64, tpu.core_type = #tpu.core_type<sc_vector_subcore>, window_params = [{transform_indices = #map}, {transform_indices = #map1}, {transform_indices = #map2}, {transform_indices = #map2}, {transform_indices = #map2}, {transform_indices = #map1}, {transform_indices = #map3}, {transform_indices = #map3}]} {
    %mul3A = arith.constant 784 : i32
    %mul3A_0 = arith.muli %arg1, %mul3A : i32
    %iota3A = tpu.iota {dimensions = array<i32: 0>} : vector<16xi32>
    %eq3A = arith.constant 0 : i32
    %eq3A_1 = vector.broadcast %eq3A : i32 to vector<16xi32>
    %eq3A_2 = arith.cmpi eq, %iota3A, %eq3A_1 : vector<16xi32>
    %jit3A = arith.constant 1.000000e+00 : f32
    %jit3A_3 = arith.constant 0.000000e+00 : f32
    %broadcast_in_dim3A = vector.broadcast %jit3A : f32 to vector<16xf32>
    %broadcast_in_dim3A_4 = vector.broadcast %jit3A_3 : f32 to vector<16xf32>
    %select_n3A = arith.select %eq3A_2, %broadcast_in_dim3A, %broadcast_in_dim3A_4 : vector<16xi1>, vector<16xf32>
    %scan3A = arith.constant 0 : i32
    %scan3A_5 = arith.constant 0 : i32
    %scan3A_6 = arith.constant 8 : i32
    %scan3A_7 = arith.addi %scan3A_5, %scan3A_6 : i32
    %scan3A_8 = arith.constant 1 : i32
    %scan3A_9 = scf.for %scan3A_11 = %scan3A_5 to %scan3A_7 step %scan3A_8 iter_args(%scan3A_12 = %scan3A) -> (i32)  : i32 {
      %jit3A_13 = arith.constant 2 : i32
      %div3A = arith.divsi %scan3A_11, %jit3A_13 : i32
      %sign3A = arith.constant 0 : i32
      %sign3A_14 = arith.cmpi sgt, %scan3A_11, %sign3A : i32
      %sign3A_15 = arith.extui %sign3A_14 : i1 to i32
      %sign3A_16 = arith.constant 0 : i32
      %sign3A_17 = arith.cmpi slt, %scan3A_11, %sign3A_16 : i32
      %sign3A_18 = arith.extui %sign3A_17 : i1 to i32
      %sign3A_19 = arith.subi %sign3A_15, %sign3A_18 : i32
      %sign3A_20 = arith.constant 0 : i32
      %sign3A_21 = arith.cmpi sgt, %jit3A_13, %sign3A_20 : i32
      %sign3A_22 = arith.extui %sign3A_21 : i1 to i32
      %sign3A_23 = arith.constant 0 : i32
      %sign3A_24 = arith.cmpi slt, %jit3A_13, %sign3A_23 : i32
      %sign3A_25 = arith.extui %sign3A_24 : i1 to i32
      %sign3A_26 = arith.subi %sign3A_22, %sign3A_25 : i32
      %ne3A = arith.cmpi ne, %sign3A_19, %sign3A_26 : i32
      %rem3A = arith.remsi %scan3A_11, %jit3A_13 : i32
      %ne3A_27 = arith.constant 0 : i32
      %ne3A_28 = arith.cmpi ne, %rem3A, %ne3A_27 : i32
      %and3A = arith.andi %ne3A, %ne3A_28 : i1
      %sub3A = arith.constant 1 : i32
      %sub3A_29 = arith.subi %div3A, %sub3A : i32
      %select_n3A_30 = arith.select %and3A, %sub3A_29, %div3A : i32
      %jit3A_31 = arith.constant 2 : i32
      %eq3A_32 = arith.constant 0 : i32
      %eq3A_33 = arith.cmpi eq, %jit3A_31, %eq3A_32 : i32
      %jit3A_34 = arith.constant 1 : i32
      %select_n3A_35 = arith.select %eq3A_33, %jit3A_34, %jit3A_31 : i32
      %rem3A_36 = arith.remsi %scan3A_11, %select_n3A_35 : i32
      %ne3A_37 = arith.constant 0 : i32
      %ne3A_38 = arith.cmpi ne, %rem3A_36, %ne3A_37 : i32
      %lt3A = arith.constant 0 : i32
      %lt3A_39 = arith.cmpi slt, %rem3A_36, %lt3A : i32
      %lt3A_40 = arith.constant 0 : i32
      %lt3A_41 = arith.cmpi slt, %select_n3A_35, %lt3A_40 : i32
      %ne3A_42 = arith.xori %lt3A_39, %lt3A_41 : i1
      %and3A_43 = arith.andi %ne3A_42, %ne3A_38 : i1
      %add3A = arith.addi %rem3A_36, %select_n3A_35 : i32
      %select_n3A_44 = arith.select %and3A_43, %add3A, %rem3A_36 : i32
      %mul3A_45 = arith.constant 2 : i32
      %mul3A_46 = arith.muli %mul3A_45, %select_n3A_44 : i32
      %add3A_47 = arith.addi %mul3A_46, %arg0 : i32
      %mul3A_48 = arith.constant 12544 : i32
      %mul3A_49 = arith.muli %add3A_47, %mul3A_48 : i32
      %mul3A_50 = arith.constant 2 : i32
      %mul3A_51 = arith.muli %mul3A_50, %select_n3A_30 : i32
      "tpu.region"() ({
        %run_scoped3A = tpu.sem_alloc : memref<!tpu.dma_semaphore, #tpu.memory_space<semaphore_mem>>
        %dma_start3A = arith.constant 0 : i32
        %dma_start3A_64 = tpu.memref_slice %arg3[%mul3A_51, %dma_start3A] : memref<8x50176xf32, #tpu.memory_space<hbm>> -> memref<1x50176xf32, #tpu.memory_space<hbm>>
        %dma_start3A_65 = tpu.memref_squeeze %dma_start3A_64 : memref<1x50176xf32, #tpu.memory_space<hbm>> -> memref<50176xf32, #tpu.memory_space<hbm>>
        %dma_start3A_66 = arith.constant 0 : i32
        %dma_start3A_67 = tpu.memref_slice %arg3[%mul3A_51, %dma_start3A_66] : memref<8x50176xf32, #tpu.memory_space<hbm>> -> memref<1x50176xf32, #tpu.memory_space<hbm>>
        %dma_start3A_68 = tpu.memref_squeeze %dma_start3A_67 : memref<1x50176xf32, #tpu.memory_space<hbm>> -> memref<50176xf32, #tpu.memory_space<hbm>>
        tpu.enqueue_dma source(%dma_start3A_68 : memref<50176xf32, #tpu.memory_space<hbm>>) target(%arg10 : memref<50176xf32, #tpu.memory_space<vmem>>) target_semaphore(%run_scoped3A : memref<!tpu.dma_semaphore, #tpu.memory_space<semaphore_mem>>)
        %dma_wait3A = arith.constant 0 : i32
        %dma_wait3A_69 = tpu.memref_slice %arg3[%mul3A_51, %dma_wait3A] : memref<8x50176xf32, #tpu.memory_space<hbm>> -> memref<1x50176xf32, #tpu.memory_space<hbm>>
        %dma_wait3A_70 = tpu.memref_squeeze %dma_wait3A_69 : memref<1x50176xf32, #tpu.memory_space<hbm>> -> memref<50176xf32, #tpu.memory_space<hbm>>
        %dma_wait3A_71 = arith.constant 0 : i32
        %dma_wait3A_72 = tpu.memref_slice %arg3[%mul3A_51, %dma_wait3A_71] : memref<8x50176xf32, #tpu.memory_space<hbm>> -> memref<1x50176xf32, #tpu.memory_space<hbm>>
        %dma_wait3A_73 = tpu.memref_squeeze %dma_wait3A_72 : memref<1x50176xf32, #tpu.memory_space<hbm>> -> memref<50176xf32, #tpu.memory_space<hbm>>
        tpu.wait_dma2 semaphore(%run_scoped3A : memref<!tpu.dma_semaphore, #tpu.memory_space<semaphore_mem>>) src(%dma_wait3A_73 : memref<50176xf32, #tpu.memory_space<hbm>>) dst(%arg10 : memref<50176xf32, #tpu.memory_space<vmem>>)
        tpu.yield
      }) : () -> ()
      %mul3A_52 = arith.constant 2 : i32
      %mul3A_53 = arith.muli %mul3A_52, %select_n3A_30 : i32
      %add3A_54 = arith.constant 1 : i32
      %add3A_55 = arith.addi %mul3A_53, %add3A_54 : i32
      "tpu.region"() ({
        %run_scoped3A = tpu.sem_alloc : memref<!tpu.dma_semaphore, #tpu.memory_space<semaphore_mem>>
        %dma_start3A = arith.constant 0 : i32
        %dma_start3A_64 = tpu.memref_slice %arg3[%add3A_55, %dma_start3A] : memref<8x50176xf32, #tpu.memory_space<hbm>> -> memref<1x50176xf32, #tpu.memory_space<hbm>>
        %dma_start3A_65 = tpu.memref_squeeze %dma_start3A_64 : memref<1x50176xf32, #tpu.memory_space<hbm>> -> memref<50176xf32, #tpu.memory_space<hbm>>
        %dma_start3A_66 = arith.constant 0 : i32
        %dma_start3A_67 = tpu.memref_slice %arg3[%add3A_55, %dma_start3A_66] : memref<8x50176xf32, #tpu.memory_space<hbm>> -> memref<1x50176xf32, #tpu.memory_space<hbm>>
        %dma_start3A_68 = tpu.memref_squeeze %dma_start3A_67 : memref<1x50176xf32, #tpu.memory_space<hbm>> -> memref<50176xf32, #tpu.memory_space<hbm>>
        tpu.enqueue_dma source(%dma_start3A_68 : memref<50176xf32, #tpu.memory_space<hbm>>) target(%arg11 : memref<50176xf32, #tpu.memory_space<vmem>>) target_semaphore(%run_scoped3A : memref<!tpu.dma_semaphore, #tpu.memory_space<semaphore_mem>>)
        %dma_wait3A = arith.constant 0 : i32
        %dma_wait3A_69 = tpu.memref_slice %arg3[%add3A_55, %dma_wait3A] : memref<8x50176xf32, #tpu.memory_space<hbm>> -> memref<1x50176xf32, #tpu.memory_space<hbm>>
        %dma_wait3A_70 = tpu.memref_squeeze %dma_wait3A_69 : memref<1x50176xf32, #tpu.memory_space<hbm>> -> memref<50176xf32, #tpu.memory_space<hbm>>
        %dma_wait3A_71 = arith.constant 0 : i32
        %dma_wait3A_72 = tpu.memref_slice %arg3[%add3A_55, %dma_wait3A_71] : memref<8x50176xf32, #tpu.memory_space<hbm>> -> memref<1x50176xf32, #tpu.memory_space<hbm>>
        %dma_wait3A_73 = tpu.memref_squeeze %dma_wait3A_72 : memref<1x50176xf32, #tpu.memory_space<hbm>> -> memref<50176xf32, #tpu.memory_space<hbm>>
        tpu.wait_dma2 semaphore(%run_scoped3A : memref<!tpu.dma_semaphore, #tpu.memory_space<semaphore_mem>>) src(%dma_wait3A_73 : memref<50176xf32, #tpu.memory_space<hbm>>) dst(%arg11 : memref<50176xf32, #tpu.memory_space<vmem>>)
        tpu.yield
      }) : () -> ()
      %scan3A_56 = arith.constant 0 : i32
      %scan3A_57 = arith.constant 0 : i32
      %scan3A_58 = arith.constant 3 : i32
      %scan3A_59 = arith.addi %scan3A_57, %scan3A_58 : i32
      %scan3A_60 = arith.constant 1 : i32
      %scan3A_61 = scf.for %scan3A_64 = %scan3A_57 to %scan3A_59 step %scan3A_60 iter_args(%scan3A_65 = %scan3A_56) -> (i32)  : i32 {
        "tpu.region"() ({
          %run_scoped3A = tpu.sem_alloc : memref<!tpu.dma_semaphore, #tpu.memory_space<semaphore_mem>>
          %dma_start3A = arith.constant 0 : i32
          %dma_start3A_83 = tpu.memref_slice %arg17[%mul3A_0, %dma_start3A] : memref<12544x16xf32, #tpu.memory_space<vmem_shared>> -> memref<784x16xf32, #tpu.memory_space<vmem_shared>>
          %dma_start3A_84 = arith.constant 0 : i32
          %dma_start3A_85 = tpu.memref_slice %arg7[%mul3A_0, %dma_start3A_84] : memref<50176x16xf32, #tpu.memory_space<hbm>> -> memref<784x16xf32, #tpu.memory_space<hbm>>
          tpu.enqueue_dma source(%dma_start3A_85 : memref<784x16xf32, #tpu.memory_space<hbm>>) target(%dma_start3A_83 : memref<784x16xf32, #tpu.memory_space<vmem_shared>>) target_semaphore(%run_scoped3A : memref<!tpu.dma_semaphore, #tpu.memory_space<semaphore_mem>>)
          %dma_wait3A = arith.constant 0 : i32
          %dma_wait3A_86 = tpu.memref_slice %arg17[%mul3A_0, %dma_wait3A] : memref<12544x16xf32, #tpu.memory_space<vmem_shared>> -> memref<784x16xf32, #tpu.memory_space<vmem_shared>>
          %dma_wait3A_87 = arith.constant 0 : i32
          %dma_wait3A_88 = tpu.memref_slice %arg7[%mul3A_0, %dma_wait3A_87] : memref<50176x16xf32, #tpu.memory_space<hbm>> -> memref<784x16xf32, #tpu.memory_space<hbm>>
          tpu.wait_dma2 semaphore(%run_scoped3A : memref<!tpu.dma_semaphore, #tpu.memory_space<semaphore_mem>>) src(%dma_wait3A_88 : memref<784x16xf32, #tpu.memory_space<hbm>>) dst(%dma_wait3A_86 : memref<784x16xf32, #tpu.memory_space<vmem_shared>>)
          tpu.yield
        }) : () -> ()
        %barrier3A = arith.constant 0 : index
        tpu.barrier barrier_id(%barrier3A)
        %scan3A_66 = arith.constant 0 : i32
        %scan3A_67 = arith.constant 0 : i32
        %scan3A_68 = arith.constant 32 : i32
        %scan3A_69 = arith.addi %scan3A_67, %scan3A_68 : i32
        %scan3A_70 = arith.constant 1 : i32
        %scan3A_71 = scf.for %scan3A_83 = %scan3A_67 to %scan3A_69 step %scan3A_70 iter_args(%scan3A_84 = %scan3A_66) -> (i32)  : i32 {
          %mul3A_85 = arith.constant 2 : i32
          %mul3A_86 = arith.muli %mul3A_85, %arg1 : i32
          %jit3A_87 = arith.constant 16 : i32
          %div3A_88 = arith.divsi %scan3A_83, %jit3A_87 : i32
          %sign3A_89 = arith.constant 0 : i32
          %sign3A_90 = arith.cmpi sgt, %scan3A_83, %sign3A_89 : i32
          %sign3A_91 = arith.extui %sign3A_90 : i1 to i32
          %sign3A_92 = arith.constant 0 : i32
          %sign3A_93 = arith.cmpi slt, %scan3A_83, %sign3A_92 : i32
          %sign3A_94 = arith.extui %sign3A_93 : i1 to i32
          %sign3A_95 = arith.subi %sign3A_91, %sign3A_94 : i32
          %sign3A_96 = arith.constant 0 : i32
          %sign3A_97 = arith.cmpi sgt, %jit3A_87, %sign3A_96 : i32
          %sign3A_98 = arith.extui %sign3A_97 : i1 to i32
          %sign3A_99 = arith.constant 0 : i32
          %sign3A_100 = arith.cmpi slt, %jit3A_87, %sign3A_99 : i32
          %sign3A_101 = arith.extui %sign3A_100 : i1 to i32
          %sign3A_102 = arith.subi %sign3A_98, %sign3A_101 : i32
          %ne3A_103 = arith.cmpi ne, %sign3A_95, %sign3A_102 : i32
          %rem3A_104 = arith.remsi %scan3A_83, %jit3A_87 : i32
          %ne3A_105 = arith.constant 0 : i32
          %ne3A_106 = arith.cmpi ne, %rem3A_104, %ne3A_105 : i32
          %and3A_107 = arith.andi %ne3A_103, %ne3A_106 : i1
          %sub3A_108 = arith.constant 1 : i32
          %sub3A_109 = arith.subi %div3A_88, %sub3A_108 : i32
          %select_n3A_110 = arith.select %and3A_107, %sub3A_109, %div3A_88 : i32
          %add3A_111 = arith.addi %mul3A_86, %select_n3A_110 : i32
          %jit3A_112 = arith.constant 16 : i32
          %eq3A_113 = arith.constant 0 : i32
          %eq3A_114 = arith.cmpi eq, %jit3A_112, %eq3A_113 : i32
          %jit3A_115 = arith.constant 1 : i32
          %select_n3A_116 = arith.select %eq3A_114, %jit3A_115, %jit3A_112 : i32
          %rem3A_117 = arith.remsi %scan3A_83, %select_n3A_116 : i32
          %ne3A_118 = arith.constant 0 : i32
          %ne3A_119 = arith.cmpi ne, %rem3A_117, %ne3A_118 : i32
          %lt3A_120 = arith.constant 0 : i32
          %lt3A_121 = arith.cmpi slt, %rem3A_117, %lt3A_120 : i32
          %lt3A_122 = arith.constant 0 : i32
          %lt3A_123 = arith.cmpi slt, %select_n3A_116, %lt3A_122 : i32
          %ne3A_124 = arith.xori %lt3A_121, %lt3A_123 : i1
          %and3A_125 = arith.andi %ne3A_124, %ne3A_119 : i1
          %add3A_126 = arith.addi %rem3A_117, %select_n3A_116 : i32
          %select_n3A_127 = arith.select %and3A_125, %add3A_126, %rem3A_117 : i32
          "tpu.region"() ({
            %run_scoped3A = tpu.sem_alloc : memref<!tpu.dma_semaphore, #tpu.memory_space<semaphore_mem>>
            %dma_start3A = arith.constant 0 : i32
            %dma_start3A_136 = arith.constant 0 : i32
            %dma_start3A_137 = tpu.memref_slice %arg4[%select_n3A_30, %add3A_111, %select_n3A_127, %dma_start3A, %dma_start3A_136] : memref<4x32x16x25x128xi32, #tpu.memory_space<hbm>> -> memref<1x1x1x25x128xi32, #tpu.memory_space<hbm>>
            %dma_start3A_138 = tpu.memref_squeeze %dma_start3A_137 : memref<1x1x1x25x128xi32, #tpu.memory_space<hbm>> -> memref<25x128xi32, #tpu.memory_space<hbm>>
            %dma_start3A_139 = arith.constant 0 : i32
            %dma_start3A_140 = arith.constant 0 : i32
            %dma_start3A_141 = tpu.memref_slice %arg4[%select_n3A_30, %add3A_111, %select_n3A_127, %dma_start3A_139, %dma_start3A_140] : memref<4x32x16x25x128xi32, #tpu.memory_space<hbm>> -> memref<1x1x1x25x128xi32, #tpu.memory_space<hbm>>
            %dma_start3A_142 = tpu.memref_squeeze %dma_start3A_141 : memref<1x1x1x25x128xi32, #tpu.memory_space<hbm>> -> memref<25x128xi32, #tpu.memory_space<hbm>>
            tpu.enqueue_dma source(%dma_start3A_142 : memref<25x128xi32, #tpu.memory_space<hbm>>) target(%arg12 : memref<25x128xi32, #tpu.memory_space<vmem>>) target_semaphore(%run_scoped3A : memref<!tpu.dma_semaphore, #tpu.memory_space<semaphore_mem>>)
            %dma_wait3A = arith.constant 0 : i32
            %dma_wait3A_143 = arith.constant 0 : i32
            %dma_wait3A_144 = tpu.memref_slice %arg4[%select_n3A_30, %add3A_111, %select_n3A_127, %dma_wait3A, %dma_wait3A_143] : memref<4x32x16x25x128xi32, #tpu.memory_space<hbm>> -> memref<1x1x1x25x128xi32, #tpu.memory_space<hbm>>
            %dma_wait3A_145 = tpu.memref_squeeze %dma_wait3A_144 : memref<1x1x1x25x128xi32, #tpu.memory_space<hbm>> -> memref<25x128xi32, #tpu.memory_space<hbm>>
            %dma_wait3A_146 = arith.constant 0 : i32
            %dma_wait3A_147 = arith.constant 0 : i32
            %dma_wait3A_148 = tpu.memref_slice %arg4[%select_n3A_30, %add3A_111, %select_n3A_127, %dma_wait3A_146, %dma_wait3A_147] : memref<4x32x16x25x128xi32, #tpu.memory_space<hbm>> -> memref<1x1x1x25x128xi32, #tpu.memory_space<hbm>>
            %dma_wait3A_149 = tpu.memref_squeeze %dma_wait3A_148 : memref<1x1x1x25x128xi32, #tpu.memory_space<hbm>> -> memref<25x128xi32, #tpu.memory_space<hbm>>
            tpu.wait_dma2 semaphore(%run_scoped3A : memref<!tpu.dma_semaphore, #tpu.memory_space<semaphore_mem>>) src(%dma_wait3A_149 : memref<25x128xi32, #tpu.memory_space<hbm>>) dst(%arg12 : memref<25x128xi32, #tpu.memory_space<vmem>>)
            tpu.yield
          }) : () -> ()
          "tpu.region"() ({
            %run_scoped3A = tpu.sem_alloc : memref<!tpu.dma_semaphore, #tpu.memory_space<semaphore_mem>>
            %dma_start3A = arith.constant 0 : i32
            %dma_start3A_136 = arith.constant 0 : i32
            %dma_start3A_137 = tpu.memref_slice %arg5[%select_n3A_30, %add3A_111, %select_n3A_127, %dma_start3A, %dma_start3A_136] : memref<4x32x16x25x128xi32, #tpu.memory_space<hbm>> -> memref<1x1x1x25x128xi32, #tpu.memory_space<hbm>>
            %dma_start3A_138 = tpu.memref_squeeze %dma_start3A_137 : memref<1x1x1x25x128xi32, #tpu.memory_space<hbm>> -> memref<25x128xi32, #tpu.memory_space<hbm>>
            %dma_start3A_139 = arith.constant 0 : i32
            %dma_start3A_140 = arith.constant 0 : i32
            %dma_start3A_141 = tpu.memref_slice %arg5[%select_n3A_30, %add3A_111, %select_n3A_127, %dma_start3A_139, %dma_start3A_140] : memref<4x32x16x25x128xi32, #tpu.memory_space<hbm>> -> memref<1x1x1x25x128xi32, #tpu.memory_space<hbm>>
            %dma_start3A_142 = tpu.memref_squeeze %dma_start3A_141 : memref<1x1x1x25x128xi32, #tpu.memory_space<hbm>> -> memref<25x128xi32, #tpu.memory_space<hbm>>
            tpu.enqueue_dma source(%dma_start3A_142 : memref<25x128xi32, #tpu.memory_space<hbm>>) target(%arg13 : memref<25x128xi32, #tpu.memory_space<vmem>>) target_semaphore(%run_scoped3A : memref<!tpu.dma_semaphore, #tpu.memory_space<semaphore_mem>>)
            %dma_wait3A = arith.constant 0 : i32
            %dma_wait3A_143 = arith.constant 0 : i32
            %dma_wait3A_144 = tpu.memref_slice %arg5[%select_n3A_30, %add3A_111, %select_n3A_127, %dma_wait3A, %dma_wait3A_143] : memref<4x32x16x25x128xi32, #tpu.memory_space<hbm>> -> memref<1x1x1x25x128xi32, #tpu.memory_space<hbm>>
            %dma_wait3A_145 = tpu.memref_squeeze %dma_wait3A_144 : memref<1x1x1x25x128xi32, #tpu.memory_space<hbm>> -> memref<25x128xi32, #tpu.memory_space<hbm>>
            %dma_wait3A_146 = arith.constant 0 : i32
            %dma_wait3A_147 = arith.constant 0 : i32
            %dma_wait3A_148 = tpu.memref_slice %arg5[%select_n3A_30, %add3A_111, %select_n3A_127, %dma_wait3A_146, %dma_wait3A_147] : memref<4x32x16x25x128xi32, #tpu.memory_space<hbm>> -> memref<1x1x1x25x128xi32, #tpu.memory_space<hbm>>
            %dma_wait3A_149 = tpu.memref_squeeze %dma_wait3A_148 : memref<1x1x1x25x128xi32, #tpu.memory_space<hbm>> -> memref<25x128xi32, #tpu.memory_space<hbm>>
            tpu.wait_dma2 semaphore(%run_scoped3A : memref<!tpu.dma_semaphore, #tpu.memory_space<semaphore_mem>>) src(%dma_wait3A_149 : memref<25x128xi32, #tpu.memory_space<hbm>>) dst(%arg13 : memref<25x128xi32, #tpu.memory_space<vmem>>)
            tpu.yield
          }) : () -> ()
          "tpu.region"() ({
            %run_scoped3A = tpu.sem_alloc : memref<!tpu.dma_semaphore, #tpu.memory_space<semaphore_mem>>
            %dma_start3A = arith.constant 0 : i32
            %dma_start3A_136 = arith.constant 0 : i32
            %dma_start3A_137 = tpu.memref_slice %arg6[%select_n3A_30, %add3A_111, %select_n3A_127, %dma_start3A, %dma_start3A_136] : memref<4x32x16x25x128xf32, #tpu.memory_space<hbm>> -> memref<1x1x1x25x128xf32, #tpu.memory_space<hbm>>
            %dma_start3A_138 = tpu.memref_squeeze %dma_start3A_137 : memref<1x1x1x25x128xf32, #tpu.memory_space<hbm>> -> memref<25x128xf32, #tpu.memory_space<hbm>>
            %dma_start3A_139 = arith.constant 0 : i32
            %dma_start3A_140 = arith.constant 0 : i32
            %dma_start3A_141 = tpu.memref_slice %arg6[%select_n3A_30, %add3A_111, %select_n3A_127, %dma_start3A_139, %dma_start3A_140] : memref<4x32x16x25x128xf32, #tpu.memory_space<hbm>> -> memref<1x1x1x25x128xf32, #tpu.memory_space<hbm>>
            %dma_start3A_142 = tpu.memref_squeeze %dma_start3A_141 : memref<1x1x1x25x128xf32, #tpu.memory_space<hbm>> -> memref<25x128xf32, #tpu.memory_space<hbm>>
            tpu.enqueue_dma source(%dma_start3A_142 : memref<25x128xf32, #tpu.memory_space<hbm>>) target(%arg15 : memref<25x128xf32, #tpu.memory_space<vmem>>) target_semaphore(%run_scoped3A : memref<!tpu.dma_semaphore, #tpu.memory_space<semaphore_mem>>)
            %dma_wait3A = arith.constant 0 : i32
            %dma_wait3A_143 = arith.constant 0 : i32
            %dma_wait3A_144 = tpu.memref_slice %arg6[%select_n3A_30, %add3A_111, %select_n3A_127, %dma_wait3A, %dma_wait3A_143] : memref<4x32x16x25x128xf32, #tpu.memory_space<hbm>> -> memref<1x1x1x25x128xf32, #tpu.memory_space<hbm>>
            %dma_wait3A_145 = tpu.memref_squeeze %dma_wait3A_144 : memref<1x1x1x25x128xf32, #tpu.memory_space<hbm>> -> memref<25x128xf32, #tpu.memory_space<hbm>>
            %dma_wait3A_146 = arith.constant 0 : i32
            %dma_wait3A_147 = arith.constant 0 : i32
            %dma_wait3A_148 = tpu.memref_slice %arg6[%select_n3A_30, %add3A_111, %select_n3A_127, %dma_wait3A_146, %dma_wait3A_147] : memref<4x32x16x25x128xf32, #tpu.memory_space<hbm>> -> memref<1x1x1x25x128xf32, #tpu.memory_space<hbm>>
            %dma_wait3A_149 = tpu.memref_squeeze %dma_wait3A_148 : memref<1x1x1x25x128xf32, #tpu.memory_space<hbm>> -> memref<25x128xf32, #tpu.memory_space<hbm>>
            tpu.wait_dma2 semaphore(%run_scoped3A : memref<!tpu.dma_semaphore, #tpu.memory_space<semaphore_mem>>) src(%dma_wait3A_149 : memref<25x128xf32, #tpu.memory_space<hbm>>) dst(%arg15 : memref<25x128xf32, #tpu.memory_space<vmem>>)
            tpu.yield
          }) : () -> ()
          %scan3A_128 = arith.constant 0 : i32
          %scan3A_129 = arith.constant 0 : i32
          %scan3A_130 = arith.constant 25 : i32
          %scan3A_131 = arith.addi %scan3A_129, %scan3A_130 : i32
          %scan3A_132 = arith.constant 1 : i32
          %scan3A_133 = scf.for %scan3A_136 = %scan3A_129 to %scan3A_131 step %scan3A_132 iter_args(%scan3A_137 = %scan3A_128) -> (i32)  : i32 {
            %lt3A_138 = arith.constant 2 : i32
            %lt3A_139 = arith.cmpi slt, %scan3A_64, %lt3A_138 : i32
            %convert_element_type3A_140 = arith.extui %lt3A_139 : i1 to i32
            %cond3A_141 = arith.constant 0 : i32
            %cond3A_142 = arith.cmpi ne, %convert_element_type3A_140, %cond3A_141 : i32
            scf.if %cond3A_142 {
              %dma_start3A = arith.constant 0 : i32
              %dma_start3A_151 = tpu.memref_slice %arg12[%scan3A_136, %dma_start3A] : memref<25x128xi32, #tpu.memory_space<vmem>> -> memref<1x128xi32, #tpu.memory_space<vmem>>
              %dma_start3A_152 = tpu.memref_squeeze %dma_start3A_151 : memref<1x128xi32, #tpu.memory_space<vmem>> -> memref<128xi32, #tpu.memory_space<vmem>>
              %dma_start3A_153 = arith.constant 0 : i32
              %dma_start3A_154 = arith.constant 0 : i32
              %dma_start3A_155 = tpu.memref_slice %arg2[%select_n3A_30, %scan3A_64, %dma_start3A_153, %dma_start3A_154] : memref<4x2x50176x16xf32, #tpu.memory_space<hbm>> -> memref<1x1x50176x16xf32, #tpu.memory_space<hbm>>
              %dma_start3A_156 = tpu.memref_squeeze %dma_start3A_155 : memref<1x1x50176x16xf32, #tpu.memory_space<hbm>> -> memref<50176x16xf32, #tpu.memory_space<hbm>>
              %dma_start3A_157 = arith.constant 0 : i32
              %dma_start3A_158 = arith.constant 0 : i32
              %dma_start3A_159 = tpu.memref_slice %dma_start3A_156[%dma_start3A_157, %dma_start3A_158] : memref<50176x16xf32, #tpu.memory_space<hbm>> -> memref<50176x16xf32, #tpu.memory_space<hbm>>
              tpu.enqueue_indirect_dma source(%dma_start3A_159 : memref<50176x16xf32, #tpu.memory_space<hbm>>) target(%arg16 : memref<128x16xf32, #tpu.memory_space<vmem>>) offsets(%dma_start3A_152 : memref<128xi32, #tpu.memory_space<vmem>>) semaphore(%arg18 : memref<!tpu.dma_semaphore, #tpu.memory_space<semaphore_mem>>)
              %dma_wait3A = arith.constant 0 : i32
              %dma_wait3A_160 = tpu.memref_slice %arg12[%scan3A_136, %dma_wait3A] : memref<25x128xi32, #tpu.memory_space<vmem>> -> memref<1x128xi32, #tpu.memory_space<vmem>>
              %dma_wait3A_161 = tpu.memref_squeeze %dma_wait3A_160 : memref<1x128xi32, #tpu.memory_space<vmem>> -> memref<128xi32, #tpu.memory_space<vmem>>
              %dma_wait3A_162 = arith.constant 0 : i32
              %dma_wait3A_163 = arith.constant 0 : i32
              %dma_wait3A_164 = tpu.memref_slice %arg2[%select_n3A_30, %scan3A_64, %dma_wait3A_162, %dma_wait3A_163] : memref<4x2x50176x16xf32, #tpu.memory_space<hbm>> -> memref<1x1x50176x16xf32, #tpu.memory_space<hbm>>
              %dma_wait3A_165 = tpu.memref_squeeze %dma_wait3A_164 : memref<1x1x50176x16xf32, #tpu.memory_space<hbm>> -> memref<50176x16xf32, #tpu.memory_space<hbm>>
              %dma_wait3A_166 = arith.constant 0 : i32
              %dma_wait3A_167 = arith.constant 0 : i32
              %dma_wait3A_168 = tpu.memref_slice %dma_wait3A_165[%dma_wait3A_166, %dma_wait3A_167] : memref<50176x16xf32, #tpu.memory_space<hbm>> -> memref<50176x16xf32, #tpu.memory_space<hbm>>
              tpu.wait_indirect_dma semaphore(%arg18 : memref<!tpu.dma_semaphore, #tpu.memory_space<semaphore_mem>>) src(%dma_wait3A_168 : memref<50176x16xf32, #tpu.memory_space<hbm>>) dst(%arg16 : memref<128x16xf32, #tpu.memory_space<vmem>>)
            } else {
            }
            %scan3A_143 = arith.constant 0 : i32
            %scan3A_144 = arith.constant 0 : i32
            %scan3A_145 = arith.constant 8 : i32
            %scan3A_146 = arith.addi %scan3A_144, %scan3A_145 : i32
            %scan3A_147 = arith.constant 1 : i32
            %scan3A_148 = scf.for %scan3A_151 = %scan3A_144 to %scan3A_146 step %scan3A_147 iter_args(%scan3A_152 = %scan3A_143) -> (i32)  : i32 {
              %mul3A_153 = arith.constant 16 : i32
              %mul3A_154 = arith.muli %scan3A_151, %mul3A_153 : i32
              %get3A = arith.index_cast %scan3A_136 : i32 to index
              %get3A_155 = arith.index_cast %mul3A_154 : i32 to index
              %get3A_156 = tpu.vector_load %arg12[%get3A, %get3A_155] {strides = array<i32>} : memref<25x128xi32, #tpu.memory_space<vmem>>, vector<16xi32>,
              %get3A_157 = arith.index_cast %scan3A_136 : i32 to index
              %get3A_158 = arith.index_cast %mul3A_154 : i32 to index
              %get3A_159 = tpu.vector_load %arg13[%get3A_157, %get3A_158] {strides = array<i32>} : memref<25x128xi32, #tpu.memory_space<vmem>>, vector<16xi32>,
              %gather3A = tpu.vector_load_idx %arg10[%get3A_156] : memref<50176xf32, #tpu.memory_space<vmem>>[vector<16xi32>], vector<16xf32>,
              %gather3A_160 = tpu.vector_load_idx %arg11[%get3A_159] : memref<50176xf32, #tpu.memory_space<vmem>>[vector<16xi32>], vector<16xf32>,
              %add3A_161 = arith.addf %gather3A, %gather3A_160 : vector<16xf32>
              %get3A_162 = arith.index_cast %scan3A_136 : i32 to index
              %get3A_163 = arith.index_cast %mul3A_154 : i32 to index
              %get3A_164 = tpu.vector_load %arg15[%get3A_162, %get3A_163] {strides = array<i32>} : memref<25x128xf32, #tpu.memory_space<vmem>>, vector<16xf32>,
              %add3A_165 = arith.addf %add3A_161, %get3A_164 : vector<16xf32>
              %gt3A = arith.constant 0.000000e+00 : f32
              %gt3A_166 = vector.broadcast %gt3A : f32 to vector<16xf32>
              %gt3A_167 = arith.cmpf ogt, %add3A_165, %gt3A_166 : vector<16xf32>
              %mul3A_168 = arith.constant 2.000000e-01 : f32
              %mul3A_169 = vector.broadcast %mul3A_168 : f32 to vector<16xf32>
              %mul3A_170 = arith.mulf %add3A_165, %mul3A_169 : vector<16xf32>
              %select_n3A_171 = arith.select %gt3A_167, %add3A_165, %mul3A_170 : vector<16xi1>, vector<16xf32>
              %exp3A = math.exp %select_n3A_171 : vector<16xf32>
              %sub3A_172 = vector.broadcast %mul3A_49 : i32 to vector<16xi32>
              %sub3A_173 = arith.subi %get3A_159, %sub3A_172 : vector<16xi32>
              %ge3A = arith.constant 0 : i32
              %ge3A_174 = vector.broadcast %ge3A : i32 to vector<16xi32>
              %ge3A_175 = arith.cmpi sge, %sub3A_173, %ge3A_174 : vector<16xi32>
              %lt3A_176 = arith.constant 12544 : i32
              %lt3A_177 = vector.broadcast %lt3A_176 : i32 to vector<16xi32>
              %lt3A_178 = arith.cmpi slt, %sub3A_173, %lt3A_177 : vector<16xi32>
              %and3A_179 = arith.andi %ge3A_175, %lt3A_178 : vector<16xi1>
              %jit3A_180 = arith.constant 0.000000e+00 : f32
              %broadcast_in_dim3A_181 = vector.broadcast %jit3A_180 : f32 to vector<16xf32>
              %select_n3A_182 = arith.select %and3A_179, %exp3A, %broadcast_in_dim3A_181 : vector<16xi1>, vector<16xf32>
              %jit3A_183 = arith.constant 0 : i32
              %broadcast_in_dim3A_184 = vector.broadcast %jit3A_183 : i32 to vector<16xi32>
              %select_n3A_185 = arith.select %and3A_179, %sub3A_173, %broadcast_in_dim3A_184 : vector<16xi1>, vector<16xi32>
              %swap3A = arith.index_cast %scan3A_136 : i32 to index
              %swap3A_186 = arith.index_cast %mul3A_154 : i32 to index
              %swap3A_187 = tpu.vector_load %arg14[%swap3A, %swap3A_186] {strides = array<i32>} : memref<25x128xi32, #tpu.memory_space<vmem>>, vector<16xi32>,
              tpu.vector_store %arg14[%swap3A, %swap3A_186], %select_n3A_185 {strides = array<i32>} : memref<25x128xi32, #tpu.memory_space<vmem>>, vector<16xi32>,
              %lt3A_188 = arith.constant 2 : i32
              %lt3A_189 = arith.cmpi slt, %scan3A_64, %lt3A_188 : i32
              %convert_element_type3A_190 = arith.extui %lt3A_189 : i1 to i32
              %cond3A_191 = arith.constant 0 : i32
              %cond3A_192 = arith.cmpi ne, %convert_element_type3A_190, %cond3A_191 : i32
              scf.if %cond3A_192 {
                %mul3A_199 = arith.constant 16 : i32
                %mul3A_200 = arith.muli %scan3A_151, %mul3A_199 : i32
                %add3A_201 = arith.constant 0 : i32
                %add3A_202 = arith.addi %mul3A_200, %add3A_201 : i32
                %get3A_203 = arith.index_cast %add3A_202 : i32 to index
                %get3A_204 = arith.constant 0 : index
                %get3A_205 = tpu.vector_load %arg16[%get3A_203, %get3A_204] {strides = array<i32>} : memref<128x16xf32, #tpu.memory_space<vmem>>, vector<16xf32>,
                %slice3A = vector.extract_strided_slice %select_n3A_182 {offsets = [0], sizes = [1], strides = [1]} : vector<16xf32> to vector<1xf32>
                %squeeze3A = vector.extract %slice3A[0] : f32 from vector<1xf32>
                %mul3A_206 = vector.broadcast %squeeze3A : f32 to vector<16xf32>
                %mul3A_207 = arith.mulf %get3A_205, %mul3A_206 : vector<16xf32>
                %swap3A_208 = arith.index_cast %add3A_202 : i32 to index
                %swap3A_209 = arith.constant 0 : index
                %swap3A_210 = tpu.vector_load %arg16[%swap3A_208, %swap3A_209] {strides = array<i32>} : memref<128x16xf32, #tpu.memory_space<vmem>>, vector<16xf32>,
                tpu.vector_store %arg16[%swap3A_208, %swap3A_209], %mul3A_207 {strides = array<i32>} : memref<128x16xf32, #tpu.memory_space<vmem>>, vector<16xf32>,
                %mul3A_211 = arith.constant 16 : i32
                %mul3A_212 = arith.muli %scan3A_151, %mul3A_211 : i32
                %add3A_213 = arith.constant 1 : i32
                %add3A_214 = arith.addi %mul3A_212, %add3A_213 : i32
                %get3A_215 = arith.index_cast %add3A_214 : i32 to index
                %get3A_216 = arith.constant 0 : index
                %get3A_217 = tpu.vector_load %arg16[%get3A_215, %get3A_216] {strides = array<i32>} : memref<128x16xf32, #tpu.memory_space<vmem>>, vector<16xf32>,
                %slice3A_218 = vector.extract_strided_slice %select_n3A_182 {offsets = [1], sizes = [1], strides = [1]} : vector<16xf32> to vector<1xf32>
                %squeeze3A_219 = vector.extract %slice3A_218[0] : f32 from vector<1xf32>
                %mul3A_220 = vector.broadcast %squeeze3A_219 : f32 to vector<16xf32>
                %mul3A_221 = arith.mulf %get3A_217, %mul3A_220 : vector<16xf32>
                %swap3A_222 = arith.index_cast %add3A_214 : i32 to index
                %swap3A_223 = arith.constant 0 : index
                %swap3A_224 = tpu.vector_load %arg16[%swap3A_222, %swap3A_223] {strides = array<i32>} : memref<128x16xf32, #tpu.memory_space<vmem>>, vector<16xf32>,
                tpu.vector_store %arg16[%swap3A_222, %swap3A_223], %mul3A_221 {strides = array<i32>} : memref<128x16xf32, #tpu.memory_space<vmem>>, vector<16xf32>,
                %mul3A_225 = arith.constant 16 : i32
                %mul3A_226 = arith.muli %scan3A_151, %mul3A_225 : i32
                %add3A_227 = arith.constant 2 : i32
                %add3A_228 = arith.addi %mul3A_226, %add3A_227 : i32
                %get3A_229 = arith.index_cast %add3A_228 : i32 to index
                %get3A_230 = arith.constant 0 : index
                %get3A_231 = tpu.vector_load %arg16[%get3A_229, %get3A_230] {strides = array<i32>} : memref<128x16xf32, #tpu.memory_space<vmem>>, vector<16xf32>,
                %slice3A_232 = vector.extract_strided_slice %select_n3A_182 {offsets = [2], sizes = [1], strides = [1]} : vector<16xf32> to vector<1xf32>
                %squeeze3A_233 = vector.extract %slice3A_232[0] : f32 from vector<1xf32>
                %mul3A_234 = vector.broadcast %squeeze3A_233 : f32 to vector<16xf32>
                %mul3A_235 = arith.mulf %get3A_231, %mul3A_234 : vector<16xf32>
                %swap3A_236 = arith.index_cast %add3A_228 : i32 to index
                %swap3A_237 = arith.constant 0 : index
                %swap3A_238 = tpu.vector_load %arg16[%swap3A_236, %swap3A_237] {strides = array<i32>} : memref<128x16xf32, #tpu.memory_space<vmem>>, vector<16xf32>,
                tpu.vector_store %arg16[%swap3A_236, %swap3A_237], %mul3A_235 {strides = array<i32>} : memref<128x16xf32, #tpu.memory_space<vmem>>, vector<16xf32>,
                %mul3A_239 = arith.constant 16 : i32
                %mul3A_240 = arith.muli %scan3A_151, %mul3A_239 : i32
                %add3A_241 = arith.constant 3 : i32
                %add3A_242 = arith.addi %mul3A_240, %add3A_241 : i32
                %get3A_243 = arith.index_cast %add3A_242 : i32 to index
                %get3A_244 = arith.constant 0 : index
                %get3A_245 = tpu.vector_load %arg16[%get3A_243, %get3A_244] {strides = array<i32>} : memref<128x16xf32, #tpu.memory_space<vmem>>, vector<16xf32>,
                %slice3A_246 = vector.extract_strided_slice %select_n3A_182 {offsets = [3], sizes = [1], strides = [1]} : vector<16xf32> to vector<1xf32>
                %squeeze3A_247 = vector.extract %slice3A_246[0] : f32 from vector<1xf32>
                %mul3A_248 = vector.broadcast %squeeze3A_247 : f32 to vector<16xf32>
                %mul3A_249 = arith.mulf %get3A_245, %mul3A_248 : vector<16xf32>
                %swap3A_250 = arith.index_cast %add3A_242 : i32 to index
                %swap3A_251 = arith.constant 0 : index
                %swap3A_252 = tpu.vector_load %arg16[%swap3A_250, %swap3A_251] {strides = array<i32>} : memref<128x16xf32, #tpu.memory_space<vmem>>, vector<16xf32>,
                tpu.vector_store %arg16[%swap3A_250, %swap3A_251], %mul3A_249 {strides = array<i32>} : memref<128x16xf32, #tpu.memory_space<vmem>>, vector<16xf32>,
                %mul3A_253 = arith.constant 16 : i32
                %mul3A_254 = arith.muli %scan3A_151, %mul3A_253 : i32
                %add3A_255 = arith.constant 4 : i32
                %add3A_256 = arith.addi %mul3A_254, %add3A_255 : i32
                %get3A_257 = arith.index_cast %add3A_256 : i32 to index
                %get3A_258 = arith.constant 0 : index
                %get3A_259 = tpu.vector_load %arg16[%get3A_257, %get3A_258] {strides = array<i32>} : memref<128x16xf32, #tpu.memory_space<vmem>>, vector<16xf32>,
                %slice3A_260 = vector.extract_strided_slice %select_n3A_182 {offsets = [4], sizes = [1], strides = [1]} : vector<16xf32> to vector<1xf32>
                %squeeze3A_261 = vector.extract %slice3A_260[0] : f32 from vector<1xf32>
                %mul3A_262 = vector.broadcast %squeeze3A_261 : f32 to vector<16xf32>
                %mul3A_263 = arith.mulf %get3A_259, %mul3A_262 : vector<16xf32>
                %swap3A_264 = arith.index_cast %add3A_256 : i32 to index
                %swap3A_265 = arith.constant 0 : index
                %swap3A_266 = tpu.vector_load %arg16[%swap3A_264, %swap3A_265] {strides = array<i32>} : memref<128x16xf32, #tpu.memory_space<vmem>>, vector<16xf32>,
                tpu.vector_store %arg16[%swap3A_264, %swap3A_265], %mul3A_263 {strides = array<i32>} : memref<128x16xf32, #tpu.memory_space<vmem>>, vector<16xf32>,
                %mul3A_267 = arith.constant 16 : i32
                %mul3A_268 = arith.muli %scan3A_151, %mul3A_267 : i32
                %add3A_269 = arith.constant 5 : i32
                %add3A_270 = arith.addi %mul3A_268, %add3A_269 : i32
                %get3A_271 = arith.index_cast %add3A_270 : i32 to index
                %get3A_272 = arith.constant 0 : index
                %get3A_273 = tpu.vector_load %arg16[%get3A_271, %get3A_272] {strides = array<i32>} : memref<128x16xf32, #tpu.memory_space<vmem>>, vector<16xf32>,
                %slice3A_274 = vector.extract_strided_slice %select_n3A_182 {offsets = [5], sizes = [1], strides = [1]} : vector<16xf32> to vector<1xf32>
                %squeeze3A_275 = vector.extract %slice3A_274[0] : f32 from vector<1xf32>
                %mul3A_276 = vector.broadcast %squeeze3A_275 : f32 to vector<16xf32>
                %mul3A_277 = arith.mulf %get3A_273, %mul3A_276 : vector<16xf32>
                %swap3A_278 = arith.index_cast %add3A_270 : i32 to index
                %swap3A_279 = arith.constant 0 : index
                %swap3A_280 = tpu.vector_load %arg16[%swap3A_278, %swap3A_279] {strides = array<i32>} : memref<128x16xf32, #tpu.memory_space<vmem>>, vector<16xf32>,
                tpu.vector_store %arg16[%swap3A_278, %swap3A_279], %mul3A_277 {strides = array<i32>} : memref<128x16xf32, #tpu.memory_space<vmem>>, vector<16xf32>,
                %mul3A_281 = arith.constant 16 : i32
                %mul3A_282 = arith.muli %scan3A_151, %mul3A_281 : i32
                %add3A_283 = arith.constant 6 : i32
                %add3A_284 = arith.addi %mul3A_282, %add3A_283 : i32
                %get3A_285 = arith.index_cast %add3A_284 : i32 to index
                %get3A_286 = arith.constant 0 : index
                %get3A_287 = tpu.vector_load %arg16[%get3A_285, %get3A_286] {strides = array<i32>} : memref<128x16xf32, #tpu.memory_space<vmem>>, vector<16xf32>,
                %slice3A_288 = vector.extract_strided_slice %select_n3A_182 {offsets = [6], sizes = [1], strides = [1]} : vector<16xf32> to vector<1xf32>
                %squeeze3A_289 = vector.extract %slice3A_288[0] : f32 from vector<1xf32>
                %mul3A_290 = vector.broadcast %squeeze3A_289 : f32 to vector<16xf32>
                %mul3A_291 = arith.mulf %get3A_287, %mul3A_290 : vector<16xf32>
                %swap3A_292 = arith.index_cast %add3A_284 : i32 to index
                %swap3A_293 = arith.constant 0 : index
                %swap3A_294 = tpu.vector_load %arg16[%swap3A_292, %swap3A_293] {strides = array<i32>} : memref<128x16xf32, #tpu.memory_space<vmem>>, vector<16xf32>,
                tpu.vector_store %arg16[%swap3A_292, %swap3A_293], %mul3A_291 {strides = array<i32>} : memref<128x16xf32, #tpu.memory_space<vmem>>, vector<16xf32>,
                %mul3A_295 = arith.constant 16 : i32
                %mul3A_296 = arith.muli %scan3A_151, %mul3A_295 : i32
                %add3A_297 = arith.constant 7 : i32
                %add3A_298 = arith.addi %mul3A_296, %add3A_297 : i32
                %get3A_299 = arith.index_cast %add3A_298 : i32 to index
                %get3A_300 = arith.constant 0 : index
                %get3A_301 = tpu.vector_load %arg16[%get3A_299, %get3A_300] {strides = array<i32>} : memref<128x16xf32, #tpu.memory_space<vmem>>, vector<16xf32>,
                %slice3A_302 = vector.extract_strided_slice %select_n3A_182 {offsets = [7], sizes = [1], strides = [1]} : vector<16xf32> to vector<1xf32>
                %squeeze3A_303 = vector.extract %slice3A_302[0] : f32 from vector<1xf32>
                %mul3A_304 = vector.broadcast %squeeze3A_303 : f32 to vector<16xf32>
                %mul3A_305 = arith.mulf %get3A_301, %mul3A_304 : vector<16xf32>
                %swap3A_306 = arith.index_cast %add3A_298 : i32 to index
                %swap3A_307 = arith.constant 0 : index
                %swap3A_308 = tpu.vector_load %arg16[%swap3A_306, %swap3A_307] {strides = array<i32>} : memref<128x16xf32, #tpu.memory_space<vmem>>, vector<16xf32>,
                tpu.vector_store %arg16[%swap3A_306, %swap3A_307], %mul3A_305 {strides = array<i32>} : memref<128x16xf32, #tpu.memory_space<vmem>>, vector<16xf32>,
                %mul3A_309 = arith.constant 16 : i32
                %mul3A_310 = arith.muli %scan3A_151, %mul3A_309 : i32
                %add3A_311 = arith.constant 8 : i32
                %add3A_312 = arith.addi %mul3A_310, %add3A_311 : i32
                %get3A_313 = arith.index_cast %add3A_312 : i32 to index
                %get3A_314 = arith.constant 0 : index
                %get3A_315 = tpu.vector_load %arg16[%get3A_313, %get3A_314] {strides = array<i32>} : memref<128x16xf32, #tpu.memory_space<vmem>>, vector<16xf32>,
                %slice3A_316 = vector.extract_strided_slice %select_n3A_182 {offsets = [8], sizes = [1], strides = [1]} : vector<16xf32> to vector<1xf32>
                %squeeze3A_317 = vector.extract %slice3A_316[0] : f32 from vector<1xf32>
                %mul3A_318 = vector.broadcast %squeeze3A_317 : f32 to vector<16xf32>
                %mul3A_319 = arith.mulf %get3A_315, %mul3A_318 : vector<16xf32>
                %swap3A_320 = arith.index_cast %add3A_312 : i32 to index
                %swap3A_321 = arith.constant 0 : index
                %swap3A_322 = tpu.vector_load %arg16[%swap3A_320, %swap3A_321] {strides = array<i32>} : memref<128x16xf32, #tpu.memory_space<vmem>>, vector<16xf32>,
                tpu.vector_store %arg16[%swap3A_320, %swap3A_321], %mul3A_319 {strides = array<i32>} : memref<128x16xf32, #tpu.memory_space<vmem>>, vector<16xf32>,
                %mul3A_323 = arith.constant 16 : i32
                %mul3A_324 = arith.muli %scan3A_151, %mul3A_323 : i32
                %add3A_325 = arith.constant 9 : i32
                %add3A_326 = arith.addi %mul3A_324, %add3A_325 : i32
                %get3A_327 = arith.index_cast %add3A_326 : i32 to index
                %get3A_328 = arith.constant 0 : index
                %get3A_329 = tpu.vector_load %arg16[%get3A_327, %get3A_328] {strides = array<i32>} : memref<128x16xf32, #tpu.memory_space<vmem>>, vector<16xf32>,
                %slice3A_330 = vector.extract_strided_slice %select_n3A_182 {offsets = [9], sizes = [1], strides = [1]} : vector<16xf32> to vector<1xf32>
                %squeeze3A_331 = vector.extract %slice3A_330[0] : f32 from vector<1xf32>
                %mul3A_332 = vector.broadcast %squeeze3A_331 : f32 to vector<16xf32>
                %mul3A_333 = arith.mulf %get3A_329, %mul3A_332 : vector<16xf32>
                %swap3A_334 = arith.index_cast %add3A_326 : i32 to index
                %swap3A_335 = arith.constant 0 : index
                %swap3A_336 = tpu.vector_load %arg16[%swap3A_334, %swap3A_335] {strides = array<i32>} : memref<128x16xf32, #tpu.memory_space<vmem>>, vector<16xf32>,
                tpu.vector_store %arg16[%swap3A_334, %swap3A_335], %mul3A_333 {strides = array<i32>} : memref<128x16xf32, #tpu.memory_space<vmem>>, vector<16xf32>,
                %mul3A_337 = arith.constant 16 : i32
                %mul3A_338 = arith.muli %scan3A_151, %mul3A_337 : i32
                %add3A_339 = arith.constant 10 : i32
                %add3A_340 = arith.addi %mul3A_338, %add3A_339 : i32
                %get3A_341 = arith.index_cast %add3A_340 : i32 to index
                %get3A_342 = arith.constant 0 : index
                %get3A_343 = tpu.vector_load %arg16[%get3A_341, %get3A_342] {strides = array<i32>} : memref<128x16xf32, #tpu.memory_space<vmem>>, vector<16xf32>,
                %slice3A_344 = vector.extract_strided_slice %select_n3A_182 {offsets = [10], sizes = [1], strides = [1]} : vector<16xf32> to vector<1xf32>
                %squeeze3A_345 = vector.extract %slice3A_344[0] : f32 from vector<1xf32>
                %mul3A_346 = vector.broadcast %squeeze3A_345 : f32 to vector<16xf32>
                %mul3A_347 = arith.mulf %get3A_343, %mul3A_346 : vector<16xf32>
                %swap3A_348 = arith.index_cast %add3A_340 : i32 to index
                %swap3A_349 = arith.constant 0 : index
                %swap3A_350 = tpu.vector_load %arg16[%swap3A_348, %swap3A_349] {strides = array<i32>} : memref<128x16xf32, #tpu.memory_space<vmem>>, vector<16xf32>,
                tpu.vector_store %arg16[%swap3A_348, %swap3A_349], %mul3A_347 {strides = array<i32>} : memref<128x16xf32, #tpu.memory_space<vmem>>, vector<16xf32>,
                %mul3A_351 = arith.constant 16 : i32
                %mul3A_352 = arith.muli %scan3A_151, %mul3A_351 : i32
                %add3A_353 = arith.constant 11 : i32
                %add3A_354 = arith.addi %mul3A_352, %add3A_353 : i32
                %get3A_355 = arith.index_cast %add3A_354 : i32 to index
                %get3A_356 = arith.constant 0 : index
                %get3A_357 = tpu.vector_load %arg16[%get3A_355, %get3A_356] {strides = array<i32>} : memref<128x16xf32, #tpu.memory_space<vmem>>, vector<16xf32>,
                %slice3A_358 = vector.extract_strided_slice %select_n3A_182 {offsets = [11], sizes = [1], strides = [1]} : vector<16xf32> to vector<1xf32>
                %squeeze3A_359 = vector.extract %slice3A_358[0] : f32 from vector<1xf32>
                %mul3A_360 = vector.broadcast %squeeze3A_359 : f32 to vector<16xf32>
                %mul3A_361 = arith.mulf %get3A_357, %mul3A_360 : vector<16xf32>
                %swap3A_362 = arith.index_cast %add3A_354 : i32 to index
                %swap3A_363 = arith.constant 0 : index
                %swap3A_364 = tpu.vector_load %arg16[%swap3A_362, %swap3A_363] {strides = array<i32>} : memref<128x16xf32, #tpu.memory_space<vmem>>, vector<16xf32>,
                tpu.vector_store %arg16[%swap3A_362, %swap3A_363], %mul3A_361 {strides = array<i32>} : memref<128x16xf32, #tpu.memory_space<vmem>>, vector<16xf32>,
                %mul3A_365 = arith.constant 16 : i32
                %mul3A_366 = arith.muli %scan3A_151, %mul3A_365 : i32
                %add3A_367 = arith.constant 12 : i32
                %add3A_368 = arith.addi %mul3A_366, %add3A_367 : i32
                %get3A_369 = arith.index_cast %add3A_368 : i32 to index
                %get3A_370 = arith.constant 0 : index
                %get3A_371 = tpu.vector_load %arg16[%get3A_369, %get3A_370] {strides = array<i32>} : memref<128x16xf32, #tpu.memory_space<vmem>>, vector<16xf32>,
                %slice3A_372 = vector.extract_strided_slice %select_n3A_182 {offsets = [12], sizes = [1], strides = [1]} : vector<16xf32> to vector<1xf32>
                %squeeze3A_373 = vector.extract %slice3A_372[0] : f32 from vector<1xf32>
                %mul3A_374 = vector.broadcast %squeeze3A_373 : f32 to vector<16xf32>
                %mul3A_375 = arith.mulf %get3A_371, %mul3A_374 : vector<16xf32>
                %swap3A_376 = arith.index_cast %add3A_368 : i32 to index
                %swap3A_377 = arith.constant 0 : index
                %swap3A_378 = tpu.vector_load %arg16[%swap3A_376, %swap3A_377] {strides = array<i32>} : memref<128x16xf32, #tpu.memory_space<vmem>>, vector<16xf32>,
                tpu.vector_store %arg16[%swap3A_376, %swap3A_377], %mul3A_375 {strides = array<i32>} : memref<128x16xf32, #tpu.memory_space<vmem>>, vector<16xf32>,
                %mul3A_379 = arith.constant 16 : i32
                %mul3A_380 = arith.muli %scan3A_151, %mul3A_379 : i32
                %add3A_381 = arith.constant 13 : i32
                %add3A_382 = arith.addi %mul3A_380, %add3A_381 : i32
                %get3A_383 = arith.index_cast %add3A_382 : i32 to index
                %get3A_384 = arith.constant 0 : index
                %get3A_385 = tpu.vector_load %arg16[%get3A_383, %get3A_384] {strides = array<i32>} : memref<128x16xf32, #tpu.memory_space<vmem>>, vector<16xf32>,
                %slice3A_386 = vector.extract_strided_slice %select_n3A_182 {offsets = [13], sizes = [1], strides = [1]} : vector<16xf32> to vector<1xf32>
                %squeeze3A_387 = vector.extract %slice3A_386[0] : f32 from vector<1xf32>
                %mul3A_388 = vector.broadcast %squeeze3A_387 : f32 to vector<16xf32>
                %mul3A_389 = arith.mulf %get3A_385, %mul3A_388 : vector<16xf32>
                %swap3A_390 = arith.index_cast %add3A_382 : i32 to index
                %swap3A_391 = arith.constant 0 : index
                %swap3A_392 = tpu.vector_load %arg16[%swap3A_390, %swap3A_391] {strides = array<i32>} : memref<128x16xf32, #tpu.memory_space<vmem>>, vector<16xf32>,
                tpu.vector_store %arg16[%swap3A_390, %swap3A_391], %mul3A_389 {strides = array<i32>} : memref<128x16xf32, #tpu.memory_space<vmem>>, vector<16xf32>,
                %mul3A_393 = arith.constant 16 : i32
                %mul3A_394 = arith.muli %scan3A_151, %mul3A_393 : i32
                %add3A_395 = arith.constant 14 : i32
                %add3A_396 = arith.addi %mul3A_394, %add3A_395 : i32
                %get3A_397 = arith.index_cast %add3A_396 : i32 to index
                %get3A_398 = arith.constant 0 : index
                %get3A_399 = tpu.vector_load %arg16[%get3A_397, %get3A_398] {strides = array<i32>} : memref<128x16xf32, #tpu.memory_space<vmem>>, vector<16xf32>,
                %slice3A_400 = vector.extract_strided_slice %select_n3A_182 {offsets = [14], sizes = [1], strides = [1]} : vector<16xf32> to vector<1xf32>
                %squeeze3A_401 = vector.extract %slice3A_400[0] : f32 from vector<1xf32>
                %mul3A_402 = vector.broadcast %squeeze3A_401 : f32 to vector<16xf32>
                %mul3A_403 = arith.mulf %get3A_399, %mul3A_402 : vector<16xf32>
                %swap3A_404 = arith.index_cast %add3A_396 : i32 to index
                %swap3A_405 = arith.constant 0 : index
                %swap3A_406 = tpu.vector_load %arg16[%swap3A_404, %swap3A_405] {strides = array<i32>} : memref<128x16xf32, #tpu.memory_space<vmem>>, vector<16xf32>,
                tpu.vector_store %arg16[%swap3A_404, %swap3A_405], %mul3A_403 {strides = array<i32>} : memref<128x16xf32, #tpu.memory_space<vmem>>, vector<16xf32>,
                %mul3A_407 = arith.constant 16 : i32
                %mul3A_408 = arith.muli %scan3A_151, %mul3A_407 : i32
                %add3A_409 = arith.constant 15 : i32
                %add3A_410 = arith.addi %mul3A_408, %add3A_409 : i32
                %get3A_411 = arith.index_cast %add3A_410 : i32 to index
                %get3A_412 = arith.constant 0 : index
                %get3A_413 = tpu.vector_load %arg16[%get3A_411, %get3A_412] {strides = array<i32>} : memref<128x16xf32, #tpu.memory_space<vmem>>, vector<16xf32>,
                %slice3A_414 = vector.extract_strided_slice %select_n3A_182 {offsets = [15], sizes = [1], strides = [1]} : vector<16xf32> to vector<1xf32>
                %squeeze3A_415 = vector.extract %slice3A_414[0] : f32 from vector<1xf32>
                %mul3A_416 = vector.broadcast %squeeze3A_415 : f32 to vector<16xf32>
                %mul3A_417 = arith.mulf %get3A_413, %mul3A_416 : vector<16xf32>
                %swap3A_418 = arith.index_cast %add3A_410 : i32 to index
                %swap3A_419 = arith.constant 0 : index
                %swap3A_420 = tpu.vector_load %arg16[%swap3A_418, %swap3A_419] {strides = array<i32>} : memref<128x16xf32, #tpu.memory_space<vmem>>, vector<16xf32>,
                tpu.vector_store %arg16[%swap3A_418, %swap3A_419], %mul3A_417 {strides = array<i32>} : memref<128x16xf32, #tpu.memory_space<vmem>>, vector<16xf32>,
              } else {
              }
              %eq3A_193 = arith.constant 2 : i32
              %eq3A_194 = arith.cmpi eq, %scan3A_64, %eq3A_193 : i32
              %convert_element_type3A_195 = arith.extui %eq3A_194 : i1 to i32
              %cond3A_196 = arith.constant 0 : i32
              %cond3A_197 = arith.cmpi ne, %convert_element_type3A_195, %cond3A_196 : i32
              scf.if %cond3A_197 {
                %slice3A = vector.extract_strided_slice %select_n3A_182 {offsets = [0], sizes = [1], strides = [1]} : vector<16xf32> to vector<1xf32>
                %squeeze3A = vector.extract %slice3A[0] : f32 from vector<1xf32>
                %mul3A_199 = vector.broadcast %squeeze3A : f32 to vector<16xf32>
                %mul3A_200 = arith.mulf %select_n3A, %mul3A_199 : vector<16xf32>
                %mul3A_201 = arith.constant 16 : i32
                %mul3A_202 = arith.muli %scan3A_151, %mul3A_201 : i32
                %add3A_203 = arith.constant 0 : i32
                %add3A_204 = arith.addi %mul3A_202, %add3A_203 : i32
                %swap3A_205 = arith.index_cast %add3A_204 : i32 to index
                %swap3A_206 = arith.constant 0 : index
                %swap3A_207 = tpu.vector_load %arg16[%swap3A_205, %swap3A_206] {strides = array<i32>} : memref<128x16xf32, #tpu.memory_space<vmem>>, vector<16xf32>,
                tpu.vector_store %arg16[%swap3A_205, %swap3A_206], %mul3A_200 {strides = array<i32>} : memref<128x16xf32, #tpu.memory_space<vmem>>, vector<16xf32>,
                %slice3A_208 = vector.extract_strided_slice %select_n3A_182 {offsets = [1], sizes = [1], strides = [1]} : vector<16xf32> to vector<1xf32>
                %squeeze3A_209 = vector.extract %slice3A_208[0] : f32 from vector<1xf32>
                %mul3A_210 = vector.broadcast %squeeze3A_209 : f32 to vector<16xf32>
                %mul3A_211 = arith.mulf %select_n3A, %mul3A_210 : vector<16xf32>
                %mul3A_212 = arith.constant 16 : i32
                %mul3A_213 = arith.muli %scan3A_151, %mul3A_212 : i32
                %add3A_214 = arith.constant 1 : i32
                %add3A_215 = arith.addi %mul3A_213, %add3A_214 : i32
                %swap3A_216 = arith.index_cast %add3A_215 : i32 to index
                %swap3A_217 = arith.constant 0 : index
                %swap3A_218 = tpu.vector_load %arg16[%swap3A_216, %swap3A_217] {strides = array<i32>} : memref<128x16xf32, #tpu.memory_space<vmem>>, vector<16xf32>,
                tpu.vector_store %arg16[%swap3A_216, %swap3A_217], %mul3A_211 {strides = array<i32>} : memref<128x16xf32, #tpu.memory_space<vmem>>, vector<16xf32>,
                %slice3A_219 = vector.extract_strided_slice %select_n3A_182 {offsets = [2], sizes = [1], strides = [1]} : vector<16xf32> to vector<1xf32>
                %squeeze3A_220 = vector.extract %slice3A_219[0] : f32 from vector<1xf32>
                %mul3A_221 = vector.broadcast %squeeze3A_220 : f32 to vector<16xf32>
                %mul3A_222 = arith.mulf %select_n3A, %mul3A_221 : vector<16xf32>
                %mul3A_223 = arith.constant 16 : i32
                %mul3A_224 = arith.muli %scan3A_151, %mul3A_223 : i32
                %add3A_225 = arith.constant 2 : i32
                %add3A_226 = arith.addi %mul3A_224, %add3A_225 : i32
                %swap3A_227 = arith.index_cast %add3A_226 : i32 to index
                %swap3A_228 = arith.constant 0 : index
                %swap3A_229 = tpu.vector_load %arg16[%swap3A_227, %swap3A_228] {strides = array<i32>} : memref<128x16xf32, #tpu.memory_space<vmem>>, vector<16xf32>,
                tpu.vector_store %arg16[%swap3A_227, %swap3A_228], %mul3A_222 {strides = array<i32>} : memref<128x16xf32, #tpu.memory_space<vmem>>, vector<16xf32>,
                %slice3A_230 = vector.extract_strided_slice %select_n3A_182 {offsets = [3], sizes = [1], strides = [1]} : vector<16xf32> to vector<1xf32>
                %squeeze3A_231 = vector.extract %slice3A_230[0] : f32 from vector<1xf32>
                %mul3A_232 = vector.broadcast %squeeze3A_231 : f32 to vector<16xf32>
                %mul3A_233 = arith.mulf %select_n3A, %mul3A_232 : vector<16xf32>
                %mul3A_234 = arith.constant 16 : i32
                %mul3A_235 = arith.muli %scan3A_151, %mul3A_234 : i32
                %add3A_236 = arith.constant 3 : i32
                %add3A_237 = arith.addi %mul3A_235, %add3A_236 : i32
                %swap3A_238 = arith.index_cast %add3A_237 : i32 to index
                %swap3A_239 = arith.constant 0 : index
                %swap3A_240 = tpu.vector_load %arg16[%swap3A_238, %swap3A_239] {strides = array<i32>} : memref<128x16xf32, #tpu.memory_space<vmem>>, vector<16xf32>,
                tpu.vector_store %arg16[%swap3A_238, %swap3A_239], %mul3A_233 {strides = array<i32>} : memref<128x16xf32, #tpu.memory_space<vmem>>, vector<16xf32>,
                %slice3A_241 = vector.extract_strided_slice %select_n3A_182 {offsets = [4], sizes = [1], strides = [1]} : vector<16xf32> to vector<1xf32>
                %squeeze3A_242 = vector.extract %slice3A_241[0] : f32 from vector<1xf32>
                %mul3A_243 = vector.broadcast %squeeze3A_242 : f32 to vector<16xf32>
                %mul3A_244 = arith.mulf %select_n3A, %mul3A_243 : vector<16xf32>
                %mul3A_245 = arith.constant 16 : i32
                %mul3A_246 = arith.muli %scan3A_151, %mul3A_245 : i32
                %add3A_247 = arith.constant 4 : i32
                %add3A_248 = arith.addi %mul3A_246, %add3A_247 : i32
                %swap3A_249 = arith.index_cast %add3A_248 : i32 to index
                %swap3A_250 = arith.constant 0 : index
                %swap3A_251 = tpu.vector_load %arg16[%swap3A_249, %swap3A_250] {strides = array<i32>} : memref<128x16xf32, #tpu.memory_space<vmem>>, vector<16xf32>,
                tpu.vector_store %arg16[%swap3A_249, %swap3A_250], %mul3A_244 {strides = array<i32>} : memref<128x16xf32, #tpu.memory_space<vmem>>, vector<16xf32>,
                %slice3A_252 = vector.extract_strided_slice %select_n3A_182 {offsets = [5], sizes = [1], strides = [1]} : vector<16xf32> to vector<1xf32>
                %squeeze3A_253 = vector.extract %slice3A_252[0] : f32 from vector<1xf32>
                %mul3A_254 = vector.broadcast %squeeze3A_253 : f32 to vector<16xf32>
                %mul3A_255 = arith.mulf %select_n3A, %mul3A_254 : vector<16xf32>
                %mul3A_256 = arith.constant 16 : i32
                %mul3A_257 = arith.muli %scan3A_151, %mul3A_256 : i32
                %add3A_258 = arith.constant 5 : i32
                %add3A_259 = arith.addi %mul3A_257, %add3A_258 : i32
                %swap3A_260 = arith.index_cast %add3A_259 : i32 to index
                %swap3A_261 = arith.constant 0 : index
                %swap3A_262 = tpu.vector_load %arg16[%swap3A_260, %swap3A_261] {strides = array<i32>} : memref<128x16xf32, #tpu.memory_space<vmem>>, vector<16xf32>,
                tpu.vector_store %arg16[%swap3A_260, %swap3A_261], %mul3A_255 {strides = array<i32>} : memref<128x16xf32, #tpu.memory_space<vmem>>, vector<16xf32>,
                %slice3A_263 = vector.extract_strided_slice %select_n3A_182 {offsets = [6], sizes = [1], strides = [1]} : vector<16xf32> to vector<1xf32>
                %squeeze3A_264 = vector.extract %slice3A_263[0] : f32 from vector<1xf32>
                %mul3A_265 = vector.broadcast %squeeze3A_264 : f32 to vector<16xf32>
                %mul3A_266 = arith.mulf %select_n3A, %mul3A_265 : vector<16xf32>
                %mul3A_267 = arith.constant 16 : i32
                %mul3A_268 = arith.muli %scan3A_151, %mul3A_267 : i32
                %add3A_269 = arith.constant 6 : i32
                %add3A_270 = arith.addi %mul3A_268, %add3A_269 : i32
                %swap3A_271 = arith.index_cast %add3A_270 : i32 to index
                %swap3A_272 = arith.constant 0 : index
                %swap3A_273 = tpu.vector_load %arg16[%swap3A_271, %swap3A_272] {strides = array<i32>} : memref<128x16xf32, #tpu.memory_space<vmem>>, vector<16xf32>,
                tpu.vector_store %arg16[%swap3A_271, %swap3A_272], %mul3A_266 {strides = array<i32>} : memref<128x16xf32, #tpu.memory_space<vmem>>, vector<16xf32>,
                %slice3A_274 = vector.extract_strided_slice %select_n3A_182 {offsets = [7], sizes = [1], strides = [1]} : vector<16xf32> to vector<1xf32>
                %squeeze3A_275 = vector.extract %slice3A_274[0] : f32 from vector<1xf32>
                %mul3A_276 = vector.broadcast %squeeze3A_275 : f32 to vector<16xf32>
                %mul3A_277 = arith.mulf %select_n3A, %mul3A_276 : vector<16xf32>
                %mul3A_278 = arith.constant 16 : i32
                %mul3A_279 = arith.muli %scan3A_151, %mul3A_278 : i32
                %add3A_280 = arith.constant 7 : i32
                %add3A_281 = arith.addi %mul3A_279, %add3A_280 : i32
                %swap3A_282 = arith.index_cast %add3A_281 : i32 to index
                %swap3A_283 = arith.constant 0 : index
                %swap3A_284 = tpu.vector_load %arg16[%swap3A_282, %swap3A_283] {strides = array<i32>} : memref<128x16xf32, #tpu.memory_space<vmem>>, vector<16xf32>,
                tpu.vector_store %arg16[%swap3A_282, %swap3A_283], %mul3A_277 {strides = array<i32>} : memref<128x16xf32, #tpu.memory_space<vmem>>, vector<16xf32>,
                %slice3A_285 = vector.extract_strided_slice %select_n3A_182 {offsets = [8], sizes = [1], strides = [1]} : vector<16xf32> to vector<1xf32>
                %squeeze3A_286 = vector.extract %slice3A_285[0] : f32 from vector<1xf32>
                %mul3A_287 = vector.broadcast %squeeze3A_286 : f32 to vector<16xf32>
                %mul3A_288 = arith.mulf %select_n3A, %mul3A_287 : vector<16xf32>
                %mul3A_289 = arith.constant 16 : i32
                %mul3A_290 = arith.muli %scan3A_151, %mul3A_289 : i32
                %add3A_291 = arith.constant 8 : i32
                %add3A_292 = arith.addi %mul3A_290, %add3A_291 : i32
                %swap3A_293 = arith.index_cast %add3A_292 : i32 to index
                %swap3A_294 = arith.constant 0 : index
                %swap3A_295 = tpu.vector_load %arg16[%swap3A_293, %swap3A_294] {strides = array<i32>} : memref<128x16xf32, #tpu.memory_space<vmem>>, vector<16xf32>,
                tpu.vector_store %arg16[%swap3A_293, %swap3A_294], %mul3A_288 {strides = array<i32>} : memref<128x16xf32, #tpu.memory_space<vmem>>, vector<16xf32>,
                %slice3A_296 = vector.extract_strided_slice %select_n3A_182 {offsets = [9], sizes = [1], strides = [1]} : vector<16xf32> to vector<1xf32>
                %squeeze3A_297 = vector.extract %slice3A_296[0] : f32 from vector<1xf32>
                %mul3A_298 = vector.broadcast %squeeze3A_297 : f32 to vector<16xf32>
                %mul3A_299 = arith.mulf %select_n3A, %mul3A_298 : vector<16xf32>
                %mul3A_300 = arith.constant 16 : i32
                %mul3A_301 = arith.muli %scan3A_151, %mul3A_300 : i32
                %add3A_302 = arith.constant 9 : i32
                %add3A_303 = arith.addi %mul3A_301, %add3A_302 : i32
                %swap3A_304 = arith.index_cast %add3A_303 : i32 to index
                %swap3A_305 = arith.constant 0 : index
                %swap3A_306 = tpu.vector_load %arg16[%swap3A_304, %swap3A_305] {strides = array<i32>} : memref<128x16xf32, #tpu.memory_space<vmem>>, vector<16xf32>,
                tpu.vector_store %arg16[%swap3A_304, %swap3A_305], %mul3A_299 {strides = array<i32>} : memref<128x16xf32, #tpu.memory_space<vmem>>, vector<16xf32>,
                %slice3A_307 = vector.extract_strided_slice %select_n3A_182 {offsets = [10], sizes = [1], strides = [1]} : vector<16xf32> to vector<1xf32>
                %squeeze3A_308 = vector.extract %slice3A_307[0] : f32 from vector<1xf32>
                %mul3A_309 = vector.broadcast %squeeze3A_308 : f32 to vector<16xf32>
                %mul3A_310 = arith.mulf %select_n3A, %mul3A_309 : vector<16xf32>
                %mul3A_311 = arith.constant 16 : i32
                %mul3A_312 = arith.muli %scan3A_151, %mul3A_311 : i32
                %add3A_313 = arith.constant 10 : i32
                %add3A_314 = arith.addi %mul3A_312, %add3A_313 : i32
                %swap3A_315 = arith.index_cast %add3A_314 : i32 to index
                %swap3A_316 = arith.constant 0 : index
                %swap3A_317 = tpu.vector_load %arg16[%swap3A_315, %swap3A_316] {strides = array<i32>} : memref<128x16xf32, #tpu.memory_space<vmem>>, vector<16xf32>,
                tpu.vector_store %arg16[%swap3A_315, %swap3A_316], %mul3A_310 {strides = array<i32>} : memref<128x16xf32, #tpu.memory_space<vmem>>, vector<16xf32>,
                %slice3A_318 = vector.extract_strided_slice %select_n3A_182 {offsets = [11], sizes = [1], strides = [1]} : vector<16xf32> to vector<1xf32>
                %squeeze3A_319 = vector.extract %slice3A_318[0] : f32 from vector<1xf32>
                %mul3A_320 = vector.broadcast %squeeze3A_319 : f32 to vector<16xf32>
                %mul3A_321 = arith.mulf %select_n3A, %mul3A_320 : vector<16xf32>
                %mul3A_322 = arith.constant 16 : i32
                %mul3A_323 = arith.muli %scan3A_151, %mul3A_322 : i32
                %add3A_324 = arith.constant 11 : i32
                %add3A_325 = arith.addi %mul3A_323, %add3A_324 : i32
                %swap3A_326 = arith.index_cast %add3A_325 : i32 to index
                %swap3A_327 = arith.constant 0 : index
                %swap3A_328 = tpu.vector_load %arg16[%swap3A_326, %swap3A_327] {strides = array<i32>} : memref<128x16xf32, #tpu.memory_space<vmem>>, vector<16xf32>,
                tpu.vector_store %arg16[%swap3A_326, %swap3A_327], %mul3A_321 {strides = array<i32>} : memref<128x16xf32, #tpu.memory_space<vmem>>, vector<16xf32>,
                %slice3A_329 = vector.extract_strided_slice %select_n3A_182 {offsets = [12], sizes = [1], strides = [1]} : vector<16xf32> to vector<1xf32>
                %squeeze3A_330 = vector.extract %slice3A_329[0] : f32 from vector<1xf32>
                %mul3A_331 = vector.broadcast %squeeze3A_330 : f32 to vector<16xf32>
                %mul3A_332 = arith.mulf %select_n3A, %mul3A_331 : vector<16xf32>
                %mul3A_333 = arith.constant 16 : i32
                %mul3A_334 = arith.muli %scan3A_151, %mul3A_333 : i32
                %add3A_335 = arith.constant 12 : i32
                %add3A_336 = arith.addi %mul3A_334, %add3A_335 : i32
                %swap3A_337 = arith.index_cast %add3A_336 : i32 to index
                %swap3A_338 = arith.constant 0 : index
                %swap3A_339 = tpu.vector_load %arg16[%swap3A_337, %swap3A_338] {strides = array<i32>} : memref<128x16xf32, #tpu.memory_space<vmem>>, vector<16xf32>,
                tpu.vector_store %arg16[%swap3A_337, %swap3A_338], %mul3A_332 {strides = array<i32>} : memref<128x16xf32, #tpu.memory_space<vmem>>, vector<16xf32>,
                %slice3A_340 = vector.extract_strided_slice %select_n3A_182 {offsets = [13], sizes = [1], strides = [1]} : vector<16xf32> to vector<1xf32>
                %squeeze3A_341 = vector.extract %slice3A_340[0] : f32 from vector<1xf32>
                %mul3A_342 = vector.broadcast %squeeze3A_341 : f32 to vector<16xf32>
                %mul3A_343 = arith.mulf %select_n3A, %mul3A_342 : vector<16xf32>
                %mul3A_344 = arith.constant 16 : i32
                %mul3A_345 = arith.muli %scan3A_151, %mul3A_344 : i32
                %add3A_346 = arith.constant 13 : i32
                %add3A_347 = arith.addi %mul3A_345, %add3A_346 : i32
                %swap3A_348 = arith.index_cast %add3A_347 : i32 to index
                %swap3A_349 = arith.constant 0 : index
                %swap3A_350 = tpu.vector_load %arg16[%swap3A_348, %swap3A_349] {strides = array<i32>} : memref<128x16xf32, #tpu.memory_space<vmem>>, vector<16xf32>,
                tpu.vector_store %arg16[%swap3A_348, %swap3A_349], %mul3A_343 {strides = array<i32>} : memref<128x16xf32, #tpu.memory_space<vmem>>, vector<16xf32>,
                %slice3A_351 = vector.extract_strided_slice %select_n3A_182 {offsets = [14], sizes = [1], strides = [1]} : vector<16xf32> to vector<1xf32>
                %squeeze3A_352 = vector.extract %slice3A_351[0] : f32 from vector<1xf32>
                %mul3A_353 = vector.broadcast %squeeze3A_352 : f32 to vector<16xf32>
                %mul3A_354 = arith.mulf %select_n3A, %mul3A_353 : vector<16xf32>
                %mul3A_355 = arith.constant 16 : i32
                %mul3A_356 = arith.muli %scan3A_151, %mul3A_355 : i32
                %add3A_357 = arith.constant 14 : i32
                %add3A_358 = arith.addi %mul3A_356, %add3A_357 : i32
                %swap3A_359 = arith.index_cast %add3A_358 : i32 to index
                %swap3A_360 = arith.constant 0 : index
                %swap3A_361 = tpu.vector_load %arg16[%swap3A_359, %swap3A_360] {strides = array<i32>} : memref<128x16xf32, #tpu.memory_space<vmem>>, vector<16xf32>,
                tpu.vector_store %arg16[%swap3A_359, %swap3A_360], %mul3A_354 {strides = array<i32>} : memref<128x16xf32, #tpu.memory_space<vmem>>, vector<16xf32>,
                %slice3A_362 = vector.extract_strided_slice %select_n3A_182 {offsets = [15], sizes = [1], strides = [1]} : vector<16xf32> to vector<1xf32>
                %squeeze3A_363 = vector.extract %slice3A_362[0] : f32 from vector<1xf32>
                %mul3A_364 = vector.broadcast %squeeze3A_363 : f32 to vector<16xf32>
                %mul3A_365 = arith.mulf %select_n3A, %mul3A_364 : vector<16xf32>
                %mul3A_366 = arith.constant 16 : i32
                %mul3A_367 = arith.muli %scan3A_151, %mul3A_366 : i32
                %add3A_368 = arith.constant 15 : i32
                %add3A_369 = arith.addi %mul3A_367, %add3A_368 : i32
                %swap3A_370 = arith.index_cast %add3A_369 : i32 to index
                %swap3A_371 = arith.constant 0 : index
                %swap3A_372 = tpu.vector_load %arg16[%swap3A_370, %swap3A_371] {strides = array<i32>} : memref<128x16xf32, #tpu.memory_space<vmem>>, vector<16xf32>,
                tpu.vector_store %arg16[%swap3A_370, %swap3A_371], %mul3A_365 {strides = array<i32>} : memref<128x16xf32, #tpu.memory_space<vmem>>, vector<16xf32>,
              } else {
              }
              %scan3A_198 = arith.constant 0 : i32
              scf.yield %scan3A_198 : i32
            }
            %scan3A_149 = arith.constant 8 : i32
            "tpu.region"() ({
              %run_scoped3A = tpu.sem_alloc : memref<!tpu.dma_semaphore, #tpu.memory_space<semaphore_mem>>
              %dma_start3A = arith.constant 0 : i32
              %dma_start3A_151 = tpu.memref_slice %arg14[%scan3A_136, %dma_start3A] : memref<25x128xi32, #tpu.memory_space<vmem>> -> memref<1x128xi32, #tpu.memory_space<vmem>>
              %dma_start3A_152 = tpu.memref_squeeze %dma_start3A_151 : memref<1x128xi32, #tpu.memory_space<vmem>> -> memref<128xi32, #tpu.memory_space<vmem>>
              %dma_start3A_153 = arith.constant 0 : i32
              %dma_start3A_154 = arith.constant 0 : i32
              %dma_start3A_155 = tpu.memref_slice %arg17[%dma_start3A_153, %dma_start3A_154] : memref<12544x16xf32, #tpu.memory_space<vmem_shared>> -> memref<12544x16xf32, #tpu.memory_space<vmem_shared>>
              tpu.enqueue_indirect_dma source(%arg16 : memref<128x16xf32, #tpu.memory_space<vmem>>) target(%dma_start3A_155 : memref<12544x16xf32, #tpu.memory_space<vmem_shared>>) offsets(%dma_start3A_152 : memref<128xi32, #tpu.memory_space<vmem>>) semaphore(%run_scoped3A : memref<!tpu.dma_semaphore, #tpu.memory_space<semaphore_mem>>) {add = true}
              %dma_wait3A = arith.constant 0 : i32
              %dma_wait3A_156 = tpu.memref_slice %arg14[%scan3A_136, %dma_wait3A] : memref<25x128xi32, #tpu.memory_space<vmem>> -> memref<1x128xi32, #tpu.memory_space<vmem>>
              %dma_wait3A_157 = tpu.memref_squeeze %dma_wait3A_156 : memref<1x128xi32, #tpu.memory_space<vmem>> -> memref<128xi32, #tpu.memory_space<vmem>>
              %dma_wait3A_158 = arith.constant 0 : i32
              %dma_wait3A_159 = arith.constant 0 : i32
              %dma_wait3A_160 = tpu.memref_slice %arg17[%dma_wait3A_158, %dma_wait3A_159] : memref<12544x16xf32, #tpu.memory_space<vmem_shared>> -> memref<12544x16xf32, #tpu.memory_space<vmem_shared>>
              tpu.wait_indirect_dma semaphore(%run_scoped3A : memref<!tpu.dma_semaphore, #tpu.memory_space<semaphore_mem>>) src(%arg16 : memref<128x16xf32, #tpu.memory_space<vmem>>) dst(%dma_wait3A_160 : memref<12544x16xf32, #tpu.memory_space<vmem_shared>>)
              tpu.yield
            }) : () -> ()
            %scan3A_150 = arith.constant 0 : i32
            scf.yield %scan3A_150 : i32
          }
          %scan3A_134 = arith.constant 25 : i32
          %scan3A_135 = arith.constant 0 : i32
          scf.yield %scan3A_135 : i32
        }
        %scan3A_72 = arith.constant 32 : i32
        %barrier3A_73 = arith.constant 0 : index
        tpu.barrier barrier_id(%barrier3A_73)
        %lt3A_74 = arith.constant 2 : i32
        %lt3A_75 = arith.cmpi slt, %scan3A_64, %lt3A_74 : i32
        %convert_element_type3A = arith.extui %lt3A_75 : i1 to i32
        %cond3A = arith.constant 0 : i32
        %cond3A_76 = arith.cmpi ne, %convert_element_type3A, %cond3A : i32
        scf.if %cond3A_76 {
          %mul3A_83 = arith.constant 784 : i32
          %mul3A_84 = arith.muli %arg1, %mul3A_83 : i32
          %add3A_85 = arith.addi %mul3A_49, %mul3A_84 : i32
          %mul3A_86 = arith.constant 16 : i32
          %mul3A_87 = arith.muli %mul3A_86, %scan3A_64 : i32
          "tpu.region"() ({
            %run_scoped3A = tpu.sem_alloc : memref<!tpu.dma_semaphore, #tpu.memory_space<semaphore_mem>>
            %dma_start3A = tpu.memref_slice %arg8[%select_n3A_30, %add3A_85, %mul3A_87] : memref<4x50176x32xf32, #tpu.memory_space<hbm>> -> memref<1x784x16xf32, #tpu.memory_space<hbm>>
            %dma_start3A_88 = tpu.memref_squeeze %dma_start3A : memref<1x784x16xf32, #tpu.memory_space<hbm>> -> memref<784x16xf32, #tpu.memory_space<hbm>>
            %dma_start3A_89 = arith.constant 0 : i32
            %dma_start3A_90 = tpu.memref_slice %arg17[%mul3A_0, %dma_start3A_89] : memref<12544x16xf32, #tpu.memory_space<vmem_shared>> -> memref<784x16xf32, #tpu.memory_space<vmem_shared>>
            tpu.enqueue_dma source(%dma_start3A_90 : memref<784x16xf32, #tpu.memory_space<vmem_shared>>) target(%dma_start3A_88 : memref<784x16xf32, #tpu.memory_space<hbm>>) target_semaphore(%run_scoped3A : memref<!tpu.dma_semaphore, #tpu.memory_space<semaphore_mem>>)
            %dma_wait3A = tpu.memref_slice %arg8[%select_n3A_30, %add3A_85, %mul3A_87] : memref<4x50176x32xf32, #tpu.memory_space<hbm>> -> memref<1x784x16xf32, #tpu.memory_space<hbm>>
            %dma_wait3A_91 = tpu.memref_squeeze %dma_wait3A : memref<1x784x16xf32, #tpu.memory_space<hbm>> -> memref<784x16xf32, #tpu.memory_space<hbm>>
            %dma_wait3A_92 = arith.constant 0 : i32
            %dma_wait3A_93 = tpu.memref_slice %arg17[%mul3A_0, %dma_wait3A_92] : memref<12544x16xf32, #tpu.memory_space<vmem_shared>> -> memref<784x16xf32, #tpu.memory_space<vmem_shared>>
            tpu.wait_dma2 semaphore(%run_scoped3A : memref<!tpu.dma_semaphore, #tpu.memory_space<semaphore_mem>>) src(%dma_wait3A_93 : memref<784x16xf32, #tpu.memory_space<vmem_shared>>) dst(%dma_wait3A_91 : memref<784x16xf32, #tpu.memory_space<hbm>>)
            tpu.yield
          }) : () -> ()
        } else {
        }
        %eq3A_77 = arith.constant 2 : i32
        %eq3A_78 = arith.cmpi eq, %scan3A_64, %eq3A_77 : i32
        %convert_element_type3A_79 = arith.extui %eq3A_78 : i1 to i32
        %cond3A_80 = arith.constant 0 : i32
        %cond3A_81 = arith.cmpi ne, %convert_element_type3A_79, %cond3A_80 : i32
        scf.if %cond3A_81 {
          %mul3A_83 = arith.constant 784 : i32
          %mul3A_84 = arith.muli %arg1, %mul3A_83 : i32
          %add3A_85 = arith.addi %mul3A_49, %mul3A_84 : i32
          "tpu.region"() ({
            %run_scoped3A = tpu.sem_alloc : memref<!tpu.dma_semaphore, #tpu.memory_space<semaphore_mem>>
            %dma_start3A = arith.constant 0 : i32
            %dma_start3A_86 = tpu.memref_slice %arg9[%select_n3A_30, %add3A_85, %dma_start3A] : memref<4x50176x16xf32, #tpu.memory_space<hbm>> -> memref<1x784x16xf32, #tpu.memory_space<hbm>>
            %dma_start3A_87 = tpu.memref_squeeze %dma_start3A_86 : memref<1x784x16xf32, #tpu.memory_space<hbm>> -> memref<784x16xf32, #tpu.memory_space<hbm>>
            %dma_start3A_88 = arith.constant 0 : i32
            %dma_start3A_89 = tpu.memref_slice %arg17[%mul3A_0, %dma_start3A_88] : memref<12544x16xf32, #tpu.memory_space<vmem_shared>> -> memref<784x16xf32, #tpu.memory_space<vmem_shared>>
            tpu.enqueue_dma source(%dma_start3A_89 : memref<784x16xf32, #tpu.memory_space<vmem_shared>>) target(%dma_start3A_87 : memref<784x16xf32, #tpu.memory_space<hbm>>) target_semaphore(%run_scoped3A : memref<!tpu.dma_semaphore, #tpu.memory_space<semaphore_mem>>)
            %dma_wait3A = arith.constant 0 : i32
            %dma_wait3A_90 = tpu.memref_slice %arg9[%select_n3A_30, %add3A_85, %dma_wait3A] : memref<4x50176x16xf32, #tpu.memory_space<hbm>> -> memref<1x784x16xf32, #tpu.memory_space<hbm>>
            %dma_wait3A_91 = tpu.memref_squeeze %dma_wait3A_90 : memref<1x784x16xf32, #tpu.memory_space<hbm>> -> memref<784x16xf32, #tpu.memory_space<hbm>>
            %dma_wait3A_92 = arith.constant 0 : i32
            %dma_wait3A_93 = tpu.memref_slice %arg17[%mul3A_0, %dma_wait3A_92] : memref<12544x16xf32, #tpu.memory_space<vmem_shared>> -> memref<784x16xf32, #tpu.memory_space<vmem_shared>>
            tpu.wait_dma2 semaphore(%run_scoped3A : memref<!tpu.dma_semaphore, #tpu.memory_space<semaphore_mem>>) src(%dma_wait3A_93 : memref<784x16xf32, #tpu.memory_space<vmem_shared>>) dst(%dma_wait3A_91 : memref<784x16xf32, #tpu.memory_space<hbm>>)
            tpu.yield
          }) : () -> ()
        } else {
        }
        %scan3A_82 = arith.constant 0 : i32
        scf.yield %scan3A_82 : i32
      }
      %scan3A_62 = arith.constant 3 : i32
      %scan3A_63 = arith.constant 0 : i32
      scf.yield %scan3A_63 : i32
    }
    %scan3A_10 = arith.constant 8 : i32
    return
  }
}

#map = affine_map<(d0, d1) -> (0, 0, 0, 0)>
#map1 = affine_map<(d0, d1) -> (0, 0)>
#map2 = affine_map<(d0, d1) -> (0, 0, 0, 0, 0)>
#map3 = affine_map<(d0, d1) -> (0, 0, 0)>
module attributes {stable_mosaic.version = 14 : i64} {
  func.func @_convall_body(%arg0: i32, %arg1: i32, %arg2: memref<4x2x50176x16xf32, #tpu.memory_space<hbm>>, %arg3: memref<8x50176xf32, #tpu.memory_space<hbm>>, %arg4: memref<4x32x16x25x128xi32, #tpu.memory_space<hbm>>, %arg5: memref<4x32x16x25x128xi32, #tpu.memory_space<hbm>>, %arg6: memref<4x32x16x25x128xf32, #tpu.memory_space<hbm>>, %arg7: memref<50176x16xf32, #tpu.memory_space<hbm>>, %arg8: memref<4x50176x32xf32, #tpu.memory_space<hbm>>, %arg9: memref<4x50176x16xf32, #tpu.memory_space<hbm>>, %arg10: memref<50176xf32, #tpu.memory_space<vmem>>, %arg11: memref<50176xf32, #tpu.memory_space<vmem>>, %arg12: memref<25x128xi32, #tpu.memory_space<vmem>>, %arg13: memref<25x128xi32, #tpu.memory_space<vmem>>, %arg14: memref<25x128xi32, #tpu.memory_space<vmem>>, %arg15: memref<25x128xf32, #tpu.memory_space<vmem>>, %arg16: memref<128x16xf32, #tpu.memory_space<vmem>>, %arg17: memref<12544x16xf32, #tpu.memory_space<vmem_shared>>, %arg18: memref<!tpu.dma_semaphore, #tpu.memory_space<semaphore_mem>>) attributes {dimension_semantics = [#tpu.dimension_semantics<core_parallel>, #tpu.dimension_semantics<subcore_parallel>], iteration_bounds = array<i64: 2, 16>, scalar_prefetch = 0 : i64, scratch_operands = 9 : i64, tpu.core_type = #tpu.core_type<sc_vector_subcore>, window_params = [{transform_indices = #map}, {transform_indices = #map1}, {transform_indices = #map2}, {transform_indices = #map2}, {transform_indices = #map2}, {transform_indices = #map1}, {transform_indices = #map3}, {transform_indices = #map3}]} {
    %mul3A = arith.constant 784 : i32
    %mul3A_0 = arith.muli %arg1, %mul3A : i32
    %iota3A = tpu.iota {dimensions = array<i32: 0>} : vector<16xi32>
    %eq3A = arith.constant 0 : i32
    %eq3A_1 = vector.broadcast %eq3A : i32 to vector<16xi32>
    %eq3A_2 = arith.cmpi eq, %iota3A, %eq3A_1 : vector<16xi32>
    %jit3A = arith.constant 1.000000e+00 : f32
    %jit3A_3 = arith.constant 0.000000e+00 : f32
    %broadcast_in_dim3A = vector.broadcast %jit3A : f32 to vector<16xf32>
    %broadcast_in_dim3A_4 = vector.broadcast %jit3A_3 : f32 to vector<16xf32>
    %select_n3A = arith.select %eq3A_2, %broadcast_in_dim3A, %broadcast_in_dim3A_4 : vector<16xi1>, vector<16xf32>
    %scan3A = arith.constant 0 : i32
    %scan3A_5 = arith.constant 0 : i32
    %scan3A_6 = arith.constant 8 : i32
    %scan3A_7 = arith.addi %scan3A_5, %scan3A_6 : i32
    %scan3A_8 = arith.constant 1 : i32
    %scan3A_9 = scf.for %scan3A_11 = %scan3A_5 to %scan3A_7 step %scan3A_8 iter_args(%scan3A_12 = %scan3A) -> (i32)  : i32 {
      %jit3A_13 = arith.constant 2 : i32
      %div3A = arith.divsi %scan3A_11, %jit3A_13 : i32
      %sign3A = arith.constant 0 : i32
      %sign3A_14 = arith.cmpi sgt, %scan3A_11, %sign3A : i32
      %sign3A_15 = arith.extui %sign3A_14 : i1 to i32
      %sign3A_16 = arith.constant 0 : i32
      %sign3A_17 = arith.cmpi slt, %scan3A_11, %sign3A_16 : i32
      %sign3A_18 = arith.extui %sign3A_17 : i1 to i32
      %sign3A_19 = arith.subi %sign3A_15, %sign3A_18 : i32
      %sign3A_20 = arith.constant 0 : i32
      %sign3A_21 = arith.cmpi sgt, %jit3A_13, %sign3A_20 : i32
      %sign3A_22 = arith.extui %sign3A_21 : i1 to i32
      %sign3A_23 = arith.constant 0 : i32
      %sign3A_24 = arith.cmpi slt, %jit3A_13, %sign3A_23 : i32
      %sign3A_25 = arith.extui %sign3A_24 : i1 to i32
      %sign3A_26 = arith.subi %sign3A_22, %sign3A_25 : i32
      %ne3A = arith.cmpi ne, %sign3A_19, %sign3A_26 : i32
      %rem3A = arith.remsi %scan3A_11, %jit3A_13 : i32
      %ne3A_27 = arith.constant 0 : i32
      %ne3A_28 = arith.cmpi ne, %rem3A, %ne3A_27 : i32
      %and3A = arith.andi %ne3A, %ne3A_28 : i1
      %sub3A = arith.constant 1 : i32
      %sub3A_29 = arith.subi %div3A, %sub3A : i32
      %select_n3A_30 = arith.select %and3A, %sub3A_29, %div3A : i32
      %jit3A_31 = arith.constant 2 : i32
      %eq3A_32 = arith.constant 0 : i32
      %eq3A_33 = arith.cmpi eq, %jit3A_31, %eq3A_32 : i32
      %jit3A_34 = arith.constant 1 : i32
      %select_n3A_35 = arith.select %eq3A_33, %jit3A_34, %jit3A_31 : i32
      %rem3A_36 = arith.remsi %scan3A_11, %select_n3A_35 : i32
      %ne3A_37 = arith.constant 0 : i32
      %ne3A_38 = arith.cmpi ne, %rem3A_36, %ne3A_37 : i32
      %lt3A = arith.constant 0 : i32
      %lt3A_39 = arith.cmpi slt, %rem3A_36, %lt3A : i32
      %lt3A_40 = arith.constant 0 : i32
      %lt3A_41 = arith.cmpi slt, %select_n3A_35, %lt3A_40 : i32
      %ne3A_42 = arith.xori %lt3A_39, %lt3A_41 : i1
      %and3A_43 = arith.andi %ne3A_42, %ne3A_38 : i1
      %add3A = arith.addi %rem3A_36, %select_n3A_35 : i32
      %select_n3A_44 = arith.select %and3A_43, %add3A, %rem3A_36 : i32
      %mul3A_45 = arith.constant 2 : i32
      %mul3A_46 = arith.muli %mul3A_45, %select_n3A_44 : i32
      %add3A_47 = arith.addi %mul3A_46, %arg0 : i32
      %mul3A_48 = arith.constant 12544 : i32
      %mul3A_49 = arith.muli %add3A_47, %mul3A_48 : i32
      %mul3A_50 = arith.constant 2 : i32
      %mul3A_51 = arith.muli %mul3A_50, %select_n3A_30 : i32
      "tpu.region"() ({
        %run_scoped3A = tpu.sem_alloc : memref<!tpu.dma_semaphore, #tpu.memory_space<semaphore_mem>>
        %dma_start3A = arith.constant 0 : i32
        %dma_start3A_64 = tpu.memref_slice %arg3[%mul3A_51, %dma_start3A] : memref<8x50176xf32, #tpu.memory_space<hbm>> -> memref<1x50176xf32, #tpu.memory_space<hbm>>
        %dma_start3A_65 = tpu.memref_squeeze %dma_start3A_64 : memref<1x50176xf32, #tpu.memory_space<hbm>> -> memref<50176xf32, #tpu.memory_space<hbm>>
        %dma_start3A_66 = arith.constant 0 : i32
        %dma_start3A_67 = tpu.memref_slice %arg3[%mul3A_51, %dma_start3A_66] : memref<8x50176xf32, #tpu.memory_space<hbm>> -> memref<1x50176xf32, #tpu.memory_space<hbm>>
        %dma_start3A_68 = tpu.memref_squeeze %dma_start3A_67 : memref<1x50176xf32, #tpu.memory_space<hbm>> -> memref<50176xf32, #tpu.memory_space<hbm>>
        tpu.enqueue_dma source(%dma_start3A_68 : memref<50176xf32, #tpu.memory_space<hbm>>) target(%arg10 : memref<50176xf32, #tpu.memory_space<vmem>>) target_semaphore(%run_scoped3A : memref<!tpu.dma_semaphore, #tpu.memory_space<semaphore_mem>>)
        %dma_wait3A = arith.constant 0 : i32
        %dma_wait3A_69 = tpu.memref_slice %arg3[%mul3A_51, %dma_wait3A] : memref<8x50176xf32, #tpu.memory_space<hbm>> -> memref<1x50176xf32, #tpu.memory_space<hbm>>
        %dma_wait3A_70 = tpu.memref_squeeze %dma_wait3A_69 : memref<1x50176xf32, #tpu.memory_space<hbm>> -> memref<50176xf32, #tpu.memory_space<hbm>>
        %dma_wait3A_71 = arith.constant 0 : i32
        %dma_wait3A_72 = tpu.memref_slice %arg3[%mul3A_51, %dma_wait3A_71] : memref<8x50176xf32, #tpu.memory_space<hbm>> -> memref<1x50176xf32, #tpu.memory_space<hbm>>
        %dma_wait3A_73 = tpu.memref_squeeze %dma_wait3A_72 : memref<1x50176xf32, #tpu.memory_space<hbm>> -> memref<50176xf32, #tpu.memory_space<hbm>>
        tpu.wait_dma2 semaphore(%run_scoped3A : memref<!tpu.dma_semaphore, #tpu.memory_space<semaphore_mem>>) src(%dma_wait3A_73 : memref<50176xf32, #tpu.memory_space<hbm>>) dst(%arg10 : memref<50176xf32, #tpu.memory_space<vmem>>)
        tpu.yield
      }) : () -> ()
      %mul3A_52 = arith.constant 2 : i32
      %mul3A_53 = arith.muli %mul3A_52, %select_n3A_30 : i32
      %add3A_54 = arith.constant 1 : i32
      %add3A_55 = arith.addi %mul3A_53, %add3A_54 : i32
      "tpu.region"() ({
        %run_scoped3A = tpu.sem_alloc : memref<!tpu.dma_semaphore, #tpu.memory_space<semaphore_mem>>
        %dma_start3A = arith.constant 0 : i32
        %dma_start3A_64 = tpu.memref_slice %arg3[%add3A_55, %dma_start3A] : memref<8x50176xf32, #tpu.memory_space<hbm>> -> memref<1x50176xf32, #tpu.memory_space<hbm>>
        %dma_start3A_65 = tpu.memref_squeeze %dma_start3A_64 : memref<1x50176xf32, #tpu.memory_space<hbm>> -> memref<50176xf32, #tpu.memory_space<hbm>>
        %dma_start3A_66 = arith.constant 0 : i32
        %dma_start3A_67 = tpu.memref_slice %arg3[%add3A_55, %dma_start3A_66] : memref<8x50176xf32, #tpu.memory_space<hbm>> -> memref<1x50176xf32, #tpu.memory_space<hbm>>
        %dma_start3A_68 = tpu.memref_squeeze %dma_start3A_67 : memref<1x50176xf32, #tpu.memory_space<hbm>> -> memref<50176xf32, #tpu.memory_space<hbm>>
        tpu.enqueue_dma source(%dma_start3A_68 : memref<50176xf32, #tpu.memory_space<hbm>>) target(%arg11 : memref<50176xf32, #tpu.memory_space<vmem>>) target_semaphore(%run_scoped3A : memref<!tpu.dma_semaphore, #tpu.memory_space<semaphore_mem>>)
        %dma_wait3A = arith.constant 0 : i32
        %dma_wait3A_69 = tpu.memref_slice %arg3[%add3A_55, %dma_wait3A] : memref<8x50176xf32, #tpu.memory_space<hbm>> -> memref<1x50176xf32, #tpu.memory_space<hbm>>
        %dma_wait3A_70 = tpu.memref_squeeze %dma_wait3A_69 : memref<1x50176xf32, #tpu.memory_space<hbm>> -> memref<50176xf32, #tpu.memory_space<hbm>>
        %dma_wait3A_71 = arith.constant 0 : i32
        %dma_wait3A_72 = tpu.memref_slice %arg3[%add3A_55, %dma_wait3A_71] : memref<8x50176xf32, #tpu.memory_space<hbm>> -> memref<1x50176xf32, #tpu.memory_space<hbm>>
        %dma_wait3A_73 = tpu.memref_squeeze %dma_wait3A_72 : memref<1x50176xf32, #tpu.memory_space<hbm>> -> memref<50176xf32, #tpu.memory_space<hbm>>
        tpu.wait_dma2 semaphore(%run_scoped3A : memref<!tpu.dma_semaphore, #tpu.memory_space<semaphore_mem>>) src(%dma_wait3A_73 : memref<50176xf32, #tpu.memory_space<hbm>>) dst(%arg11 : memref<50176xf32, #tpu.memory_space<vmem>>)
        tpu.yield
      }) : () -> ()
      %scan3A_56 = arith.constant 0 : i32
      %scan3A_57 = arith.constant 0 : i32
      %scan3A_58 = arith.constant 3 : i32
      %scan3A_59 = arith.addi %scan3A_57, %scan3A_58 : i32
      %scan3A_60 = arith.constant 1 : i32
      %scan3A_61 = scf.for %scan3A_64 = %scan3A_57 to %scan3A_59 step %scan3A_60 iter_args(%scan3A_65 = %scan3A_56) -> (i32)  : i32 {
        "tpu.region"() ({
          %run_scoped3A = tpu.sem_alloc : memref<!tpu.dma_semaphore, #tpu.memory_space<semaphore_mem>>
          %dma_start3A = arith.constant 0 : i32
          %dma_start3A_83 = tpu.memref_slice %arg17[%mul3A_0, %dma_start3A] : memref<12544x16xf32, #tpu.memory_space<vmem_shared>> -> memref<784x16xf32, #tpu.memory_space<vmem_shared>>
          %dma_start3A_84 = arith.constant 0 : i32
          %dma_start3A_85 = tpu.memref_slice %arg7[%mul3A_0, %dma_start3A_84] : memref<50176x16xf32, #tpu.memory_space<hbm>> -> memref<784x16xf32, #tpu.memory_space<hbm>>
          tpu.enqueue_dma source(%dma_start3A_85 : memref<784x16xf32, #tpu.memory_space<hbm>>) target(%dma_start3A_83 : memref<784x16xf32, #tpu.memory_space<vmem_shared>>) target_semaphore(%run_scoped3A : memref<!tpu.dma_semaphore, #tpu.memory_space<semaphore_mem>>)
          %dma_wait3A = arith.constant 0 : i32
          %dma_wait3A_86 = tpu.memref_slice %arg17[%mul3A_0, %dma_wait3A] : memref<12544x16xf32, #tpu.memory_space<vmem_shared>> -> memref<784x16xf32, #tpu.memory_space<vmem_shared>>
          %dma_wait3A_87 = arith.constant 0 : i32
          %dma_wait3A_88 = tpu.memref_slice %arg7[%mul3A_0, %dma_wait3A_87] : memref<50176x16xf32, #tpu.memory_space<hbm>> -> memref<784x16xf32, #tpu.memory_space<hbm>>
          tpu.wait_dma2 semaphore(%run_scoped3A : memref<!tpu.dma_semaphore, #tpu.memory_space<semaphore_mem>>) src(%dma_wait3A_88 : memref<784x16xf32, #tpu.memory_space<hbm>>) dst(%dma_wait3A_86 : memref<784x16xf32, #tpu.memory_space<vmem_shared>>)
          tpu.yield
        }) : () -> ()
        %barrier3A = arith.constant 0 : index
        tpu.barrier barrier_id(%barrier3A)
        %scan3A_66 = arith.constant 0 : i32
        %scan3A_67 = arith.constant 0 : i32
        %scan3A_68 = arith.constant 32 : i32
        %scan3A_69 = arith.addi %scan3A_67, %scan3A_68 : i32
        %scan3A_70 = arith.constant 1 : i32
        %scan3A_71 = scf.for %scan3A_83 = %scan3A_67 to %scan3A_69 step %scan3A_70 iter_args(%scan3A_84 = %scan3A_66) -> (i32)  : i32 {
          %mul3A_85 = arith.constant 2 : i32
          %mul3A_86 = arith.muli %mul3A_85, %arg1 : i32
          %jit3A_87 = arith.constant 16 : i32
          %div3A_88 = arith.divsi %scan3A_83, %jit3A_87 : i32
          %sign3A_89 = arith.constant 0 : i32
          %sign3A_90 = arith.cmpi sgt, %scan3A_83, %sign3A_89 : i32
          %sign3A_91 = arith.extui %sign3A_90 : i1 to i32
          %sign3A_92 = arith.constant 0 : i32
          %sign3A_93 = arith.cmpi slt, %scan3A_83, %sign3A_92 : i32
          %sign3A_94 = arith.extui %sign3A_93 : i1 to i32
          %sign3A_95 = arith.subi %sign3A_91, %sign3A_94 : i32
          %sign3A_96 = arith.constant 0 : i32
          %sign3A_97 = arith.cmpi sgt, %jit3A_87, %sign3A_96 : i32
          %sign3A_98 = arith.extui %sign3A_97 : i1 to i32
          %sign3A_99 = arith.constant 0 : i32
          %sign3A_100 = arith.cmpi slt, %jit3A_87, %sign3A_99 : i32
          %sign3A_101 = arith.extui %sign3A_100 : i1 to i32
          %sign3A_102 = arith.subi %sign3A_98, %sign3A_101 : i32
          %ne3A_103 = arith.cmpi ne, %sign3A_95, %sign3A_102 : i32
          %rem3A_104 = arith.remsi %scan3A_83, %jit3A_87 : i32
          %ne3A_105 = arith.constant 0 : i32
          %ne3A_106 = arith.cmpi ne, %rem3A_104, %ne3A_105 : i32
          %and3A_107 = arith.andi %ne3A_103, %ne3A_106 : i1
          %sub3A_108 = arith.constant 1 : i32
          %sub3A_109 = arith.subi %div3A_88, %sub3A_108 : i32
          %select_n3A_110 = arith.select %and3A_107, %sub3A_109, %div3A_88 : i32
          %add3A_111 = arith.addi %mul3A_86, %select_n3A_110 : i32
          %jit3A_112 = arith.constant 16 : i32
          %eq3A_113 = arith.constant 0 : i32
          %eq3A_114 = arith.cmpi eq, %jit3A_112, %eq3A_113 : i32
          %jit3A_115 = arith.constant 1 : i32
          %select_n3A_116 = arith.select %eq3A_114, %jit3A_115, %jit3A_112 : i32
          %rem3A_117 = arith.remsi %scan3A_83, %select_n3A_116 : i32
          %ne3A_118 = arith.constant 0 : i32
          %ne3A_119 = arith.cmpi ne, %rem3A_117, %ne3A_118 : i32
          %lt3A_120 = arith.constant 0 : i32
          %lt3A_121 = arith.cmpi slt, %rem3A_117, %lt3A_120 : i32
          %lt3A_122 = arith.constant 0 : i32
          %lt3A_123 = arith.cmpi slt, %select_n3A_116, %lt3A_122 : i32
          %ne3A_124 = arith.xori %lt3A_121, %lt3A_123 : i1
          %and3A_125 = arith.andi %ne3A_124, %ne3A_119 : i1
          %add3A_126 = arith.addi %rem3A_117, %select_n3A_116 : i32
          %select_n3A_127 = arith.select %and3A_125, %add3A_126, %rem3A_117 : i32
          "tpu.region"() ({
            %run_scoped3A = tpu.sem_alloc : memref<!tpu.dma_semaphore, #tpu.memory_space<semaphore_mem>>
            %dma_start3A = arith.constant 0 : i32
            %dma_start3A_136 = arith.constant 0 : i32
            %dma_start3A_137 = tpu.memref_slice %arg4[%select_n3A_30, %add3A_111, %select_n3A_127, %dma_start3A, %dma_start3A_136] : memref<4x32x16x25x128xi32, #tpu.memory_space<hbm>> -> memref<1x1x1x25x128xi32, #tpu.memory_space<hbm>>
            %dma_start3A_138 = tpu.memref_squeeze %dma_start3A_137 : memref<1x1x1x25x128xi32, #tpu.memory_space<hbm>> -> memref<25x128xi32, #tpu.memory_space<hbm>>
            %dma_start3A_139 = arith.constant 0 : i32
            %dma_start3A_140 = arith.constant 0 : i32
            %dma_start3A_141 = tpu.memref_slice %arg4[%select_n3A_30, %add3A_111, %select_n3A_127, %dma_start3A_139, %dma_start3A_140] : memref<4x32x16x25x128xi32, #tpu.memory_space<hbm>> -> memref<1x1x1x25x128xi32, #tpu.memory_space<hbm>>
            %dma_start3A_142 = tpu.memref_squeeze %dma_start3A_141 : memref<1x1x1x25x128xi32, #tpu.memory_space<hbm>> -> memref<25x128xi32, #tpu.memory_space<hbm>>
            tpu.enqueue_dma source(%dma_start3A_142 : memref<25x128xi32, #tpu.memory_space<hbm>>) target(%arg12 : memref<25x128xi32, #tpu.memory_space<vmem>>) target_semaphore(%run_scoped3A : memref<!tpu.dma_semaphore, #tpu.memory_space<semaphore_mem>>)
            %dma_wait3A = arith.constant 0 : i32
            %dma_wait3A_143 = arith.constant 0 : i32
            %dma_wait3A_144 = tpu.memref_slice %arg4[%select_n3A_30, %add3A_111, %select_n3A_127, %dma_wait3A, %dma_wait3A_143] : memref<4x32x16x25x128xi32, #tpu.memory_space<hbm>> -> memref<1x1x1x25x128xi32, #tpu.memory_space<hbm>>
            %dma_wait3A_145 = tpu.memref_squeeze %dma_wait3A_144 : memref<1x1x1x25x128xi32, #tpu.memory_space<hbm>> -> memref<25x128xi32, #tpu.memory_space<hbm>>
            %dma_wait3A_146 = arith.constant 0 : i32
            %dma_wait3A_147 = arith.constant 0 : i32
            %dma_wait3A_148 = tpu.memref_slice %arg4[%select_n3A_30, %add3A_111, %select_n3A_127, %dma_wait3A_146, %dma_wait3A_147] : memref<4x32x16x25x128xi32, #tpu.memory_space<hbm>> -> memref<1x1x1x25x128xi32, #tpu.memory_space<hbm>>
            %dma_wait3A_149 = tpu.memref_squeeze %dma_wait3A_148 : memref<1x1x1x25x128xi32, #tpu.memory_space<hbm>> -> memref<25x128xi32, #tpu.memory_space<hbm>>
            tpu.wait_dma2 semaphore(%run_scoped3A : memref<!tpu.dma_semaphore, #tpu.memory_space<semaphore_mem>>) src(%dma_wait3A_149 : memref<25x128xi32, #tpu.memory_space<hbm>>) dst(%arg12 : memref<25x128xi32, #tpu.memory_space<vmem>>)
            tpu.yield
          }) : () -> ()
          "tpu.region"() ({
            %run_scoped3A = tpu.sem_alloc : memref<!tpu.dma_semaphore, #tpu.memory_space<semaphore_mem>>
            %dma_start3A = arith.constant 0 : i32
            %dma_start3A_136 = arith.constant 0 : i32
            %dma_start3A_137 = tpu.memref_slice %arg5[%select_n3A_30, %add3A_111, %select_n3A_127, %dma_start3A, %dma_start3A_136] : memref<4x32x16x25x128xi32, #tpu.memory_space<hbm>> -> memref<1x1x1x25x128xi32, #tpu.memory_space<hbm>>
            %dma_start3A_138 = tpu.memref_squeeze %dma_start3A_137 : memref<1x1x1x25x128xi32, #tpu.memory_space<hbm>> -> memref<25x128xi32, #tpu.memory_space<hbm>>
            %dma_start3A_139 = arith.constant 0 : i32
            %dma_start3A_140 = arith.constant 0 : i32
            %dma_start3A_141 = tpu.memref_slice %arg5[%select_n3A_30, %add3A_111, %select_n3A_127, %dma_start3A_139, %dma_start3A_140] : memref<4x32x16x25x128xi32, #tpu.memory_space<hbm>> -> memref<1x1x1x25x128xi32, #tpu.memory_space<hbm>>
            %dma_start3A_142 = tpu.memref_squeeze %dma_start3A_141 : memref<1x1x1x25x128xi32, #tpu.memory_space<hbm>> -> memref<25x128xi32, #tpu.memory_space<hbm>>
            tpu.enqueue_dma source(%dma_start3A_142 : memref<25x128xi32, #tpu.memory_space<hbm>>) target(%arg13 : memref<25x128xi32, #tpu.memory_space<vmem>>) target_semaphore(%run_scoped3A : memref<!tpu.dma_semaphore, #tpu.memory_space<semaphore_mem>>)
            %dma_wait3A = arith.constant 0 : i32
            %dma_wait3A_143 = arith.constant 0 : i32
            %dma_wait3A_144 = tpu.memref_slice %arg5[%select_n3A_30, %add3A_111, %select_n3A_127, %dma_wait3A, %dma_wait3A_143] : memref<4x32x16x25x128xi32, #tpu.memory_space<hbm>> -> memref<1x1x1x25x128xi32, #tpu.memory_space<hbm>>
            %dma_wait3A_145 = tpu.memref_squeeze %dma_wait3A_144 : memref<1x1x1x25x128xi32, #tpu.memory_space<hbm>> -> memref<25x128xi32, #tpu.memory_space<hbm>>
            %dma_wait3A_146 = arith.constant 0 : i32
            %dma_wait3A_147 = arith.constant 0 : i32
            %dma_wait3A_148 = tpu.memref_slice %arg5[%select_n3A_30, %add3A_111, %select_n3A_127, %dma_wait3A_146, %dma_wait3A_147] : memref<4x32x16x25x128xi32, #tpu.memory_space<hbm>> -> memref<1x1x1x25x128xi32, #tpu.memory_space<hbm>>
            %dma_wait3A_149 = tpu.memref_squeeze %dma_wait3A_148 : memref<1x1x1x25x128xi32, #tpu.memory_space<hbm>> -> memref<25x128xi32, #tpu.memory_space<hbm>>
            tpu.wait_dma2 semaphore(%run_scoped3A : memref<!tpu.dma_semaphore, #tpu.memory_space<semaphore_mem>>) src(%dma_wait3A_149 : memref<25x128xi32, #tpu.memory_space<hbm>>) dst(%arg13 : memref<25x128xi32, #tpu.memory_space<vmem>>)
            tpu.yield
          }) : () -> ()
          "tpu.region"() ({
            %run_scoped3A = tpu.sem_alloc : memref<!tpu.dma_semaphore, #tpu.memory_space<semaphore_mem>>
            %dma_start3A = arith.constant 0 : i32
            %dma_start3A_136 = arith.constant 0 : i32
            %dma_start3A_137 = tpu.memref_slice %arg6[%select_n3A_30, %add3A_111, %select_n3A_127, %dma_start3A, %dma_start3A_136] : memref<4x32x16x25x128xf32, #tpu.memory_space<hbm>> -> memref<1x1x1x25x128xf32, #tpu.memory_space<hbm>>
            %dma_start3A_138 = tpu.memref_squeeze %dma_start3A_137 : memref<1x1x1x25x128xf32, #tpu.memory_space<hbm>> -> memref<25x128xf32, #tpu.memory_space<hbm>>
            %dma_start3A_139 = arith.constant 0 : i32
            %dma_start3A_140 = arith.constant 0 : i32
            %dma_start3A_141 = tpu.memref_slice %arg6[%select_n3A_30, %add3A_111, %select_n3A_127, %dma_start3A_139, %dma_start3A_140] : memref<4x32x16x25x128xf32, #tpu.memory_space<hbm>> -> memref<1x1x1x25x128xf32, #tpu.memory_space<hbm>>
            %dma_start3A_142 = tpu.memref_squeeze %dma_start3A_141 : memref<1x1x1x25x128xf32, #tpu.memory_space<hbm>> -> memref<25x128xf32, #tpu.memory_space<hbm>>
            tpu.enqueue_dma source(%dma_start3A_142 : memref<25x128xf32, #tpu.memory_space<hbm>>) target(%arg15 : memref<25x128xf32, #tpu.memory_space<vmem>>) target_semaphore(%run_scoped3A : memref<!tpu.dma_semaphore, #tpu.memory_space<semaphore_mem>>)
            %dma_wait3A = arith.constant 0 : i32
            %dma_wait3A_143 = arith.constant 0 : i32
            %dma_wait3A_144 = tpu.memref_slice %arg6[%select_n3A_30, %add3A_111, %select_n3A_127, %dma_wait3A, %dma_wait3A_143] : memref<4x32x16x25x128xf32, #tpu.memory_space<hbm>> -> memref<1x1x1x25x128xf32, #tpu.memory_space<hbm>>
            %dma_wait3A_145 = tpu.memref_squeeze %dma_wait3A_144 : memref<1x1x1x25x128xf32, #tpu.memory_space<hbm>> -> memref<25x128xf32, #tpu.memory_space<hbm>>
            %dma_wait3A_146 = arith.constant 0 : i32
            %dma_wait3A_147 = arith.constant 0 : i32
            %dma_wait3A_148 = tpu.memref_slice %arg6[%select_n3A_30, %add3A_111, %select_n3A_127, %dma_wait3A_146, %dma_wait3A_147] : memref<4x32x16x25x128xf32, #tpu.memory_space<hbm>> -> memref<1x1x1x25x128xf32, #tpu.memory_space<hbm>>
            %dma_wait3A_149 = tpu.memref_squeeze %dma_wait3A_148 : memref<1x1x1x25x128xf32, #tpu.memory_space<hbm>> -> memref<25x128xf32, #tpu.memory_space<hbm>>
            tpu.wait_dma2 semaphore(%run_scoped3A : memref<!tpu.dma_semaphore, #tpu.memory_space<semaphore_mem>>) src(%dma_wait3A_149 : memref<25x128xf32, #tpu.memory_space<hbm>>) dst(%arg15 : memref<25x128xf32, #tpu.memory_space<vmem>>)
            tpu.yield
          }) : () -> ()
          %scan3A_128 = arith.constant 0 : i32
          %scan3A_129 = arith.constant 0 : i32
          %scan3A_130 = arith.constant 25 : i32
          %scan3A_131 = arith.addi %scan3A_129, %scan3A_130 : i32
          %scan3A_132 = arith.constant 1 : i32
          %scan3A_133 = scf.for %scan3A_136 = %scan3A_129 to %scan3A_131 step %scan3A_132 iter_args(%scan3A_137 = %scan3A_128) -> (i32)  : i32 {
            %lt3A_138 = arith.constant 2 : i32
            %lt3A_139 = arith.cmpi slt, %scan3A_64, %lt3A_138 : i32
            %convert_element_type3A_140 = arith.extui %lt3A_139 : i1 to i32
            %cond3A_141 = arith.constant 0 : i32
            %cond3A_142 = arith.cmpi ne, %convert_element_type3A_140, %cond3A_141 : i32
            scf.if %cond3A_142 {
              %dma_start3A = arith.constant 0 : i32
              %dma_start3A_151 = tpu.memref_slice %arg12[%scan3A_136, %dma_start3A] : memref<25x128xi32, #tpu.memory_space<vmem>> -> memref<1x128xi32, #tpu.memory_space<vmem>>
              %dma_start3A_152 = tpu.memref_squeeze %dma_start3A_151 : memref<1x128xi32, #tpu.memory_space<vmem>> -> memref<128xi32, #tpu.memory_space<vmem>>
              %dma_start3A_153 = arith.constant 0 : i32
              %dma_start3A_154 = arith.constant 0 : i32
              %dma_start3A_155 = tpu.memref_slice %arg2[%select_n3A_30, %scan3A_64, %dma_start3A_153, %dma_start3A_154] : memref<4x2x50176x16xf32, #tpu.memory_space<hbm>> -> memref<1x1x50176x16xf32, #tpu.memory_space<hbm>>
              %dma_start3A_156 = tpu.memref_squeeze %dma_start3A_155 : memref<1x1x50176x16xf32, #tpu.memory_space<hbm>> -> memref<50176x16xf32, #tpu.memory_space<hbm>>
              %dma_start3A_157 = arith.constant 0 : i32
              %dma_start3A_158 = arith.constant 0 : i32
              %dma_start3A_159 = tpu.memref_slice %dma_start3A_156[%dma_start3A_157, %dma_start3A_158] : memref<50176x16xf32, #tpu.memory_space<hbm>> -> memref<50176x16xf32, #tpu.memory_space<hbm>>
              tpu.enqueue_indirect_dma source(%dma_start3A_159 : memref<50176x16xf32, #tpu.memory_space<hbm>>) target(%arg16 : memref<128x16xf32, #tpu.memory_space<vmem>>) offsets(%dma_start3A_152 : memref<128xi32, #tpu.memory_space<vmem>>) semaphore(%arg18 : memref<!tpu.dma_semaphore, #tpu.memory_space<semaphore_mem>>)
              %dma_wait3A = arith.constant 0 : i32
              %dma_wait3A_160 = tpu.memref_slice %arg12[%scan3A_136, %dma_wait3A] : memref<25x128xi32, #tpu.memory_space<vmem>> -> memref<1x128xi32, #tpu.memory_space<vmem>>
              %dma_wait3A_161 = tpu.memref_squeeze %dma_wait3A_160 : memref<1x128xi32, #tpu.memory_space<vmem>> -> memref<128xi32, #tpu.memory_space<vmem>>
              %dma_wait3A_162 = arith.constant 0 : i32
              %dma_wait3A_163 = arith.constant 0 : i32
              %dma_wait3A_164 = tpu.memref_slice %arg2[%select_n3A_30, %scan3A_64, %dma_wait3A_162, %dma_wait3A_163] : memref<4x2x50176x16xf32, #tpu.memory_space<hbm>> -> memref<1x1x50176x16xf32, #tpu.memory_space<hbm>>
              %dma_wait3A_165 = tpu.memref_squeeze %dma_wait3A_164 : memref<1x1x50176x16xf32, #tpu.memory_space<hbm>> -> memref<50176x16xf32, #tpu.memory_space<hbm>>
              %dma_wait3A_166 = arith.constant 0 : i32
              %dma_wait3A_167 = arith.constant 0 : i32
              %dma_wait3A_168 = tpu.memref_slice %dma_wait3A_165[%dma_wait3A_166, %dma_wait3A_167] : memref<50176x16xf32, #tpu.memory_space<hbm>> -> memref<50176x16xf32, #tpu.memory_space<hbm>>
              tpu.wait_indirect_dma semaphore(%arg18 : memref<!tpu.dma_semaphore, #tpu.memory_space<semaphore_mem>>) src(%dma_wait3A_168 : memref<50176x16xf32, #tpu.memory_space<hbm>>) dst(%arg16 : memref<128x16xf32, #tpu.memory_space<vmem>>)
            } else {
            }
            %scan3A_143 = arith.constant 0 : i32
            %scan3A_144 = arith.constant 0 : i32
            %scan3A_145 = arith.constant 8 : i32
            %scan3A_146 = arith.addi %scan3A_144, %scan3A_145 : i32
            %scan3A_147 = arith.constant 1 : i32
            %scan3A_148 = scf.for %scan3A_151 = %scan3A_144 to %scan3A_146 step %scan3A_147 iter_args(%scan3A_152 = %scan3A_143) -> (i32)  : i32 {
              %mul3A_153 = arith.constant 16 : i32
              %mul3A_154 = arith.muli %scan3A_151, %mul3A_153 : i32
              %get3A = arith.index_cast %scan3A_136 : i32 to index
              %get3A_155 = arith.index_cast %mul3A_154 : i32 to index
              %get3A_156 = tpu.vector_load %arg12[%get3A, %get3A_155] {strides = array<i32>} : memref<25x128xi32, #tpu.memory_space<vmem>>, vector<16xi32>,
              %get3A_157 = arith.index_cast %scan3A_136 : i32 to index
              %get3A_158 = arith.index_cast %mul3A_154 : i32 to index
              %get3A_159 = tpu.vector_load %arg13[%get3A_157, %get3A_158] {strides = array<i32>} : memref<25x128xi32, #tpu.memory_space<vmem>>, vector<16xi32>,
              %gather3A = tpu.vector_load_idx %arg10[%get3A_156] : memref<50176xf32, #tpu.memory_space<vmem>>[vector<16xi32>], vector<16xf32>,
              %gather3A_160 = tpu.vector_load_idx %arg11[%get3A_159] : memref<50176xf32, #tpu.memory_space<vmem>>[vector<16xi32>], vector<16xf32>,
              %add3A_161 = arith.addf %gather3A, %gather3A_160 : vector<16xf32>
              %get3A_162 = arith.index_cast %scan3A_136 : i32 to index
              %get3A_163 = arith.index_cast %mul3A_154 : i32 to index
              %get3A_164 = tpu.vector_load %arg15[%get3A_162, %get3A_163] {strides = array<i32>} : memref<25x128xf32, #tpu.memory_space<vmem>>, vector<16xf32>,
              %add3A_165 = arith.addf %add3A_161, %get3A_164 : vector<16xf32>
              %gt3A = arith.constant 0.000000e+00 : f32
              %gt3A_166 = vector.broadcast %gt3A : f32 to vector<16xf32>
              %gt3A_167 = arith.cmpf ogt, %add3A_165, %gt3A_166 : vector<16xf32>
              %mul3A_168 = arith.constant 2.000000e-01 : f32
              %mul3A_169 = vector.broadcast %mul3A_168 : f32 to vector<16xf32>
              %mul3A_170 = arith.mulf %add3A_165, %mul3A_169 : vector<16xf32>
              %select_n3A_171 = arith.select %gt3A_167, %add3A_165, %mul3A_170 : vector<16xi1>, vector<16xf32>
              %exp3A = math.exp %select_n3A_171 : vector<16xf32>
              %sub3A_172 = vector.broadcast %mul3A_49 : i32 to vector<16xi32>
              %sub3A_173 = arith.subi %get3A_159, %sub3A_172 : vector<16xi32>
              %ge3A = arith.constant 0 : i32
              %ge3A_174 = vector.broadcast %ge3A : i32 to vector<16xi32>
              %ge3A_175 = arith.cmpi sge, %sub3A_173, %ge3A_174 : vector<16xi32>
              %lt3A_176 = arith.constant 12544 : i32
              %lt3A_177 = vector.broadcast %lt3A_176 : i32 to vector<16xi32>
              %lt3A_178 = arith.cmpi slt, %sub3A_173, %lt3A_177 : vector<16xi32>
              %and3A_179 = arith.andi %ge3A_175, %lt3A_178 : vector<16xi1>
              %jit3A_180 = arith.constant 0.000000e+00 : f32
              %broadcast_in_dim3A_181 = vector.broadcast %jit3A_180 : f32 to vector<16xf32>
              %select_n3A_182 = arith.select %and3A_179, %exp3A, %broadcast_in_dim3A_181 : vector<16xi1>, vector<16xf32>
              %jit3A_183 = arith.constant 0 : i32
              %broadcast_in_dim3A_184 = vector.broadcast %jit3A_183 : i32 to vector<16xi32>
              %select_n3A_185 = arith.select %and3A_179, %sub3A_173, %broadcast_in_dim3A_184 : vector<16xi1>, vector<16xi32>
              %swap3A = arith.index_cast %scan3A_136 : i32 to index
              %swap3A_186 = arith.index_cast %mul3A_154 : i32 to index
              %swap3A_187 = tpu.vector_load %arg14[%swap3A, %swap3A_186] {strides = array<i32>} : memref<25x128xi32, #tpu.memory_space<vmem>>, vector<16xi32>,
              tpu.vector_store %arg14[%swap3A, %swap3A_186], %select_n3A_185 {strides = array<i32>} : memref<25x128xi32, #tpu.memory_space<vmem>>, vector<16xi32>,
              %lt3A_188 = arith.constant 2 : i32
              %lt3A_189 = arith.cmpi slt, %scan3A_64, %lt3A_188 : i32
              %convert_element_type3A_190 = arith.extui %lt3A_189 : i1 to i32
              %cond3A_191 = arith.constant 0 : i32
              %cond3A_192 = arith.cmpi ne, %convert_element_type3A_190, %cond3A_191 : i32
              scf.if %cond3A_192 {
                %mul3A_199 = arith.constant 16 : i32
                %mul3A_200 = arith.muli %scan3A_151, %mul3A_199 : i32
                %add3A_201 = arith.constant 0 : i32
                %add3A_202 = arith.addi %mul3A_200, %add3A_201 : i32
                %get3A_203 = arith.index_cast %add3A_202 : i32 to index
                %get3A_204 = arith.constant 0 : index
                %get3A_205 = tpu.vector_load %arg16[%get3A_203, %get3A_204] {strides = array<i32>} : memref<128x16xf32, #tpu.memory_space<vmem>>, vector<16xf32>,
                %slice3A = vector.extract_strided_slice %select_n3A_182 {offsets = [0], sizes = [1], strides = [1]} : vector<16xf32> to vector<1xf32>
                %squeeze3A = vector.extract %slice3A[0] : f32 from vector<1xf32>
                %mul3A_206 = vector.broadcast %squeeze3A : f32 to vector<16xf32>
                %mul3A_207 = arith.mulf %get3A_205, %mul3A_206 : vector<16xf32>
                %swap3A_208 = arith.index_cast %add3A_202 : i32 to index
                %swap3A_209 = arith.constant 0 : index
                %swap3A_210 = tpu.vector_load %arg16[%swap3A_208, %swap3A_209] {strides = array<i32>} : memref<128x16xf32, #tpu.memory_space<vmem>>, vector<16xf32>,
                tpu.vector_store %arg16[%swap3A_208, %swap3A_209], %mul3A_207 {strides = array<i32>} : memref<128x16xf32, #tpu.memory_space<vmem>>, vector<16xf32>,
                %mul3A_211 = arith.constant 16 : i32
                %mul3A_212 = arith.muli %scan3A_151, %mul3A_211 : i32
                %add3A_213 = arith.constant 1 : i32
                %add3A_214 = arith.addi %mul3A_212, %add3A_213 : i32
                %get3A_215 = arith.index_cast %add3A_214 : i32 to index
                %get3A_216 = arith.constant 0 : index
                %get3A_217 = tpu.vector_load %arg16[%get3A_215, %get3A_216] {strides = array<i32>} : memref<128x16xf32, #tpu.memory_space<vmem>>, vector<16xf32>,
                %slice3A_218 = vector.extract_strided_slice %select_n3A_182 {offsets = [1], sizes = [1], strides = [1]} : vector<16xf32> to vector<1xf32>
                %squeeze3A_219 = vector.extract %slice3A_218[0] : f32 from vector<1xf32>
                %mul3A_220 = vector.broadcast %squeeze3A_219 : f32 to vector<16xf32>
                %mul3A_221 = arith.mulf %get3A_217, %mul3A_220 : vector<16xf32>
                %swap3A_222 = arith.index_cast %add3A_214 : i32 to index
                %swap3A_223 = arith.constant 0 : index
                %swap3A_224 = tpu.vector_load %arg16[%swap3A_222, %swap3A_223] {strides = array<i32>} : memref<128x16xf32, #tpu.memory_space<vmem>>, vector<16xf32>,
                tpu.vector_store %arg16[%swap3A_222, %swap3A_223], %mul3A_221 {strides = array<i32>} : memref<128x16xf32, #tpu.memory_space<vmem>>, vector<16xf32>,
                %mul3A_225 = arith.constant 16 : i32
                %mul3A_226 = arith.muli %scan3A_151, %mul3A_225 : i32
                %add3A_227 = arith.constant 2 : i32
                %add3A_228 = arith.addi %mul3A_226, %add3A_227 : i32
                %get3A_229 = arith.index_cast %add3A_228 : i32 to index
                %get3A_230 = arith.constant 0 : index
                %get3A_231 = tpu.vector_load %arg16[%get3A_229, %get3A_230] {strides = array<i32>} : memref<128x16xf32, #tpu.memory_space<vmem>>, vector<16xf32>,
                %slice3A_232 = vector.extract_strided_slice %select_n3A_182 {offsets = [2], sizes = [1], strides = [1]} : vector<16xf32> to vector<1xf32>
                %squeeze3A_233 = vector.extract %slice3A_232[0] : f32 from vector<1xf32>
                %mul3A_234 = vector.broadcast %squeeze3A_233 : f32 to vector<16xf32>
                %mul3A_235 = arith.mulf %get3A_231, %mul3A_234 : vector<16xf32>
                %swap3A_236 = arith.index_cast %add3A_228 : i32 to index
                %swap3A_237 = arith.constant 0 : index
                %swap3A_238 = tpu.vector_load %arg16[%swap3A_236, %swap3A_237] {strides = array<i32>} : memref<128x16xf32, #tpu.memory_space<vmem>>, vector<16xf32>,
                tpu.vector_store %arg16[%swap3A_236, %swap3A_237], %mul3A_235 {strides = array<i32>} : memref<128x16xf32, #tpu.memory_space<vmem>>, vector<16xf32>,
                %mul3A_239 = arith.constant 16 : i32
                %mul3A_240 = arith.muli %scan3A_151, %mul3A_239 : i32
                %add3A_241 = arith.constant 3 : i32
                %add3A_242 = arith.addi %mul3A_240, %add3A_241 : i32
                %get3A_243 = arith.index_cast %add3A_242 : i32 to index
                %get3A_244 = arith.constant 0 : index
                %get3A_245 = tpu.vector_load %arg16[%get3A_243, %get3A_244] {strides = array<i32>} : memref<128x16xf32, #tpu.memory_space<vmem>>, vector<16xf32>,
                %slice3A_246 = vector.extract_strided_slice %select_n3A_182 {offsets = [3], sizes = [1], strides = [1]} : vector<16xf32> to vector<1xf32>
                %squeeze3A_247 = vector.extract %slice3A_246[0] : f32 from vector<1xf32>
                %mul3A_248 = vector.broadcast %squeeze3A_247 : f32 to vector<16xf32>
                %mul3A_249 = arith.mulf %get3A_245, %mul3A_248 : vector<16xf32>
                %swap3A_250 = arith.index_cast %add3A_242 : i32 to index
                %swap3A_251 = arith.constant 0 : index
                %swap3A_252 = tpu.vector_load %arg16[%swap3A_250, %swap3A_251] {strides = array<i32>} : memref<128x16xf32, #tpu.memory_space<vmem>>, vector<16xf32>,
                tpu.vector_store %arg16[%swap3A_250, %swap3A_251], %mul3A_249 {strides = array<i32>} : memref<128x16xf32, #tpu.memory_space<vmem>>, vector<16xf32>,
                %mul3A_253 = arith.constant 16 : i32
                %mul3A_254 = arith.muli %scan3A_151, %mul3A_253 : i32
                %add3A_255 = arith.constant 4 : i32
                %add3A_256 = arith.addi %mul3A_254, %add3A_255 : i32
                %get3A_257 = arith.index_cast %add3A_256 : i32 to index
                %get3A_258 = arith.constant 0 : index
                %get3A_259 = tpu.vector_load %arg16[%get3A_257, %get3A_258] {strides = array<i32>} : memref<128x16xf32, #tpu.memory_space<vmem>>, vector<16xf32>,
                %slice3A_260 = vector.extract_strided_slice %select_n3A_182 {offsets = [4], sizes = [1], strides = [1]} : vector<16xf32> to vector<1xf32>
                %squeeze3A_261 = vector.extract %slice3A_260[0] : f32 from vector<1xf32>
                %mul3A_262 = vector.broadcast %squeeze3A_261 : f32 to vector<16xf32>
                %mul3A_263 = arith.mulf %get3A_259, %mul3A_262 : vector<16xf32>
                %swap3A_264 = arith.index_cast %add3A_256 : i32 to index
                %swap3A_265 = arith.constant 0 : index
                %swap3A_266 = tpu.vector_load %arg16[%swap3A_264, %swap3A_265] {strides = array<i32>} : memref<128x16xf32, #tpu.memory_space<vmem>>, vector<16xf32>,
                tpu.vector_store %arg16[%swap3A_264, %swap3A_265], %mul3A_263 {strides = array<i32>} : memref<128x16xf32, #tpu.memory_space<vmem>>, vector<16xf32>,
                %mul3A_267 = arith.constant 16 : i32
                %mul3A_268 = arith.muli %scan3A_151, %mul3A_267 : i32
                %add3A_269 = arith.constant 5 : i32
                %add3A_270 = arith.addi %mul3A_268, %add3A_269 : i32
                %get3A_271 = arith.index_cast %add3A_270 : i32 to index
                %get3A_272 = arith.constant 0 : index
                %get3A_273 = tpu.vector_load %arg16[%get3A_271, %get3A_272] {strides = array<i32>} : memref<128x16xf32, #tpu.memory_space<vmem>>, vector<16xf32>,
                %slice3A_274 = vector.extract_strided_slice %select_n3A_182 {offsets = [5], sizes = [1], strides = [1]} : vector<16xf32> to vector<1xf32>
                %squeeze3A_275 = vector.extract %slice3A_274[0] : f32 from vector<1xf32>
                %mul3A_276 = vector.broadcast %squeeze3A_275 : f32 to vector<16xf32>
                %mul3A_277 = arith.mulf %get3A_273, %mul3A_276 : vector<16xf32>
                %swap3A_278 = arith.index_cast %add3A_270 : i32 to index
                %swap3A_279 = arith.constant 0 : index
                %swap3A_280 = tpu.vector_load %arg16[%swap3A_278, %swap3A_279] {strides = array<i32>} : memref<128x16xf32, #tpu.memory_space<vmem>>, vector<16xf32>,
                tpu.vector_store %arg16[%swap3A_278, %swap3A_279], %mul3A_277 {strides = array<i32>} : memref<128x16xf32, #tpu.memory_space<vmem>>, vector<16xf32>,
                %mul3A_281 = arith.constant 16 : i32
                %mul3A_282 = arith.muli %scan3A_151, %mul3A_281 : i32
                %add3A_283 = arith.constant 6 : i32
                %add3A_284 = arith.addi %mul3A_282, %add3A_283 : i32
                %get3A_285 = arith.index_cast %add3A_284 : i32 to index
                %get3A_286 = arith.constant 0 : index
                %get3A_287 = tpu.vector_load %arg16[%get3A_285, %get3A_286] {strides = array<i32>} : memref<128x16xf32, #tpu.memory_space<vmem>>, vector<16xf32>,
                %slice3A_288 = vector.extract_strided_slice %select_n3A_182 {offsets = [6], sizes = [1], strides = [1]} : vector<16xf32> to vector<1xf32>
                %squeeze3A_289 = vector.extract %slice3A_288[0] : f32 from vector<1xf32>
                %mul3A_290 = vector.broadcast %squeeze3A_289 : f32 to vector<16xf32>
                %mul3A_291 = arith.mulf %get3A_287, %mul3A_290 : vector<16xf32>
                %swap3A_292 = arith.index_cast %add3A_284 : i32 to index
                %swap3A_293 = arith.constant 0 : index
                %swap3A_294 = tpu.vector_load %arg16[%swap3A_292, %swap3A_293] {strides = array<i32>} : memref<128x16xf32, #tpu.memory_space<vmem>>, vector<16xf32>,
                tpu.vector_store %arg16[%swap3A_292, %swap3A_293], %mul3A_291 {strides = array<i32>} : memref<128x16xf32, #tpu.memory_space<vmem>>, vector<16xf32>,
                %mul3A_295 = arith.constant 16 : i32
                %mul3A_296 = arith.muli %scan3A_151, %mul3A_295 : i32
                %add3A_297 = arith.constant 7 : i32
                %add3A_298 = arith.addi %mul3A_296, %add3A_297 : i32
                %get3A_299 = arith.index_cast %add3A_298 : i32 to index
                %get3A_300 = arith.constant 0 : index
                %get3A_301 = tpu.vector_load %arg16[%get3A_299, %get3A_300] {strides = array<i32>} : memref<128x16xf32, #tpu.memory_space<vmem>>, vector<16xf32>,
                %slice3A_302 = vector.extract_strided_slice %select_n3A_182 {offsets = [7], sizes = [1], strides = [1]} : vector<16xf32> to vector<1xf32>
                %squeeze3A_303 = vector.extract %slice3A_302[0] : f32 from vector<1xf32>
                %mul3A_304 = vector.broadcast %squeeze3A_303 : f32 to vector<16xf32>
                %mul3A_305 = arith.mulf %get3A_301, %mul3A_304 : vector<16xf32>
                %swap3A_306 = arith.index_cast %add3A_298 : i32 to index
                %swap3A_307 = arith.constant 0 : index
                %swap3A_308 = tpu.vector_load %arg16[%swap3A_306, %swap3A_307] {strides = array<i32>} : memref<128x16xf32, #tpu.memory_space<vmem>>, vector<16xf32>,
                tpu.vector_store %arg16[%swap3A_306, %swap3A_307], %mul3A_305 {strides = array<i32>} : memref<128x16xf32, #tpu.memory_space<vmem>>, vector<16xf32>,
                %mul3A_309 = arith.constant 16 : i32
                %mul3A_310 = arith.muli %scan3A_151, %mul3A_309 : i32
                %add3A_311 = arith.constant 8 : i32
                %add3A_312 = arith.addi %mul3A_310, %add3A_311 : i32
                %get3A_313 = arith.index_cast %add3A_312 : i32 to index
                %get3A_314 = arith.constant 0 : index
                %get3A_315 = tpu.vector_load %arg16[%get3A_313, %get3A_314] {strides = array<i32>} : memref<128x16xf32, #tpu.memory_space<vmem>>, vector<16xf32>,
                %slice3A_316 = vector.extract_strided_slice %select_n3A_182 {offsets = [8], sizes = [1], strides = [1]} : vector<16xf32> to vector<1xf32>
                %squeeze3A_317 = vector.extract %slice3A_316[0] : f32 from vector<1xf32>
                %mul3A_318 = vector.broadcast %squeeze3A_317 : f32 to vector<16xf32>
                %mul3A_319 = arith.mulf %get3A_315, %mul3A_318 : vector<16xf32>
                %swap3A_320 = arith.index_cast %add3A_312 : i32 to index
                %swap3A_321 = arith.constant 0 : index
                %swap3A_322 = tpu.vector_load %arg16[%swap3A_320, %swap3A_321] {strides = array<i32>} : memref<128x16xf32, #tpu.memory_space<vmem>>, vector<16xf32>,
                tpu.vector_store %arg16[%swap3A_320, %swap3A_321], %mul3A_319 {strides = array<i32>} : memref<128x16xf32, #tpu.memory_space<vmem>>, vector<16xf32>,
                %mul3A_323 = arith.constant 16 : i32
                %mul3A_324 = arith.muli %scan3A_151, %mul3A_323 : i32
                %add3A_325 = arith.constant 9 : i32
                %add3A_326 = arith.addi %mul3A_324, %add3A_325 : i32
                %get3A_327 = arith.index_cast %add3A_326 : i32 to index
                %get3A_328 = arith.constant 0 : index
                %get3A_329 = tpu.vector_load %arg16[%get3A_327, %get3A_328] {strides = array<i32>} : memref<128x16xf32, #tpu.memory_space<vmem>>, vector<16xf32>,
                %slice3A_330 = vector.extract_strided_slice %select_n3A_182 {offsets = [9], sizes = [1], strides = [1]} : vector<16xf32> to vector<1xf32>
                %squeeze3A_331 = vector.extract %slice3A_330[0] : f32 from vector<1xf32>
                %mul3A_332 = vector.broadcast %squeeze3A_331 : f32 to vector<16xf32>
                %mul3A_333 = arith.mulf %get3A_329, %mul3A_332 : vector<16xf32>
                %swap3A_334 = arith.index_cast %add3A_326 : i32 to index
                %swap3A_335 = arith.constant 0 : index
                %swap3A_336 = tpu.vector_load %arg16[%swap3A_334, %swap3A_335] {strides = array<i32>} : memref<128x16xf32, #tpu.memory_space<vmem>>, vector<16xf32>,
                tpu.vector_store %arg16[%swap3A_334, %swap3A_335], %mul3A_333 {strides = array<i32>} : memref<128x16xf32, #tpu.memory_space<vmem>>, vector<16xf32>,
                %mul3A_337 = arith.constant 16 : i32
                %mul3A_338 = arith.muli %scan3A_151, %mul3A_337 : i32
                %add3A_339 = arith.constant 10 : i32
                %add3A_340 = arith.addi %mul3A_338, %add3A_339 : i32
                %get3A_341 = arith.index_cast %add3A_340 : i32 to index
                %get3A_342 = arith.constant 0 : index
                %get3A_343 = tpu.vector_load %arg16[%get3A_341, %get3A_342] {strides = array<i32>} : memref<128x16xf32, #tpu.memory_space<vmem>>, vector<16xf32>,
                %slice3A_344 = vector.extract_strided_slice %select_n3A_182 {offsets = [10], sizes = [1], strides = [1]} : vector<16xf32> to vector<1xf32>
                %squeeze3A_345 = vector.extract %slice3A_344[0] : f32 from vector<1xf32>
                %mul3A_346 = vector.broadcast %squeeze3A_345 : f32 to vector<16xf32>
                %mul3A_347 = arith.mulf %get3A_343, %mul3A_346 : vector<16xf32>
                %swap3A_348 = arith.index_cast %add3A_340 : i32 to index
                %swap3A_349 = arith.constant 0 : index
                %swap3A_350 = tpu.vector_load %arg16[%swap3A_348, %swap3A_349] {strides = array<i32>} : memref<128x16xf32, #tpu.memory_space<vmem>>, vector<16xf32>,
                tpu.vector_store %arg16[%swap3A_348, %swap3A_349], %mul3A_347 {strides = array<i32>} : memref<128x16xf32, #tpu.memory_space<vmem>>, vector<16xf32>,
                %mul3A_351 = arith.constant 16 : i32
                %mul3A_352 = arith.muli %scan3A_151, %mul3A_351 : i32
                %add3A_353 = arith.constant 11 : i32
                %add3A_354 = arith.addi %mul3A_352, %add3A_353 : i32
                %get3A_355 = arith.index_cast %add3A_354 : i32 to index
                %get3A_356 = arith.constant 0 : index
                %get3A_357 = tpu.vector_load %arg16[%get3A_355, %get3A_356] {strides = array<i32>} : memref<128x16xf32, #tpu.memory_space<vmem>>, vector<16xf32>,
                %slice3A_358 = vector.extract_strided_slice %select_n3A_182 {offsets = [11], sizes = [1], strides = [1]} : vector<16xf32> to vector<1xf32>
                %squeeze3A_359 = vector.extract %slice3A_358[0] : f32 from vector<1xf32>
                %mul3A_360 = vector.broadcast %squeeze3A_359 : f32 to vector<16xf32>
                %mul3A_361 = arith.mulf %get3A_357, %mul3A_360 : vector<16xf32>
                %swap3A_362 = arith.index_cast %add3A_354 : i32 to index
                %swap3A_363 = arith.constant 0 : index
                %swap3A_364 = tpu.vector_load %arg16[%swap3A_362, %swap3A_363] {strides = array<i32>} : memref<128x16xf32, #tpu.memory_space<vmem>>, vector<16xf32>,
                tpu.vector_store %arg16[%swap3A_362, %swap3A_363], %mul3A_361 {strides = array<i32>} : memref<128x16xf32, #tpu.memory_space<vmem>>, vector<16xf32>,
                %mul3A_365 = arith.constant 16 : i32
                %mul3A_366 = arith.muli %scan3A_151, %mul3A_365 : i32
                %add3A_367 = arith.constant 12 : i32
                %add3A_368 = arith.addi %mul3A_366, %add3A_367 : i32
                %get3A_369 = arith.index_cast %add3A_368 : i32 to index
                %get3A_370 = arith.constant 0 : index
                %get3A_371 = tpu.vector_load %arg16[%get3A_369, %get3A_370] {strides = array<i32>} : memref<128x16xf32, #tpu.memory_space<vmem>>, vector<16xf32>,
                %slice3A_372 = vector.extract_strided_slice %select_n3A_182 {offsets = [12], sizes = [1], strides = [1]} : vector<16xf32> to vector<1xf32>
                %squeeze3A_373 = vector.extract %slice3A_372[0] : f32 from vector<1xf32>
                %mul3A_374 = vector.broadcast %squeeze3A_373 : f32 to vector<16xf32>
                %mul3A_375 = arith.mulf %get3A_371, %mul3A_374 : vector<16xf32>
                %swap3A_376 = arith.index_cast %add3A_368 : i32 to index
                %swap3A_377 = arith.constant 0 : index
                %swap3A_378 = tpu.vector_load %arg16[%swap3A_376, %swap3A_377] {strides = array<i32>} : memref<128x16xf32, #tpu.memory_space<vmem>>, vector<16xf32>,
                tpu.vector_store %arg16[%swap3A_376, %swap3A_377], %mul3A_375 {strides = array<i32>} : memref<128x16xf32, #tpu.memory_space<vmem>>, vector<16xf32>,
                %mul3A_379 = arith.constant 16 : i32
                %mul3A_380 = arith.muli %scan3A_151, %mul3A_379 : i32
                %add3A_381 = arith.constant 13 : i32
                %add3A_382 = arith.addi %mul3A_380, %add3A_381 : i32
                %get3A_383 = arith.index_cast %add3A_382 : i32 to index
                %get3A_384 = arith.constant 0 : index
                %get3A_385 = tpu.vector_load %arg16[%get3A_383, %get3A_384] {strides = array<i32>} : memref<128x16xf32, #tpu.memory_space<vmem>>, vector<16xf32>,
                %slice3A_386 = vector.extract_strided_slice %select_n3A_182 {offsets = [13], sizes = [1], strides = [1]} : vector<16xf32> to vector<1xf32>
                %squeeze3A_387 = vector.extract %slice3A_386[0] : f32 from vector<1xf32>
                %mul3A_388 = vector.broadcast %squeeze3A_387 : f32 to vector<16xf32>
                %mul3A_389 = arith.mulf %get3A_385, %mul3A_388 : vector<16xf32>
                %swap3A_390 = arith.index_cast %add3A_382 : i32 to index
                %swap3A_391 = arith.constant 0 : index
                %swap3A_392 = tpu.vector_load %arg16[%swap3A_390, %swap3A_391] {strides = array<i32>} : memref<128x16xf32, #tpu.memory_space<vmem>>, vector<16xf32>,
                tpu.vector_store %arg16[%swap3A_390, %swap3A_391], %mul3A_389 {strides = array<i32>} : memref<128x16xf32, #tpu.memory_space<vmem>>, vector<16xf32>,
                %mul3A_393 = arith.constant 16 : i32
                %mul3A_394 = arith.muli %scan3A_151, %mul3A_393 : i32
                %add3A_395 = arith.constant 14 : i32
                %add3A_396 = arith.addi %mul3A_394, %add3A_395 : i32
                %get3A_397 = arith.index_cast %add3A_396 : i32 to index
                %get3A_398 = arith.constant 0 : index
                %get3A_399 = tpu.vector_load %arg16[%get3A_397, %get3A_398] {strides = array<i32>} : memref<128x16xf32, #tpu.memory_space<vmem>>, vector<16xf32>,
                %slice3A_400 = vector.extract_strided_slice %select_n3A_182 {offsets = [14], sizes = [1], strides = [1]} : vector<16xf32> to vector<1xf32>
                %squeeze3A_401 = vector.extract %slice3A_400[0] : f32 from vector<1xf32>
                %mul3A_402 = vector.broadcast %squeeze3A_401 : f32 to vector<16xf32>
                %mul3A_403 = arith.mulf %get3A_399, %mul3A_402 : vector<16xf32>
                %swap3A_404 = arith.index_cast %add3A_396 : i32 to index
                %swap3A_405 = arith.constant 0 : index
                %swap3A_406 = tpu.vector_load %arg16[%swap3A_404, %swap3A_405] {strides = array<i32>} : memref<128x16xf32, #tpu.memory_space<vmem>>, vector<16xf32>,
                tpu.vector_store %arg16[%swap3A_404, %swap3A_405], %mul3A_403 {strides = array<i32>} : memref<128x16xf32, #tpu.memory_space<vmem>>, vector<16xf32>,
                %mul3A_407 = arith.constant 16 : i32
                %mul3A_408 = arith.muli %scan3A_151, %mul3A_407 : i32
                %add3A_409 = arith.constant 15 : i32
                %add3A_410 = arith.addi %mul3A_408, %add3A_409 : i32
                %get3A_411 = arith.index_cast %add3A_410 : i32 to index
                %get3A_412 = arith.constant 0 : index
                %get3A_413 = tpu.vector_load %arg16[%get3A_411, %get3A_412] {strides = array<i32>} : memref<128x16xf32, #tpu.memory_space<vmem>>, vector<16xf32>,
                %slice3A_414 = vector.extract_strided_slice %select_n3A_182 {offsets = [15], sizes = [1], strides = [1]} : vector<16xf32> to vector<1xf32>
                %squeeze3A_415 = vector.extract %slice3A_414[0] : f32 from vector<1xf32>
                %mul3A_416 = vector.broadcast %squeeze3A_415 : f32 to vector<16xf32>
                %mul3A_417 = arith.mulf %get3A_413, %mul3A_416 : vector<16xf32>
                %swap3A_418 = arith.index_cast %add3A_410 : i32 to index
                %swap3A_419 = arith.constant 0 : index
                %swap3A_420 = tpu.vector_load %arg16[%swap3A_418, %swap3A_419] {strides = array<i32>} : memref<128x16xf32, #tpu.memory_space<vmem>>, vector<16xf32>,
                tpu.vector_store %arg16[%swap3A_418, %swap3A_419], %mul3A_417 {strides = array<i32>} : memref<128x16xf32, #tpu.memory_space<vmem>>, vector<16xf32>,
              } else {
              }
              %eq3A_193 = arith.constant 2 : i32
              %eq3A_194 = arith.cmpi eq, %scan3A_64, %eq3A_193 : i32
              %convert_element_type3A_195 = arith.extui %eq3A_194 : i1 to i32
              %cond3A_196 = arith.constant 0 : i32
              %cond3A_197 = arith.cmpi ne, %convert_element_type3A_195, %cond3A_196 : i32
              scf.if %cond3A_197 {
                %slice3A = vector.extract_strided_slice %select_n3A_182 {offsets = [0], sizes = [1], strides = [1]} : vector<16xf32> to vector<1xf32>
                %squeeze3A = vector.extract %slice3A[0] : f32 from vector<1xf32>
                %mul3A_199 = vector.broadcast %squeeze3A : f32 to vector<16xf32>
                %mul3A_200 = arith.mulf %select_n3A, %mul3A_199 : vector<16xf32>
                %mul3A_201 = arith.constant 16 : i32
                %mul3A_202 = arith.muli %scan3A_151, %mul3A_201 : i32
                %add3A_203 = arith.constant 0 : i32
                %add3A_204 = arith.addi %mul3A_202, %add3A_203 : i32
                %swap3A_205 = arith.index_cast %add3A_204 : i32 to index
                %swap3A_206 = arith.constant 0 : index
                %swap3A_207 = tpu.vector_load %arg16[%swap3A_205, %swap3A_206] {strides = array<i32>} : memref<128x16xf32, #tpu.memory_space<vmem>>, vector<16xf32>,
                tpu.vector_store %arg16[%swap3A_205, %swap3A_206], %mul3A_200 {strides = array<i32>} : memref<128x16xf32, #tpu.memory_space<vmem>>, vector<16xf32>,
                %slice3A_208 = vector.extract_strided_slice %select_n3A_182 {offsets = [1], sizes = [1], strides = [1]} : vector<16xf32> to vector<1xf32>
                %squeeze3A_209 = vector.extract %slice3A_208[0] : f32 from vector<1xf32>
                %mul3A_210 = vector.broadcast %squeeze3A_209 : f32 to vector<16xf32>
                %mul3A_211 = arith.mulf %select_n3A, %mul3A_210 : vector<16xf32>
                %mul3A_212 = arith.constant 16 : i32
                %mul3A_213 = arith.muli %scan3A_151, %mul3A_212 : i32
                %add3A_214 = arith.constant 1 : i32
                %add3A_215 = arith.addi %mul3A_213, %add3A_214 : i32
                %swap3A_216 = arith.index_cast %add3A_215 : i32 to index
                %swap3A_217 = arith.constant 0 : index
                %swap3A_218 = tpu.vector_load %arg16[%swap3A_216, %swap3A_217] {strides = array<i32>} : memref<128x16xf32, #tpu.memory_space<vmem>>, vector<16xf32>,
                tpu.vector_store %arg16[%swap3A_216, %swap3A_217], %mul3A_211 {strides = array<i32>} : memref<128x16xf32, #tpu.memory_space<vmem>>, vector<16xf32>,
                %slice3A_219 = vector.extract_strided_slice %select_n3A_182 {offsets = [2], sizes = [1], strides = [1]} : vector<16xf32> to vector<1xf32>
                %squeeze3A_220 = vector.extract %slice3A_219[0] : f32 from vector<1xf32>
                %mul3A_221 = vector.broadcast %squeeze3A_220 : f32 to vector<16xf32>
                %mul3A_222 = arith.mulf %select_n3A, %mul3A_221 : vector<16xf32>
                %mul3A_223 = arith.constant 16 : i32
                %mul3A_224 = arith.muli %scan3A_151, %mul3A_223 : i32
                %add3A_225 = arith.constant 2 : i32
                %add3A_226 = arith.addi %mul3A_224, %add3A_225 : i32
                %swap3A_227 = arith.index_cast %add3A_226 : i32 to index
                %swap3A_228 = arith.constant 0 : index
                %swap3A_229 = tpu.vector_load %arg16[%swap3A_227, %swap3A_228] {strides = array<i32>} : memref<128x16xf32, #tpu.memory_space<vmem>>, vector<16xf32>,
                tpu.vector_store %arg16[%swap3A_227, %swap3A_228], %mul3A_222 {strides = array<i32>} : memref<128x16xf32, #tpu.memory_space<vmem>>, vector<16xf32>,
                %slice3A_230 = vector.extract_strided_slice %select_n3A_182 {offsets = [3], sizes = [1], strides = [1]} : vector<16xf32> to vector<1xf32>
                %squeeze3A_231 = vector.extract %slice3A_230[0] : f32 from vector<1xf32>
                %mul3A_232 = vector.broadcast %squeeze3A_231 : f32 to vector<16xf32>
                %mul3A_233 = arith.mulf %select_n3A, %mul3A_232 : vector<16xf32>
                %mul3A_234 = arith.constant 16 : i32
                %mul3A_235 = arith.muli %scan3A_151, %mul3A_234 : i32
                %add3A_236 = arith.constant 3 : i32
                %add3A_237 = arith.addi %mul3A_235, %add3A_236 : i32
                %swap3A_238 = arith.index_cast %add3A_237 : i32 to index
                %swap3A_239 = arith.constant 0 : index
                %swap3A_240 = tpu.vector_load %arg16[%swap3A_238, %swap3A_239] {strides = array<i32>} : memref<128x16xf32, #tpu.memory_space<vmem>>, vector<16xf32>,
                tpu.vector_store %arg16[%swap3A_238, %swap3A_239], %mul3A_233 {strides = array<i32>} : memref<128x16xf32, #tpu.memory_space<vmem>>, vector<16xf32>,
                %slice3A_241 = vector.extract_strided_slice %select_n3A_182 {offsets = [4], sizes = [1], strides = [1]} : vector<16xf32> to vector<1xf32>
                %squeeze3A_242 = vector.extract %slice3A_241[0] : f32 from vector<1xf32>
                %mul3A_243 = vector.broadcast %squeeze3A_242 : f32 to vector<16xf32>
                %mul3A_244 = arith.mulf %select_n3A, %mul3A_243 : vector<16xf32>
                %mul3A_245 = arith.constant 16 : i32
                %mul3A_246 = arith.muli %scan3A_151, %mul3A_245 : i32
                %add3A_247 = arith.constant 4 : i32
                %add3A_248 = arith.addi %mul3A_246, %add3A_247 : i32
                %swap3A_249 = arith.index_cast %add3A_248 : i32 to index
                %swap3A_250 = arith.constant 0 : index
                %swap3A_251 = tpu.vector_load %arg16[%swap3A_249, %swap3A_250] {strides = array<i32>} : memref<128x16xf32, #tpu.memory_space<vmem>>, vector<16xf32>,
                tpu.vector_store %arg16[%swap3A_249, %swap3A_250], %mul3A_244 {strides = array<i32>} : memref<128x16xf32, #tpu.memory_space<vmem>>, vector<16xf32>,
                %slice3A_252 = vector.extract_strided_slice %select_n3A_182 {offsets = [5], sizes = [1], strides = [1]} : vector<16xf32> to vector<1xf32>
                %squeeze3A_253 = vector.extract %slice3A_252[0] : f32 from vector<1xf32>
                %mul3A_254 = vector.broadcast %squeeze3A_253 : f32 to vector<16xf32>
                %mul3A_255 = arith.mulf %select_n3A, %mul3A_254 : vector<16xf32>
                %mul3A_256 = arith.constant 16 : i32
                %mul3A_257 = arith.muli %scan3A_151, %mul3A_256 : i32
                %add3A_258 = arith.constant 5 : i32
                %add3A_259 = arith.addi %mul3A_257, %add3A_258 : i32
                %swap3A_260 = arith.index_cast %add3A_259 : i32 to index
                %swap3A_261 = arith.constant 0 : index
                %swap3A_262 = tpu.vector_load %arg16[%swap3A_260, %swap3A_261] {strides = array<i32>} : memref<128x16xf32, #tpu.memory_space<vmem>>, vector<16xf32>,
                tpu.vector_store %arg16[%swap3A_260, %swap3A_261], %mul3A_255 {strides = array<i32>} : memref<128x16xf32, #tpu.memory_space<vmem>>, vector<16xf32>,
                %slice3A_263 = vector.extract_strided_slice %select_n3A_182 {offsets = [6], sizes = [1], strides = [1]} : vector<16xf32> to vector<1xf32>
                %squeeze3A_264 = vector.extract %slice3A_263[0] : f32 from vector<1xf32>
                %mul3A_265 = vector.broadcast %squeeze3A_264 : f32 to vector<16xf32>
                %mul3A_266 = arith.mulf %select_n3A, %mul3A_265 : vector<16xf32>
                %mul3A_267 = arith.constant 16 : i32
                %mul3A_268 = arith.muli %scan3A_151, %mul3A_267 : i32
                %add3A_269 = arith.constant 6 : i32
                %add3A_270 = arith.addi %mul3A_268, %add3A_269 : i32
                %swap3A_271 = arith.index_cast %add3A_270 : i32 to index
                %swap3A_272 = arith.constant 0 : index
                %swap3A_273 = tpu.vector_load %arg16[%swap3A_271, %swap3A_272] {strides = array<i32>} : memref<128x16xf32, #tpu.memory_space<vmem>>, vector<16xf32>,
                tpu.vector_store %arg16[%swap3A_271, %swap3A_272], %mul3A_266 {strides = array<i32>} : memref<128x16xf32, #tpu.memory_space<vmem>>, vector<16xf32>,
                %slice3A_274 = vector.extract_strided_slice %select_n3A_182 {offsets = [7], sizes = [1], strides = [1]} : vector<16xf32> to vector<1xf32>
                %squeeze3A_275 = vector.extract %slice3A_274[0] : f32 from vector<1xf32>
                %mul3A_276 = vector.broadcast %squeeze3A_275 : f32 to vector<16xf32>
                %mul3A_277 = arith.mulf %select_n3A, %mul3A_276 : vector<16xf32>
                %mul3A_278 = arith.constant 16 : i32
                %mul3A_279 = arith.muli %scan3A_151, %mul3A_278 : i32
                %add3A_280 = arith.constant 7 : i32
                %add3A_281 = arith.addi %mul3A_279, %add3A_280 : i32
                %swap3A_282 = arith.index_cast %add3A_281 : i32 to index
                %swap3A_283 = arith.constant 0 : index
                %swap3A_284 = tpu.vector_load %arg16[%swap3A_282, %swap3A_283] {strides = array<i32>} : memref<128x16xf32, #tpu.memory_space<vmem>>, vector<16xf32>,
                tpu.vector_store %arg16[%swap3A_282, %swap3A_283], %mul3A_277 {strides = array<i32>} : memref<128x16xf32, #tpu.memory_space<vmem>>, vector<16xf32>,
                %slice3A_285 = vector.extract_strided_slice %select_n3A_182 {offsets = [8], sizes = [1], strides = [1]} : vector<16xf32> to vector<1xf32>
                %squeeze3A_286 = vector.extract %slice3A_285[0] : f32 from vector<1xf32>
                %mul3A_287 = vector.broadcast %squeeze3A_286 : f32 to vector<16xf32>
                %mul3A_288 = arith.mulf %select_n3A, %mul3A_287 : vector<16xf32>
                %mul3A_289 = arith.constant 16 : i32
                %mul3A_290 = arith.muli %scan3A_151, %mul3A_289 : i32
                %add3A_291 = arith.constant 8 : i32
                %add3A_292 = arith.addi %mul3A_290, %add3A_291 : i32
                %swap3A_293 = arith.index_cast %add3A_292 : i32 to index
                %swap3A_294 = arith.constant 0 : index
                %swap3A_295 = tpu.vector_load %arg16[%swap3A_293, %swap3A_294] {strides = array<i32>} : memref<128x16xf32, #tpu.memory_space<vmem>>, vector<16xf32>,
                tpu.vector_store %arg16[%swap3A_293, %swap3A_294], %mul3A_288 {strides = array<i32>} : memref<128x16xf32, #tpu.memory_space<vmem>>, vector<16xf32>,
                %slice3A_296 = vector.extract_strided_slice %select_n3A_182 {offsets = [9], sizes = [1], strides = [1]} : vector<16xf32> to vector<1xf32>
                %squeeze3A_297 = vector.extract %slice3A_296[0] : f32 from vector<1xf32>
                %mul3A_298 = vector.broadcast %squeeze3A_297 : f32 to vector<16xf32>
                %mul3A_299 = arith.mulf %select_n3A, %mul3A_298 : vector<16xf32>
                %mul3A_300 = arith.constant 16 : i32
                %mul3A_301 = arith.muli %scan3A_151, %mul3A_300 : i32
                %add3A_302 = arith.constant 9 : i32
                %add3A_303 = arith.addi %mul3A_301, %add3A_302 : i32
                %swap3A_304 = arith.index_cast %add3A_303 : i32 to index
                %swap3A_305 = arith.constant 0 : index
                %swap3A_306 = tpu.vector_load %arg16[%swap3A_304, %swap3A_305] {strides = array<i32>} : memref<128x16xf32, #tpu.memory_space<vmem>>, vector<16xf32>,
                tpu.vector_store %arg16[%swap3A_304, %swap3A_305], %mul3A_299 {strides = array<i32>} : memref<128x16xf32, #tpu.memory_space<vmem>>, vector<16xf32>,
                %slice3A_307 = vector.extract_strided_slice %select_n3A_182 {offsets = [10], sizes = [1], strides = [1]} : vector<16xf32> to vector<1xf32>
                %squeeze3A_308 = vector.extract %slice3A_307[0] : f32 from vector<1xf32>
                %mul3A_309 = vector.broadcast %squeeze3A_308 : f32 to vector<16xf32>
                %mul3A_310 = arith.mulf %select_n3A, %mul3A_309 : vector<16xf32>
                %mul3A_311 = arith.constant 16 : i32
                %mul3A_312 = arith.muli %scan3A_151, %mul3A_311 : i32
                %add3A_313 = arith.constant 10 : i32
                %add3A_314 = arith.addi %mul3A_312, %add3A_313 : i32
                %swap3A_315 = arith.index_cast %add3A_314 : i32 to index
                %swap3A_316 = arith.constant 0 : index
                %swap3A_317 = tpu.vector_load %arg16[%swap3A_315, %swap3A_316] {strides = array<i32>} : memref<128x16xf32, #tpu.memory_space<vmem>>, vector<16xf32>,
                tpu.vector_store %arg16[%swap3A_315, %swap3A_316], %mul3A_310 {strides = array<i32>} : memref<128x16xf32, #tpu.memory_space<vmem>>, vector<16xf32>,
                %slice3A_318 = vector.extract_strided_slice %select_n3A_182 {offsets = [11], sizes = [1], strides = [1]} : vector<16xf32> to vector<1xf32>
                %squeeze3A_319 = vector.extract %slice3A_318[0] : f32 from vector<1xf32>
                %mul3A_320 = vector.broadcast %squeeze3A_319 : f32 to vector<16xf32>
                %mul3A_321 = arith.mulf %select_n3A, %mul3A_320 : vector<16xf32>
                %mul3A_322 = arith.constant 16 : i32
                %mul3A_323 = arith.muli %scan3A_151, %mul3A_322 : i32
                %add3A_324 = arith.constant 11 : i32
                %add3A_325 = arith.addi %mul3A_323, %add3A_324 : i32
                %swap3A_326 = arith.index_cast %add3A_325 : i32 to index
                %swap3A_327 = arith.constant 0 : index
                %swap3A_328 = tpu.vector_load %arg16[%swap3A_326, %swap3A_327] {strides = array<i32>} : memref<128x16xf32, #tpu.memory_space<vmem>>, vector<16xf32>,
                tpu.vector_store %arg16[%swap3A_326, %swap3A_327], %mul3A_321 {strides = array<i32>} : memref<128x16xf32, #tpu.memory_space<vmem>>, vector<16xf32>,
                %slice3A_329 = vector.extract_strided_slice %select_n3A_182 {offsets = [12], sizes = [1], strides = [1]} : vector<16xf32> to vector<1xf32>
                %squeeze3A_330 = vector.extract %slice3A_329[0] : f32 from vector<1xf32>
                %mul3A_331 = vector.broadcast %squeeze3A_330 : f32 to vector<16xf32>
                %mul3A_332 = arith.mulf %select_n3A, %mul3A_331 : vector<16xf32>
                %mul3A_333 = arith.constant 16 : i32
                %mul3A_334 = arith.muli %scan3A_151, %mul3A_333 : i32
                %add3A_335 = arith.constant 12 : i32
                %add3A_336 = arith.addi %mul3A_334, %add3A_335 : i32
                %swap3A_337 = arith.index_cast %add3A_336 : i32 to index
                %swap3A_338 = arith.constant 0 : index
                %swap3A_339 = tpu.vector_load %arg16[%swap3A_337, %swap3A_338] {strides = array<i32>} : memref<128x16xf32, #tpu.memory_space<vmem>>, vector<16xf32>,
                tpu.vector_store %arg16[%swap3A_337, %swap3A_338], %mul3A_332 {strides = array<i32>} : memref<128x16xf32, #tpu.memory_space<vmem>>, vector<16xf32>,
                %slice3A_340 = vector.extract_strided_slice %select_n3A_182 {offsets = [13], sizes = [1], strides = [1]} : vector<16xf32> to vector<1xf32>
                %squeeze3A_341 = vector.extract %slice3A_340[0] : f32 from vector<1xf32>
                %mul3A_342 = vector.broadcast %squeeze3A_341 : f32 to vector<16xf32>
                %mul3A_343 = arith.mulf %select_n3A, %mul3A_342 : vector<16xf32>
                %mul3A_344 = arith.constant 16 : i32
                %mul3A_345 = arith.muli %scan3A_151, %mul3A_344 : i32
                %add3A_346 = arith.constant 13 : i32
                %add3A_347 = arith.addi %mul3A_345, %add3A_346 : i32
                %swap3A_348 = arith.index_cast %add3A_347 : i32 to index
                %swap3A_349 = arith.constant 0 : index
                %swap3A_350 = tpu.vector_load %arg16[%swap3A_348, %swap3A_349] {strides = array<i32>} : memref<128x16xf32, #tpu.memory_space<vmem>>, vector<16xf32>,
                tpu.vector_store %arg16[%swap3A_348, %swap3A_349], %mul3A_343 {strides = array<i32>} : memref<128x16xf32, #tpu.memory_space<vmem>>, vector<16xf32>,
                %slice3A_351 = vector.extract_strided_slice %select_n3A_182 {offsets = [14], sizes = [1], strides = [1]} : vector<16xf32> to vector<1xf32>
                %squeeze3A_352 = vector.extract %slice3A_351[0] : f32 from vector<1xf32>
                %mul3A_353 = vector.broadcast %squeeze3A_352 : f32 to vector<16xf32>
                %mul3A_354 = arith.mulf %select_n3A, %mul3A_353 : vector<16xf32>
                %mul3A_355 = arith.constant 16 : i32
                %mul3A_356 = arith.muli %scan3A_151, %mul3A_355 : i32
                %add3A_357 = arith.constant 14 : i32
                %add3A_358 = arith.addi %mul3A_356, %add3A_357 : i32
                %swap3A_359 = arith.index_cast %add3A_358 : i32 to index
                %swap3A_360 = arith.constant 0 : index
                %swap3A_361 = tpu.vector_load %arg16[%swap3A_359, %swap3A_360] {strides = array<i32>} : memref<128x16xf32, #tpu.memory_space<vmem>>, vector<16xf32>,
                tpu.vector_store %arg16[%swap3A_359, %swap3A_360], %mul3A_354 {strides = array<i32>} : memref<128x16xf32, #tpu.memory_space<vmem>>, vector<16xf32>,
                %slice3A_362 = vector.extract_strided_slice %select_n3A_182 {offsets = [15], sizes = [1], strides = [1]} : vector<16xf32> to vector<1xf32>
                %squeeze3A_363 = vector.extract %slice3A_362[0] : f32 from vector<1xf32>
                %mul3A_364 = vector.broadcast %squeeze3A_363 : f32 to vector<16xf32>
                %mul3A_365 = arith.mulf %select_n3A, %mul3A_364 : vector<16xf32>
                %mul3A_366 = arith.constant 16 : i32
                %mul3A_367 = arith.muli %scan3A_151, %mul3A_366 : i32
                %add3A_368 = arith.constant 15 : i32
                %add3A_369 = arith.addi %mul3A_367, %add3A_368 : i32
                %swap3A_370 = arith.index_cast %add3A_369 : i32 to index
                %swap3A_371 = arith.constant 0 : index
                %swap3A_372 = tpu.vector_load %arg16[%swap3A_370, %swap3A_371] {strides = array<i32>} : memref<128x16xf32, #tpu.memory_space<vmem>>, vector<16xf32>,
                tpu.vector_store %arg16[%swap3A_370, %swap3A_371], %mul3A_365 {strides = array<i32>} : memref<128x16xf32, #tpu.memory_space<vmem>>, vector<16xf32>,
              } else {
              }
              %scan3A_198 = arith.constant 0 : i32
              scf.yield %scan3A_198 : i32
            }
            %scan3A_149 = arith.constant 8 : i32
            "tpu.region"() ({
              %run_scoped3A = tpu.sem_alloc : memref<!tpu.dma_semaphore, #tpu.memory_space<semaphore_mem>>
              %dma_start3A = arith.constant 0 : i32
              %dma_start3A_151 = tpu.memref_slice %arg14[%scan3A_136, %dma_start3A] : memref<25x128xi32, #tpu.memory_space<vmem>> -> memref<1x128xi32, #tpu.memory_space<vmem>>
              %dma_start3A_152 = tpu.memref_squeeze %dma_start3A_151 : memref<1x128xi32, #tpu.memory_space<vmem>> -> memref<128xi32, #tpu.memory_space<vmem>>
              %dma_start3A_153 = arith.constant 0 : i32
              %dma_start3A_154 = arith.constant 0 : i32
              %dma_start3A_155 = tpu.memref_slice %arg17[%dma_start3A_153, %dma_start3A_154] : memref<12544x16xf32, #tpu.memory_space<vmem_shared>> -> memref<12544x16xf32, #tpu.memory_space<vmem_shared>>
              tpu.enqueue_indirect_dma source(%arg16 : memref<128x16xf32, #tpu.memory_space<vmem>>) target(%dma_start3A_155 : memref<12544x16xf32, #tpu.memory_space<vmem_shared>>) offsets(%dma_start3A_152 : memref<128xi32, #tpu.memory_space<vmem>>) semaphore(%run_scoped3A : memref<!tpu.dma_semaphore, #tpu.memory_space<semaphore_mem>>) {add = true}
              %dma_wait3A = arith.constant 0 : i32
              %dma_wait3A_156 = tpu.memref_slice %arg14[%scan3A_136, %dma_wait3A] : memref<25x128xi32, #tpu.memory_space<vmem>> -> memref<1x128xi32, #tpu.memory_space<vmem>>
              %dma_wait3A_157 = tpu.memref_squeeze %dma_wait3A_156 : memref<1x128xi32, #tpu.memory_space<vmem>> -> memref<128xi32, #tpu.memory_space<vmem>>
              %dma_wait3A_158 = arith.constant 0 : i32
              %dma_wait3A_159 = arith.constant 0 : i32
              %dma_wait3A_160 = tpu.memref_slice %arg17[%dma_wait3A_158, %dma_wait3A_159] : memref<12544x16xf32, #tpu.memory_space<vmem_shared>> -> memref<12544x16xf32, #tpu.memory_space<vmem_shared>>
              tpu.wait_indirect_dma semaphore(%run_scoped3A : memref<!tpu.dma_semaphore, #tpu.memory_space<semaphore_mem>>) src(%arg16 : memref<128x16xf32, #tpu.memory_space<vmem>>) dst(%dma_wait3A_160 : memref<12544x16xf32, #tpu.memory_space<vmem_shared>>)
              tpu.yield
            }) : () -> ()
            %scan3A_150 = arith.constant 0 : i32
            scf.yield %scan3A_150 : i32
          }
          %scan3A_134 = arith.constant 25 : i32
          %scan3A_135 = arith.constant 0 : i32
          scf.yield %scan3A_135 : i32
        }
        %scan3A_72 = arith.constant 32 : i32
        %barrier3A_73 = arith.constant 0 : index
        tpu.barrier barrier_id(%barrier3A_73)
        %lt3A_74 = arith.constant 2 : i32
        %lt3A_75 = arith.cmpi slt, %scan3A_64, %lt3A_74 : i32
        %convert_element_type3A = arith.extui %lt3A_75 : i1 to i32
        %cond3A = arith.constant 0 : i32
        %cond3A_76 = arith.cmpi ne, %convert_element_type3A, %cond3A : i32
        scf.if %cond3A_76 {
          %mul3A_83 = arith.constant 784 : i32
          %mul3A_84 = arith.muli %arg1, %mul3A_83 : i32
          %add3A_85 = arith.addi %mul3A_49, %mul3A_84 : i32
          %mul3A_86 = arith.constant 16 : i32
          %mul3A_87 = arith.muli %mul3A_86, %scan3A_64 : i32
          "tpu.region"() ({
            %run_scoped3A = tpu.sem_alloc : memref<!tpu.dma_semaphore, #tpu.memory_space<semaphore_mem>>
            %dma_start3A = tpu.memref_slice %arg8[%select_n3A_30, %add3A_85, %mul3A_87] : memref<4x50176x32xf32, #tpu.memory_space<hbm>> -> memref<1x784x16xf32, #tpu.memory_space<hbm>>
            %dma_start3A_88 = tpu.memref_squeeze %dma_start3A : memref<1x784x16xf32, #tpu.memory_space<hbm>> -> memref<784x16xf32, #tpu.memory_space<hbm>>
            %dma_start3A_89 = arith.constant 0 : i32
            %dma_start3A_90 = tpu.memref_slice %arg17[%mul3A_0, %dma_start3A_89] : memref<12544x16xf32, #tpu.memory_space<vmem_shared>> -> memref<784x16xf32, #tpu.memory_space<vmem_shared>>
            tpu.enqueue_dma source(%dma_start3A_90 : memref<784x16xf32, #tpu.memory_space<vmem_shared>>) target(%dma_start3A_88 : memref<784x16xf32, #tpu.memory_space<hbm>>) target_semaphore(%run_scoped3A : memref<!tpu.dma_semaphore, #tpu.memory_space<semaphore_mem>>)
            %dma_wait3A = tpu.memref_slice %arg8[%select_n3A_30, %add3A_85, %mul3A_87] : memref<4x50176x32xf32, #tpu.memory_space<hbm>> -> memref<1x784x16xf32, #tpu.memory_space<hbm>>
            %dma_wait3A_91 = tpu.memref_squeeze %dma_wait3A : memref<1x784x16xf32, #tpu.memory_space<hbm>> -> memref<784x16xf32, #tpu.memory_space<hbm>>
            %dma_wait3A_92 = arith.constant 0 : i32
            %dma_wait3A_93 = tpu.memref_slice %arg17[%mul3A_0, %dma_wait3A_92] : memref<12544x16xf32, #tpu.memory_space<vmem_shared>> -> memref<784x16xf32, #tpu.memory_space<vmem_shared>>
            tpu.wait_dma2 semaphore(%run_scoped3A : memref<!tpu.dma_semaphore, #tpu.memory_space<semaphore_mem>>) src(%dma_wait3A_93 : memref<784x16xf32, #tpu.memory_space<vmem_shared>>) dst(%dma_wait3A_91 : memref<784x16xf32, #tpu.memory_space<hbm>>)
            tpu.yield
          }) : () -> ()
        } else {
        }
        %eq3A_77 = arith.constant 2 : i32
        %eq3A_78 = arith.cmpi eq, %scan3A_64, %eq3A_77 : i32
        %convert_element_type3A_79 = arith.extui %eq3A_78 : i1 to i32
        %cond3A_80 = arith.constant 0 : i32
        %cond3A_81 = arith.cmpi ne, %convert_element_type3A_79, %cond3A_80 : i32
        scf.if %cond3A_81 {
          %mul3A_83 = arith.constant 784 : i32
          %mul3A_84 = arith.muli %arg1, %mul3A_83 : i32
          %add3A_85 = arith.addi %mul3A_49, %mul3A_84 : i32
          "tpu.region"() ({
            %run_scoped3A = tpu.sem_alloc : memref<!tpu.dma_semaphore, #tpu.memory_space<semaphore_mem>>
            %dma_start3A = arith.constant 0 : i32
            %dma_start3A_86 = tpu.memref_slice %arg9[%select_n3A_30, %add3A_85, %dma_start3A] : memref<4x50176x16xf32, #tpu.memory_space<hbm>> -> memref<1x784x16xf32, #tpu.memory_space<hbm>>
            %dma_start3A_87 = tpu.memref_squeeze %dma_start3A_86 : memref<1x784x16xf32, #tpu.memory_space<hbm>> -> memref<784x16xf32, #tpu.memory_space<hbm>>
            %dma_start3A_88 = arith.constant 0 : i32
            %dma_start3A_89 = tpu.memref_slice %arg17[%mul3A_0, %dma_start3A_88] : memref<12544x16xf32, #tpu.memory_space<vmem_shared>> -> memref<784x16xf32, #tpu.memory_space<vmem_shared>>
            tpu.enqueue_dma source(%dma_start3A_89 : memref<784x16xf32, #tpu.memory_space<vmem_shared>>) target(%dma_start3A_87 : memref<784x16xf32, #tpu.memory_space<hbm>>) target_semaphore(%run_scoped3A : memref<!tpu.dma_semaphore, #tpu.memory_space<semaphore_mem>>)
            %dma_wait3A = arith.constant 0 : i32
            %dma_wait3A_90 = tpu.memref_slice %arg9[%select_n3A_30, %add3A_85, %dma_wait3A] : memref<4x50176x16xf32, #tpu.memory_space<hbm>> -> memref<1x784x16xf32, #tpu.memory_space<hbm>>
            %dma_wait3A_91 = tpu.memref_squeeze %dma_wait3A_90 : memref<1x784x16xf32, #tpu.memory_space<hbm>> -> memref<784x16xf32, #tpu.memory_space<hbm>>
            %dma_wait3A_92 = arith.constant 0 : i32
            %dma_wait3A_93 = tpu.memref_slice %arg17[%mul3A_0, %dma_wait3A_92] : memref<12544x16xf32, #tpu.memory_space<vmem_shared>> -> memref<784x16xf32, #tpu.memory_space<vmem_shared>>
            tpu.wait_dma2 semaphore(%run_scoped3A : memref<!tpu.dma_semaphore, #tpu.memory_space<semaphore_mem>>) src(%dma_wait3A_93 : memref<784x16xf32, #tpu.memory_space<vmem_shared>>) dst(%dma_wait3A_91 : memref<784x16xf32, #tpu.memory_space<hbm>>)
            tpu.yield
          }) : () -> ()
        } else {
        }
        %scan3A_82 = arith.constant 0 : i32
        scf.yield %scan3A_82 : i32
      }
      %scan3A_62 = arith.constant 3 : i32
      %scan3A_63 = arith.constant 0 : i32
      scf.yield %scan3A_63 : i32
    }
    %scan3A_10 = arith.constant 8 : i32
    return
  }
}

module attributes {stable_mosaic.version = 14 : i64} {
  func.func @_kinv_body(%arg0: i32, %arg1: memref<8000x11xf32, #tpu.memory_space<vmem>>, %arg2: memref<11x32xf32, #tpu.memory_space<vmem>>, %arg3: memref<1x32xf32, #tpu.memory_space<vmem>>, %arg4: memref<11x32xf32, #tpu.memory_space<vmem>>, %arg5: memref<1x32xf32, #tpu.memory_space<vmem>>, %arg6: memref<8000x2xf32, #tpu.memory_space<vmem>>) attributes {dimension_semantics = [#tpu.dimension_semantics<arbitrary>], iteration_bounds = array<i64: 200>, scalar_prefetch = 0 : i64, scratch_operands = 0 : i64, tpu.core_type = #tpu.core_type<tc>, window_params = [{transform_indices = @transform_0, window_bounds = array<i64: 8000, 11>}, {pipeline_mode = #tpu.pipeline_mode<synchronous>, transform_indices = @transform_1, window_bounds = array<i64: 11, 32>}, {pipeline_mode = #tpu.pipeline_mode<synchronous>, transform_indices = @transform_2, window_bounds = array<i64: 1, 32>}, {pipeline_mode = #tpu.pipeline_mode<synchronous>, transform_indices = @transform_3, window_bounds = array<i64: 11, 32>}, {pipeline_mode = #tpu.pipeline_mode<synchronous>, transform_indices = @transform_4, window_bounds = array<i64: 1, 32>}, {transform_indices = @transform_5, window_bounds = array<i64: 8000, 2>}]} {
    %get3A = arith.constant 0 : index
    %get3A_0 = arith.constant 0 : index
    %get3A_1 = vector.load %arg2[%get3A, %get3A_0] : memref<11x32xf32, #tpu.memory_space<vmem>>, vector<11x32xf32>
    %get3A_2 = arith.constant 0 : index
    %get3A_3 = arith.constant 0 : index
    %get3A_4 = vector.load %arg3[%get3A_2, %get3A_3] : memref<1x32xf32, #tpu.memory_space<vmem>>, vector<1x32xf32>
    %mul3A = vector.broadcast %get3A_4 : vector<1x32xf32> to vector<11x32xf32>
    %mul3A_5 = arith.mulf %get3A_1, %mul3A : vector<11x32xf32>
    %reduce_sum3A = arith.constant dense<0.000000e+00> : vector<11xf32>
    %reduce_sum3A_6 = vector.multi_reduction <add>, %mul3A_5, %reduce_sum3A [1] : vector<11x32xf32> to vector<11xf32>
    %get3A_7 = arith.constant 0 : index
    %get3A_8 = arith.constant 0 : index
    %get3A_9 = vector.load %arg4[%get3A_7, %get3A_8] : memref<11x32xf32, #tpu.memory_space<vmem>>, vector<11x32xf32>
    %get3A_10 = arith.constant 0 : index
    %get3A_11 = arith.constant 0 : index
    %get3A_12 = vector.load %arg5[%get3A_10, %get3A_11] : memref<1x32xf32, #tpu.memory_space<vmem>>, vector<1x32xf32>
    %mul3A_13 = vector.broadcast %get3A_12 : vector<1x32xf32> to vector<11x32xf32>
    %mul3A_14 = arith.mulf %get3A_9, %mul3A_13 : vector<11x32xf32>
    %reduce_sum3A_15 = arith.constant dense<0.000000e+00> : vector<11xf32>
    %reduce_sum3A_16 = vector.multi_reduction <add>, %mul3A_14, %reduce_sum3A_15 [1] : vector<11x32xf32> to vector<11xf32>
    %stack3A = vector.shape_cast %reduce_sum3A_6 : vector<11xf32> to vector<11x1xf32>
    %stack3A_17 = vector.shape_cast %reduce_sum3A_16 : vector<11xf32> to vector<11x1xf32>
    %stack3A_18 = tpu.concatenate %stack3A, %stack3A_17 in 1 : vector<11x1xf32>, vector<11x1xf32> -> vector<11x2xf32>
    %get3A_19 = arith.constant 0 : index
    %get3A_20 = arith.constant 0 : index
    %get3A_21 = vector.load %arg1[%get3A_19, %get3A_20] : memref<8000x11xf32, #tpu.memory_space<vmem>>, vector<8000x11xf32>
    %dot_general3A = arith.constant dense<0.000000e+00> : vector<8000x2xf32>
    %dot_general3A_22 = tpu.matmul %get3A_21, %stack3A_18, %dot_general3A {dimension_numbers = #tpu.dot_dimension_numbers<[1], [0], [0], [1], [0, 0, 1, 1], [], []>, transpose_lhs_hint = false} : vector<8000x11xf32>, vector<11x2xf32>, vector<8000x2xf32> -> vector<8000x2xf32>
    %swap3A = arith.constant 0 : index
    %swap3A_23 = arith.constant 0 : index
    %swap3A_24 = vector.load %arg6[%swap3A, %swap3A_23] : memref<8000x2xf32, #tpu.memory_space<vmem>>, vector<8000x2xf32>
    tpu.vector_store %arg6[%swap3A, %swap3A_23], %dot_general3A_22 {strides = array<i32>} : memref<8000x2xf32, #tpu.memory_space<vmem>>, vector<8000x2xf32>,
    return
  }
  func.func @transform_0(%arg0: i32) -> (i32, i32) {
    %c0_i32 = arith.constant 0 : i32
    %c0_i32_0 = arith.constant 0 : i32
    return %arg0, %c0_i32 : i32, i32
  }
  func.func @transform_1(%arg0: i32) -> (i32, i32) {
    %c0_i32 = arith.constant 0 : i32
    %c0_i32_0 = arith.constant 0 : i32
    %c0_i32_1 = arith.constant 0 : i32
    return %c0_i32, %c0_i32_0 : i32, i32
  }
  func.func @transform_2(%arg0: i32) -> (i32, i32) {
    %c0_i32 = arith.constant 0 : i32
    %c0_i32_0 = arith.constant 0 : i32
    %c0_i32_1 = arith.constant 0 : i32
    return %c0_i32, %c0_i32_0 : i32, i32
  }
  func.func @transform_3(%arg0: i32) -> (i32, i32) {
    %c0_i32 = arith.constant 0 : i32
    %c0_i32_0 = arith.constant 0 : i32
    %c0_i32_1 = arith.constant 0 : i32
    return %c0_i32, %c0_i32_0 : i32, i32
  }
  func.func @transform_4(%arg0: i32) -> (i32, i32) {
    %c0_i32 = arith.constant 0 : i32
    %c0_i32_0 = arith.constant 0 : i32
    %c0_i32_1 = arith.constant 0 : i32
    return %c0_i32, %c0_i32_0 : i32, i32
  }
  func.func @transform_5(%arg0: i32) -> (i32, i32) {
    %c0_i32 = arith.constant 0 : i32
    %c0_i32_0 = arith.constant 0 : i32
    return %arg0, %c0_i32 : i32, i32
  }
}

module attributes {stable_mosaic.version = 14 : i64} {
  func.func @_k1_body(%arg0: i32, %arg1: memref<1024x54xf32, #tpu.memory_space<vmem>>, %arg2: memref<54x128xf32, #tpu.memory_space<vmem>>, %arg3: memref<128x8xf32, #tpu.memory_space<vmem>>, %arg4: memref<4x2x1024x16xf32, #tpu.memory_space<vmem>>, %arg5: memref<1024x8xf32, #tpu.memory_space<vmem>>) attributes {dimension_semantics = [#tpu.dimension_semantics<arbitrary>], iteration_bounds = array<i64: 49>, scalar_prefetch = 0 : i64, scratch_operands = 0 : i64, tpu.core_type = #tpu.core_type<tc>, window_params = [{transform_indices = @transform_0, window_bounds = array<i64: 1024, 54>}, {pipeline_mode = #tpu.pipeline_mode<synchronous>, transform_indices = @transform_1, window_bounds = array<i64: 54, 128>}, {pipeline_mode = #tpu.pipeline_mode<synchronous>, transform_indices = @transform_2, window_bounds = array<i64: 128, 8>}, {transform_indices = @transform_3, window_bounds = array<i64: 4, 2, 1024, 16>}, {transform_indices = @transform_4, window_bounds = array<i64: 1024, 8>}]} {
    %get3A = arith.constant 0 : index
    %get3A_0 = arith.constant 0 : index
    %get3A_1 = vector.load %arg1[%get3A, %get3A_0] : memref<1024x54xf32, #tpu.memory_space<vmem>>, vector<1024x54xf32>
    %get3A_2 = arith.constant 0 : index
    %get3A_3 = arith.constant 0 : index
    %get3A_4 = vector.load %arg2[%get3A_2, %get3A_3] : memref<54x128xf32, #tpu.memory_space<vmem>>, vector<54x128xf32>
    %dot_general3A = arith.constant dense<0.000000e+00> : vector<1024x128xf32>
    %dot_general3A_5 = tpu.matmul %get3A_1, %get3A_4, %dot_general3A {dimension_numbers = #tpu.dot_dimension_numbers<[1], [0], [0], [1], [0, 0, 1, 1], [], []>, transpose_lhs_hint = false} : vector<1024x54xf32>, vector<54x128xf32>, vector<1024x128xf32> -> vector<1024x128xf32>
    %slice3A = vector.extract_strided_slice %dot_general3A_5 {offsets = [0, 0], sizes = [1024, 16], strides = [1, 1]} : vector<1024x128xf32> to vector<1024x16xf32>
    %swap3A = arith.constant 0 : index
    %swap3A_6 = arith.constant 0 : index
    %swap3A_7 = arith.constant 0 : index
    %swap3A_8 = arith.constant 0 : index
    %swap3A_9 = vector.load %arg4[%swap3A, %swap3A_6, %swap3A_7, %swap3A_8] : memref<4x2x1024x16xf32, #tpu.memory_space<vmem>>, vector<1x1x1024x16xf32>
    %swap3A_10 = vector.shape_cast %swap3A_9 : vector<1x1x1024x16xf32> to vector<1024x16xf32>
    %swap3A_11 = vector.shape_cast %slice3A : vector<1024x16xf32> to vector<1x1x1024x16xf32>
    tpu.vector_store %arg4[%swap3A, %swap3A_6, %swap3A_7, %swap3A_8], %swap3A_11 {strides = array<i32>} : memref<4x2x1024x16xf32, #tpu.memory_space<vmem>>, vector<1x1x1024x16xf32>,
    %slice3A_12 = vector.extract_strided_slice %dot_general3A_5 {offsets = [0, 16], sizes = [1024, 16], strides = [1, 1]} : vector<1024x128xf32> to vector<1024x16xf32>
    %swap3A_13 = arith.constant 0 : index
    %swap3A_14 = arith.constant 1 : index
    %swap3A_15 = arith.constant 0 : index
    %swap3A_16 = arith.constant 0 : index
    %swap3A_17 = vector.load %arg4[%swap3A_13, %swap3A_14, %swap3A_15, %swap3A_16] : memref<4x2x1024x16xf32, #tpu.memory_space<vmem>>, vector<1x1x1024x16xf32>
    %swap3A_18 = vector.shape_cast %swap3A_17 : vector<1x1x1024x16xf32> to vector<1024x16xf32>
    %swap3A_19 = vector.shape_cast %slice3A_12 : vector<1024x16xf32> to vector<1x1x1024x16xf32>
    tpu.vector_store %arg4[%swap3A_13, %swap3A_14, %swap3A_15, %swap3A_16], %swap3A_19 {strides = array<i32>} : memref<4x2x1024x16xf32, #tpu.memory_space<vmem>>, vector<1x1x1024x16xf32>,
    %slice3A_20 = vector.extract_strided_slice %dot_general3A_5 {offsets = [0, 32], sizes = [1024, 16], strides = [1, 1]} : vector<1024x128xf32> to vector<1024x16xf32>
    %swap3A_21 = arith.constant 1 : index
    %swap3A_22 = arith.constant 0 : index
    %swap3A_23 = arith.constant 0 : index
    %swap3A_24 = arith.constant 0 : index
    %swap3A_25 = vector.load %arg4[%swap3A_21, %swap3A_22, %swap3A_23, %swap3A_24] : memref<4x2x1024x16xf32, #tpu.memory_space<vmem>>, vector<1x1x1024x16xf32>
    %swap3A_26 = vector.shape_cast %swap3A_25 : vector<1x1x1024x16xf32> to vector<1024x16xf32>
    %swap3A_27 = vector.shape_cast %slice3A_20 : vector<1024x16xf32> to vector<1x1x1024x16xf32>
    tpu.vector_store %arg4[%swap3A_21, %swap3A_22, %swap3A_23, %swap3A_24], %swap3A_27 {strides = array<i32>} : memref<4x2x1024x16xf32, #tpu.memory_space<vmem>>, vector<1x1x1024x16xf32>,
    %slice3A_28 = vector.extract_strided_slice %dot_general3A_5 {offsets = [0, 48], sizes = [1024, 16], strides = [1, 1]} : vector<1024x128xf32> to vector<1024x16xf32>
    %swap3A_29 = arith.constant 1 : index
    %swap3A_30 = arith.constant 1 : index
    %swap3A_31 = arith.constant 0 : index
    %swap3A_32 = arith.constant 0 : index
    %swap3A_33 = vector.load %arg4[%swap3A_29, %swap3A_30, %swap3A_31, %swap3A_32] : memref<4x2x1024x16xf32, #tpu.memory_space<vmem>>, vector<1x1x1024x16xf32>
    %swap3A_34 = vector.shape_cast %swap3A_33 : vector<1x1x1024x16xf32> to vector<1024x16xf32>
    %swap3A_35 = vector.shape_cast %slice3A_28 : vector<1024x16xf32> to vector<1x1x1024x16xf32>
    tpu.vector_store %arg4[%swap3A_29, %swap3A_30, %swap3A_31, %swap3A_32], %swap3A_35 {strides = array<i32>} : memref<4x2x1024x16xf32, #tpu.memory_space<vmem>>, vector<1x1x1024x16xf32>,
    %slice3A_36 = vector.extract_strided_slice %dot_general3A_5 {offsets = [0, 64], sizes = [1024, 16], strides = [1, 1]} : vector<1024x128xf32> to vector<1024x16xf32>
    %swap3A_37 = arith.constant 2 : index
    %swap3A_38 = arith.constant 0 : index
    %swap3A_39 = arith.constant 0 : index
    %swap3A_40 = arith.constant 0 : index
    %swap3A_41 = vector.load %arg4[%swap3A_37, %swap3A_38, %swap3A_39, %swap3A_40] : memref<4x2x1024x16xf32, #tpu.memory_space<vmem>>, vector<1x1x1024x16xf32>
    %swap3A_42 = vector.shape_cast %swap3A_41 : vector<1x1x1024x16xf32> to vector<1024x16xf32>
    %swap3A_43 = vector.shape_cast %slice3A_36 : vector<1024x16xf32> to vector<1x1x1024x16xf32>
    tpu.vector_store %arg4[%swap3A_37, %swap3A_38, %swap3A_39, %swap3A_40], %swap3A_43 {strides = array<i32>} : memref<4x2x1024x16xf32, #tpu.memory_space<vmem>>, vector<1x1x1024x16xf32>,
    %slice3A_44 = vector.extract_strided_slice %dot_general3A_5 {offsets = [0, 80], sizes = [1024, 16], strides = [1, 1]} : vector<1024x128xf32> to vector<1024x16xf32>
    %swap3A_45 = arith.constant 2 : index
    %swap3A_46 = arith.constant 1 : index
    %swap3A_47 = arith.constant 0 : index
    %swap3A_48 = arith.constant 0 : index
    %swap3A_49 = vector.load %arg4[%swap3A_45, %swap3A_46, %swap3A_47, %swap3A_48] : memref<4x2x1024x16xf32, #tpu.memory_space<vmem>>, vector<1x1x1024x16xf32>
    %swap3A_50 = vector.shape_cast %swap3A_49 : vector<1x1x1024x16xf32> to vector<1024x16xf32>
    %swap3A_51 = vector.shape_cast %slice3A_44 : vector<1024x16xf32> to vector<1x1x1024x16xf32>
    tpu.vector_store %arg4[%swap3A_45, %swap3A_46, %swap3A_47, %swap3A_48], %swap3A_51 {strides = array<i32>} : memref<4x2x1024x16xf32, #tpu.memory_space<vmem>>, vector<1x1x1024x16xf32>,
    %slice3A_52 = vector.extract_strided_slice %dot_general3A_5 {offsets = [0, 96], sizes = [1024, 16], strides = [1, 1]} : vector<1024x128xf32> to vector<1024x16xf32>
    %swap3A_53 = arith.constant 3 : index
    %swap3A_54 = arith.constant 0 : index
    %swap3A_55 = arith.constant 0 : index
    %swap3A_56 = arith.constant 0 : index
    %swap3A_57 = vector.load %arg4[%swap3A_53, %swap3A_54, %swap3A_55, %swap3A_56] : memref<4x2x1024x16xf32, #tpu.memory_space<vmem>>, vector<1x1x1024x16xf32>
    %swap3A_58 = vector.shape_cast %swap3A_57 : vector<1x1x1024x16xf32> to vector<1024x16xf32>
    %swap3A_59 = vector.shape_cast %slice3A_52 : vector<1024x16xf32> to vector<1x1x1024x16xf32>
    tpu.vector_store %arg4[%swap3A_53, %swap3A_54, %swap3A_55, %swap3A_56], %swap3A_59 {strides = array<i32>} : memref<4x2x1024x16xf32, #tpu.memory_space<vmem>>, vector<1x1x1024x16xf32>,
    %slice3A_60 = vector.extract_strided_slice %dot_general3A_5 {offsets = [0, 112], sizes = [1024, 16], strides = [1, 1]} : vector<1024x128xf32> to vector<1024x16xf32>
    %swap3A_61 = arith.constant 3 : index
    %swap3A_62 = arith.constant 1 : index
    %swap3A_63 = arith.constant 0 : index
    %swap3A_64 = arith.constant 0 : index
    %swap3A_65 = vector.load %arg4[%swap3A_61, %swap3A_62, %swap3A_63, %swap3A_64] : memref<4x2x1024x16xf32, #tpu.memory_space<vmem>>, vector<1x1x1024x16xf32>
    %swap3A_66 = vector.shape_cast %swap3A_65 : vector<1x1x1024x16xf32> to vector<1024x16xf32>
    %swap3A_67 = vector.shape_cast %slice3A_60 : vector<1024x16xf32> to vector<1x1x1024x16xf32>
    tpu.vector_store %arg4[%swap3A_61, %swap3A_62, %swap3A_63, %swap3A_64], %swap3A_67 {strides = array<i32>} : memref<4x2x1024x16xf32, #tpu.memory_space<vmem>>, vector<1x1x1024x16xf32>,
    %get3A_68 = arith.constant 0 : index
    %get3A_69 = arith.constant 0 : index
    %get3A_70 = vector.load %arg3[%get3A_68, %get3A_69] : memref<128x8xf32, #tpu.memory_space<vmem>>, vector<128x8xf32>
    %dot_general3A_71 = arith.constant dense<0.000000e+00> : vector<1024x8xf32>
    %dot_general3A_72 = tpu.matmul %dot_general3A_5, %get3A_70, %dot_general3A_71 {dimension_numbers = #tpu.dot_dimension_numbers<[1], [0], [0], [1], [0, 0, 1, 1], [], []>, transpose_lhs_hint = false} : vector<1024x128xf32>, vector<128x8xf32>, vector<1024x8xf32> -> vector<1024x8xf32>
    %swap3A_73 = arith.constant 0 : index
    %swap3A_74 = arith.constant 0 : index
    %swap3A_75 = vector.load %arg5[%swap3A_73, %swap3A_74] : memref<1024x8xf32, #tpu.memory_space<vmem>>, vector<1024x8xf32>
    tpu.vector_store %arg5[%swap3A_73, %swap3A_74], %dot_general3A_72 {strides = array<i32>} : memref<1024x8xf32, #tpu.memory_space<vmem>>, vector<1024x8xf32>,
    return
  }
  func.func @transform_0(%arg0: i32) -> (i32, i32) {
    %c0_i32 = arith.constant 0 : i32
    %c0_i32_0 = arith.constant 0 : i32
    return %arg0, %c0_i32 : i32, i32
  }
  func.func @transform_1(%arg0: i32) -> (i32, i32) {
    %c0_i32 = arith.constant 0 : i32
    %c0_i32_0 = arith.constant 0 : i32
    %c0_i32_1 = arith.constant 0 : i32
    return %c0_i32, %c0_i32_0 : i32, i32
  }
  func.func @transform_2(%arg0: i32) -> (i32, i32) {
    %c0_i32 = arith.constant 0 : i32
    %c0_i32_0 = arith.constant 0 : i32
    %c0_i32_1 = arith.constant 0 : i32
    return %c0_i32, %c0_i32_0 : i32, i32
  }
  func.func @transform_3(%arg0: i32) -> (i32, i32, i32, i32) {
    %c0_i32 = arith.constant 0 : i32
    %c0_i32_0 = arith.constant 0 : i32
    %c0_i32_1 = arith.constant 0 : i32
    %c0_i32_2 = arith.constant 0 : i32
    return %c0_i32, %c0_i32_0, %arg0, %c0_i32_1 : i32, i32, i32, i32
  }
  func.func @transform_4(%arg0: i32) -> (i32, i32) {
    %c0_i32 = arith.constant 0 : i32
    %c0_i32_0 = arith.constant 0 : i32
    return %arg0, %c0_i32 : i32, i32
  }
}

module attributes {stable_mosaic.version = 14 : i64} {
  func.func @_kadd_body(%arg0: i32, %arg1: memref<8192xf32, #tpu.memory_space<vmem>>, %arg2: memref<8192xf32, #tpu.memory_space<vmem>>, %arg3: memref<8192xf32, #tpu.memory_space<vmem>>) attributes {dimension_semantics = [#tpu.dimension_semantics<arbitrary>], iteration_bounds = array<i64: 200>, scalar_prefetch = 0 : i64, scratch_operands = 0 : i64, tpu.core_type = #tpu.core_type<tc>, window_params = [{transform_indices = @transform_0, window_bounds = array<i64: 8192>}, {transform_indices = @transform_1, window_bounds = array<i64: 8192>}, {transform_indices = @transform_2, window_bounds = array<i64: 8192>}]} {
    %get3A = arith.constant 0 : index
    %get3A_0 = vector.load %arg1[%get3A] : memref<8192xf32, #tpu.memory_space<vmem>>, vector<8192xf32>
    %get3A_1 = arith.constant 0 : index
    %get3A_2 = vector.load %arg2[%get3A_1] : memref<8192xf32, #tpu.memory_space<vmem>>, vector<8192xf32>
    %add3A = arith.addf %get3A_0, %get3A_2 : vector<8192xf32>
    %swap3A = arith.constant 0 : index
    %swap3A_3 = vector.load %arg3[%swap3A] : memref<8192xf32, #tpu.memory_space<vmem>>, vector<8192xf32>
    tpu.vector_store %arg3[%swap3A], %add3A {strides = array<i32>} : memref<8192xf32, #tpu.memory_space<vmem>>, vector<8192xf32>,
    return
  }
  func.func @transform_0(%arg0: i32) -> i32 {
    %c0_i32 = arith.constant 0 : i32
    return %arg0 : i32
  }
  func.func @transform_1(%arg0: i32) -> i32 {
    %c0_i32 = arith.constant 0 : i32
    return %arg0 : i32
  }
  func.func @transform_2(%arg0: i32) -> i32 {
    %c0_i32 = arith.constant 0 : i32
    return %arg0 : i32
  }
}

module attributes {stable_mosaic.version = 14 : i64} {
  func.func @_k2_body(%arg0: i32, %arg1: memref<4x1024x32xf32, #tpu.memory_space<vmem>>, %arg2: memref<4x1024x32xf32, #tpu.memory_space<vmem>>, %arg3: memref<4x1024x16xf32, #tpu.memory_space<vmem>>, %arg4: memref<128x128xf32, #tpu.memory_space<vmem>>, %arg5: memref<128x8xf32, #tpu.memory_space<vmem>>, %arg6: memref<4x1024x32xf32, #tpu.memory_space<vmem>>, %arg7: memref<4x2x1024x16xf32, #tpu.memory_space<vmem>>, %arg8: memref<1024x8xf32, #tpu.memory_space<vmem>>) attributes {dimension_semantics = [#tpu.dimension_semantics<arbitrary>], iteration_bounds = array<i64: 49>, scalar_prefetch = 0 : i64, scratch_operands = 0 : i64, tpu.core_type = #tpu.core_type<tc>, window_params = [{transform_indices = @transform_0, window_bounds = array<i64: 4, 1024, 32>}, {transform_indices = @transform_1, window_bounds = array<i64: 4, 1024, 32>}, {transform_indices = @transform_2, window_bounds = array<i64: 4, 1024, 16>}, {pipeline_mode = #tpu.pipeline_mode<synchronous>, transform_indices = @transform_3, window_bounds = array<i64: 128, 128>}, {pipeline_mode = #tpu.pipeline_mode<synchronous>, transform_indices = @transform_4, window_bounds = array<i64: 128, 8>}, {transform_indices = @transform_5, window_bounds = array<i64: 4, 1024, 32>}, {transform_indices = @transform_6, window_bounds = array<i64: 4, 2, 1024, 16>}, {transform_indices = @transform_7, window_bounds = array<i64: 1024, 8>}]} {
    %get3A = arith.constant 0 : index
    %get3A_0 = arith.constant 0 : index
    %get3A_1 = arith.constant 0 : index
    %get3A_2 = vector.load %arg1[%get3A, %get3A_0, %get3A_1] : memref<4x1024x32xf32, #tpu.memory_space<vmem>>, vector<1x1024x32xf32>
    %get3A_3 = vector.shape_cast %get3A_2 : vector<1x1024x32xf32> to vector<1024x32xf32>
    %get3A_4 = arith.constant 0 : index
    %get3A_5 = arith.constant 0 : index
    %get3A_6 = arith.constant 0 : index
    %get3A_7 = vector.load %arg2[%get3A_4, %get3A_5, %get3A_6] : memref<4x1024x32xf32, #tpu.memory_space<vmem>>, vector<1x1024x32xf32>
    %get3A_8 = vector.shape_cast %get3A_7 : vector<1x1024x32xf32> to vector<1024x32xf32>
    %get3A_9 = arith.constant 0 : index
    %get3A_10 = arith.constant 0 : index
    %get3A_11 = arith.constant 0 : index
    %get3A_12 = vector.load %arg3[%get3A_9, %get3A_10, %get3A_11] : memref<4x1024x16xf32, #tpu.memory_space<vmem>>, vector<1x1024x16xf32>
    %get3A_13 = vector.shape_cast %get3A_12 : vector<1x1024x16xf32> to vector<1024x16xf32>
    %slice3A = vector.extract_strided_slice %get3A_13 {offsets = [0, 0], sizes = [1024, 1], strides = [1, 1]} : vector<1024x16xf32> to vector<1024x1xf32>
    %add3A = arith.constant 1.000000e-16 : f32
    %add3A_14 = vector.broadcast %add3A : f32 to vector<1024x1xf32>
    %add3A_15 = arith.addf %slice3A, %add3A_14 : vector<1024x1xf32>
    %div3A = vector.broadcast %add3A_15 : vector<1024x1xf32> to vector<1024x32xf32>
    %div3A_16 = arith.divf %get3A_8, %div3A : vector<1024x32xf32>
    %add3A_17 = arith.addf %get3A_3, %div3A_16 : vector<1024x32xf32>
    %swap3A = arith.constant 0 : index
    %swap3A_18 = arith.constant 0 : index
    %swap3A_19 = arith.constant 0 : index
    %swap3A_20 = vector.load %arg6[%swap3A, %swap3A_18, %swap3A_19] : memref<4x1024x32xf32, #tpu.memory_space<vmem>>, vector<1x1024x32xf32>
    %swap3A_21 = vector.shape_cast %swap3A_20 : vector<1x1024x32xf32> to vector<1024x32xf32>
    %swap3A_22 = vector.shape_cast %add3A_17 : vector<1024x32xf32> to vector<1x1024x32xf32>
    tpu.vector_store %arg6[%swap3A, %swap3A_18, %swap3A_19], %swap3A_22 {strides = array<i32>} : memref<4x1024x32xf32, #tpu.memory_space<vmem>>, vector<1x1024x32xf32>,
    %get3A_23 = arith.constant 1 : index
    %get3A_24 = arith.constant 0 : index
    %get3A_25 = arith.constant 0 : index
    %get3A_26 = vector.load %arg1[%get3A_23, %get3A_24, %get3A_25] : memref<4x1024x32xf32, #tpu.memory_space<vmem>>, vector<1x1024x32xf32>
    %get3A_27 = vector.shape_cast %get3A_26 : vector<1x1024x32xf32> to vector<1024x32xf32>
    %get3A_28 = arith.constant 1 : index
    %get3A_29 = arith.constant 0 : index
    %get3A_30 = arith.constant 0 : index
    %get3A_31 = vector.load %arg2[%get3A_28, %get3A_29, %get3A_30] : memref<4x1024x32xf32, #tpu.memory_space<vmem>>, vector<1x1024x32xf32>
    %get3A_32 = vector.shape_cast %get3A_31 : vector<1x1024x32xf32> to vector<1024x32xf32>
    %get3A_33 = arith.constant 1 : index
    %get3A_34 = arith.constant 0 : index
    %get3A_35 = arith.constant 0 : index
    %get3A_36 = vector.load %arg3[%get3A_33, %get3A_34, %get3A_35] : memref<4x1024x16xf32, #tpu.memory_space<vmem>>, vector<1x1024x16xf32>
    %get3A_37 = vector.shape_cast %get3A_36 : vector<1x1024x16xf32> to vector<1024x16xf32>
    %slice3A_38 = vector.extract_strided_slice %get3A_37 {offsets = [0, 0], sizes = [1024, 1], strides = [1, 1]} : vector<1024x16xf32> to vector<1024x1xf32>
    %add3A_39 = arith.constant 1.000000e-16 : f32
    %add3A_40 = vector.broadcast %add3A_39 : f32 to vector<1024x1xf32>
    %add3A_41 = arith.addf %slice3A_38, %add3A_40 : vector<1024x1xf32>
    %div3A_42 = vector.broadcast %add3A_41 : vector<1024x1xf32> to vector<1024x32xf32>
    %div3A_43 = arith.divf %get3A_32, %div3A_42 : vector<1024x32xf32>
    %add3A_44 = arith.addf %get3A_27, %div3A_43 : vector<1024x32xf32>
    %swap3A_45 = arith.constant 1 : index
    %swap3A_46 = arith.constant 0 : index
    %swap3A_47 = arith.constant 0 : index
    %swap3A_48 = vector.load %arg6[%swap3A_45, %swap3A_46, %swap3A_47] : memref<4x1024x32xf32, #tpu.memory_space<vmem>>, vector<1x1024x32xf32>
    %swap3A_49 = vector.shape_cast %swap3A_48 : vector<1x1024x32xf32> to vector<1024x32xf32>
    %swap3A_50 = vector.shape_cast %add3A_44 : vector<1024x32xf32> to vector<1x1024x32xf32>
    tpu.vector_store %arg6[%swap3A_45, %swap3A_46, %swap3A_47], %swap3A_50 {strides = array<i32>} : memref<4x1024x32xf32, #tpu.memory_space<vmem>>, vector<1x1024x32xf32>,
    %get3A_51 = arith.constant 2 : index
    %get3A_52 = arith.constant 0 : index
    %get3A_53 = arith.constant 0 : index
    %get3A_54 = vector.load %arg1[%get3A_51, %get3A_52, %get3A_53] : memref<4x1024x32xf32, #tpu.memory_space<vmem>>, vector<1x1024x32xf32>
    %get3A_55 = vector.shape_cast %get3A_54 : vector<1x1024x32xf32> to vector<1024x32xf32>
    %get3A_56 = arith.constant 2 : index
    %get3A_57 = arith.constant 0 : index
    %get3A_58 = arith.constant 0 : index
    %get3A_59 = vector.load %arg2[%get3A_56, %get3A_57, %get3A_58] : memref<4x1024x32xf32, #tpu.memory_space<vmem>>, vector<1x1024x32xf32>
    %get3A_60 = vector.shape_cast %get3A_59 : vector<1x1024x32xf32> to vector<1024x32xf32>
    %get3A_61 = arith.constant 2 : index
    %get3A_62 = arith.constant 0 : index
    %get3A_63 = arith.constant 0 : index
    %get3A_64 = vector.load %arg3[%get3A_61, %get3A_62, %get3A_63] : memref<4x1024x16xf32, #tpu.memory_space<vmem>>, vector<1x1024x16xf32>
    %get3A_65 = vector.shape_cast %get3A_64 : vector<1x1024x16xf32> to vector<1024x16xf32>
    %slice3A_66 = vector.extract_strided_slice %get3A_65 {offsets = [0, 0], sizes = [1024, 1], strides = [1, 1]} : vector<1024x16xf32> to vector<1024x1xf32>
    %add3A_67 = arith.constant 1.000000e-16 : f32
    %add3A_68 = vector.broadcast %add3A_67 : f32 to vector<1024x1xf32>
    %add3A_69 = arith.addf %slice3A_66, %add3A_68 : vector<1024x1xf32>
    %div3A_70 = vector.broadcast %add3A_69 : vector<1024x1xf32> to vector<1024x32xf32>
    %div3A_71 = arith.divf %get3A_60, %div3A_70 : vector<1024x32xf32>
    %add3A_72 = arith.addf %get3A_55, %div3A_71 : vector<1024x32xf32>
    %swap3A_73 = arith.constant 2 : index
    %swap3A_74 = arith.constant 0 : index
    %swap3A_75 = arith.constant 0 : index
    %swap3A_76 = vector.load %arg6[%swap3A_73, %swap3A_74, %swap3A_75] : memref<4x1024x32xf32, #tpu.memory_space<vmem>>, vector<1x1024x32xf32>
    %swap3A_77 = vector.shape_cast %swap3A_76 : vector<1x1024x32xf32> to vector<1024x32xf32>
    %swap3A_78 = vector.shape_cast %add3A_72 : vector<1024x32xf32> to vector<1x1024x32xf32>
    tpu.vector_store %arg6[%swap3A_73, %swap3A_74, %swap3A_75], %swap3A_78 {strides = array<i32>} : memref<4x1024x32xf32, #tpu.memory_space<vmem>>, vector<1x1024x32xf32>,
    %get3A_79 = arith.constant 3 : index
    %get3A_80 = arith.constant 0 : index
    %get3A_81 = arith.constant 0 : index
    %get3A_82 = vector.load %arg1[%get3A_79, %get3A_80, %get3A_81] : memref<4x1024x32xf32, #tpu.memory_space<vmem>>, vector<1x1024x32xf32>
    %get3A_83 = vector.shape_cast %get3A_82 : vector<1x1024x32xf32> to vector<1024x32xf32>
    %get3A_84 = arith.constant 3 : index
    %get3A_85 = arith.constant 0 : index
    %get3A_86 = arith.constant 0 : index
    %get3A_87 = vector.load %arg2[%get3A_84, %get3A_85, %get3A_86] : memref<4x1024x32xf32, #tpu.memory_space<vmem>>, vector<1x1024x32xf32>
    %get3A_88 = vector.shape_cast %get3A_87 : vector<1x1024x32xf32> to vector<1024x32xf32>
    %get3A_89 = arith.constant 3 : index
    %get3A_90 = arith.constant 0 : index
    %get3A_91 = arith.constant 0 : index
    %get3A_92 = vector.load %arg3[%get3A_89, %get3A_90, %get3A_91] : memref<4x1024x16xf32, #tpu.memory_space<vmem>>, vector<1x1024x16xf32>
    %get3A_93 = vector.shape_cast %get3A_92 : vector<1x1024x16xf32> to vector<1024x16xf32>
    %slice3A_94 = vector.extract_strided_slice %get3A_93 {offsets = [0, 0], sizes = [1024, 1], strides = [1, 1]} : vector<1024x16xf32> to vector<1024x1xf32>
    %add3A_95 = arith.constant 1.000000e-16 : f32
    %add3A_96 = vector.broadcast %add3A_95 : f32 to vector<1024x1xf32>
    %add3A_97 = arith.addf %slice3A_94, %add3A_96 : vector<1024x1xf32>
    %div3A_98 = vector.broadcast %add3A_97 : vector<1024x1xf32> to vector<1024x32xf32>
    %div3A_99 = arith.divf %get3A_88, %div3A_98 : vector<1024x32xf32>
    %add3A_100 = arith.addf %get3A_83, %div3A_99 : vector<1024x32xf32>
    %swap3A_101 = arith.constant 3 : index
    %swap3A_102 = arith.constant 0 : index
    %swap3A_103 = arith.constant 0 : index
    %swap3A_104 = vector.load %arg6[%swap3A_101, %swap3A_102, %swap3A_103] : memref<4x1024x32xf32, #tpu.memory_space<vmem>>, vector<1x1024x32xf32>
    %swap3A_105 = vector.shape_cast %swap3A_104 : vector<1x1024x32xf32> to vector<1024x32xf32>
    %swap3A_106 = vector.shape_cast %add3A_100 : vector<1024x32xf32> to vector<1x1024x32xf32>
    tpu.vector_store %arg6[%swap3A_101, %swap3A_102, %swap3A_103], %swap3A_106 {strides = array<i32>} : memref<4x1024x32xf32, #tpu.memory_space<vmem>>, vector<1x1024x32xf32>,
    %concatenate3A = tpu.concatenate %add3A_17, %add3A_44, %add3A_72, %add3A_100 in 1 : vector<1024x32xf32>, vector<1024x32xf32>, vector<1024x32xf32>, vector<1024x32xf32> -> vector<1024x128xf32>
    %get3A_107 = arith.constant 0 : index
    %get3A_108 = arith.constant 0 : index
    %get3A_109 = vector.load %arg4[%get3A_107, %get3A_108] : memref<128x128xf32, #tpu.memory_space<vmem>>, vector<128x128xf32>
    %dot_general3A = arith.constant dense<0.000000e+00> : vector<1024x128xf32>
    %dot_general3A_110 = tpu.matmul %concatenate3A, %get3A_109, %dot_general3A {dimension_numbers = #tpu.dot_dimension_numbers<[1], [0], [0], [1], [0, 0, 1, 1], [], []>, transpose_lhs_hint = false} : vector<1024x128xf32>, vector<128x128xf32>, vector<1024x128xf32> -> vector<1024x128xf32>
    %slice3A_111 = vector.extract_strided_slice %dot_general3A_110 {offsets = [0, 0], sizes = [1024, 16], strides = [1, 1]} : vector<1024x128xf32> to vector<1024x16xf32>
    %swap3A_112 = arith.constant 0 : index
    %swap3A_113 = arith.constant 0 : index
    %swap3A_114 = arith.constant 0 : index
    %swap3A_115 = arith.constant 0 : index
    %swap3A_116 = vector.load %arg7[%swap3A_112, %swap3A_113, %swap3A_114, %swap3A_115] : memref<4x2x1024x16xf32, #tpu.memory_space<vmem>>, vector<1x1x1024x16xf32>
    %swap3A_117 = vector.shape_cast %swap3A_116 : vector<1x1x1024x16xf32> to vector<1024x16xf32>
    %swap3A_118 = vector.shape_cast %slice3A_111 : vector<1024x16xf32> to vector<1x1x1024x16xf32>
    tpu.vector_store %arg7[%swap3A_112, %swap3A_113, %swap3A_114, %swap3A_115], %swap3A_118 {strides = array<i32>} : memref<4x2x1024x16xf32, #tpu.memory_space<vmem>>, vector<1x1x1024x16xf32>,
    %slice3A_119 = vector.extract_strided_slice %dot_general3A_110 {offsets = [0, 16], sizes = [1024, 16], strides = [1, 1]} : vector<1024x128xf32> to vector<1024x16xf32>
    %swap3A_120 = arith.constant 0 : index
    %swap3A_121 = arith.constant 1 : index
    %swap3A_122 = arith.constant 0 : index
    %swap3A_123 = arith.constant 0 : index
    %swap3A_124 = vector.load %arg7[%swap3A_120, %swap3A_121, %swap3A_122, %swap3A_123] : memref<4x2x1024x16xf32, #tpu.memory_space<vmem>>, vector<1x1x1024x16xf32>
    %swap3A_125 = vector.shape_cast %swap3A_124 : vector<1x1x1024x16xf32> to vector<1024x16xf32>
    %swap3A_126 = vector.shape_cast %slice3A_119 : vector<1024x16xf32> to vector<1x1x1024x16xf32>
    tpu.vector_store %arg7[%swap3A_120, %swap3A_121, %swap3A_122, %swap3A_123], %swap3A_126 {strides = array<i32>} : memref<4x2x1024x16xf32, #tpu.memory_space<vmem>>, vector<1x1x1024x16xf32>,
    %slice3A_127 = vector.extract_strided_slice %dot_general3A_110 {offsets = [0, 32], sizes = [1024, 16], strides = [1, 1]} : vector<1024x128xf32> to vector<1024x16xf32>
    %swap3A_128 = arith.constant 1 : index
    %swap3A_129 = arith.constant 0 : index
    %swap3A_130 = arith.constant 0 : index
    %swap3A_131 = arith.constant 0 : index
    %swap3A_132 = vector.load %arg7[%swap3A_128, %swap3A_129, %swap3A_130, %swap3A_131] : memref<4x2x1024x16xf32, #tpu.memory_space<vmem>>, vector<1x1x1024x16xf32>
    %swap3A_133 = vector.shape_cast %swap3A_132 : vector<1x1x1024x16xf32> to vector<1024x16xf32>
    %swap3A_134 = vector.shape_cast %slice3A_127 : vector<1024x16xf32> to vector<1x1x1024x16xf32>
    tpu.vector_store %arg7[%swap3A_128, %swap3A_129, %swap3A_130, %swap3A_131], %swap3A_134 {strides = array<i32>} : memref<4x2x1024x16xf32, #tpu.memory_space<vmem>>, vector<1x1x1024x16xf32>,
    %slice3A_135 = vector.extract_strided_slice %dot_general3A_110 {offsets = [0, 48], sizes = [1024, 16], strides = [1, 1]} : vector<1024x128xf32> to vector<1024x16xf32>
    %swap3A_136 = arith.constant 1 : index
    %swap3A_137 = arith.constant 1 : index
    %swap3A_138 = arith.constant 0 : index
    %swap3A_139 = arith.constant 0 : index
    %swap3A_140 = vector.load %arg7[%swap3A_136, %swap3A_137, %swap3A_138, %swap3A_139] : memref<4x2x1024x16xf32, #tpu.memory_space<vmem>>, vector<1x1x1024x16xf32>
    %swap3A_141 = vector.shape_cast %swap3A_140 : vector<1x1x1024x16xf32> to vector<1024x16xf32>
    %swap3A_142 = vector.shape_cast %slice3A_135 : vector<1024x16xf32> to vector<1x1x1024x16xf32>
    tpu.vector_store %arg7[%swap3A_136, %swap3A_137, %swap3A_138, %swap3A_139], %swap3A_142 {strides = array<i32>} : memref<4x2x1024x16xf32, #tpu.memory_space<vmem>>, vector<1x1x1024x16xf32>,
    %slice3A_143 = vector.extract_strided_slice %dot_general3A_110 {offsets = [0, 64], sizes = [1024, 16], strides = [1, 1]} : vector<1024x128xf32> to vector<1024x16xf32>
    %swap3A_144 = arith.constant 2 : index
    %swap3A_145 = arith.constant 0 : index
    %swap3A_146 = arith.constant 0 : index
    %swap3A_147 = arith.constant 0 : index
    %swap3A_148 = vector.load %arg7[%swap3A_144, %swap3A_145, %swap3A_146, %swap3A_147] : memref<4x2x1024x16xf32, #tpu.memory_space<vmem>>, vector<1x1x1024x16xf32>
    %swap3A_149 = vector.shape_cast %swap3A_148 : vector<1x1x1024x16xf32> to vector<1024x16xf32>
    %swap3A_150 = vector.shape_cast %slice3A_143 : vector<1024x16xf32> to vector<1x1x1024x16xf32>
    tpu.vector_store %arg7[%swap3A_144, %swap3A_145, %swap3A_146, %swap3A_147], %swap3A_150 {strides = array<i32>} : memref<4x2x1024x16xf32, #tpu.memory_space<vmem>>, vector<1x1x1024x16xf32>,
    %slice3A_151 = vector.extract_strided_slice %dot_general3A_110 {offsets = [0, 80], sizes = [1024, 16], strides = [1, 1]} : vector<1024x128xf32> to vector<1024x16xf32>
    %swap3A_152 = arith.constant 2 : index
    %swap3A_153 = arith.constant 1 : index
    %swap3A_154 = arith.constant 0 : index
    %swap3A_155 = arith.constant 0 : index
    %swap3A_156 = vector.load %arg7[%swap3A_152, %swap3A_153, %swap3A_154, %swap3A_155] : memref<4x2x1024x16xf32, #tpu.memory_space<vmem>>, vector<1x1x1024x16xf32>
    %swap3A_157 = vector.shape_cast %swap3A_156 : vector<1x1x1024x16xf32> to vector<1024x16xf32>
    %swap3A_158 = vector.shape_cast %slice3A_151 : vector<1024x16xf32> to vector<1x1x1024x16xf32>
    tpu.vector_store %arg7[%swap3A_152, %swap3A_153, %swap3A_154, %swap3A_155], %swap3A_158 {strides = array<i32>} : memref<4x2x1024x16xf32, #tpu.memory_space<vmem>>, vector<1x1x1024x16xf32>,
    %slice3A_159 = vector.extract_strided_slice %dot_general3A_110 {offsets = [0, 96], sizes = [1024, 16], strides = [1, 1]} : vector<1024x128xf32> to vector<1024x16xf32>
    %swap3A_160 = arith.constant 3 : index
    %swap3A_161 = arith.constant 0 : index
    %swap3A_162 = arith.constant 0 : index
    %swap3A_163 = arith.constant 0 : index
    %swap3A_164 = vector.load %arg7[%swap3A_160, %swap3A_161, %swap3A_162, %swap3A_163] : memref<4x2x1024x16xf32, #tpu.memory_space<vmem>>, vector<1x1x1024x16xf32>
    %swap3A_165 = vector.shape_cast %swap3A_164 : vector<1x1x1024x16xf32> to vector<1024x16xf32>
    %swap3A_166 = vector.shape_cast %slice3A_159 : vector<1024x16xf32> to vector<1x1x1024x16xf32>
    tpu.vector_store %arg7[%swap3A_160, %swap3A_161, %swap3A_162, %swap3A_163], %swap3A_166 {strides = array<i32>} : memref<4x2x1024x16xf32, #tpu.memory_space<vmem>>, vector<1x1x1024x16xf32>,
    %slice3A_167 = vector.extract_strided_slice %dot_general3A_110 {offsets = [0, 112], sizes = [1024, 16], strides = [1, 1]} : vector<1024x128xf32> to vector<1024x16xf32>
    %swap3A_168 = arith.constant 3 : index
    %swap3A_169 = arith.constant 1 : index
    %swap3A_170 = arith.constant 0 : index
    %swap3A_171 = arith.constant 0 : index
    %swap3A_172 = vector.load %arg7[%swap3A_168, %swap3A_169, %swap3A_170, %swap3A_171] : memref<4x2x1024x16xf32, #tpu.memory_space<vmem>>, vector<1x1x1024x16xf32>
    %swap3A_173 = vector.shape_cast %swap3A_172 : vector<1x1x1024x16xf32> to vector<1024x16xf32>
    %swap3A_174 = vector.shape_cast %slice3A_167 : vector<1024x16xf32> to vector<1x1x1024x16xf32>
    tpu.vector_store %arg7[%swap3A_168, %swap3A_169, %swap3A_170, %swap3A_171], %swap3A_174 {strides = array<i32>} : memref<4x2x1024x16xf32, #tpu.memory_space<vmem>>, vector<1x1x1024x16xf32>,
    %get3A_175 = arith.constant 0 : index
    %get3A_176 = arith.constant 0 : index
    %get3A_177 = vector.load %arg5[%get3A_175, %get3A_176] : memref<128x8xf32, #tpu.memory_space<vmem>>, vector<128x8xf32>
    %dot_general3A_178 = arith.constant dense<0.000000e+00> : vector<1024x8xf32>
    %dot_general3A_179 = tpu.matmul %dot_general3A_110, %get3A_177, %dot_general3A_178 {dimension_numbers = #tpu.dot_dimension_numbers<[1], [0], [0], [1], [0, 0, 1, 1], [], []>, transpose_lhs_hint = false} : vector<1024x128xf32>, vector<128x8xf32>, vector<1024x8xf32> -> vector<1024x8xf32>
    %swap3A_180 = arith.constant 0 : index
    %swap3A_181 = arith.constant 0 : index
    %swap3A_182 = vector.load %arg8[%swap3A_180, %swap3A_181] : memref<1024x8xf32, #tpu.memory_space<vmem>>, vector<1024x8xf32>
    tpu.vector_store %arg8[%swap3A_180, %swap3A_181], %dot_general3A_179 {strides = array<i32>} : memref<1024x8xf32, #tpu.memory_space<vmem>>, vector<1024x8xf32>,
    return
  }
  func.func @transform_0(%arg0: i32) -> (i32, i32, i32) {
    %c0_i32 = arith.constant 0 : i32
    %c0_i32_0 = arith.constant 0 : i32
    %c0_i32_1 = arith.constant 0 : i32
    return %c0_i32, %arg0, %c0_i32_0 : i32, i32, i32
  }
  func.func @transform_1(%arg0: i32) -> (i32, i32, i32) {
    %c0_i32 = arith.constant 0 : i32
    %c0_i32_0 = arith.constant 0 : i32
    %c0_i32_1 = arith.constant 0 : i32
    return %c0_i32, %arg0, %c0_i32_0 : i32, i32, i32
  }
  func.func @transform_2(%arg0: i32) -> (i32, i32, i32) {
    %c0_i32 = arith.constant 0 : i32
    %c0_i32_0 = arith.constant 0 : i32
    %c0_i32_1 = arith.constant 0 : i32
    return %c0_i32, %arg0, %c0_i32_0 : i32, i32, i32
  }
  func.func @transform_3(%arg0: i32) -> (i32, i32) {
    %c0_i32 = arith.constant 0 : i32
    %c0_i32_0 = arith.constant 0 : i32
    %c0_i32_1 = arith.constant 0 : i32
    return %c0_i32, %c0_i32_0 : i32, i32
  }
  func.func @transform_4(%arg0: i32) -> (i32, i32) {
    %c0_i32 = arith.constant 0 : i32
    %c0_i32_0 = arith.constant 0 : i32
    %c0_i32_1 = arith.constant 0 : i32
    return %c0_i32, %c0_i32_0 : i32, i32
  }
  func.func @transform_5(%arg0: i32) -> (i32, i32, i32) {
    %c0_i32 = arith.constant 0 : i32
    %c0_i32_0 = arith.constant 0 : i32
    %c0_i32_1 = arith.constant 0 : i32
    return %c0_i32, %arg0, %c0_i32_0 : i32, i32, i32
  }
  func.func @transform_6(%arg0: i32) -> (i32, i32, i32, i32) {
    %c0_i32 = arith.constant 0 : i32
    %c0_i32_0 = arith.constant 0 : i32
    %c0_i32_1 = arith.constant 0 : i32
    %c0_i32_2 = arith.constant 0 : i32
    return %c0_i32, %c0_i32_0, %arg0, %c0_i32_1 : i32, i32, i32, i32
  }
  func.func @transform_7(%arg0: i32) -> (i32, i32) {
    %c0_i32 = arith.constant 0 : i32
    %c0_i32_0 = arith.constant 0 : i32
    return %arg0, %c0_i32 : i32, i32
  }
}

module attributes {stable_mosaic.version = 14 : i64} {
  func.func @_k3_body(%arg0: i32, %arg1: memref<4x1024x32xf32, #tpu.memory_space<vmem>>, %arg2: memref<32x32xf32, #tpu.memory_space<vmem>>, %arg3: memref<1x32xf32, #tpu.memory_space<vmem>>, %arg4: memref<1x32xf32, #tpu.memory_space<vmem>>, %arg5: memref<32x32xf32, #tpu.memory_space<vmem>>, %arg6: memref<1x32xf32, #tpu.memory_space<vmem>>, %arg7: memref<32x1xf32, #tpu.memory_space<vmem>>, %arg8: memref<1x1xf32, #tpu.memory_space<vmem>>, %arg9: memref<1024x1xf32, #tpu.memory_space<vmem>>) attributes {dimension_semantics = [#tpu.dimension_semantics<arbitrary>], iteration_bounds = array<i64: 49>, scalar_prefetch = 0 : i64, scratch_operands = 0 : i64, tpu.core_type = #tpu.core_type<tc>, window_params = [{transform_indices = @transform_0, window_bounds = array<i64: 4, 1024, 32>}, {pipeline_mode = #tpu.pipeline_mode<synchronous>, transform_indices = @transform_1, window_bounds = array<i64: 32, 32>}, {pipeline_mode = #tpu.pipeline_mode<synchronous>, transform_indices = @transform_2, window_bounds = array<i64: 1, 32>}, {pipeline_mode = #tpu.pipeline_mode<synchronous>, transform_indices = @transform_3, window_bounds = array<i64: 1, 32>}, {pipeline_mode = #tpu.pipeline_mode<synchronous>, transform_indices = @transform_4, window_bounds = array<i64: 32, 32>}, {pipeline_mode = #tpu.pipeline_mode<synchronous>, transform_indices = @transform_5, window_bounds = array<i64: 1, 32>}, {pipeline_mode = #tpu.pipeline_mode<synchronous>, transform_indices = @transform_6, window_bounds = array<i64: 32, 1>}, {pipeline_mode = #tpu.pipeline_mode<synchronous>, transform_indices = @transform_7, window_bounds = array<i64: 1, 1>}, {transform_indices = @transform_8, window_bounds = array<i64: 1024, 1>}]} {
    %get3A = arith.constant 0 : index
    %get3A_0 = arith.constant 0 : index
    %get3A_1 = vector.load %arg2[%get3A, %get3A_0] : memref<32x32xf32, #tpu.memory_space<vmem>>, vector<32x32xf32>
    %get3A_2 = arith.constant 0 : index
    %get3A_3 = arith.constant 0 : index
    %get3A_4 = vector.load %arg3[%get3A_2, %get3A_3] : memref<1x32xf32, #tpu.memory_space<vmem>>, vector<1x32xf32>
    %get3A_5 = arith.constant 0 : index
    %get3A_6 = arith.constant 0 : index
    %get3A_7 = vector.load %arg4[%get3A_5, %get3A_6] : memref<1x32xf32, #tpu.memory_space<vmem>>, vector<1x32xf32>
    %get3A_8 = arith.constant 0 : index
    %get3A_9 = arith.constant 0 : index
    %get3A_10 = arith.constant 0 : index
    %get3A_11 = vector.load %arg1[%get3A_8, %get3A_9, %get3A_10] : memref<4x1024x32xf32, #tpu.memory_space<vmem>>, vector<1x1024x32xf32>
    %get3A_12 = vector.shape_cast %get3A_11 : vector<1x1024x32xf32> to vector<1024x32xf32>
    %dot_general3A = arith.constant dense<0.000000e+00> : vector<1024x32xf32>
    %dot_general3A_13 = tpu.matmul %get3A_12, %get3A_1, %dot_general3A {dimension_numbers = #tpu.dot_dimension_numbers<[1], [0], [0], [1], [0, 0, 1, 1], [], []>, transpose_lhs_hint = false} : vector<1024x32xf32>, vector<32x32xf32>, vector<1024x32xf32> -> vector<1024x32xf32>
    %add3A = vector.broadcast %get3A_4 : vector<1x32xf32> to vector<1024x32xf32>
    %add3A_14 = arith.addf %dot_general3A_13, %add3A : vector<1024x32xf32>
    %tanh3A = math.tanh %add3A_14 : vector<1024x32xf32>
    %mul3A = vector.broadcast %get3A_7 : vector<1x32xf32> to vector<1024x32xf32>
    %mul3A_15 = arith.mulf %tanh3A, %mul3A : vector<1024x32xf32>
    %reduce_sum3A = arith.constant dense<0.000000e+00> : vector<1024xf32>
    %reduce_sum3A_16 = vector.multi_reduction <add>, %mul3A_15, %reduce_sum3A [1] : vector<1024x32xf32> to vector<1024xf32>
    %broadcast_in_dim3A = vector.shape_cast %reduce_sum3A_16 : vector<1024xf32> to vector<1024x1xf32>
    %get3A_17 = arith.constant 1 : index
    %get3A_18 = arith.constant 0 : index
    %get3A_19 = arith.constant 0 : index
    %get3A_20 = vector.load %arg1[%get3A_17, %get3A_18, %get3A_19] : memref<4x1024x32xf32, #tpu.memory_space<vmem>>, vector<1x1024x32xf32>
    %get3A_21 = vector.shape_cast %get3A_20 : vector<1x1024x32xf32> to vector<1024x32xf32>
    %dot_general3A_22 = arith.constant dense<0.000000e+00> : vector<1024x32xf32>
    %dot_general3A_23 = tpu.matmul %get3A_21, %get3A_1, %dot_general3A_22 {dimension_numbers = #tpu.dot_dimension_numbers<[1], [0], [0], [1], [0, 0, 1, 1], [], []>, transpose_lhs_hint = false} : vector<1024x32xf32>, vector<32x32xf32>, vector<1024x32xf32> -> vector<1024x32xf32>
    %add3A_24 = vector.broadcast %get3A_4 : vector<1x32xf32> to vector<1024x32xf32>
    %add3A_25 = arith.addf %dot_general3A_23, %add3A_24 : vector<1024x32xf32>
    %tanh3A_26 = math.tanh %add3A_25 : vector<1024x32xf32>
    %mul3A_27 = vector.broadcast %get3A_7 : vector<1x32xf32> to vector<1024x32xf32>
    %mul3A_28 = arith.mulf %tanh3A_26, %mul3A_27 : vector<1024x32xf32>
    %reduce_sum3A_29 = arith.constant dense<0.000000e+00> : vector<1024xf32>
    %reduce_sum3A_30 = vector.multi_reduction <add>, %mul3A_28, %reduce_sum3A_29 [1] : vector<1024x32xf32> to vector<1024xf32>
    %broadcast_in_dim3A_31 = vector.shape_cast %reduce_sum3A_30 : vector<1024xf32> to vector<1024x1xf32>
    %get3A_32 = arith.constant 2 : index
    %get3A_33 = arith.constant 0 : index
    %get3A_34 = arith.constant 0 : index
    %get3A_35 = vector.load %arg1[%get3A_32, %get3A_33, %get3A_34] : memref<4x1024x32xf32, #tpu.memory_space<vmem>>, vector<1x1024x32xf32>
    %get3A_36 = vector.shape_cast %get3A_35 : vector<1x1024x32xf32> to vector<1024x32xf32>
    %dot_general3A_37 = arith.constant dense<0.000000e+00> : vector<1024x32xf32>
    %dot_general3A_38 = tpu.matmul %get3A_36, %get3A_1, %dot_general3A_37 {dimension_numbers = #tpu.dot_dimension_numbers<[1], [0], [0], [1], [0, 0, 1, 1], [], []>, transpose_lhs_hint = false} : vector<1024x32xf32>, vector<32x32xf32>, vector<1024x32xf32> -> vector<1024x32xf32>
    %add3A_39 = vector.broadcast %get3A_4 : vector<1x32xf32> to vector<1024x32xf32>
    %add3A_40 = arith.addf %dot_general3A_38, %add3A_39 : vector<1024x32xf32>
    %tanh3A_41 = math.tanh %add3A_40 : vector<1024x32xf32>
    %mul3A_42 = vector.broadcast %get3A_7 : vector<1x32xf32> to vector<1024x32xf32>
    %mul3A_43 = arith.mulf %tanh3A_41, %mul3A_42 : vector<1024x32xf32>
    %reduce_sum3A_44 = arith.constant dense<0.000000e+00> : vector<1024xf32>
    %reduce_sum3A_45 = vector.multi_reduction <add>, %mul3A_43, %reduce_sum3A_44 [1] : vector<1024x32xf32> to vector<1024xf32>
    %broadcast_in_dim3A_46 = vector.shape_cast %reduce_sum3A_45 : vector<1024xf32> to vector<1024x1xf32>
    %get3A_47 = arith.constant 3 : index
    %get3A_48 = arith.constant 0 : index
    %get3A_49 = arith.constant 0 : index
    %get3A_50 = vector.load %arg1[%get3A_47, %get3A_48, %get3A_49] : memref<4x1024x32xf32, #tpu.memory_space<vmem>>, vector<1x1024x32xf32>
    %get3A_51 = vector.shape_cast %get3A_50 : vector<1x1024x32xf32> to vector<1024x32xf32>
    %dot_general3A_52 = arith.constant dense<0.000000e+00> : vector<1024x32xf32>
    %dot_general3A_53 = tpu.matmul %get3A_51, %get3A_1, %dot_general3A_52 {dimension_numbers = #tpu.dot_dimension_numbers<[1], [0], [0], [1], [0, 0, 1, 1], [], []>, transpose_lhs_hint = false} : vector<1024x32xf32>, vector<32x32xf32>, vector<1024x32xf32> -> vector<1024x32xf32>
    %add3A_54 = vector.broadcast %get3A_4 : vector<1x32xf32> to vector<1024x32xf32>
    %add3A_55 = arith.addf %dot_general3A_53, %add3A_54 : vector<1024x32xf32>
    %tanh3A_56 = math.tanh %add3A_55 : vector<1024x32xf32>
    %mul3A_57 = vector.broadcast %get3A_7 : vector<1x32xf32> to vector<1024x32xf32>
    %mul3A_58 = arith.mulf %tanh3A_56, %mul3A_57 : vector<1024x32xf32>
    %reduce_sum3A_59 = arith.constant dense<0.000000e+00> : vector<1024xf32>
    %reduce_sum3A_60 = vector.multi_reduction <add>, %mul3A_58, %reduce_sum3A_59 [1] : vector<1024x32xf32> to vector<1024xf32>
    %broadcast_in_dim3A_61 = vector.shape_cast %reduce_sum3A_60 : vector<1024xf32> to vector<1024x1xf32>
    %max3A = arith.maximumf %broadcast_in_dim3A, %broadcast_in_dim3A_31 : vector<1024x1xf32>
    %max3A_62 = arith.maximumf %broadcast_in_dim3A_46, %broadcast_in_dim3A_61 : vector<1024x1xf32>
    %max3A_63 = arith.maximumf %max3A, %max3A_62 : vector<1024x1xf32>
    %sub3A = arith.subf %broadcast_in_dim3A, %max3A_63 : vector<1024x1xf32>
    %exp3A = math.exp %sub3A : vector<1024x1xf32>
    %sub3A_64 = arith.subf %broadcast_in_dim3A_31, %max3A_63 : vector<1024x1xf32>
    %exp3A_65 = math.exp %sub3A_64 : vector<1024x1xf32>
    %sub3A_66 = arith.subf %broadcast_in_dim3A_46, %max3A_63 : vector<1024x1xf32>
    %exp3A_67 = math.exp %sub3A_66 : vector<1024x1xf32>
    %sub3A_68 = arith.subf %broadcast_in_dim3A_61, %max3A_63 : vector<1024x1xf32>
    %exp3A_69 = math.exp %sub3A_68 : vector<1024x1xf32>
    %add3A_70 = arith.addf %exp3A, %exp3A_65 : vector<1024x1xf32>
    %add3A_71 = arith.addf %add3A_70, %exp3A_67 : vector<1024x1xf32>
    %add3A_72 = arith.addf %add3A_71, %exp3A_69 : vector<1024x1xf32>
    %mul3A_73 = vector.broadcast %exp3A : vector<1024x1xf32> to vector<1024x32xf32>
    %mul3A_74 = arith.mulf %mul3A_73, %get3A_12 : vector<1024x32xf32>
    %mul3A_75 = vector.broadcast %exp3A_65 : vector<1024x1xf32> to vector<1024x32xf32>
    %mul3A_76 = arith.mulf %mul3A_75, %get3A_21 : vector<1024x32xf32>
    %add3A_77 = arith.addf %mul3A_74, %mul3A_76 : vector<1024x32xf32>
    %mul3A_78 = vector.broadcast %exp3A_67 : vector<1024x1xf32> to vector<1024x32xf32>
    %mul3A_79 = arith.mulf %mul3A_78, %get3A_36 : vector<1024x32xf32>
    %add3A_80 = arith.addf %add3A_77, %mul3A_79 : vector<1024x32xf32>
    %mul3A_81 = vector.broadcast %exp3A_69 : vector<1024x1xf32> to vector<1024x32xf32>
    %mul3A_82 = arith.mulf %mul3A_81, %get3A_51 : vector<1024x32xf32>
    %add3A_83 = arith.addf %add3A_80, %mul3A_82 : vector<1024x32xf32>
    %div3A = vector.broadcast %add3A_72 : vector<1024x1xf32> to vector<1024x32xf32>
    %div3A_84 = arith.divf %add3A_83, %div3A : vector<1024x32xf32>
    %get3A_85 = arith.constant 0 : index
    %get3A_86 = arith.constant 0 : index
    %get3A_87 = vector.load %arg5[%get3A_85, %get3A_86] : memref<32x32xf32, #tpu.memory_space<vmem>>, vector<32x32xf32>
    %dot_general3A_88 = arith.constant dense<0.000000e+00> : vector<1024x32xf32>
    %dot_general3A_89 = tpu.matmul %div3A_84, %get3A_87, %dot_general3A_88 {dimension_numbers = #tpu.dot_dimension_numbers<[1], [0], [0], [1], [0, 0, 1, 1], [], []>, transpose_lhs_hint = false} : vector<1024x32xf32>, vector<32x32xf32>, vector<1024x32xf32> -> vector<1024x32xf32>
    %get3A_90 = arith.constant 0 : index
    %get3A_91 = arith.constant 0 : index
    %get3A_92 = vector.load %arg6[%get3A_90, %get3A_91] : memref<1x32xf32, #tpu.memory_space<vmem>>, vector<1x32xf32>
    %add3A_93 = vector.broadcast %get3A_92 : vector<1x32xf32> to vector<1024x32xf32>
    %add3A_94 = arith.addf %dot_general3A_89, %add3A_93 : vector<1024x32xf32>
    %integer_pow3A = arith.mulf %add3A_94, %add3A_94 : vector<1024x32xf32>
    %integer_pow3A_95 = arith.mulf %add3A_94, %integer_pow3A : vector<1024x32xf32>
    %mul3A_96 = arith.constant 4.471500e-02 : f32
    %mul3A_97 = vector.broadcast %mul3A_96 : f32 to vector<1024x32xf32>
    %mul3A_98 = arith.mulf %mul3A_97, %integer_pow3A_95 : vector<1024x32xf32>
    %add3A_99 = arith.addf %add3A_94, %mul3A_98 : vector<1024x32xf32>
    %mul3A_100 = arith.constant 0.797884583 : f32
    %mul3A_101 = vector.broadcast %mul3A_100 : f32 to vector<1024x32xf32>
    %mul3A_102 = arith.mulf %mul3A_101, %add3A_99 : vector<1024x32xf32>
    %tanh3A_103 = math.tanh %mul3A_102 : vector<1024x32xf32>
    %add3A_104 = arith.constant 1.000000e+00 : f32
    %add3A_105 = vector.broadcast %add3A_104 : f32 to vector<1024x32xf32>
    %add3A_106 = arith.addf %add3A_105, %tanh3A_103 : vector<1024x32xf32>
    %mul3A_107 = arith.constant 5.000000e-01 : f32
    %mul3A_108 = vector.broadcast %mul3A_107 : f32 to vector<1024x32xf32>
    %mul3A_109 = arith.mulf %mul3A_108, %add3A_106 : vector<1024x32xf32>
    %mul3A_110 = arith.mulf %add3A_94, %mul3A_109 : vector<1024x32xf32>
    %get3A_111 = arith.constant 0 : index
    %get3A_112 = arith.constant 0 : index
    %get3A_113 = vector.load %arg7[%get3A_111, %get3A_112] : memref<32x1xf32, #tpu.memory_space<vmem>>, vector<32x1xf32>
    %dot_general3A_114 = arith.constant dense<0.000000e+00> : vector<1024x1xf32>
    %dot_general3A_115 = tpu.matmul %mul3A_110, %get3A_113, %dot_general3A_114 {dimension_numbers = #tpu.dot_dimension_numbers<[1], [0], [0], [1], [0, 0, 1, 1], [], []>, transpose_lhs_hint = false} : vector<1024x32xf32>, vector<32x1xf32>, vector<1024x1xf32> -> vector<1024x1xf32>
    %get3A_116 = arith.constant 0 : index
    %get3A_117 = arith.constant 0 : index
    %get3A_118 = vector.load %arg8[%get3A_116, %get3A_117] : memref<1x1xf32, #tpu.memory_space<vmem>>, vector<1x1xf32>
    %add3A_119 = vector.broadcast %get3A_118 : vector<1x1xf32> to vector<1024x1xf32>
    %add3A_120 = arith.addf %dot_general3A_115, %add3A_119 : vector<1024x1xf32>
    %logistic3A = arith.negf %add3A_120 : vector<1024x1xf32>
    %logistic3A_121 = math.exp %logistic3A : vector<1024x1xf32>
    %logistic3A_122 = arith.constant 1.000000e+00 : f32
    %logistic3A_123 = vector.broadcast %logistic3A_122 : f32 to vector<1024x1xf32>
    %logistic3A_124 = arith.addf %logistic3A_123, %logistic3A_121 : vector<1024x1xf32>
    %logistic3A_125 = arith.divf %logistic3A_123, %logistic3A_124 : vector<1024x1xf32>
    %swap3A = arith.constant 0 : index
    %swap3A_126 = arith.constant 0 : index
    %swap3A_127 = vector.load %arg9[%swap3A, %swap3A_126] : memref<1024x1xf32, #tpu.memory_space<vmem>>, vector<1024x1xf32>
    tpu.vector_store %arg9[%swap3A, %swap3A_126], %logistic3A_125 {strides = array<i32>} : memref<1024x1xf32, #tpu.memory_space<vmem>>, vector<1024x1xf32>,
    return
  }
  func.func @transform_0(%arg0: i32) -> (i32, i32, i32) {
    %c0_i32 = arith.constant 0 : i32
    %c0_i32_0 = arith.constant 0 : i32
    %c0_i32_1 = arith.constant 0 : i32
    return %c0_i32, %arg0, %c0_i32_0 : i32, i32, i32
  }
  func.func @transform_1(%arg0: i32) -> (i32, i32) {
    %c0_i32 = arith.constant 0 : i32
    %c0_i32_0 = arith.constant 0 : i32
    %c0_i32_1 = arith.constant 0 : i32
    return %c0_i32, %c0_i32_0 : i32, i32
  }
  func.func @transform_2(%arg0: i32) -> (i32, i32) {
    %c0_i32 = arith.constant 0 : i32
    %c0_i32_0 = arith.constant 0 : i32
    %c0_i32_1 = arith.constant 0 : i32
    return %c0_i32, %c0_i32_0 : i32, i32
  }
  func.func @transform_3(%arg0: i32) -> (i32, i32) {
    %c0_i32 = arith.constant 0 : i32
    %c0_i32_0 = arith.constant 0 : i32
    %c0_i32_1 = arith.constant 0 : i32
    return %c0_i32, %c0_i32_0 : i32, i32
  }
  func.func @transform_4(%arg0: i32) -> (i32, i32) {
    %c0_i32 = arith.constant 0 : i32
    %c0_i32_0 = arith.constant 0 : i32
    %c0_i32_1 = arith.constant 0 : i32
    return %c0_i32, %c0_i32_0 : i32, i32
  }
  func.func @transform_5(%arg0: i32) -> (i32, i32) {
    %c0_i32 = arith.constant 0 : i32
    %c0_i32_0 = arith.constant 0 : i32
    %c0_i32_1 = arith.constant 0 : i32
    return %c0_i32, %c0_i32_0 : i32, i32
  }
  func.func @transform_6(%arg0: i32) -> (i32, i32) {
    %c0_i32 = arith.constant 0 : i32
    %c0_i32_0 = arith.constant 0 : i32
    %c0_i32_1 = arith.constant 0 : i32
    return %c0_i32, %c0_i32_0 : i32, i32
  }
  func.func @transform_7(%arg0: i32) -> (i32, i32) {
    %c0_i32 = arith.constant 0 : i32
    %c0_i32_0 = arith.constant 0 : i32
    %c0_i32_1 = arith.constant 0 : i32
    return %c0_i32, %c0_i32_0 : i32, i32
  }
  func.func @transform_8(%arg0: i32) -> (i32, i32) {
    %c0_i32 = arith.constant 0 : i32
    %c0_i32_0 = arith.constant 0 : i32
    return %arg0, %c0_i32 : i32, i32
  }
}

</mosaic_0001>

<sc_bundles>
// kernel: kernel.12.cloned.1.call-start
scs
__scs_entry_jumppad:
0x0: {  	(pc) =	sbr.rel $0x88, $3  }
0x1: {  	(tag) =	ssettag $0x0;
	lr =	simm.s32 $0x1  }
0x2: {  	[smem:$0x3F77] =	sst lr;
	_ =	strace $0xD0000000  }
0x3: {  	_ = 	snop  }
0x4: {  	_ = 	snop  }
0x5: {  	_ = 	snop  }
0x6: {  	_ = 	snop  }
0x7: {  	_ = 	snop  }
__scs_overlays_trampoline_lowered:
0x8: {  	[smem:$0x3F86] =	sst s0  }
0x9: {  	[smem:$0x3F87] =	sst s1  }
0xa: {  	[smem:$0x3F88] =	sst s2  }
0xb: {  	[smem:$0x3F89] =	sst s3  }
0xc: {  	[smem:$0x3F8A] =	sst s4  }
0xd: {  	[smem:$0x3F8B] =	sst s5  }
0xe: {  	[smem:$0x3F8C] =	sst s6  }
0xf: {  	[smem:$0x3F8D] =	sst s7  }
0x10: {  	[smem:$0x3F8E] =	sst s8  }
0x11: {  	[smem:$0x3F8F] =	sst s9;
	s0 =	simm.s32 @!p0 $0x0  }
0x12: {  	s1 =	sld [smem:$0x3F75];
	s0 =	simm.s32 @p0 $0x1  }
0x13: {  	[smem:$0x3F90] =	sst s0;
	s0 =	simm.s32 @!p1 $0x0  }
0x14: {  	s2 =	sld [smem:$0x3F74];
	s0 =	simm.s32 @p1 $0x1  }
0x15: {  	[smem:$0x3F91] =	sst s0;
	s0 =	simm.s32 @!p2 $0x0  }
0x16: {  	s3 =	sld [smem:$0x3FDB];
	s0 =	simm.s32 @p2 $0x1  }
0x17: {  	s4 =	simm.s32 $0x1BF5;
	[smem:$0x3F93] =	sst s0  }
0x18: {  	s0 =	sld [smem:$0x3F76];
	_ =	swait.ge [sflag:s4], $0x0  }
0x19: {  	s7 =	sld [smem:$0x3F77]  }
0x1a: {  	s8 =	sadd.s32 $0xFFFFE003, lr  }
0x1b: {  	s9 =	sadd.s32 $0xFFFFFEF7, lr;
	s5 =	simm.s32 $0xFFFFFFFF;
	p2 =	slt.u32 s8, $0xFFFFF086  }
0x1c: {  	p1 =	slt.u32 s9, $0xF7A;
	s5 =	simm.s32 @!p2 $0x0  }
0x1d: {  	s5 =	simm.s32 @p1 $0x1;
	p0 =	seq.s32 s7, s2  }
0x1e: {  	s7 =	smul.u32 @!p0 $0xF7A, s2;
	p2 =	seq.s32 @!p0 s5, $0x0  }
0x1f: {  	s9 =	smul.u32 $0xF7A, s1;
	s8 =	simm.s32 @!p0 $0x1BF5;
	p2 =	por !p2, p0  }
0x20: {  	[sflag:s8] =	ssyncset.s32 @!p0 $0xFFFFF086;
	s6 =	sadd.s32 @!p0 s3, s7;
	s7 =	simm.s32 @!p0 $0x108  }
0x21: {  	s3 =	sadd.s32 s3, s9;
	s6 =	sadd.s32 @!p0 $0x88, s6;
	s7 =	simm.s32 @p2 $0x1082  }
0x22: {  	[simem:s7], [sflag:s8] =	dma.local @!p0 [hbm:s6], $0xF7A  }
0x23: {  	s9 =	sor.u32 $0xD0000000, s2;
	s6 =	simm.s32 $0x108;
	_ =	swait.ge @!p0 [sflag:s8], $0x0  }
0x24: {  	s3 =	sadd.s32 $0x88, s3;
	s6 =	simm.s32 @!p1 $0x1082;
	[sflag:s4] =	ssyncset.s32 $0xFFFFF086  }
0x25: {  	[simem:s6], [sflag:s4] =	dma.local [hbm:s3], $0xF7A  }
0x26: {  	[smem:$0x3F77] =	sst s1;
	(tag) =	ssettag s2;
	_ =	strace s9  }
0x27: {  	s1 =	sld [smem:$0x3F87]  }
0x28: {  	s2 =	sld [smem:$0x3F88]  }
0x29: {  	s4 =	sld [smem:$0x3F8A]  }
0x2a: {  	p0 =	seq.s32 s5, $0x0;
	s5 =	sld [smem:$0x3F8B]  }
0x2b: {  	s6 =	sld [smem:$0x3F8C]  }
0x2c: {  	s7 =	sld [smem:$0x3F8D]  }
0x2d: {  	s3 =	simm.s32 $0x108;
	s8 =	sld [smem:$0x3F8E]  }
0x2e: {  	s3 =	simm.s32 @!p0 $0x1082;
	s9 =	sld [smem:$0x3F8F]  }
0x2f: {  	lr =	sadd.s32 s0, s3;
	s0 =	sld [smem:$0x3F86]  }
0x30: {  	s3 =	sld [smem:$0x3F89]  }
0x31: {  	[smem:$0x3F92] =	sst s10  }
0x32: {  	s10 =	sld [smem:$0x3F90];
	_ =	sdelay $0x3  }
0x33: {  	p0 =	seq.s32 s10, $0x1;
	s10 =	sld [smem:$0x3F92];
	_ =	sdelay $0x3  }
0x34: {  	[smem:$0x3F92] =	sst s10  }
0x35: {  	s10 =	sld [smem:$0x3F91];
	_ =	sdelay $0x3  }
0x36: {  	p1 =	seq.s32 s10, $0x1;
	s10 =	sld [smem:$0x3F92];
	_ =	sdelay $0x3  }
0x37: {  	[smem:$0x3F92] =	sst s10  }
0x38: {  	s10 =	sld [smem:$0x3F93]  }
0x39: {  	_ = 	snop;
	(pc) =	sbr.ind lr, $3  }
0x3a: {  	_ = 	snop  }
0x3b: {  	_ = 	snop  }
0x3c: {  	p2 =	seq.s32 s10, $0x1;
	s10 =	sld [smem:$0x3F92]  }
0x3d: {  	_ =	shalt  }
0x3e: {  	_ =	shalt  }
0x3f: {  	_ =	shalt  }
0x40: {  	_ =	shalt  }
0x41: {  	_ =	shalt  }
0x42: {  	_ =	shalt  }
0x43: {  	_ =	shalt  }
0x44: {  	_ =	shalt  }
0x45: {  	_ =	shalt  }
0x46: {  	_ =	shalt  }
0x47: {  	_ =	shalt  }
0x48: {  	_ =	shalt  }
0x49: {  	_ =	shalt  }
0x4a: {  	_ =	shalt  }
0x4b: {  	_ =	shalt  }
0x4c: {  	_ =	shalt  }
0x4d: {  	_ =	shalt  }
0x4e: {  	_ =	shalt  }
0x4f: {  	_ =	shalt  }
0x50: {  	_ =	shalt  }
0x51: {  	_ =	shalt  }
0x52: {  	_ =	shalt  }
0x53: {  	_ =	shalt  }
0x54: {  	_ =	shalt  }
0x55: {  	_ =	shalt  }
0x56: {  	_ =	shalt  }
0x57: {  	_ =	shalt  }
0x58: {  	_ =	shalt  }
0x59: {  	_ =	shalt  }
0x5a: {  	_ =	shalt  }
0x5b: {  	_ =	shalt  }
0x5c: {  	_ =	shalt  }
0x5d: {  	_ =	shalt  }
0x5e: {  	_ =	shalt  }
0x5f: {  	_ =	shalt  }
0x60: {  	_ =	shalt  }
0x61: {  	_ =	shalt  }
0x62: {  	_ =	shalt  }
0x63: {  	_ =	shalt  }
0x64: {  	_ =	shalt  }
0x65: {  	_ =	shalt  }
0x66: {  	_ =	shalt  }
0x67: {  	_ =	shalt  }
0x68: {  	_ =	shalt  }
0x69: {  	_ =	shalt  }
0x6a: {  	_ =	shalt  }
0x6b: {  	_ =	shalt  }
0x6c: {  	_ =	shalt  }
0x6d: {  	_ =	shalt  }
0x6e: {  	_ =	shalt  }
0x6f: {  	_ =	shalt  }
0x70: {  	_ =	shalt  }
0x71: {  	_ =	shalt  }
0x72: {  	_ =	shalt  }
0x73: {  	_ =	shalt  }
0x74: {  	_ =	shalt  }
0x75: {  	_ =	shalt  }
0x76: {  	_ =	shalt  }
0x77: {  	_ =	shalt  }
0x78: {  	_ =	shalt  }
0x79: {  	_ =	shalt  }
0x7a: {  	_ =	shalt  }
0x7b: {  	_ =	shalt  }
0x7c: {  	_ =	shalt  }
0x7d: {  	_ =	shalt  }
0x7e: {  	_ =	shalt  }
0x7f: {  	_ =	shalt  }
0x80: {  	_ =	shalt  }
0x81: {  	_ =	shalt  }
0x82: {  	_ =	shalt  }
0x83: {  	_ =	shalt  }
0x84: {  	_ =	shalt  }
0x85: {  	_ =	shalt  }
0x86: {  	_ =	shalt  }
0x87: {  	_ =	shalt  }
.Lfunc_end0:
.L_simem_size_0:
called_computation_lowered:
.L_overlay_start_0:
0x88: {  	s2 =	sld [smem:$0x3FD9]  }
0x89: {  	s3 =	sld [smem:$0x3FFE];
	_ =	sdelay $0x1  }
0x8a: {  	s1 =	srdreg.scid  }
0x8b: {  	s0 =	sand.u32 $0x1, s1  }
0x8c: {  	s16 =	sshll.u32 s0, $0xA;
	s2 =	sadd.s32 s3, s2  }
0x8d: {  	s2 =	sadd.s32 s2, s16  }
0x8e: {  	[smem:$0x3F9E] =	sst s2  }
0x8f: {  	_ = 	snop  }
0x90: {  	(tm) =	ssettm $0x1  }
0x91: {  	s17 =	sld [smem:$0x3FFB];
	_ =	sdelay $0x3  }
0x92: {  	_ =	strace s17  }
0x93: {  	s2 =	sld [smem:$0x3FFC];
	_ =	sdelay $0x3  }
0x94: {  	_ =	strace s2  }
0x95: {  	s2 =	sld [smem:$0x3FFD];
	_ =	sdelay $0x3  }
0x96: {  	_ =	strace s2  }
0x97: {  	_ =	strace $0x8FFFFFFF  }
0x98: {  	s18 =	sld [smem:$0x3FDB];
	_ =	sdelay $0x1  }
0x99: {  	s19 =	simm.s32 $_scs_section_size  }
0x9a: {  	s4 =	simm.s32 $_size__tile_overlayer_lowered;
	s5 =	simm.s32 $_tile_overlayer_lowered  }
0x9b: {  	s22 =	simm.s32 $0x1BFF;
	s21 =	sshll.u32 s5, $0x1;
	s2 =	sadd.s32 s19, s18  }
0x9c: {  	s6 =	simm.s32 $0x0;
	s20 =	sshll.u32 s4, $0x1;
	s4 =	sadd.s32 s21, s2  }
0x9d: {  	[timem:s6], [sflag:s22] =	dma.local [hbm:s4], s20  }
0x9e: {  	_ =	swait.ge [sflag:s22], s20  }
0x9f: {  	s3 =	ssub.s32 $0x0, s20;
	[sflag:s22] =	ssyncset.done $0x0  }
0xa0: {  	[sflag:s22] =	ssyncadd.s32 s3;
	_ =	sdelay $0x1  }
0xa1: {  	s23 =	simm.s32 $0x1B8B  }
0xa2: {  	_ =	swait.ge [sflag:s23], $0x1  }
0xa3: {  	[sflag:s23] =	ssyncset.done $0x0  }
0xa4: {  	s25 =	simm.s32 $0x1B8E;
	s24 =	sld [smem:$0x3FFE];
	[sflag:s23] =	ssyncadd.s32 $0xFFFFFFFF  }
0xa5: {  	s26 =	simm.s32 $execute0_lowered;
	[smem:$0x3FD2] =	sst s25  }
0xa6: {  	s4 =	sshll.u32 s26, $0x1;
	_ =	strace $0x80000046;
	[dreg:$0x1] =	wrdreg $0xFFFFFFFF  }
0xa7: {  	s28 =	simm.s32 $_size_execute0_lowered;
	s2 =	sadd.s32 s2, s4;
	[dreg:$0x0] =	wrdreg $0x0  }
0xa8: {  	s4 =	sshll.u32 s28, $0x1;
	[dreg:$0x2] =	wrdreg s2  }
0xa9: {  	[dreg:$0x3] =	wrdreg s4  }
0xaa: {  	[dreg:$0x4] =	wrdreg $0xC0  }
0xab: {  	_ =	task [dreg:s6], $0x5FFFF  }
0xac: {  	[dreg:$0x1] =	wrdreg $0xFFFFFFFF  }
0xad: {  	[dreg:$0x0] =	wrdreg $0x60  }
0xae: {  	[dreg:$0x2] =	wrdreg s24  }
0xaf: {  	[dreg:$0x3] =	wrdreg $0x9  }
0xb0: {  	_ =	task.clear_ibuf [dreg:s6], $0x4FFFF;
	_ =	strace $0x90000046  }
0xb1: {  	s29 =	simm.s32 $0x9;
	_ =	strace $0x80000048  }
0xb2: {  	_ =	swait.ge [sflag:s29], $0x1  }
0xb3: {  	[sflag:s29] =	ssyncadd.s32 $0xFFFFFFFF  }
0xb4: {  	_ =	strace $0x90000048  }
0xb5: {  	_ =	sfence  }
0xb6: {  	s30 =	sld [smem:$0x0];
	_ =	sdelay $0x2  }
0xb7: {  	s31 =	sshll.u32 s1, $0xD;
	s1 =	sshrl.u32 s1, $0x2  }
0xb8: {  	s3 =	sand.u32 $0x4000, s31;
	s1 =	sadd.s32 s1, s30  }
0xb9: {  	s0 =	sor.u32 s3, s0;
	s1 =	sshll.u32 s1, $0x11  }
0xba: {  	s0 =	sor.u32 s1, s0  }
0xbb: {  	s0 =	sadd.s32 $0x8F2B, s0  }
0xbc: {  	[sflag:s0] =	ssyncadd.remote.s32 $0x1  }
0xbd: {  	_ =	sfence.sel $0xFFFF  }
0xbe: {  	[dreg:$0x0] =	wrdreg $0xFFFFFFFF;
	(pc) =	sbr.abs _section_cstart, $3  }
0xbf: {  	[dreg:$0x1] =	wrdreg $0xFFFFFFFF  }
0xc0: {  	_ =	task.clear_ibuf [dreg:s6], $0x2FFFF;
	_ =	strace $0x9FFFFFFF  }
0xc1: {  	(tm) =	ssettm $0x7FFFFFFF  }
tec
execute0_lowered:
.L_overlay_start_1:
0x0: {  	(tag) =	ssettag $0x1  }
0x1: {  	s6 =	rddreg [dreg:$0x0]  }
0x2: {  	s0 =	rddreg [dreg:$0x1]  }
0x3: {  	s1 =	simm.s32 $0x0;
	s2 =	srdreg.scid;
	s10 =	simm.s32 $0xC80  }
0x4: {  	v0 =	vlaneseq.u32;
	s11 =	simm.s32 $0x80;
	s12 =	simm.s32 $0x2580;
	s13 =	simm.s32 $0x3580  }
0x5: {  	s14 =	simm.s32 $0x1;
	s15 =	simm.s32 $0x4580;
	s16 =	simm.s32 $0x1900;
	v0 =	vmul.u32 $0x10, v0  }
0x6: {  	s17 =	simm.s32 $0x0;
	s20 =	simm.s32 $0x0;
	[smem:$0x7FF] =	sst s1  }
0x7: {  	s5 =	sand.u32 $0x1, s2;
	s3 =	sadd.s32 $0x6A00, s6;
	s4 =	sadd.s32 $0x146A00, s6;
	v1 =	vor.u32 $0x1, v0;
	v2 =	vor.u32 $0x2, v0;
	v3 =	vor.u32 $0x3, v0  }
0x8: {  	s2 =	stileid.u32;
	_ =	strace $0x80000047;
	s7 =	ssub.s32 $0x2, s5;
	v4 =	vor.u32 $0x4, v0;
	v5 =	vor.u32 $0x5, v0;
	v6 =	vor.u32 $0x6, v0  }
0x9: {  	s9 =	sshll.u32 s5, $0x4;
	s5 =	sadd.s32 $0x23B000, s6;
	s8 =	sshrl.u32 s7, $0x1;
	v7 =	vor.u32 $0x7, v0;
	v8 =	vor.u32 $0x8, v0;
	v9 =	vor.u32 $0x9, v0  }
0xa: {  	s6 =	sadd.s32 $0x37A00, s6;
	s31 =	sor.u32 s2, s9;
	v10 =	vor.u32 $0xA, v0;
	v11 =	vor.u32 $0xB, v0;
	v12 =	vor.u32 $0xC, v0;
	s8 =	ssub.s32 s7, s8  }
0xb: {  	s9 =	simm.s32 $0x2;
	v13 =	vor.u32 $0xD, v0;
	v14 =	vor.u32 $0xE, v0;
	v15 =	vor.u32 $0xF, v0;
	s7 =	smul.u32 $0xC800, s31;
	s8 =	smax.u32 s8, $0x1  }
.LBB2_1:
0xc: {  	s18 =	simm.s32 $0x0  }
.LBB2_2:
0xd: {  	s19 =	smul.u32 $0x190000, s18;
	_ =	sdelay $0x1  }
0xe: {  	s21 =	simm.s32 $0x0;
	s19 =	sadd.s32 s7, s19  }
.LBB2_3:
0xf: {  	s22 =	smul.u32 $0xC80, s21;
	_ =	sdelay $0x1  }
0x10: {  	s22 =	sadd.s32 s22, s19  }
0x11: {  	s22 =	sshrl.u32 s22, $0x3  }
0x12: {  	s23 =	sadd.s32 s4, s22  }
0x13: {  	[tilespmem:s20], [sflag:$0x2] =	stream.linear.gather [hbm4b:s23+s20], $0xC80, $0x38;
	[tilespmem:$0x4680] =	vst v63  }
0x14: {  	_ =	swait.ge [sflag:s9], $0xC80  }
0x15: {  	[sflag:s9] =	ssyncset.done $0x0  }
0x16: {  	s31 =	sadd.s32 s5, s22;
	[sflag:s9] =	ssyncadd.s32 $0xFFFFF380  }
0x17: {  	[tilespmem:s10], [sflag:$0x2] =	stream.linear.gather [hbm4b:s31+s20], $0xC80, $0x38;
	[tilespmem:$0x4680] =	vst v63  }
0x18: {  	_ =	swait.ge [sflag:s9], $0xC80  }
0x19: {  	[sflag:s9] =	ssyncset.done $0x0  }
0x1a: {  	s24 =	simm.s32 $0x0;
	s23 =	simm.s32 $0x1900;
	[sflag:s9] =	ssyncadd.s32 $0xFFFFF380  }
.LBB2_4:
0x1b: {  	s25 =	sshll.u32 s24, $0x7  }
0x1c: {  	[tilespmem:s12], [sflag:$0x1] =	stream.indirect.gather [hbm4b:s3+s11], $0x20, s25, s11, $0xb8;
	[tilespmem:$0x4680] =	vst v63  }
0x1d: {  	s25 =	sadd.s32 $0xC80, s25  }
0x1e: {  	[tilespmem:s13], [sflag:$0x1] =	stream.indirect.gather [hbm4b:s3+s11], $0x20, s25, s11, $0xb8;
	[tilespmem:$0x4680] =	vst v63  }
0x1f: {  	_ =	swait.ge [sflag:s14], $0x1000  }
0x20: {  	[sflag:s14] =	ssyncset.done $0x0  }
0x21: {  	[sflag:s14] =	ssyncadd.s32 $0xFFFFF000  }
0x22: {  	_ =	swait.ge [sflag:s14], $0x1000  }
0x23: {  	[sflag:s14] =	ssyncset.done $0x0  }
0x24: {  	s25 =	simm.s32 $0x0;
	[sflag:s14] =	ssyncadd.s32 $0xFFFFF000  }
0x25: {  	v16 =	vld [tilespmem:s25+$0x3590]  }
0x26: {  	v17 =	vld [tilespmem:s25+$0x2580]  }
0x27: {  	v18 =	vld [tilespmem:s25+$0x2590]  }
0x28: {  	v19 =	vld [tilespmem:s25+$0x3580];
	_ =	sdelay $0x4  }
0x29: {  	v16 =	vmul.f32 v16, v18;
	v17 =	vmul.f32 v19, v17;
	_ =	sdelay $0x1  }
0x2a: {  	v16 =	vadd.f32 v16, v17;
	_ =	sdelay $0x1  }
0x2b: {  	[tilespmem:v0+s15+$0x0] =	vst.idx.msk $0xffff, v16  }
0x2c: {  	v16 =	vld [tilespmem:s25+$0x25A0]  }
0x2d: {  	v17 =	vld [tilespmem:s25+$0x35A0]  }
0x2e: {  	v18 =	vld [tilespmem:s25+$0x25B0]  }
0x2f: {  	v19 =	vld [tilespmem:s25+$0x35B0];
	_ =	sdelay $0x4  }
0x30: {  	v16 =	vmul.f32 v17, v16;
	v17 =	vmul.f32 v19, v18;
	_ =	sdelay $0x1  }
0x31: {  	v16 =	vadd.f32 v17, v16;
	_ =	sdelay $0x1  }
0x32: {  	[tilespmem:v1+s15+$0x0] =	vst.idx.msk $0xffff, v16  }
0x33: {  	v16 =	vld [tilespmem:s25+$0x25D0]  }
0x34: {  	v17 =	vld [tilespmem:s25+$0x35C0]  }
0x35: {  	v18 =	vld [tilespmem:s25+$0x25C0]  }
0x36: {  	v19 =	vld [tilespmem:s25+$0x35D0];
	_ =	sdelay $0x4  }
0x37: {  	v17 =	vmul.f32 v17, v18;
	v16 =	vmul.f32 v19, v16;
	_ =	sdelay $0x1  }
0x38: {  	v16 =	vadd.f32 v16, v17;
	_ =	sdelay $0x1  }
0x39: {  	[tilespmem:v2+s15+$0x0] =	vst.idx.msk $0xffff, v16  }
0x3a: {  	v16 =	vld [tilespmem:s25+$0x35F0]  }
0x3b: {  	v17 =	vld [tilespmem:s25+$0x35E0]  }
0x3c: {  	v18 =	vld [tilespmem:s25+$0x25E0]  }
0x3d: {  	v19 =	vld [tilespmem:s25+$0x25F0];
	_ =	sdelay $0x4  }
0x3e: {  	v17 =	vmul.f32 v17, v18;
	v16 =	vmul.f32 v16, v19;
	_ =	sdelay $0x1  }
0x3f: {  	v16 =	vadd.f32 v16, v17;
	_ =	sdelay $0x1  }
0x40: {  	[tilespmem:v3+s15+$0x0] =	vst.idx.msk $0xffff, v16  }
0x41: {  	v16 =	vld [tilespmem:s25+$0x3600]  }
0x42: {  	v17 =	vld [tilespmem:s25+$0x3610]  }
0x43: {  	v18 =	vld [tilespmem:s25+$0x2600]  }
0x44: {  	v19 =	vld [tilespmem:s25+$0x2610];
	_ =	sdelay $0x4  }
0x45: {  	v16 =	vmul.f32 v16, v18;
	v17 =	vmul.f32 v17, v19;
	_ =	sdelay $0x1  }
0x46: {  	v16 =	vadd.f32 v17, v16;
	_ =	sdelay $0x1  }
0x47: {  	[tilespmem:v4+s15+$0x0] =	vst.idx.msk $0xffff, v16  }
0x48: {  	v16 =	vld [tilespmem:s25+$0x3620]  }
0x49: {  	v17 =	vld [tilespmem:s25+$0x3630]  }
0x4a: {  	v18 =	vld [tilespmem:s25+$0x2620]  }
0x4b: {  	v19 =	vld [tilespmem:s25+$0x2630];
	_ =	sdelay $0x4  }
0x4c: {  	v16 =	vmul.f32 v16, v18;
	v17 =	vmul.f32 v17, v19;
	_ =	sdelay $0x1  }
0x4d: {  	v16 =	vadd.f32 v17, v16;
	_ =	sdelay $0x1  }
0x4e: {  	[tilespmem:v5+s15+$0x0] =	vst.idx.msk $0xffff, v16  }
0x4f: {  	v16 =	vld [tilespmem:s25+$0x3640]  }
0x50: {  	v17 =	vld [tilespmem:s25+$0x2640]  }
0x51: {  	v18 =	vld [tilespmem:s25+$0x3650]  }
0x52: {  	v19 =	vld [tilespmem:s25+$0x2650];
	_ =	sdelay $0x4  }
0x53: {  	v16 =	vmul.f32 v16, v17;
	v17 =	vmul.f32 v18, v19;
	_ =	sdelay $0x1  }
0x54: {  	v16 =	vadd.f32 v17, v16;
	_ =	sdelay $0x1  }
0x55: {  	[tilespmem:v6+s15+$0x0] =	vst.idx.msk $0xffff, v16  }
0x56: {  	v16 =	vld [tilespmem:s25+$0x3660]  }
0x57: {  	v17 =	vld [tilespmem:s25+$0x3670]  }
0x58: {  	v18 =	vld [tilespmem:s25+$0x2670]  }
0x59: {  	v19 =	vld [tilespmem:s25+$0x2660];
	_ =	sdelay $0x4  }
0x5a: {  	v17 =	vmul.f32 v17, v18;
	v16 =	vmul.f32 v16, v19;
	_ =	sdelay $0x1  }
0x5b: {  	v16 =	vadd.f32 v17, v16;
	_ =	sdelay $0x1  }
0x5c: {  	[tilespmem:v7+s15+$0x0] =	vst.idx.msk $0xffff, v16  }
0x5d: {  	v16 =	vld [tilespmem:s25+$0x3680]  }
0x5e: {  	v17 =	vld [tilespmem:s25+$0x3690]  }
0x5f: {  	v18 =	vld [tilespmem:s25+$0x2690]  }
0x60: {  	v19 =	vld [tilespmem:s25+$0x2680];
	_ =	sdelay $0x4  }
0x61: {  	v17 =	vmul.f32 v17, v18;
	v16 =	vmul.f32 v16, v19;
	_ =	sdelay $0x1  }
0x62: {  	v16 =	vadd.f32 v17, v16;
	_ =	sdelay $0x1  }
0x63: {  	[tilespmem:v8+s15+$0x0] =	vst.idx.msk $0xffff, v16  }
0x64: {  	v16 =	vld [tilespmem:s25+$0x36A0]  }
0x65: {  	v17 =	vld [tilespmem:s25+$0x36B0]  }
0x66: {  	v18 =	vld [tilespmem:s25+$0x26A0]  }
0x67: {  	v19 =	vld [tilespmem:s25+$0x26B0];
	_ =	sdelay $0x4  }
0x68: {  	v16 =	vmul.f32 v16, v18;
	v17 =	vmul.f32 v17, v19;
	_ =	sdelay $0x1  }
0x69: {  	v16 =	vadd.f32 v17, v16;
	_ =	sdelay $0x1  }
0x6a: {  	[tilespmem:v9+s15+$0x0] =	vst.idx.msk $0xffff, v16  }
0x6b: {  	v16 =	vld [tilespmem:s25+$0x36D0]  }
0x6c: {  	v17 =	vld [tilespmem:s25+$0x36C0]  }
0x6d: {  	v18 =	vld [tilespmem:s25+$0x26C0]  }
0x6e: {  	v19 =	vld [tilespmem:s25+$0x26D0];
	_ =	sdelay $0x4  }
0x6f: {  	v17 =	vmul.f32 v17, v18;
	v16 =	vmul.f32 v16, v19;
	_ =	sdelay $0x1  }
0x70: {  	v16 =	vadd.f32 v16, v17;
	_ =	sdelay $0x1  }
0x71: {  	[tilespmem:v10+s15+$0x0] =	vst.idx.msk $0xffff, v16  }
0x72: {  	v16 =	vld [tilespmem:s25+$0x36E0]  }
0x73: {  	v17 =	vld [tilespmem:s25+$0x36F0]  }
0x74: {  	v18 =	vld [tilespmem:s25+$0x26E0]  }
0x75: {  	v19 =	vld [tilespmem:s25+$0x26F0];
	_ =	sdelay $0x4  }
0x76: {  	v16 =	vmul.f32 v16, v18;
	v17 =	vmul.f32 v17, v19;
	_ =	sdelay $0x1  }
0x77: {  	v16 =	vadd.f32 v17, v16;
	_ =	sdelay $0x1  }
0x78: {  	[tilespmem:v11+s15+$0x0] =	vst.idx.msk $0xffff, v16  }
0x79: {  	v16 =	vld [tilespmem:s25+$0x2700]  }
0x7a: {  	v17 =	vld [tilespmem:s25+$0x3700]  }
0x7b: {  	v18 =	vld [tilespmem:s25+$0x3710]  }
0x7c: {  	v19 =	vld [tilespmem:s25+$0x2710];
	_ =	sdelay $0x4  }
0x7d: {  	v16 =	vmul.f32 v17, v16;
	v17 =	vmul.f32 v18, v19;
	_ =	sdelay $0x1  }
0x7e: {  	v16 =	vadd.f32 v17, v16;
	_ =	sdelay $0x1  }
0x7f: {  	[tilespmem:v12+s15+$0x0] =	vst.idx.msk $0xffff, v16  }
0x80: {  	v16 =	vld [tilespmem:s25+$0x3720]  }
0x81: {  	v17 =	vld [tilespmem:s25+$0x3730]  }
0x82: {  	v18 =	vld [tilespmem:s25+$0x2730]  }
0x83: {  	v19 =	vld [tilespmem:s25+$0x2720];
	_ =	sdelay $0x4  }
0x84: {  	v17 =	vmul.f32 v17, v18;
	v16 =	vmul.f32 v16, v19;
	_ =	sdelay $0x1  }
0x85: {  	v16 =	vadd.f32 v17, v16;
	_ =	sdelay $0x1  }
0x86: {  	[tilespmem:v13+s15+$0x0] =	vst.idx.msk $0xffff, v16  }
0x87: {  	v16 =	vld [tilespmem:s25+$0x3740]  }
0x88: {  	v17 =	vld [tilespmem:s25+$0x3750]  }
0x89: {  	v18 =	vld [tilespmem:s25+$0x2740]  }
0x8a: {  	v19 =	vld [tilespmem:s25+$0x2750];
	_ =	sdelay $0x4  }
0x8b: {  	v16 =	vmul.f32 v16, v18;
	v17 =	vmul.f32 v17, v19;
	_ =	sdelay $0x1  }
0x8c: {  	v16 =	vadd.f32 v17, v16;
	_ =	sdelay $0x1  }
0x8d: {  	[tilespmem:v14+s15+$0x0] =	vst.idx.msk $0xffff, v16  }
0x8e: {  	v16 =	vld [tilespmem:s25+$0x3770]  }
0x8f: {  	s28 =	simm.s32 $0x800;
	s29 =	smov.u32 s23;
	s26 =	smov.u32 s23;
	v17 =	vld [tilespmem:s25+$0x2760]  }
.LBB2_5:
0x90: {  	p0 =	sne.s32 s28, $0x3800  }
0x91: {  	v18 =	vld [tilespmem:s25+$0x3760];
	s29 =	sadd.s32 $0x10, s29;
	s30 =	smov.u32 s28;
	s28 =	sadd.s32 $0x800, s28  }
0x92: {  	v19 =	vld [tilespmem:s25+$0x2770];
	_ =	sdelay $0x3  }
0x93: {  	v17 =	vmul.f32 v18, v17  }
0x94: {  	v16 =	vmul.f32 v16, v19;
	_ =	sdelay $0x1  }
0x95: {  	v16 =	vadd.f32 v16, v17;
	_ =	sdelay $0x1  }
0x96: {  	[tilespmem:v15+s15+$0x0] =	vst.idx.msk $0xffff, v16  }
0x97: {  	v16 =	vld [tilespmem:$0x4580]  }
0x98: {  	v17 =	vld [tilespmem:$0x4590]  }
0x99: {  	v18 =	vld [tilespmem:$0x45A0]  }
0x9a: {  	v19 =	vld [tilespmem:$0x45B0]  }
0x9b: {  	v20 =	vld [tilespmem:$0x45C0]  }
0x9c: {  	v21 =	vld [tilespmem:$0x45D0]  }
0x9d: {  	v16 =	vadd.f32 v17, v16;
	v17 =	vld [tilespmem:$0x45E0]  }
0x9e: {  	v22 =	vld [tilespmem:$0x45F0]  }
0x9f: {  	v16 =	vadd.f32 v18, v16;
	v18 =	vld [tilespmem:$0x4600]  }
0xa0: {  	v23 =	vld [tilespmem:$0x4610]  }
0xa1: {  	v16 =	vadd.f32 v19, v16;
	v19 =	vld [tilespmem:$0x4620]  }
0xa2: {  	v24 =	vld [tilespmem:$0x4630]  }
0xa3: {  	v16 =	vadd.f32 v20, v16;
	v20 =	vld [tilespmem:$0x4640]  }
0xa4: {  	v25 =	vld [tilespmem:$0x4650]  }
0xa5: {  	v16 =	vadd.f32 v21, v16;
	v21 =	vld [tilespmem:$0x4660]  }
0xa6: {  	v26 =	vld [tilespmem:$0x4670]  }
0xa7: {  	v16 =	vadd.f32 v17, v16;
	_ =	sdelay $0x1  }
0xa8: {  	v16 =	vadd.f32 v22, v16;
	_ =	sdelay $0x1  }
0xa9: {  	v16 =	vadd.f32 v18, v16;
	_ =	sdelay $0x1  }
0xaa: {  	v16 =	vadd.f32 v23, v16;
	_ =	sdelay $0x1  }
0xab: {  	v16 =	vadd.f32 v19, v16;
	_ =	sdelay $0x1  }
0xac: {  	v16 =	vadd.f32 v24, v16;
	_ =	sdelay $0x1  }
0xad: {  	v16 =	vadd.f32 v20, v16;
	_ =	sdelay $0x1  }
0xae: {  	v16 =	vadd.f32 v25, v16;
	_ =	sdelay $0x1  }
0xaf: {  	v16 =	vadd.f32 v21, v16;
	_ =	sdelay $0x1  }
0xb0: {  	v16 =	vadd.f32 v26, v16;
	_ =	sdelay $0x1  }
0xb1: {  	v16 =	vmul.f32 $1.767766920e-01, v16;
	_ =	sdelay $0x1  }
0xb2: {  	s25 =	sshra.s32 s30, $0x2;
	[tilespmem:s26+$0x0] =	vst v16;
	s26 =	smov.u32 s29  }
0xb3: {  	v16 =	vld [tilespmem:s25+$0x3590]  }
0xb4: {  	v17 =	vld [tilespmem:s25+$0x2580]  }
0xb5: {  	v18 =	vld [tilespmem:s25+$0x2590]  }
0xb6: {  	v19 =	vld [tilespmem:s25+$0x3580];
	_ =	sdelay $0x3  }
0xb7: {  	v16 =	vmul.f32 v16, v18  }
0xb8: {  	v17 =	vmul.f32 v19, v17;
	_ =	sdelay $0x1  }
0xb9: {  	v16 =	vadd.f32 v16, v17;
	_ =	sdelay $0x1  }
0xba: {  	[tilespmem:v0+s15+$0x0] =	vst.idx.msk $0xffff, v16  }
0xbb: {  	v16 =	vld [tilespmem:s25+$0x25A0]  }
0xbc: {  	v17 =	vld [tilespmem:s25+$0x35A0]  }
0xbd: {  	v18 =	vld [tilespmem:s25+$0x25B0]  }
0xbe: {  	v19 =	vld [tilespmem:s25+$0x35B0];
	_ =	sdelay $0x2  }
0xbf: {  	v16 =	vmul.f32 v17, v16;
	_ =	sdelay $0x1  }
0xc0: {  	v17 =	vmul.f32 v19, v18;
	_ =	sdelay $0x1  }
0xc1: {  	v16 =	vadd.f32 v17, v16;
	_ =	sdelay $0x1  }
0xc2: {  	[tilespmem:v1+s15+$0x0] =	vst.idx.msk $0xffff, v16  }
0xc3: {  	v16 =	vld [tilespmem:s25+$0x25D0]  }
0xc4: {  	v17 =	vld [tilespmem:s25+$0x35C0]  }
0xc5: {  	v18 =	vld [tilespmem:s25+$0x25C0]  }
0xc6: {  	v19 =	vld [tilespmem:s25+$0x35D0];
	_ =	sdelay $0x3  }
0xc7: {  	v17 =	vmul.f32 v17, v18  }
0xc8: {  	v16 =	vmul.f32 v19, v16;
	_ =	sdelay $0x1  }
0xc9: {  	v16 =	vadd.f32 v16, v17;
	_ =	sdelay $0x1  }
0xca: {  	[tilespmem:v2+s15+$0x0] =	vst.idx.msk $0xffff, v16  }
0xcb: {  	v16 =	vld [tilespmem:s25+$0x35F0]  }
0xcc: {  	v17 =	vld [tilespmem:s25+$0x35E0]  }
0xcd: {  	v18 =	vld [tilespmem:s25+$0x25E0]  }
0xce: {  	v19 =	vld [tilespmem:s25+$0x25F0];
	_ =	sdelay $0x3  }
0xcf: {  	v17 =	vmul.f32 v17, v18  }
0xd0: {  	v16 =	vmul.f32 v16, v19;
	_ =	sdelay $0x1  }
0xd1: {  	v16 =	vadd.f32 v16, v17;
	_ =	sdelay $0x1  }
0xd2: {  	[tilespmem:v3+s15+$0x0] =	vst.idx.msk $0xffff, v16  }
0xd3: {  	v16 =	vld [tilespmem:s25+$0x3600]  }
0xd4: {  	v17 =	vld [tilespmem:s25+$0x3610]  }
0xd5: {  	v18 =	vld [tilespmem:s25+$0x2600]  }
0xd6: {  	v19 =	vld [tilespmem:s25+$0x2610];
	_ =	sdelay $0x3  }
0xd7: {  	v16 =	vmul.f32 v16, v18  }
0xd8: {  	v17 =	vmul.f32 v17, v19;
	_ =	sdelay $0x1  }
0xd9: {  	v16 =	vadd.f32 v17, v16;
	_ =	sdelay $0x1  }
0xda: {  	[tilespmem:v4+s15+$0x0] =	vst.idx.msk $0xffff, v16  }
0xdb: {  	v16 =	vld [tilespmem:s25+$0x3620]  }
0xdc: {  	v17 =	vld [tilespmem:s25+$0x3630]  }
0xdd: {  	v18 =	vld [tilespmem:s25+$0x2620]  }
0xde: {  	v19 =	vld [tilespmem:s25+$0x2630];
	_ =	sdelay $0x3  }
0xdf: {  	v16 =	vmul.f32 v16, v18  }
0xe0: {  	v17 =	vmul.f32 v17, v19;
	_ =	sdelay $0x1  }
0xe1: {  	v16 =	vadd.f32 v17, v16;
	_ =	sdelay $0x1  }
0xe2: {  	[tilespmem:v5+s15+$0x0] =	vst.idx.msk $0xffff, v16  }
0xe3: {  	v16 =	vld [tilespmem:s25+$0x3640]  }
0xe4: {  	v17 =	vld [tilespmem:s25+$0x2640]  }
0xe5: {  	v18 =	vld [tilespmem:s25+$0x3650]  }
0xe6: {  	v19 =	vld [tilespmem:s25+$0x2650];
	_ =	sdelay $0x2  }
0xe7: {  	v16 =	vmul.f32 v16, v17;
	_ =	sdelay $0x1  }
0xe8: {  	v17 =	vmul.f32 v18, v19;
	_ =	sdelay $0x1  }
0xe9: {  	v16 =	vadd.f32 v17, v16;
	_ =	sdelay $0x1  }
0xea: {  	[tilespmem:v6+s15+$0x0] =	vst.idx.msk $0xffff, v16  }
0xeb: {  	v16 =	vld [tilespmem:s25+$0x3660]  }
0xec: {  	v17 =	vld [tilespmem:s25+$0x3670]  }
0xed: {  	v18 =	vld [tilespmem:s25+$0x2670]  }
0xee: {  	v19 =	vld [tilespmem:s25+$0x2660];
	_ =	sdelay $0x3  }
0xef: {  	v17 =	vmul.f32 v17, v18  }
0xf0: {  	v16 =	vmul.f32 v16, v19;
	_ =	sdelay $0x1  }
0xf1: {  	v16 =	vadd.f32 v17, v16;
	_ =	sdelay $0x1  }
0xf2: {  	[tilespmem:v7+s15+$0x0] =	vst.idx.msk $0xffff, v16  }
0xf3: {  	v16 =	vld [tilespmem:s25+$0x3680]  }
0xf4: {  	v17 =	vld [tilespmem:s25+$0x3690]  }
0xf5: {  	v18 =	vld [tilespmem:s25+$0x2690]  }
0xf6: {  	v19 =	vld [tilespmem:s25+$0x2680];
	_ =	sdelay $0x3  }
0xf7: {  	v17 =	vmul.f32 v17, v18  }
0xf8: {  	v16 =	vmul.f32 v16, v19;
	_ =	sdelay $0x1  }
0xf9: {  	v16 =	vadd.f32 v17, v16;
	_ =	sdelay $0x1  }
0xfa: {  	[tilespmem:v8+s15+$0x0] =	vst.idx.msk $0xffff, v16  }
0xfb: {  	v16 =	vld [tilespmem:s25+$0x36A0]  }
0xfc: {  	v17 =	vld [tilespmem:s25+$0x36B0]  }
0xfd: {  	v18 =	vld [tilespmem:s25+$0x26A0]  }
0xfe: {  	v19 =	vld [tilespmem:s25+$0x26B0];
	_ =	sdelay $0x3  }
0xff: {  	v16 =	vmul.f32 v16, v18  }
0x100: {  	v17 =	vmul.f32 v17, v19;
	_ =	sdelay $0x1  }
0x101: {  	v16 =	vadd.f32 v17, v16;
	_ =	sdelay $0x1  }
0x102: {  	[tilespmem:v9+s15+$0x0] =	vst.idx.msk $0xffff, v16  }
0x103: {  	v16 =	vld [tilespmem:s25+$0x36D0]  }
0x104: {  	v17 =	vld [tilespmem:s25+$0x36C0]  }
0x105: {  	v18 =	vld [tilespmem:s25+$0x26C0]  }
0x106: {  	v19 =	vld [tilespmem:s25+$0x26D0];
	_ =	sdelay $0x3  }
0x107: {  	v17 =	vmul.f32 v17, v18  }
0x108: {  	v16 =	vmul.f32 v16, v19;
	_ =	sdelay $0x1  }
0x109: {  	v16 =	vadd.f32 v16, v17;
	_ =	sdelay $0x1  }
0x10a: {  	[tilespmem:v10+s15+$0x0] =	vst.idx.msk $0xffff, v16  }
0x10b: {  	v16 =	vld [tilespmem:s25+$0x36E0]  }
0x10c: {  	v17 =	vld [tilespmem:s25+$0x36F0]  }
0x10d: {  	v18 =	vld [tilespmem:s25+$0x26E0]  }
0x10e: {  	v19 =	vld [tilespmem:s25+$0x26F0];
	_ =	sdelay $0x3  }
0x10f: {  	v16 =	vmul.f32 v16, v18  }
0x110: {  	v17 =	vmul.f32 v17, v19;
	_ =	sdelay $0x1  }
0x111: {  	v16 =	vadd.f32 v17, v16;
	_ =	sdelay $0x1  }
0x112: {  	[tilespmem:v11+s15+$0x0] =	vst.idx.msk $0xffff, v16  }
0x113: {  	v16 =	vld [tilespmem:s25+$0x2700]  }
0x114: {  	v17 =	vld [tilespmem:s25+$0x3700]  }
0x115: {  	v18 =	vld [tilespmem:s25+$0x3710]  }
0x116: {  	v19 =	vld [tilespmem:s25+$0x2710];
	_ =	sdelay $0x2  }
0x117: {  	v16 =	vmul.f32 v17, v16;
	_ =	sdelay $0x1  }
0x118: {  	v17 =	vmul.f32 v18, v19;
	_ =	sdelay $0x1  }
0x119: {  	v16 =	vadd.f32 v17, v16;
	_ =	sdelay $0x1  }
0x11a: {  	[tilespmem:v12+s15+$0x0] =	vst.idx.msk $0xffff, v16  }
0x11b: {  	v16 =	vld [tilespmem:s25+$0x3720]  }
0x11c: {  	v17 =	vld [tilespmem:s25+$0x3730]  }
0x11d: {  	v18 =	vld [tilespmem:s25+$0x2730]  }
0x11e: {  	v19 =	vld [tilespmem:s25+$0x2720];
	_ =	sdelay $0x3  }
0x11f: {  	v17 =	vmul.f32 v17, v18  }
0x120: {  	v16 =	vmul.f32 v16, v19;
	_ =	sdelay $0x1  }
0x121: {  	v16 =	vadd.f32 v17, v16;
	_ =	sdelay $0x1  }
0x122: {  	[tilespmem:v13+s15+$0x0] =	vst.idx.msk $0xffff, v16  }
0x123: {  	v16 =	vld [tilespmem:s25+$0x3740]  }
0x124: {  	v17 =	vld [tilespmem:s25+$0x3750]  }
0x125: {  	v18 =	vld [tilespmem:s25+$0x2740]  }
0x126: {  	v19 =	vld [tilespmem:s25+$0x2750];
	_ =	sdelay $0x3  }
0x127: {  	v16 =	vmul.f32 v16, v18  }
0x128: {  	v17 =	vmul.f32 v17, v19;
	_ =	sdelay $0x1  }
.Ltmp0:
0x129: {  	v16 =	vadd.f32 v17, v16;
	(pc) =	sbr.rel @p0 .LBB2_5-.Ltmp0, $4  }
0x12a: {  	_ = 	snop  }
0x12b: {  	[tilespmem:v14+s15+$0x0] =	vst.idx.msk $0xffff, v16  }
0x12c: {  	v16 =	vld [tilespmem:s25+$0x3770]  }
0x12d: {  	v17 =	vld [tilespmem:s25+$0x2760]  }
0x12e: {  	v18 =	vld [tilespmem:s25+$0x3760]  }
0x12f: {  	v19 =	vld [tilespmem:s25+$0x2770];
	_ =	sdelay $0x4  }
0x130: {  	v17 =	vmul.f32 v18, v17;
	v16 =	vmul.f32 v16, v19;
	_ =	sdelay $0x1  }
0x131: {  	v16 =	vadd.f32 v16, v17;
	_ =	sdelay $0x1  }
0x132: {  	[tilespmem:v15+s15+$0x0] =	vst.idx.msk $0xffff, v16  }
0x133: {  	v16 =	vld [tilespmem:$0x4580]  }
0x134: {  	v17 =	vld [tilespmem:$0x4590];
	_ =	sdelay $0x1  }
0x135: {  	v54 =	vld [tilespmem:$0x45A0];
	_ =	sdelay $0x1  }
0x136: {  	v55 =	vld [tilespmem:$0x45B0]  }
0x137: {  	v16 =	vadd.f32 v17, v16  }
0x138: {  	v17 =	vld [tilespmem:$0x45C0]  }
0x139: {  	v16 =	vadd.f32 v54, v16  }
0x13a: {  	v56 =	vld [tilespmem:$0x45D0]  }
0x13b: {  	v16 =	vadd.f32 v55, v16  }
0x13c: {  	v57 =	vld [tilespmem:$0x45E0]  }
0x13d: {  	v16 =	vadd.f32 v17, v16  }
0x13e: {  	v17 =	vld [tilespmem:$0x45F0]  }
0x13f: {  	v16 =	vadd.f32 v56, v16  }
0x140: {  	v58 =	vld [tilespmem:$0x4600]  }
0x141: {  	v16 =	vadd.f32 v57, v16  }
0x142: {  	v59 =	vld [tilespmem:$0x4610]  }
0x143: {  	v16 =	vadd.f32 v17, v16  }
0x144: {  	v17 =	vld [tilespmem:$0x4620]  }
0x145: {  	v16 =	vadd.f32 v58, v16  }
0x146: {  	v60 =	vld [tilespmem:$0x4630]  }
0x147: {  	v16 =	vadd.f32 v59, v16  }
0x148: {  	v61 =	vld [tilespmem:$0x4640]  }
0x149: {  	v16 =	vadd.f32 v17, v16  }
0x14a: {  	v17 =	vld [tilespmem:$0x4650]  }
0x14b: {  	v16 =	vadd.f32 v60, v16  }
0x14c: {  	v62 =	vld [tilespmem:$0x4660]  }
0x14d: {  	v16 =	vadd.f32 v61, v16  }
0x14e: {  	v63 =	vld [tilespmem:$0x4670]  }
0x14f: {  	v16 =	vadd.f32 v17, v16;
	_ =	sdelay $0x1  }
0x150: {  	s24 =	sadd.s32 $0x1, s24;
	v16 =	vadd.f32 v62, v16  }
0x151: {  	p0 =	sne.s32 s24, $0x19  }
.Ltmp1:
0x152: {  	v16 =	vadd.f32 v63, v16;
	(pc) =	sbr.rel @p0 .LBB2_4-.Ltmp1, $3  }
0x153: {  	_ = 	snop  }
0x154: {  	v16 =	vmul.f32 $1.767766920e-01, v16;
	_ =	sdelay $0x1  }
0x155: {  	s23 =	sadd.s32 $0x80, s23;
	[tilespmem:s26+$0x0] =	vst v16  }
0x156: {  	s21 =	sadd.s32 $0x1, s21  }
0x157: {  	p0 =	sne.s32 s21, $0x10  }
.Ltmp2:
0x158: {  	s22 =	sadd.s32 s6, s22;
	(pc) =	sbr.rel @p0 .LBB2_3-.Ltmp2, $4  }
0x159: {  	[hbm4b:s22+s1] =	stream.linear.scatter [tilespmem:s16], [sflag:$0x2], $0xC80, $0x38;
	[tilespmem:$0x4680] =	vst v63  }
0x15a: {  	_ =	swait.ge [sflag:s9], $0xC80  }
0x15b: {  	[sflag:s9] =	ssyncset.done $0x0  }
0x15c: {  	[sflag:s9] =	ssyncadd.s32 $0xFFFFF380  }
0x15d: {  	s18 =	sadd.s32 $0x1, s18  }
0x15e: {  	p0 =	sne.s32 s18, $0x4  }
.Ltmp3:
0x15f: {  	_ = 	snop;
	(pc) =	sbr.rel @p0 .LBB2_2-.Ltmp3, $1  }
0x160: {  	_ =	sdelay $0x3  }
0x161: {  	s17 =	sadd.s32 $0x1, s17  }
0x162: {  	p0 =	sne.s32 s17, s8  }
.Ltmp4:
0x163: {  	_ = 	snop;
	(pc) =	sbr.rel @p0 .LBB2_1-.Ltmp4, $1  }
0x164: {  	_ =	sdelay $0x3  }
0x165: {  	_ =	sfence.sel $0x180000  }
0x166: {  	[bflag:$0x0] =	sbarrier.arrive $0xFFFF  }
0x167: {  	p0 =	sne.s32 s2, $0x0;
	_ =	strace $0x90000047  }
0x168: {  	s0 =	sadd.s32 @!p0 $0x100000, s0;
	[bflag:$0x2] =	sbarrier.arrive $0xFFFF  }
0x169: {  	[sflag:s0] =	ssyncadd.tile.s32 @!p0 $0x1;
	_ =	shalt  }
.Lfunc_end2:
_tile_overlayer_lowered:
.L_overlay_start_2:
0x16a: {  	(tag) =	ssettag $0x2  }
0x16b: {  	s0 =	rddreg [dreg:$0x0];
	s2 =	stileid.u32  }
0x16c: {  	s1 =	rddreg [dreg:$0x1];
	p0 =	sne.s32 s2, $0x0  }
0x16d: {  	s3 =	rddreg [dreg:$0x2];
	[bflag:$0x3] =	sbarrier.arrive $0xFFFF;
	s2 =	simm.s32 @!p0 $0x1C02  }
0x16e: {  	[timem:s3], [sflag:s2] =	dma.local @!p0 [hbm:s0], s1  }
0x16f: {  	s0 =	simm.s32 @!p0 $0x2  }
0x170: {  	_ =	swait.ge @!p0 [sflag:s0], s1  }
0x171: {  	s1 =	ssub.s32 @!p0 $0x0, s1;
	[sflag:s0] =	ssyncset.done @!p0 $0x0  }
0x172: {  	[sflag:s0] =	ssyncadd.s32 @!p0 s1  }
0x173: {  	[bflag:$0x3] =	sbarrier.arrive $0xFFFF  }
0x174: {  	_ =	shalt  }

// kernel: kernel.15.cloned.1.call-start
scs
__scs_entry_jumppad:
0x0: {  	(pc) =	sbr.rel $0x88, $3  }
0x1: {  	(tag) =	ssettag $0x0;
	lr =	simm.s32 $0x1  }
0x2: {  	[smem:$0x3F77] =	sst lr;
	_ =	strace $0xD0000000  }
0x3: {  	_ = 	snop  }
0x4: {  	_ = 	snop  }
0x5: {  	_ = 	snop  }
0x6: {  	_ = 	snop  }
0x7: {  	_ = 	snop  }
__scs_overlays_trampoline_lowered:
0x8: {  	[smem:$0x3F86] =	sst s0  }
0x9: {  	[smem:$0x3F87] =	sst s1  }
0xa: {  	[smem:$0x3F88] =	sst s2  }
0xb: {  	[smem:$0x3F89] =	sst s3  }
0xc: {  	[smem:$0x3F8A] =	sst s4  }
0xd: {  	[smem:$0x3F8B] =	sst s5  }
0xe: {  	[smem:$0x3F8C] =	sst s6  }
0xf: {  	[smem:$0x3F8D] =	sst s7  }
0x10: {  	[smem:$0x3F8E] =	sst s8  }
0x11: {  	[smem:$0x3F8F] =	sst s9;
	s0 =	simm.s32 @!p0 $0x0  }
0x12: {  	s1 =	sld [smem:$0x3F75];
	s0 =	simm.s32 @p0 $0x1  }
0x13: {  	[smem:$0x3F90] =	sst s0;
	s0 =	simm.s32 @!p1 $0x0  }
0x14: {  	s2 =	sld [smem:$0x3F74];
	s0 =	simm.s32 @p1 $0x1  }
0x15: {  	[smem:$0x3F91] =	sst s0;
	s0 =	simm.s32 @!p2 $0x0  }
0x16: {  	s3 =	sld [smem:$0x3FDB];
	s0 =	simm.s32 @p2 $0x1  }
0x17: {  	s4 =	simm.s32 $0x1BF5;
	[smem:$0x3F93] =	sst s0  }
0x18: {  	s0 =	sld [smem:$0x3F76];
	_ =	swait.ge [sflag:s4], $0x0  }
0x19: {  	s7 =	sld [smem:$0x3F77]  }
0x1a: {  	s8 =	sadd.s32 $0xFFFFE003, lr  }
0x1b: {  	s9 =	sadd.s32 $0xFFFFFEF7, lr;
	s5 =	simm.s32 $0xFFFFFFFF;
	p2 =	slt.u32 s8, $0xFFFFF086  }
0x1c: {  	p1 =	slt.u32 s9, $0xF7A;
	s5 =	simm.s32 @!p2 $0x0  }
0x1d: {  	s5 =	simm.s32 @p1 $0x1;
	p0 =	seq.s32 s7, s2  }
0x1e: {  	s7 =	smul.u32 @!p0 $0xF7A, s2;
	p2 =	seq.s32 @!p0 s5, $0x0  }
0x1f: {  	s9 =	smul.u32 $0xF7A, s1;
	s8 =	simm.s32 @!p0 $0x1BF5;
	p2 =	por !p2, p0  }
0x20: {  	[sflag:s8] =	ssyncset.s32 @!p0 $0xFFFFF086;
	s6 =	sadd.s32 @!p0 s3, s7;
	s7 =	simm.s32 @!p0 $0x108  }
0x21: {  	s3 =	sadd.s32 s3, s9;
	s6 =	sadd.s32 @!p0 $0x88, s6;
	s7 =	simm.s32 @p2 $0x1082  }
0x22: {  	[simem:s7], [sflag:s8] =	dma.local @!p0 [hbm:s6], $0xF7A  }
0x23: {  	s9 =	sor.u32 $0xD0000000, s2;
	s6 =	simm.s32 $0x108;
	_ =	swait.ge @!p0 [sflag:s8], $0x0  }
0x24: {  	s3 =	sadd.s32 $0x88, s3;
	s6 =	simm.s32 @!p1 $0x1082;
	[sflag:s4] =	ssyncset.s32 $0xFFFFF086  }
0x25: {  	[simem:s6], [sflag:s4] =	dma.local [hbm:s3], $0xF7A  }
0x26: {  	[smem:$0x3F77] =	sst s1;
	(tag) =	ssettag s2;
	_ =	strace s9  }
0x27: {  	s1 =	sld [smem:$0x3F87]  }
0x28: {  	s2 =	sld [smem:$0x3F88]  }
0x29: {  	s4 =	sld [smem:$0x3F8A]  }
0x2a: {  	p0 =	seq.s32 s5, $0x0;
	s5 =	sld [smem:$0x3F8B]  }
0x2b: {  	s6 =	sld [smem:$0x3F8C]  }
0x2c: {  	s7 =	sld [smem:$0x3F8D]  }
0x2d: {  	s3 =	simm.s32 $0x108;
	s8 =	sld [smem:$0x3F8E]  }
0x2e: {  	s3 =	simm.s32 @!p0 $0x1082;
	s9 =	sld [smem:$0x3F8F]  }
0x2f: {  	lr =	sadd.s32 s0, s3;
	s0 =	sld [smem:$0x3F86]  }
0x30: {  	s3 =	sld [smem:$0x3F89]  }
0x31: {  	[smem:$0x3F92] =	sst s10  }
0x32: {  	s10 =	sld [smem:$0x3F90];
	_ =	sdelay $0x3  }
0x33: {  	p0 =	seq.s32 s10, $0x1;
	s10 =	sld [smem:$0x3F92];
	_ =	sdelay $0x3  }
0x34: {  	[smem:$0x3F92] =	sst s10  }
0x35: {  	s10 =	sld [smem:$0x3F91];
	_ =	sdelay $0x3  }
0x36: {  	p1 =	seq.s32 s10, $0x1;
	s10 =	sld [smem:$0x3F92];
	_ =	sdelay $0x3  }
0x37: {  	[smem:$0x3F92] =	sst s10  }
0x38: {  	s10 =	sld [smem:$0x3F93]  }
0x39: {  	_ = 	snop;
	(pc) =	sbr.ind lr, $3  }
0x3a: {  	_ = 	snop  }
0x3b: {  	_ = 	snop  }
0x3c: {  	p2 =	seq.s32 s10, $0x1;
	s10 =	sld [smem:$0x3F92]  }
0x3d: {  	_ =	shalt  }
0x3e: {  	_ =	shalt  }
0x3f: {  	_ =	shalt  }
0x40: {  	_ =	shalt  }
0x41: {  	_ =	shalt  }
0x42: {  	_ =	shalt  }
0x43: {  	_ =	shalt  }
0x44: {  	_ =	shalt  }
0x45: {  	_ =	shalt  }
0x46: {  	_ =	shalt  }
0x47: {  	_ =	shalt  }
0x48: {  	_ =	shalt  }
0x49: {  	_ =	shalt  }
0x4a: {  	_ =	shalt  }
0x4b: {  	_ =	shalt  }
0x4c: {  	_ =	shalt  }
0x4d: {  	_ =	shalt  }
0x4e: {  	_ =	shalt  }
0x4f: {  	_ =	shalt  }
0x50: {  	_ =	shalt  }
0x51: {  	_ =	shalt  }
0x52: {  	_ =	shalt  }
0x53: {  	_ =	shalt  }
0x54: {  	_ =	shalt  }
0x55: {  	_ =	shalt  }
0x56: {  	_ =	shalt  }
0x57: {  	_ =	shalt  }
0x58: {  	_ =	shalt  }
0x59: {  	_ =	shalt  }
0x5a: {  	_ =	shalt  }
0x5b: {  	_ =	shalt  }
0x5c: {  	_ =	shalt  }
0x5d: {  	_ =	shalt  }
0x5e: {  	_ =	shalt  }
0x5f: {  	_ =	shalt  }
0x60: {  	_ =	shalt  }
0x61: {  	_ =	shalt  }
0x62: {  	_ =	shalt  }
0x63: {  	_ =	shalt  }
0x64: {  	_ =	shalt  }
0x65: {  	_ =	shalt  }
0x66: {  	_ =	shalt  }
0x67: {  	_ =	shalt  }
0x68: {  	_ =	shalt  }
0x69: {  	_ =	shalt  }
0x6a: {  	_ =	shalt  }
0x6b: {  	_ =	shalt  }
0x6c: {  	_ =	shalt  }
0x6d: {  	_ =	shalt  }
0x6e: {  	_ =	shalt  }
0x6f: {  	_ =	shalt  }
0x70: {  	_ =	shalt  }
0x71: {  	_ =	shalt  }
0x72: {  	_ =	shalt  }
0x73: {  	_ =	shalt  }
0x74: {  	_ =	shalt  }
0x75: {  	_ =	shalt  }
0x76: {  	_ =	shalt  }
0x77: {  	_ =	shalt  }
0x78: {  	_ =	shalt  }
0x79: {  	_ =	shalt  }
0x7a: {  	_ =	shalt  }
0x7b: {  	_ =	shalt  }
0x7c: {  	_ =	shalt  }
0x7d: {  	_ =	shalt  }
0x7e: {  	_ =	shalt  }
0x7f: {  	_ =	shalt  }
0x80: {  	_ =	shalt  }
0x81: {  	_ =	shalt  }
0x82: {  	_ =	shalt  }
0x83: {  	_ =	shalt  }
0x84: {  	_ =	shalt  }
0x85: {  	_ =	shalt  }
0x86: {  	_ =	shalt  }
0x87: {  	_ =	shalt  }
.Lfunc_end0:
.L_simem_size_0:
called_computation.1_lowered:
.L_overlay_start_0:
0x88: {  	s2 =	sld [smem:$0x3FD9]  }
0x89: {  	s3 =	sld [smem:$0x3FFE];
	_ =	sdelay $0x1  }
0x8a: {  	s1 =	srdreg.scid  }
0x8b: {  	s0 =	sand.u32 $0x1, s1  }
0x8c: {  	s16 =	sshll.u32 s0, $0xA;
	s2 =	sadd.s32 s3, s2  }
0x8d: {  	s2 =	sadd.s32 s2, s16  }
0x8e: {  	[smem:$0x3F9E] =	sst s2  }
0x8f: {  	_ = 	snop  }
0x90: {  	(tm) =	ssettm $0x1  }
0x91: {  	s17 =	sld [smem:$0x3FFB];
	_ =	sdelay $0x3  }
0x92: {  	_ =	strace s17  }
0x93: {  	s2 =	sld [smem:$0x3FFC];
	_ =	sdelay $0x3  }
0x94: {  	_ =	strace s2  }
0x95: {  	s2 =	sld [smem:$0x3FFD];
	_ =	sdelay $0x3  }
0x96: {  	_ =	strace s2  }
0x97: {  	_ =	strace $0x8FFFFFFF  }
0x98: {  	s18 =	sld [smem:$0x3FDB];
	_ =	sdelay $0x1  }
0x99: {  	s19 =	simm.s32 $_scs_section_size  }
0x9a: {  	s4 =	simm.s32 $_size__tile_overlayer_lowered;
	s5 =	simm.s32 $_tile_overlayer_lowered  }
0x9b: {  	s22 =	simm.s32 $0x1BFF;
	s21 =	sshll.u32 s5, $0x1;
	s2 =	sadd.s32 s19, s18  }
0x9c: {  	s6 =	simm.s32 $0x0;
	s20 =	sshll.u32 s4, $0x1;
	s4 =	sadd.s32 s21, s2  }
0x9d: {  	[timem:s6], [sflag:s22] =	dma.local [hbm:s4], s20  }
0x9e: {  	_ =	swait.ge [sflag:s22], s20  }
0x9f: {  	s3 =	ssub.s32 $0x0, s20;
	[sflag:s22] =	ssyncset.done $0x0  }
0xa0: {  	[sflag:s22] =	ssyncadd.s32 s3;
	_ =	sdelay $0x1  }
0xa1: {  	s23 =	simm.s32 $0x1B8B  }
0xa2: {  	_ =	swait.ge [sflag:s23], $0x1  }
0xa3: {  	[sflag:s23] =	ssyncset.done $0x0  }
0xa4: {  	s25 =	simm.s32 $0x1B8E;
	s24 =	sld [smem:$0x3FFE];
	[sflag:s23] =	ssyncadd.s32 $0xFFFFFFFF  }
0xa5: {  	s26 =	simm.s32 $execute0_lowered;
	[smem:$0x3FD2] =	sst s25  }
0xa6: {  	s4 =	sshll.u32 s26, $0x1;
	_ =	strace $0x80000049;
	[dreg:$0x1] =	wrdreg $0xFFFFFFFF  }
0xa7: {  	s28 =	simm.s32 $_size_execute0_lowered;
	s2 =	sadd.s32 s2, s4;
	[dreg:$0x0] =	wrdreg $0x0  }
0xa8: {  	s4 =	sshll.u32 s28, $0x1;
	[dreg:$0x2] =	wrdreg s2  }
0xa9: {  	[dreg:$0x3] =	wrdreg s4  }
0xaa: {  	[dreg:$0x4] =	wrdreg $0xC0  }
0xab: {  	_ =	task [dreg:s6], $0x5FFFF  }
0xac: {  	[dreg:$0x1] =	wrdreg $0xFFFFFFFF  }
0xad: {  	[dreg:$0x0] =	wrdreg $0x60  }
0xae: {  	[dreg:$0x2] =	wrdreg s24  }
0xaf: {  	[dreg:$0x3] =	wrdreg $0x1C2000  }
0xb0: {  	[dreg:$0x4] =	wrdreg $0x9  }
0xb1: {  	_ =	task.clear_ibuf [dreg:s6], $0x5FFFF;
	_ =	strace $0x90000049  }
0xb2: {  	s29 =	simm.s32 $0x9;
	_ =	strace $0x8000004B  }
0xb3: {  	_ =	swait.ge [sflag:s29], $0x1  }
0xb4: {  	[sflag:s29] =	ssyncadd.s32 $0xFFFFFFFF  }
0xb5: {  	_ =	strace $0x9000004B  }
0xb6: {  	_ =	sfence  }
0xb7: {  	s30 =	sld [smem:$0x0];
	_ =	sdelay $0x2  }
0xb8: {  	s31 =	sshll.u32 s1, $0xD;
	s1 =	sshrl.u32 s1, $0x2  }
0xb9: {  	s3 =	sand.u32 $0x4000, s31;
	s1 =	sadd.s32 s1, s30  }
0xba: {  	s0 =	sor.u32 s3, s0;
	s1 =	sshll.u32 s1, $0x11  }
0xbb: {  	s0 =	sor.u32 s1, s0  }
0xbc: {  	s0 =	sadd.s32 $0x8F2B, s0  }
0xbd: {  	[sflag:s0] =	ssyncadd.remote.s32 $0x1  }
0xbe: {  	_ =	sfence.sel $0xFFFF  }
0xbf: {  	[dreg:$0x0] =	wrdreg $0xFFFFFFFF;
	(pc) =	sbr.abs _section_cstart, $3  }
0xc0: {  	[dreg:$0x1] =	wrdreg $0xFFFFFFFF  }
0xc1: {  	_ =	task.clear_ibuf [dreg:s6], $0x2FFFF;
	_ =	strace $0x9FFFFFFF  }
0xc2: {  	(tm) =	ssettm $0x7FFFFFFF  }
0xc3: {  	_ =	shalt  }
tec
execute0_lowered:
.L_overlay_start_1:
0x0: {  	(tag) =	ssettag $0x1  }
0x1: {  	s0 =	rddreg [dreg:$0x0]  }
0x2: {  	s1 =	rddreg [dreg:$0x1]  }
0x3: {  	s3 =	simm.s32 $0x0;
	s12 =	stileid.u32;
	s5 =	srdreg.scid  }
0x4: {  	s19 =	simm.s32 $0xC400;
	s21 =	simm.s32 $0x3;
	s22 =	simm.s32 $0x80  }
0x5: {  	s23 =	simm.s32 $0x1BA00;
	[smem:$0x7FF] =	sst s3;
	s4 =	sadd.s32 $0x303000, s0  }
0x6: {  	s2 =	smul.u32 $0x3100, s12;
	s6 =	sadd.s32 $0x20EA00, s0;
	s7 =	sand.u32 $0x1, s5  }
0x7: {  	s8 =	sadd.s32 $0x23B000, s0;
	s9 =	sadd.s32 $0x6A00, s0;
	s10 =	sadd.s32 $0x3C7000, s0  }
0x8: {  	s30 =	smul.u32 $0x310, s12;
	s15 =	sshll.u32 s12, $0x1;
	s31 =	sshll.u32 s12, $0x6  }
0x9: {  	s12 =	simm.s32 $0x2;
	_ =	strace $0x8000004A;
	[dreg:$0x3] =	wrdreg s6  }
0xa: {  	s6 =	sadd.s32 $0x146A00, s0;
	[dreg:$0x4] =	wrdreg s7;
	s7 =	ssub.s32 $0x2, s7  }
.Ltmp0:
0xb: {  	[dreg:$0x8] =	wrdreg s31;
	s20 =	sor.u32 $0x1C03, s31;
	(pc) =	sbr.rel .LBB2_1-.Ltmp0, $4  }
0xc: {  	s28 =	sshrl.u32 s2, $0x3;
	s11 =	sshrl.u32 s7, $0x1;
	[dreg:$0x6] =	wrdreg s30  }
0xd: {  	s5 =	sadd.s32 s28, s0;
	s0 =	sadd.s32 $0xCEA00, s0;
	s29 =	ssub.s32 s7, s11  }
0xe: {  	s13 =	sadd.s32 s2, s1;
	[dreg:$0x5] =	wrdreg s0;
	s0 =	smax.u32 s29, $0x1  }
0xf: {  	s2 =	simm.s32 $0x0;
	s14 =	sadd.s32 $0x21AE00, s5;
	[dreg:$0x7] =	wrdreg s0  }
.LBB2_12:
0x10: {  	s2 =	rddreg [dreg:$0x9]  }
0x11: {  	s0 =	rddreg [dreg:$0x7];
	s2 =	sadd.s32 $0x1, s2  }
0x12: {  	p0 =	sne.s32 s2, s0  }
.Ltmp1:
0x13: {  	_ = 	snop;
	(pc) =	sbr.rel @!p0 .LBB2_13-.Ltmp1, $1  }
0x14: {  	_ =	sdelay $0x3  }
.LBB2_1:
.Ltmp2:
0x15: {  	(pc) =	sbr.rel .LBB2_2-.Ltmp2, $2  }
0x16: {  	_ =	sdelay $0x2  }
0x17: {  	[dreg:$0x9] =	wrdreg s2;
	s5 =	simm.s32 $0x0  }
.LBB2_11:
0x18: {  	s0 =	rddreg [dreg:$0x8]  }
0x19: {  	s2 =	rddreg [dreg:$0xb];
	s12 =	simm.s32 $0x2;
	s0 =	sor.u32 $0x1C02, s0  }
0x1a: {  	[hbm:s2], [sflag:s0] =	dma.local [spmem:s16], $0x620  }
0x1b: {  	_ =	swait.ge [sflag:s12], $0x620  }
0x1c: {  	s5 =	rddreg [dreg:$0xa]  }
0x1d: {  	s5 =	sadd.s32 $0x1, s5  }
0x1e: {  	p0 =	sne.s32 s5, $0x8  }
.Ltmp3:
0x1f: {  	_ = 	snop;
	(pc) =	sbr.rel @!p0 .LBB2_12-.Ltmp3, $3  }
0x20: {  	_ =	sdelay $0x1  }
0x21: {  	[sflag:s12] =	ssyncset.done $0x0  }
0x22: {  	[sflag:s12] =	ssyncadd.s32 $0xFFFFF9E0  }
.LBB2_2:
0x23: {  	s0 =	sshrl.u32 s5, $0x1  }
0x24: {  	[dreg:$0xa] =	wrdreg s5;
	s2 =	smul.u32 $0x3100, s0  }
0x25: {  	s11 =	rddreg [dreg:$0x3]  }
0x26: {  	s29 =	simm.s32 $0x0;
	s7 =	smul.u32 $0x18800, s0;
	s2 =	sadd.s32 s11, s2  }
0x27: {  	[tilespmem:s29], [sflag:$0x2] =	stream.linear.gather [hbm4b:s2+s29], $0xC400, $0x38;
	[tilespmem:$0x1F300] =	vst v63  }
0x28: {  	s28 =	sshll.u32 s5, $0x1;
	s17 =	sshrl.u32 s7, $0x3;
	_ =	swait.ge [sflag:s12], $0xC400  }
0x29: {  	s16 =	sand.u32 $0x2, s28;
	s5 =	sadd.s32 s11, s17;
	s18 =	rddreg [dreg:$0x4]  }
0x2a: {  	s5 =	sadd.s32 $0x1880, s5;
	[sflag:s12] =	ssyncset.done $0x0;
	s2 =	sor.u32 s18, s16  }
0x2b: {  	s24 =	rddreg [dreg:$0x6];
	[sflag:s12] =	ssyncadd.s32 $0xFFFF3C00;
	s2 =	smul.u32 $0x3100, s2  }
0x2c: {  	[tilespmem:s19], [sflag:$0x2] =	stream.linear.gather [hbm4b:s5+s29], $0xC400, $0x38;
	[tilespmem:$0x1F300] =	vst v63  }
0x2d: {  	s25 =	smul.u32 $0xC4000, s0;
	s5 =	sadd.s32 s24, s2  }
0x2e: {  	s26 =	sshll.u32 s5, $0x4  }
0x2f: {  	s30 =	smul.u32 $0x188000, s0;
	_ =	swait.ge [sflag:s12], $0xC400;
	s7 =	sadd.s32 s25, s26  }
0x30: {  	s31 =	smul.u32 $0x190000, s0;
	s28 =	rddreg [dreg:$0x5];
	s7 =	sshrl.u32 s7, $0x3  }
0x31: {  	[sflag:s12] =	ssyncset.done $0x0;
	s5 =	sshll.u32 s5, $0x5;
	s0 =	sadd.s32 s28, s7  }
0x32: {  	v0 =	vmov s2;
	[sflag:s12] =	ssyncadd.s32 $0xFFFF3C00;
	s2 =	sadd.s32 s30, s5;
	[dreg:$0xb] =	wrdreg s0  }
.LBB2_3:
0x33: {  	s16 =	sshrl.u32 s13, $0x3;
	s0 =	smul.u32 $0xC4000, s29  }
0x34: {  	[spmem:s16], [sflag:s20] =	dma.local [hbm:s14], $0x620  }
0x35: {  	_ =	swait.ge [sflag:s21], $0x620  }
0x36: {  	s0 =	sadd.s32 s30, s0;
	[sflag:s21] =	ssyncset.done $0x0  }
0x37: {  	p0 =	seq.s32 s29, $0x2;
	s0 =	sshrl.u32 s0, $0x3;
	[sflag:s21] =	ssyncadd.s32 $0xFFFFF9E0  }
0x38: {  	s7 =	simm.s32 $0x0;
	vm0 =	vcmask @p0 $0x300;
	s26 =	sadd.s32 s4, s0;
	[bflag:$0x0] =	sbarrier.arrive $0xFFFF  }
.LBB2_4:
0x39: {  	s0 =	sshrl.u32 s7, $0x4;
	s5 =	sand.u32 $0xF, s7  }
0x3a: {  	s0 =	sadd.s32 s15, s0;
	s5 =	smul.u32 $0xC80, s5  }
0x3b: {  	s0 =	smul.u32 $0xC800, s0  }
0x3c: {  	s5 =	sor.u32 s31, s5  }
0x3d: {  	s0 =	sadd.s32 s0, s5  }
0x3e: {  	s0 =	sshrl.u32 s0, $0x3  }
0x3f: {  	s11 =	simm.s32 $0x0;
	s12 =	simm.s32 $0x18800;
	s25 =	sadd.s32 s6, s0  }
0x40: {  	[tilespmem:s12], [sflag:$0x3] =	stream.linear.gather [hbm4b:s25+s11], $0xC80, $0x38;
	[tilespmem:$0x1F300] =	vst v63  }
0x41: {  	_ =	swait.ge [sflag:s21], $0xC80  }
0x42: {  	[sflag:s21] =	ssyncset.done $0x0  }
0x43: {  	s17 =	simm.s32 $0x19480;
	s28 =	sadd.s32 s8, s0;
	[sflag:s21] =	ssyncadd.s32 $0xFFFFF380  }
0x44: {  	[tilespmem:s17], [sflag:$0x3] =	stream.linear.gather [hbm4b:s28+s11], $0xC80, $0x38;
	[tilespmem:$0x1F300] =	vst v63  }
0x45: {  	_ =	swait.ge [sflag:s21], $0xC80  }
0x46: {  	[sflag:s21] =	ssyncset.done $0x0  }
0x47: {  	s5 =	simm.s32 $0x1AD80;
	s0 =	sadd.s32 s9, s0;
	[sflag:s21] =	ssyncadd.s32 $0xFFFFF380  }
0x48: {  	[tilespmem:s5], [sflag:$0x3] =	stream.linear.gather [hbm4b:s0+s11], $0xC80, $0x38;
	[tilespmem:$0x1F300] =	vst v63  }
0x49: {  	_ =	swait.ge [sflag:s21], $0xC80  }
0x4a: {  	[sflag:s21] =	ssyncset.done $0x0  }
0x4b: {  	s0 =	simm.s32 $0x1A100;
	[sflag:s21] =	ssyncadd.s32 $0xFFFFF380  }
.LBB2_5:
0x4c: {  	s18 =	sshll.u32 @!p0 s11, $0x7  }
0x4d: {  	s18 =	sand.u32 @!p0 $0x3FFFFF80, s18  }
0x4e: {  	s24 =	simm.s32 @!p0 $0x80;
	s25 =	simm.s32 @!p0 $0x1BA00;
	s18 =	sadd.s32 @!p0 $0x18800, s18  }
0x4f: {  	v2 =	vmov s12;
	[tilespmem:s25], [sflag:$0x1] =	stream.indirect.gather @!p0 [hbm4b:s26+s24], $0x10, s18, s24, $0xb8;
	[tilespmem:$0x1F300] =	vst v63  }
0x50: {  	v3 =	vmov s17;
	s18 =	simm.s32 @!p0 $0x1  }
0x51: {  	_ =	swait.ge @!p0 [sflag:s18], $0x800  }
0x52: {  	[sflag:s18] =	ssyncset.done @!p0 $0x0  }
0x53: {  	s25 =	simm.s32 $0x0;
	[sflag:s18] =	ssyncadd.s32 @!p0 $0xFFFFF800  }
0x54: {  	v1 =	vld.idx.msk [tilespmem:v2+s25+$0x0 ss:$0x1], $0xffff  }
0x55: {  	v4 =	vld.idx.msk [tilespmem:v3+s25+$0x0 ss:$0x1], $0xffff;
	_ =	sdelay $0x4  }
0x56: {  	v5 =	vmov s5;
	_ =	sdelay $0x1  }
0x57: {  	v1 =	vld.idx.msk [tilespmem:v1+s3+$0x0], $0xffff  }
0x58: {  	v6 =	vld.idx.msk [tilespmem:v4+s19+$0x0], $0xffff;
	_ =	sdelay $0x1  }
0x59: {  	v7 =	vld.idx.msk [tilespmem:v5+s25+$0x0 ss:$0x1], $0xffff;
	_ =	sdelay $0x2  }
0x5a: {  	v1 =	vadd.f32 v6, v1;
	_ =	sdelay $0x1  }
0x5b: {  	v1 =	vadd.f32 v7, v1;
	_ =	sdelay $0x1  }
0x5c: {  	v6 =	vmul.f32 $2.000000030e-01, v1  }
0x5d: {  	vm1 =	vgt.f32 v1, $0.0e+00  }
0x5e: {  	v1 =	vsel vm1, v1, v6  }
0x5f: {  	v1 =	vmul.f32 $1.442695020e+00, v1;
	_ =	sdelay $0x1  }
0x60: {  	(erf) = vpow2.f32 v1;
	_ =	sdelay $0x7  }
0x61: {  	v7 =	vsub.s32 v4, v0  }
0x62: {  	vm1 =	vlt.u32 v7, $0x3100;
	v6 =	vmov s0;
	v1 =	vpop (erf)  }
0x63: {  	v4 =	vnsel vm1, $0x0, v1  }
0x64: {  	v1 =	vimm.f32 @p0 $0.0e+00;
	v8 =	vbroadcast @p0 v4, $0x0;
	v10 =	vbroadcast @p0 v4, $0xF  }
0x65: {  	v1 =	vsel @p0 vm0, $0x3F800000, v1;
	v11 =	vbroadcast @p0 v4, $0x4;
	v9 =	vbroadcast @!p0 v4, $0xA  }
0x66: {  	v7 =	vnsel vm1, $0x0, v7;
	v12 =	vbroadcast @p0 v4, $0x2;
	v8 =	vmul.f32 @p0 v1, v8  }
0x67: {  	s28 =	simm.s32 $0x1BA80;
	[tilespmem:v6+s25+$0x0 ss:$0x1] =	vst.idx.msk $0xffff, v7;
	v13 =	vbroadcast @p0 v4, $0x5;
	v15 =	vmul.f32 @p0 v1, v11  }
0x68: {  	v14 =	vbroadcast @!p0 v4, $0x0;
	v18 =	vbroadcast @!p0 v4, $0x4;
	[tilespmem:s28+$0xFFFFFF80] =	vst @p0 v8  }
0x69: {  	v20 =	vbroadcast @p0 v4, $0xA;
	v17 =	vbroadcast @p0 v4, $0xB;
	[tilespmem:s28+$0xFFFFFFC0] =	vst @p0 v15;
	v15 =	vld @!p0 [tilespmem:s28+$0xFFFFFF80]  }
0x6a: {  	v11 =	vmul.f32 @p0 v1, v10;
	v16 =	vmul.f32 @p0 v1, v12;
	v19 =	vld @!p0 [tilespmem:s28+$0xFFFFFFC0]  }
0x6b: {  	v10 =	vbroadcast @p0 v4, $0x9;
	v12 =	vbroadcast @p0 v4, $0x3  }
0x6c: {  	s24 =	simm.s32 $0x40;
	s25 =	simm.s32 $0x1BA80;
	v7 =	vld @!p0 [tilespmem:s28+$0xFFFFFFF0];
	[tilespmem:s28+$0xFFFFFFA0] =	vst @p0 v16;
	v8 =	vbroadcast @p0 v4, $0x6;
	v16 =	vbroadcast @p0 v4, $0x1  }
.LBB2_6:
0x6d: {  	v21 =	vbroadcast @p0 v4, $0x8;
	v20 =	vmul.f32 @p0 v1, v20;
	v22 =	vld @!p0 [tilespmem:s28+$0xFFFFFFA0];
	s25 =	sadd.s32 $0x100, s25;
	s18 =	smov.u32 s24;
	s24 =	sadd.s32 $0x40, s24  }
0x6e: {  	p1 =	sne.s32 s24, $0x200;
	v16 =	vmul.f32 @p0 v1, v16;
	v14 =	vmul.f32 @!p0 v15, v14  }
0x6f: {  	[tilespmem:s28+$0x20] =	vst @p0 v20;
	v15 =	vmul.f32 @!p0 v19, v18;
	v18 =	vbroadcast @!p0 v4, $0x5  }
0x70: {  	v19 =	vmul.f32 @p0 v1, v21;
	[tilespmem:s28+$0x70] =	vst @p0 v11;
	v11 =	vbroadcast @!p0 v4, $0x2;
	v20 =	vld @!p0 [tilespmem:s28+$0x20]  }
0x71: {  	v13 =	vmul.f32 @p0 v1, v13;
	v17 =	vmul.f32 @p0 v1, v17;
	[tilespmem:s28+$0xFFFFFFC0] =	vst @!p0 v15;
	v15 =	vld @!p0 [tilespmem:s28+$0x70]  }
0x72: {  	v12 =	vmul.f32 @p0 v1, v12;
	[tilespmem:s28+$0x0] =	vst @p0 v19;
	v11 =	vmul.f32 @!p0 v22, v11  }
0x73: {  	v10 =	vmul.f32 @p0 v1, v10;
	[tilespmem:s28+$0xFFFFFFD0] =	vst @p0 v13;
	v13 =	vbroadcast @p0 v4, $0xC;
	v19 =	vld @!p0 [tilespmem:s28+$0x0]  }
0x74: {  	v21 =	vbroadcast @p0 v4, $0xD;
	v22 =	vbroadcast @!p0 v4, $0xF;
	[tilespmem:s28+$0xFFFFFFA0] =	vst @!p0 v11;
	v11 =	vld @!p0 [tilespmem:s28+$0xFFFFFFD0]  }
0x75: {  	[tilespmem:s28+$0x30] =	vst @p0 v17;
	v13 =	vmul.f32 @p0 v1, v13;
	v9 =	vmul.f32 @!p0 v20, v9  }
0x76: {  	[tilespmem:s28+$0xFFFFFF80] =	vst @!p0 v14;
	v14 =	vbroadcast @!p0 v4, $0x8;
	v17 =	vld @!p0 [tilespmem:s28+$0x30];
	v15 =	vmul.f32 @!p0 v15, v22  }
0x77: {  	v20 =	vmul.f32 @p0 v1, v21;
	v21 =	vbroadcast @p0 v4, $0xE;
	[tilespmem:s28+$0x20] =	vst @!p0 v9  }
0x78: {  	v9 =	vbroadcast @p0 v4, $0x7;
	v14 =	vmul.f32 @!p0 v19, v14;
	[tilespmem:s28+$0x70] =	vst @!p0 v15  }
0x79: {  	v15 =	vbroadcast @!p0 v4, $0xB;
	[tilespmem:s28+$0xFFFFFFB0] =	vst @p0 v12;
	v12 =	vmul.f32 @p0 v1, v21  }
0x7a: {  	v11 =	vmul.f32 @!p0 v11, v18;
	[tilespmem:s28+$0xFFFFFF90] =	vst @p0 v16;
	v16 =	vld @!p0 [tilespmem:s28+$0xFFFFFFB0]  }
0x7b: {  	v18 =	vld @!p0 [tilespmem:s28+$0xFFFFFF90];
	[tilespmem:s28+$0x0] =	vst @!p0 v14;
	v14 =	vmul.f32 @!p0 v17, v15  }
0x7c: {  	[tilespmem:s28+$0x10] =	vst @p0 v10  }
0x7d: {  	v10 =	vbroadcast @!p0 v4, $0x3;
	v15 =	vld @!p0 [tilespmem:s28+$0x10];
	[tilespmem:s28+$0x30] =	vst @!p0 v14  }
0x7e: {  	[tilespmem:s28+$0x40] =	vst @p0 v13;
	v13 =	vbroadcast @!p0 v4, $0x1  }
0x7f: {  	[tilespmem:s28+$0x60] =	vst @p0 v12;
	v10 =	vmul.f32 @!p0 v16, v10;
	v12 =	vld @!p0 [tilespmem:s28+$0x40]  }
0x80: {  	v14 =	vbroadcast @!p0 v4, $0x9;
	[tilespmem:s28+$0x50] =	vst @p0 v20;
	v13 =	vmul.f32 @!p0 v18, v13;
	v16 =	vld @!p0 [tilespmem:s28+$0x60]  }
0x81: {  	v8 =	vmul.f32 @p0 v1, v8;
	[tilespmem:s28+$0xFFFFFFB0] =	vst @!p0 v10;
	v10 =	vld @!p0 [tilespmem:s28+$0x50]  }
0x82: {  	[tilespmem:s28+$0xFFFFFF90] =	vst @!p0 v13;
	v13 =	vmul.f32 @!p0 v15, v14;
	v14 =	vbroadcast @!p0 v4, $0xC  }
0x83: {  	[tilespmem:s28+$0xFFFFFFE0] =	vst @p0 v8;
	v8 =	vbroadcast @!p0 v4, $0xE  }
0x84: {  	v15 =	vld @!p0 [tilespmem:s28+$0xFFFFFFE0];
	[tilespmem:s28+$0x10] =	vst @!p0 v13;
	v12 =	vmul.f32 @!p0 v12, v14;
	v13 =	vbroadcast @!p0 v4, $0xD  }
0x85: {  	[tilespmem:s28+$0xFFFFFFD0] =	vst @!p0 v11;
	v8 =	vmul.f32 @!p0 v16, v8  }
0x86: {  	v11 =	vbroadcast @!p0 v4, $0x7;
	[tilespmem:s28+$0x40] =	vst @!p0 v12;
	v10 =	vmul.f32 @!p0 v10, v13  }
0x87: {  	v9 =	vmul.f32 @p0 v1, v9;
	v4 =	vbroadcast @!p0 v4, $0x6;
	[tilespmem:s28+$0x60] =	vst @!p0 v8  }
0x88: {  	v7 =	vmul.f32 @!p0 v7, v11;
	[tilespmem:s28+$0x50] =	vst @!p0 v10  }
0x89: {  	s18 =	sshra.s32 s18, $0x2;
	[tilespmem:s28+$0xFFFFFFF0] =	vst @p0 v9;
	v4 =	vmul.f32 @!p0 v15, v4  }
0x8a: {  	[tilespmem:s28+$0xFFFFFFF0] =	vst @!p0 v7  }
0x8b: {  	[tilespmem:s28+$0xFFFFFFE0] =	vst @!p0 v4;
	s28 =	smov.u32 s25  }
0x8c: {  	v4 =	vld.idx.msk [tilespmem:v2+s18+$0x0 ss:$0x1], $0xffff  }
0x8d: {  	v7 =	vld.idx.msk [tilespmem:v3+s18+$0x0 ss:$0x1], $0xffff;
	_ =	sdelay $0x5  }
0x8e: {  	v8 =	vsub.s32 v7, v0  }
0x8f: {  	v4 =	vld.idx.msk [tilespmem:v4+s3+$0x0], $0xffff  }
0x90: {  	v7 =	vld.idx.msk [tilespmem:v7+s19+$0x0], $0xffff;
	_ =	sdelay $0x1  }
0x91: {  	v9 =	vld.idx.msk [tilespmem:v5+s18+$0x0 ss:$0x1], $0xffff;
	_ =	sdelay $0x3  }
0x92: {  	v4 =	vadd.f32 v7, v4;
	_ =	sdelay $0x1  }
0x93: {  	v4 =	vadd.f32 v9, v4;
	_ =	sdelay $0x1  }
0x94: {  	v7 =	vmul.f32 $2.000000030e-01, v4  }
0x95: {  	vm1 =	vgt.f32 v4, $0.0e+00  }
0x96: {  	v4 =	vsel vm1, v4, v7  }
0x97: {  	v4 =	vmul.f32 $1.442695020e+00, v4;
	_ =	sdelay $0x1  }
0x98: {  	(erf) = vpow2.f32 v4;
	_ =	sdelay $0x8  }
0x99: {  	vm1 =	vlt.u32 v8, $0x3100;
	v4 =	vpop (erf)  }
0x9a: {  	v7 =	vnsel vm1, $0x0, v8;
	v4 =	vnsel vm1, $0x0, v4  }
0x9b: {  	v8 =	vbroadcast @p0 v4, $0x0;
	v10 =	vbroadcast @p0 v4, $0xF  }
0x9c: {  	v11 =	vbroadcast @p0 v4, $0x4;
	v9 =	vbroadcast @!p0 v4, $0xA  }
0x9d: {  	v12 =	vbroadcast @p0 v4, $0x2;
	v8 =	vmul.f32 @p0 v1, v8  }
0x9e: {  	v14 =	vmul.f32 @p0 v1, v11;
	v11 =	vmul.f32 @p0 v1, v10;
	[tilespmem:v6+s18+$0x0 ss:$0x1] =	vst.idx.msk $0xffff, v7  }
.Ltmp4:
0x9f: {  	v13 =	vbroadcast @p0 v4, $0x5;
	[tilespmem:s25+$0xFFFFFF80] =	vst @p0 v8;
	v8 =	vmul.f32 @p0 v1, v12;
	v7 =	vld @!p0 [tilespmem:s25+$0xFFFFFFF0];
	(pc) =	sbr.rel @p1 .LBB2_6-.Ltmp4, $4  }
0xa0: {  	v10 =	vbroadcast @p0 v4, $0x9;
	[tilespmem:s25+$0xFFFFFFC0] =	vst @p0 v14;
	v15 =	vld @!p0 [tilespmem:s25+$0xFFFFFF80];
	v14 =	vbroadcast @!p0 v4, $0x0  }
0xa1: {  	v18 =	vbroadcast @!p0 v4, $0x4;
	v12 =	vbroadcast @p0 v4, $0x3;
	[tilespmem:s25+$0xFFFFFFA0] =	vst @p0 v8;
	v19 =	vld @!p0 [tilespmem:s25+$0xFFFFFFC0]  }
0xa2: {  	v20 =	vbroadcast @p0 v4, $0xA;
	v8 =	vbroadcast @p0 v4, $0x6  }
0xa3: {  	v16 =	vbroadcast @p0 v4, $0x1;
	v17 =	vbroadcast @p0 v4, $0xB  }
0xa4: {  	v3 =	vmul.f32 @p0 v1, v20;
	v5 =	vld @!p0 [tilespmem:s28+$0xFFFFFFA0]  }
0xa5: {  	v2 =	vbroadcast @p0 v4, $0x8  }
0xa6: {  	v13 =	vmul.f32 @p0 v1, v13;
	v6 =	vmul.f32 @!p0 v19, v18;
	[tilespmem:s28+$0x20] =	vst @p0 v3  }
0xa7: {  	[tilespmem:s28+$0x70] =	vst @p0 v11;
	v2 =	vmul.f32 @p0 v1, v2;
	v3 =	vbroadcast @!p0 v4, $0x2;
	v18 =	vld @!p0 [tilespmem:s28+$0x20]  }
0xa8: {  	[tilespmem:s28+$0xFFFFFFD0] =	vst @p0 v13  }
0xa9: {  	[tilespmem:s28+$0x0] =	vst @p0 v2;
	v2 =	vmul.f32 @!p0 v5, v3  }
0xaa: {  	[tilespmem:s28+$0xFFFFFFC0] =	vst @!p0 v6;
	v3 =	vmul.f32 @p0 v1, v17;
	v5 =	vld @!p0 [tilespmem:s28+$0x0]  }
0xab: {  	v6 =	vmul.f32 @!p0 v15, v14;
	[tilespmem:s28+$0xFFFFFFA0] =	vst @!p0 v2  }
0xac: {  	v2 =	vld @!p0 [tilespmem:s28+$0x70];
	[tilespmem:s28+$0x30] =	vst @p0 v3;
	v3 =	vmul.f32 @!p0 v18, v9  }
0xad: {  	[tilespmem:s28+$0xFFFFFF80] =	vst @!p0 v6;
	v6 =	vbroadcast @!p0 v4, $0x8;
	v9 =	vmul.f32 @p0 v1, v12  }
0xae: {  	v11 =	vld @!p0 [tilespmem:s28+$0x30];
	v12 =	vmul.f32 @p0 v1, v16;
	[tilespmem:s28+$0x20] =	vst @!p0 v3  }
0xaf: {  	v3 =	vbroadcast @!p0 v4, $0xF;
	v5 =	vmul.f32 @!p0 v5, v6;
	[tilespmem:s28+$0xFFFFFFB0] =	vst @p0 v9  }
0xb0: {  	v6 =	vmul.f32 @p0 v1, v10;
	[tilespmem:s28+$0xFFFFFF90] =	vst @p0 v12;
	v10 =	vbroadcast @p0 v4, $0xC  }
0xb1: {  	v9 =	vbroadcast @!p0 v4, $0xB;
	v2 =	vmul.f32 @!p0 v2, v3;
	[tilespmem:s28+$0x0] =	vst @!p0 v5  }
0xb2: {  	v13 =	vld @!p0 [tilespmem:s28+$0xFFFFFFD0];
	v3 =	vbroadcast @p0 v4, $0xE;
	[tilespmem:s28+$0x10] =	vst @p0 v6;
	v6 =	vmul.f32 @p0 v1, v10  }
0xb3: {  	v5 =	vld @!p0 [tilespmem:s28+$0xFFFFFFB0];
	v10 =	vbroadcast @p0 v4, $0xD;
	v9 =	vmul.f32 @!p0 v11, v9;
	[tilespmem:s28+$0x70] =	vst @!p0 v2  }
0xb4: {  	v2 =	vld @!p0 [tilespmem:s28+$0x10];
	v3 =	vmul.f32 @p0 v1, v3;
	[tilespmem:s28+$0x40] =	vst @p0 v6  }
0xb5: {  	v6 =	vmul.f32 @p0 v1, v10;
	[tilespmem:s28+$0x30] =	vst @!p0 v9;
	v9 =	vld @!p0 [tilespmem:s28+$0xFFFFFF90]  }
0xb6: {  	v8 =	vmul.f32 @p0 v1, v8;
	v10 =	vbroadcast @!p0 v4, $0x3;
	[tilespmem:s28+$0x60] =	vst @p0 v3;
	v3 =	vld @!p0 [tilespmem:s28+$0x40]  }
0xb7: {  	v12 =	vbroadcast @!p0 v4, $0x5;
	[tilespmem:s28+$0x50] =	vst @p0 v6;
	v6 =	vbroadcast @!p0 v4, $0x9  }
0xb8: {  	v11 =	vbroadcast @!p0 v4, $0x1;
	v5 =	vmul.f32 @!p0 v5, v10  }
0xb9: {  	[tilespmem:s28+$0xFFFFFFE0] =	vst @p0 v8;
	v10 =	vld @!p0 [tilespmem:s28+$0x60];
	v2 =	vmul.f32 @!p0 v2, v6;
	v6 =	vbroadcast @!p0 v4, $0xC  }
0xba: {  	v8 =	vmul.f32 @!p0 v13, v12;
	[tilespmem:s28+$0xFFFFFFB0] =	vst @!p0 v5;
	v5 =	vld @!p0 [tilespmem:s28+$0x50];
	v9 =	vmul.f32 @!p0 v9, v11  }
0xbb: {  	[tilespmem:s28+$0x10] =	vst @!p0 v2;
	v2 =	vmul.f32 @!p0 v3, v6;
	v6 =	vbroadcast @p0 v4, $0x7  }
0xbc: {  	v11 =	vld @!p0 [tilespmem:s28+$0xFFFFFFE0];
	[tilespmem:s28+$0xFFFFFF90] =	vst @!p0 v9;
	v9 =	vbroadcast @!p0 v4, $0xE  }
0xbd: {  	[tilespmem:s28+$0xFFFFFFD0] =	vst @!p0 v8;
	v3 =	vbroadcast @!p0 v4, $0xD;
	v1 =	vmul.f32 @p0 v1, v6  }
0xbe: {  	[tilespmem:s28+$0x40] =	vst @!p0 v2;
	v8 =	vmul.f32 @!p0 v10, v9;
	v9 =	vbroadcast @!p0 v4, $0x7  }
0xbf: {  	v2 =	vmul.f32 @!p0 v5, v3;
	v3 =	vbroadcast @!p0 v4, $0x6;
	[tilespmem:s28+$0xFFFFFFF0] =	vst @p0 v1  }
0xc0: {  	[tilespmem:s28+$0x60] =	vst @!p0 v8;
	v4 =	vmul.f32 @!p0 v7, v9  }
0xc1: {  	s18 =	sshll.u32 s11, $0x7;
	s11 =	sadd.s32 $0x1, s11;
	[tilespmem:s28+$0x50] =	vst @!p0 v2;
	v1 =	vmul.f32 @!p0 v11, v3  }
0xc2: {  	s18 =	sand.u32 $0x3FFFFF80, s18;
	p1 =	sne.s32 s11, $0x19;
	[tilespmem:s28+$0xFFFFFFF0] =	vst @!p0 v4  }
.Ltmp5:
0xc3: {  	s18 =	sadd.s32 $0x1A100, s18;
	[tilespmem:s28+$0xFFFFFFE0] =	vst @!p0 v1;
	(pc) =	sbr.rel @p1 .LBB2_5-.Ltmp5, $4  }
0xc4: {  	[spmem:s1] =	stream.indirect.scatter.add.f32 [tilespmem:s23], [sflag:$0x3], $0x10, s18, s22, $0xb8;
	[tilespmem:$0x1F300] =	vst v63  }
0xc5: {  	_ =	swait.ge [sflag:s21], $0x800  }
0xc6: {  	s0 =	sadd.s32 $0x80, s0;
	s5 =	sadd.s32 $0x80, s5;
	[sflag:s21] =	ssyncset.done $0x0  }
0xc7: {  	s17 =	sadd.s32 $0x80, s17;
	s12 =	sadd.s32 $0x80, s12;
	[sflag:s21] =	ssyncadd.s32 $0xFFFFF800  }
0xc8: {  	s7 =	sadd.s32 $0x1, s7  }
0xc9: {  	p1 =	sne.s32 s7, $0x20  }
.Ltmp6:
0xca: {  	_ = 	snop;
	(pc) =	sbr.rel @p1 .LBB2_4-.Ltmp6, $1  }
0xcb: {  	_ =	sdelay $0x3  }
.Ltmp7:
0xcc: {  	(pc) =	sbr.rel @p0 .LBB2_11-.Ltmp7, $2  }
0xcd: {  	_ =	sdelay $0x1  }
0xce: {  	[bflag:$0x0] =	sbarrier.arrive $0xFFFF;
	_ =	sdelay $0x1  }
0xcf: {  	s0 =	sshll.u32 s29, $0x4  }
0xd0: {  	s0 =	sadd.s32 s2, s0  }
0xd1: {  	s5 =	simm.s32 $0x2;
	s7 =	simm.s32 $0x1;
	s0 =	sshrl.u32 s0, $0x3  }
.Ltmp8:
0xd2: {  	s11 =	simm.s32 $0x4;
	s0 =	sadd.s32 s10, s0;
	(pc) =	sbr.rel .LBB2_3-.Ltmp8, $4  }
0xd3: {  	[hbm:s0@s11], [sflag:s20] =	dma.strided [spmem:s16@s5], $0x620, s7, $0x2   }
0xd4: {  	_ =	swait.ge [sflag:s21], $0x620  }
0xd5: {  	[sflag:s21] =	ssyncset.done $0x0  }
0xd6: {  	s29 =	sadd.s32 $0x1, s29;
	[sflag:s21] =	ssyncadd.s32 $0xFFFFF9E0  }
.LBB2_13:
0xd7: {  	_ =	sfence.sel $0x180000  }
0xd8: {  	[bflag:$0x0] =	sbarrier.arrive $0xFFFF  }
0xd9: {  	_ =	strace $0x9000004A  }
0xda: {  	s0 =	stileid.u32;
	[bflag:$0x2] =	sbarrier.arrive $0xFFFF  }
0xdb: {  	p0 =	sne.s32 s0, $0x0;
	s0 =	rddreg [dreg:$0x2]  }
0xdc: {  	s0 =	sadd.s32 @!p0 $0x100000, s0  }
0xdd: {  	[sflag:s0] =	ssyncadd.tile.s32 @!p0 $0x1;
	_ =	shalt  }
.Lfunc_end2:
_tile_overlayer_lowered:
.L_overlay_start_2:
0xde: {  	(tag) =	ssettag $0x2  }
0xdf: {  	s0 =	rddreg [dreg:$0x0];
	s2 =	stileid.u32  }
0xe0: {  	s1 =	rddreg [dreg:$0x1];
	p0 =	sne.s32 s2, $0x0  }
0xe1: {  	s3 =	rddreg [dreg:$0x2];
	[bflag:$0x3] =	sbarrier.arrive $0xFFFF;
	s2 =	simm.s32 @!p0 $0x1C02  }
0xe2: {  	[timem:s3], [sflag:s2] =	dma.local @!p0 [hbm:s0], s1  }
0xe3: {  	s0 =	simm.s32 @!p0 $0x2  }
0xe4: {  	_ =	swait.ge @!p0 [sflag:s0], s1  }
0xe5: {  	s1 =	ssub.s32 @!p0 $0x0, s1;
	[sflag:s0] =	ssyncset.done @!p0 $0x0  }
0xe6: {  	[sflag:s0] =	ssyncadd.s32 @!p0 s1  }
0xe7: {  	[bflag:$0x3] =	sbarrier.arrive $0xFFFF  }
0xe8: {  	_ =	shalt  }

// kernel: kernel.18.cloned.1.call-start
scs
__scs_entry_jumppad:
0x0: {  	(pc) =	sbr.rel $0x88, $3  }
0x1: {  	(tag) =	ssettag $0x0;
	lr =	simm.s32 $0x1  }
0x2: {  	[smem:$0x3F77] =	sst lr;
	_ =	strace $0xD0000000  }
0x3: {  	_ = 	snop  }
0x4: {  	_ = 	snop  }
0x5: {  	_ = 	snop  }
0x6: {  	_ = 	snop  }
0x7: {  	_ = 	snop  }
__scs_overlays_trampoline_lowered:
0x8: {  	[smem:$0x3F86] =	sst s0  }
0x9: {  	[smem:$0x3F87] =	sst s1  }
0xa: {  	[smem:$0x3F88] =	sst s2  }
0xb: {  	[smem:$0x3F89] =	sst s3  }
0xc: {  	[smem:$0x3F8A] =	sst s4  }
0xd: {  	[smem:$0x3F8B] =	sst s5  }
0xe: {  	[smem:$0x3F8C] =	sst s6  }
0xf: {  	[smem:$0x3F8D] =	sst s7  }
0x10: {  	[smem:$0x3F8E] =	sst s8  }
0x11: {  	[smem:$0x3F8F] =	sst s9;
	s0 =	simm.s32 @!p0 $0x0  }
0x12: {  	s1 =	sld [smem:$0x3F75];
	s0 =	simm.s32 @p0 $0x1  }
0x13: {  	[smem:$0x3F90] =	sst s0;
	s0 =	simm.s32 @!p1 $0x0  }
0x14: {  	s2 =	sld [smem:$0x3F74];
	s0 =	simm.s32 @p1 $0x1  }
0x15: {  	[smem:$0x3F91] =	sst s0;
	s0 =	simm.s32 @!p2 $0x0  }
0x16: {  	s3 =	sld [smem:$0x3FDB];
	s0 =	simm.s32 @p2 $0x1  }
0x17: {  	s4 =	simm.s32 $0x1BF5;
	[smem:$0x3F93] =	sst s0  }
0x18: {  	s0 =	sld [smem:$0x3F76];
	_ =	swait.ge [sflag:s4], $0x0  }
0x19: {  	s7 =	sld [smem:$0x3F77]  }
0x1a: {  	s8 =	sadd.s32 $0xFFFFE003, lr  }
0x1b: {  	s9 =	sadd.s32 $0xFFFFFEF7, lr;
	s5 =	simm.s32 $0xFFFFFFFF;
	p2 =	slt.u32 s8, $0xFFFFF086  }
0x1c: {  	p1 =	slt.u32 s9, $0xF7A;
	s5 =	simm.s32 @!p2 $0x0  }
0x1d: {  	s5 =	simm.s32 @p1 $0x1;
	p0 =	seq.s32 s7, s2  }
0x1e: {  	s7 =	smul.u32 @!p0 $0xF7A, s2;
	p2 =	seq.s32 @!p0 s5, $0x0  }
0x1f: {  	s9 =	smul.u32 $0xF7A, s1;
	s8 =	simm.s32 @!p0 $0x1BF5;
	p2 =	por !p2, p0  }
0x20: {  	[sflag:s8] =	ssyncset.s32 @!p0 $0xFFFFF086;
	s6 =	sadd.s32 @!p0 s3, s7;
	s7 =	simm.s32 @!p0 $0x108  }
0x21: {  	s3 =	sadd.s32 s3, s9;
	s6 =	sadd.s32 @!p0 $0x88, s6;
	s7 =	simm.s32 @p2 $0x1082  }
0x22: {  	[simem:s7], [sflag:s8] =	dma.local @!p0 [hbm:s6], $0xF7A  }
0x23: {  	s9 =	sor.u32 $0xD0000000, s2;
	s6 =	simm.s32 $0x108;
	_ =	swait.ge @!p0 [sflag:s8], $0x0  }
0x24: {  	s3 =	sadd.s32 $0x88, s3;
	s6 =	simm.s32 @!p1 $0x1082;
	[sflag:s4] =	ssyncset.s32 $0xFFFFF086  }
0x25: {  	[simem:s6], [sflag:s4] =	dma.local [hbm:s3], $0xF7A  }
0x26: {  	[smem:$0x3F77] =	sst s1;
	(tag) =	ssettag s2;
	_ =	strace s9  }
0x27: {  	s1 =	sld [smem:$0x3F87]  }
0x28: {  	s2 =	sld [smem:$0x3F88]  }
0x29: {  	s4 =	sld [smem:$0x3F8A]  }
0x2a: {  	p0 =	seq.s32 s5, $0x0;
	s5 =	sld [smem:$0x3F8B]  }
0x2b: {  	s6 =	sld [smem:$0x3F8C]  }
0x2c: {  	s7 =	sld [smem:$0x3F8D]  }
0x2d: {  	s3 =	simm.s32 $0x108;
	s8 =	sld [smem:$0x3F8E]  }
0x2e: {  	s3 =	simm.s32 @!p0 $0x1082;
	s9 =	sld [smem:$0x3F8F]  }
0x2f: {  	lr =	sadd.s32 s0, s3;
	s0 =	sld [smem:$0x3F86]  }
0x30: {  	s3 =	sld [smem:$0x3F89]  }
0x31: {  	[smem:$0x3F92] =	sst s10  }
0x32: {  	s10 =	sld [smem:$0x3F90];
	_ =	sdelay $0x3  }
0x33: {  	p0 =	seq.s32 s10, $0x1;
	s10 =	sld [smem:$0x3F92];
	_ =	sdelay $0x3  }
0x34: {  	[smem:$0x3F92] =	sst s10  }
0x35: {  	s10 =	sld [smem:$0x3F91];
	_ =	sdelay $0x3  }
0x36: {  	p1 =	seq.s32 s10, $0x1;
	s10 =	sld [smem:$0x3F92];
	_ =	sdelay $0x3  }
0x37: {  	[smem:$0x3F92] =	sst s10  }
0x38: {  	s10 =	sld [smem:$0x3F93]  }
0x39: {  	_ = 	snop;
	(pc) =	sbr.ind lr, $3  }
0x3a: {  	_ = 	snop  }
0x3b: {  	_ = 	snop  }
0x3c: {  	p2 =	seq.s32 s10, $0x1;
	s10 =	sld [smem:$0x3F92]  }
0x3d: {  	_ =	shalt  }
0x3e: {  	_ =	shalt  }
0x3f: {  	_ =	shalt  }
0x40: {  	_ =	shalt  }
0x41: {  	_ =	shalt  }
0x42: {  	_ =	shalt  }
0x43: {  	_ =	shalt  }
0x44: {  	_ =	shalt  }
0x45: {  	_ =	shalt  }
0x46: {  	_ =	shalt  }
0x47: {  	_ =	shalt  }
0x48: {  	_ =	shalt  }
0x49: {  	_ =	shalt  }
0x4a: {  	_ =	shalt  }
0x4b: {  	_ =	shalt  }
0x4c: {  	_ =	shalt  }
0x4d: {  	_ =	shalt  }
0x4e: {  	_ =	shalt  }
0x4f: {  	_ =	shalt  }
0x50: {  	_ =	shalt  }
0x51: {  	_ =	shalt  }
0x52: {  	_ =	shalt  }
0x53: {  	_ =	shalt  }
0x54: {  	_ =	shalt  }
0x55: {  	_ =	shalt  }
0x56: {  	_ =	shalt  }
0x57: {  	_ =	shalt  }
0x58: {  	_ =	shalt  }
0x59: {  	_ =	shalt  }
0x5a: {  	_ =	shalt  }
0x5b: {  	_ =	shalt  }
0x5c: {  	_ =	shalt  }
0x5d: {  	_ =	shalt  }
0x5e: {  	_ =	shalt  }
0x5f: {  	_ =	shalt  }
0x60: {  	_ =	shalt  }
0x61: {  	_ =	shalt  }
0x62: {  	_ =	shalt  }
0x63: {  	_ =	shalt  }
0x64: {  	_ =	shalt  }
0x65: {  	_ =	shalt  }
0x66: {  	_ =	shalt  }
0x67: {  	_ =	shalt  }
0x68: {  	_ =	shalt  }
0x69: {  	_ =	shalt  }
0x6a: {  	_ =	shalt  }
0x6b: {  	_ =	shalt  }
0x6c: {  	_ =	shalt  }
0x6d: {  	_ =	shalt  }
0x6e: {  	_ =	shalt  }
0x6f: {  	_ =	shalt  }
0x70: {  	_ =	shalt  }
0x71: {  	_ =	shalt  }
0x72: {  	_ =	shalt  }
0x73: {  	_ =	shalt  }
0x74: {  	_ =	shalt  }
0x75: {  	_ =	shalt  }
0x76: {  	_ =	shalt  }
0x77: {  	_ =	shalt  }
0x78: {  	_ =	shalt  }
0x79: {  	_ =	shalt  }
0x7a: {  	_ =	shalt  }
0x7b: {  	_ =	shalt  }
0x7c: {  	_ =	shalt  }
0x7d: {  	_ =	shalt  }
0x7e: {  	_ =	shalt  }
0x7f: {  	_ =	shalt  }
0x80: {  	_ =	shalt  }
0x81: {  	_ =	shalt  }
0x82: {  	_ =	shalt  }
0x83: {  	_ =	shalt  }
0x84: {  	_ =	shalt  }
0x85: {  	_ =	shalt  }
0x86: {  	_ =	shalt  }
0x87: {  	_ =	shalt  }
.Lfunc_end0:
.L_simem_size_0:
called_computation.2_lowered:
.L_overlay_start_0:
0x88: {  	s2 =	sld [smem:$0x3FD9]  }
0x89: {  	s3 =	sld [smem:$0x3FFE];
	_ =	sdelay $0x1  }
0x8a: {  	s1 =	srdreg.scid  }
0x8b: {  	s0 =	sand.u32 $0x1, s1  }
0x8c: {  	s16 =	sshll.u32 s0, $0xA;
	s2 =	sadd.s32 s3, s2  }
0x8d: {  	s2 =	sadd.s32 s2, s16  }
0x8e: {  	[smem:$0x3F9E] =	sst s2  }
0x8f: {  	_ = 	snop  }
0x90: {  	(tm) =	ssettm $0x1  }
0x91: {  	s17 =	sld [smem:$0x3FFB];
	_ =	sdelay $0x3  }
0x92: {  	_ =	strace s17  }
0x93: {  	s2 =	sld [smem:$0x3FFC];
	_ =	sdelay $0x3  }
0x94: {  	_ =	strace s2  }
0x95: {  	s2 =	sld [smem:$0x3FFD];
	_ =	sdelay $0x3  }
0x96: {  	_ =	strace s2  }
0x97: {  	_ =	strace $0x8FFFFFFF  }
0x98: {  	s18 =	sld [smem:$0x3FDB];
	_ =	sdelay $0x1  }
0x99: {  	s19 =	simm.s32 $_scs_section_size  }
0x9a: {  	s4 =	simm.s32 $_size__tile_overlayer_lowered;
	s5 =	simm.s32 $_tile_overlayer_lowered  }
0x9b: {  	s22 =	simm.s32 $0x1BFF;
	s21 =	sshll.u32 s5, $0x1;
	s2 =	sadd.s32 s19, s18  }
0x9c: {  	s6 =	simm.s32 $0x0;
	s20 =	sshll.u32 s4, $0x1;
	s4 =	sadd.s32 s21, s2  }
0x9d: {  	[timem:s6], [sflag:s22] =	dma.local [hbm:s4], s20  }
0x9e: {  	_ =	swait.ge [sflag:s22], s20  }
0x9f: {  	s3 =	ssub.s32 $0x0, s20;
	[sflag:s22] =	ssyncset.done $0x0  }
0xa0: {  	[sflag:s22] =	ssyncadd.s32 s3;
	_ =	sdelay $0x1  }
0xa1: {  	s23 =	simm.s32 $0x1B8B  }
0xa2: {  	_ =	swait.ge [sflag:s23], $0x1  }
0xa3: {  	[sflag:s23] =	ssyncset.done $0x0  }
0xa4: {  	s25 =	simm.s32 $0x1B8E;
	s24 =	sld [smem:$0x3FFE];
	[sflag:s23] =	ssyncadd.s32 $0xFFFFFFFF  }
0xa5: {  	s26 =	simm.s32 $execute0_lowered;
	[smem:$0x3FD2] =	sst s25  }
0xa6: {  	s4 =	sshll.u32 s26, $0x1;
	_ =	strace $0x8000004C;
	[dreg:$0x1] =	wrdreg $0xFFFFFFFF  }
0xa7: {  	s28 =	simm.s32 $_size_execute0_lowered;
	s2 =	sadd.s32 s2, s4;
	[dreg:$0x0] =	wrdreg $0x0  }
0xa8: {  	s4 =	sshll.u32 s28, $0x1;
	[dreg:$0x2] =	wrdreg s2  }
0xa9: {  	[dreg:$0x3] =	wrdreg s4  }
0xaa: {  	[dreg:$0x4] =	wrdreg $0xC0  }
0xab: {  	_ =	task [dreg:s6], $0x5FFFF  }
0xac: {  	[dreg:$0x1] =	wrdreg $0xFFFFFFFF  }
0xad: {  	[dreg:$0x0] =	wrdreg $0x60  }
0xae: {  	[dreg:$0x2] =	wrdreg s24  }
0xaf: {  	[dreg:$0x3] =	wrdreg $0x1C2000  }
0xb0: {  	[dreg:$0x4] =	wrdreg $0x9  }
0xb1: {  	_ =	task.clear_ibuf [dreg:s6], $0x5FFFF;
	_ =	strace $0x9000004C  }
0xb2: {  	s29 =	simm.s32 $0x9;
	_ =	strace $0x8000004E  }
0xb3: {  	_ =	swait.ge [sflag:s29], $0x1  }
0xb4: {  	[sflag:s29] =	ssyncadd.s32 $0xFFFFFFFF  }
0xb5: {  	_ =	strace $0x9000004E  }
0xb6: {  	_ =	sfence  }
0xb7: {  	s30 =	sld [smem:$0x0];
	_ =	sdelay $0x2  }
0xb8: {  	s31 =	sshll.u32 s1, $0xD;
	s1 =	sshrl.u32 s1, $0x2  }
0xb9: {  	s3 =	sand.u32 $0x4000, s31;
	s1 =	sadd.s32 s1, s30  }
0xba: {  	s0 =	sor.u32 s3, s0;
	s1 =	sshll.u32 s1, $0x11  }
0xbb: {  	s0 =	sor.u32 s1, s0  }
0xbc: {  	s0 =	sadd.s32 $0x8F2B, s0  }
0xbd: {  	[sflag:s0] =	ssyncadd.remote.s32 $0x1  }
0xbe: {  	_ =	sfence.sel $0xFFFF  }
0xbf: {  	[dreg:$0x0] =	wrdreg $0xFFFFFFFF;
	(pc) =	sbr.abs _section_cstart, $3  }
0xc0: {  	[dreg:$0x1] =	wrdreg $0xFFFFFFFF  }
0xc1: {  	_ =	task.clear_ibuf [dreg:s6], $0x2FFFF;
	_ =	strace $0x9FFFFFFF  }
0xc2: {  	(tm) =	ssettm $0x7FFFFFFF  }
0xc3: {  	_ =	shalt  }
tec
execute0_lowered:
.L_overlay_start_1:
0x0: {  	(tag) =	ssettag $0x1  }
0x1: {  	s0 =	rddreg [dreg:$0x0]  }
0x2: {  	s1 =	rddreg [dreg:$0x1]  }
0x3: {  	s3 =	simm.s32 $0x0;
	s12 =	stileid.u32;
	s5 =	srdreg.scid  }
0x4: {  	s19 =	simm.s32 $0xC400;
	s21 =	simm.s32 $0x3;
	s22 =	simm.s32 $0x80  }
0x5: {  	s23 =	simm.s32 $0x1BA00;
	[smem:$0x7FF] =	sst s3;
	s4 =	sadd.s32 $0x303000, s0  }
0x6: {  	s2 =	smul.u32 $0x3100, s12;
	s6 =	sadd.s32 $0x20EA00, s0;
	s7 =	sand.u32 $0x1, s5  }
0x7: {  	s8 =	sadd.s32 $0x23B000, s0;
	s9 =	sadd.s32 $0x5C7000, s0;
	s10 =	sadd.s32 $0x68A00, s0  }
0x8: {  	s30 =	smul.u32 $0x310, s12;
	s15 =	sshll.u32 s12, $0x1;
	s31 =	sshll.u32 s12, $0x6  }
0x9: {  	s12 =	simm.s32 $0x2;
	_ =	strace $0x8000004D;
	[dreg:$0x3] =	wrdreg s6  }
0xa: {  	s6 =	sadd.s32 $0x146A00, s0;
	[dreg:$0x4] =	wrdreg s7;
	s7 =	ssub.s32 $0x2, s7  }
.Ltmp0:
0xb: {  	[dreg:$0x8] =	wrdreg s31;
	s20 =	sor.u32 $0x1C03, s31;
	(pc) =	sbr.rel .LBB2_1-.Ltmp0, $4  }
0xc: {  	s28 =	sshrl.u32 s2, $0x3;
	s11 =	sshrl.u32 s7, $0x1;
	[dreg:$0x6] =	wrdreg s30  }
0xd: {  	s5 =	sadd.s32 s28, s0;
	s0 =	sadd.s32 $0x6A00, s0;
	s29 =	ssub.s32 s7, s11  }
0xe: {  	s13 =	sadd.s32 s2, s1;
	[dreg:$0x5] =	wrdreg s0;
	s0 =	smax.u32 s29, $0x1  }
0xf: {  	s2 =	simm.s32 $0x0;
	s14 =	sadd.s32 $0x21AE00, s5;
	[dreg:$0x7] =	wrdreg s0  }
.LBB2_12:
0x10: {  	s2 =	rddreg [dreg:$0x9]  }
0x11: {  	s0 =	rddreg [dreg:$0x7];
	s2 =	sadd.s32 $0x1, s2  }
0x12: {  	p0 =	sne.s32 s2, s0  }
.Ltmp1:
0x13: {  	_ = 	snop;
	(pc) =	sbr.rel @!p0 .LBB2_13-.Ltmp1, $1  }
0x14: {  	_ =	sdelay $0x3  }
.LBB2_1:
.Ltmp2:
0x15: {  	(pc) =	sbr.rel .LBB2_2-.Ltmp2, $2  }
0x16: {  	_ =	sdelay $0x2  }
0x17: {  	[dreg:$0x9] =	wrdreg s2;
	s5 =	simm.s32 $0x0  }
.LBB2_11:
0x18: {  	s0 =	rddreg [dreg:$0x8]  }
0x19: {  	s2 =	rddreg [dreg:$0xb];
	s12 =	simm.s32 $0x2;
	s0 =	sor.u32 $0x1C02, s0  }
0x1a: {  	[hbm:s2], [sflag:s0] =	dma.local [spmem:s16], $0x620  }
0x1b: {  	_ =	swait.ge [sflag:s12], $0x620  }
0x1c: {  	s5 =	rddreg [dreg:$0xa]  }
0x1d: {  	s5 =	sadd.s32 $0x1, s5  }
0x1e: {  	p0 =	sne.s32 s5, $0x8  }
.Ltmp3:
0x1f: {  	_ = 	snop;
	(pc) =	sbr.rel @!p0 .LBB2_12-.Ltmp3, $3  }
0x20: {  	_ =	sdelay $0x1  }
0x21: {  	[sflag:s12] =	ssyncset.done $0x0  }
0x22: {  	[sflag:s12] =	ssyncadd.s32 $0xFFFFF9E0  }
.LBB2_2:
0x23: {  	s0 =	sshrl.u32 s5, $0x1  }
0x24: {  	[dreg:$0xa] =	wrdreg s5;
	s2 =	smul.u32 $0x3100, s0  }
0x25: {  	s11 =	rddreg [dreg:$0x3]  }
0x26: {  	s29 =	simm.s32 $0x0;
	s7 =	smul.u32 $0x18800, s0;
	s2 =	sadd.s32 s11, s2  }
0x27: {  	[tilespmem:s29], [sflag:$0x2] =	stream.linear.gather [hbm4b:s2+s29], $0xC400, $0x38;
	[tilespmem:$0x1F300] =	vst v63  }
0x28: {  	s28 =	sshll.u32 s5, $0x1;
	s17 =	sshrl.u32 s7, $0x3;
	_ =	swait.ge [sflag:s12], $0xC400  }
0x29: {  	s16 =	sand.u32 $0x2, s28;
	s5 =	sadd.s32 s11, s17;
	s18 =	rddreg [dreg:$0x4]  }
0x2a: {  	s5 =	sadd.s32 $0x1880, s5;
	[sflag:s12] =	ssyncset.done $0x0;
	s2 =	sor.u32 s18, s16  }
0x2b: {  	s24 =	rddreg [dreg:$0x6];
	[sflag:s12] =	ssyncadd.s32 $0xFFFF3C00;
	s2 =	smul.u32 $0x3100, s2  }
0x2c: {  	[tilespmem:s19], [sflag:$0x2] =	stream.linear.gather [hbm4b:s5+s29], $0xC400, $0x38;
	[tilespmem:$0x1F300] =	vst v63  }
0x2d: {  	s25 =	smul.u32 $0xC4000, s0;
	s5 =	sadd.s32 s24, s2  }
0x2e: {  	s26 =	sshll.u32 s5, $0x4  }
0x2f: {  	s30 =	smul.u32 $0x188000, s0;
	_ =	swait.ge [sflag:s12], $0xC400;
	s7 =	sadd.s32 s25, s26  }
0x30: {  	s31 =	smul.u32 $0x190000, s0;
	s28 =	rddreg [dreg:$0x5];
	s7 =	sshrl.u32 s7, $0x3  }
0x31: {  	[sflag:s12] =	ssyncset.done $0x0;
	s5 =	sshll.u32 s5, $0x5;
	s0 =	sadd.s32 s28, s7  }
0x32: {  	v0 =	vmov s2;
	[sflag:s12] =	ssyncadd.s32 $0xFFFF3C00;
	s2 =	sadd.s32 s30, s5;
	[dreg:$0xb] =	wrdreg s0  }
.LBB2_3:
0x33: {  	s16 =	sshrl.u32 s13, $0x3;
	s0 =	smul.u32 $0xC4000, s29  }
0x34: {  	[spmem:s16], [sflag:s20] =	dma.local [hbm:s14], $0x620  }
0x35: {  	_ =	swait.ge [sflag:s21], $0x620  }
0x36: {  	s0 =	sadd.s32 s30, s0;
	[sflag:s21] =	ssyncset.done $0x0  }
0x37: {  	p0 =	seq.s32 s29, $0x2;
	s0 =	sshrl.u32 s0, $0x3;
	[sflag:s21] =	ssyncadd.s32 $0xFFFFF9E0  }
0x38: {  	s7 =	simm.s32 $0x0;
	vm0 =	vcmask @p0 $0x300;
	s26 =	sadd.s32 s4, s0;
	[bflag:$0x0] =	sbarrier.arrive $0xFFFF  }
.LBB2_4:
0x39: {  	s0 =	sshrl.u32 s7, $0x4;
	s5 =	sand.u32 $0xF, s7  }
0x3a: {  	s0 =	sadd.s32 s15, s0;
	s5 =	smul.u32 $0xC80, s5  }
0x3b: {  	s0 =	smul.u32 $0xC800, s0  }
0x3c: {  	s5 =	sor.u32 s31, s5  }
0x3d: {  	s0 =	sadd.s32 s0, s5  }
0x3e: {  	s0 =	sshrl.u32 s0, $0x3  }
0x3f: {  	s11 =	simm.s32 $0x0;
	s12 =	simm.s32 $0x18800;
	s25 =	sadd.s32 s6, s0  }
0x40: {  	[tilespmem:s12], [sflag:$0x3] =	stream.linear.gather [hbm4b:s25+s11], $0xC80, $0x38;
	[tilespmem:$0x1F300] =	vst v63  }
0x41: {  	_ =	swait.ge [sflag:s21], $0xC80  }
0x42: {  	[sflag:s21] =	ssyncset.done $0x0  }
0x43: {  	s17 =	simm.s32 $0x19480;
	s28 =	sadd.s32 s8, s0;
	[sflag:s21] =	ssyncadd.s32 $0xFFFFF380  }
0x44: {  	[tilespmem:s17], [sflag:$0x3] =	stream.linear.gather [hbm4b:s28+s11], $0xC80, $0x38;
	[tilespmem:$0x1F300] =	vst v63  }
0x45: {  	_ =	swait.ge [sflag:s21], $0xC80  }
0x46: {  	[sflag:s21] =	ssyncset.done $0x0  }
0x47: {  	s5 =	simm.s32 $0x1AD80;
	s0 =	sadd.s32 s9, s0;
	[sflag:s21] =	ssyncadd.s32 $0xFFFFF380  }
0x48: {  	[tilespmem:s5], [sflag:$0x3] =	stream.linear.gather [hbm4b:s0+s11], $0xC80, $0x38;
	[tilespmem:$0x1F300] =	vst v63  }
0x49: {  	_ =	swait.ge [sflag:s21], $0xC80  }
0x4a: {  	[sflag:s21] =	ssyncset.done $0x0  }
0x4b: {  	s0 =	simm.s32 $0x1A100;
	[sflag:s21] =	ssyncadd.s32 $0xFFFFF380  }
.LBB2_5:
0x4c: {  	s18 =	sshll.u32 @!p0 s11, $0x7  }
0x4d: {  	s18 =	sand.u32 @!p0 $0x3FFFFF80, s18  }
0x4e: {  	s24 =	simm.s32 @!p0 $0x80;
	s25 =	simm.s32 @!p0 $0x1BA00;
	s18 =	sadd.s32 @!p0 $0x18800, s18  }
0x4f: {  	v2 =	vmov s12;
	[tilespmem:s25], [sflag:$0x1] =	stream.indirect.gather @!p0 [hbm4b:s26+s24], $0x10, s18, s24, $0xb8;
	[tilespmem:$0x1F300] =	vst v63  }
0x50: {  	v3 =	vmov s17;
	s18 =	simm.s32 @!p0 $0x1  }
0x51: {  	_ =	swait.ge @!p0 [sflag:s18], $0x800  }
0x52: {  	[sflag:s18] =	ssyncset.done @!p0 $0x0  }
0x53: {  	s25 =	simm.s32 $0x0;
	[sflag:s18] =	ssyncadd.s32 @!p0 $0xFFFFF800  }
0x54: {  	v1 =	vld.idx.msk [tilespmem:v2+s25+$0x0 ss:$0x1], $0xffff  }
0x55: {  	v4 =	vld.idx.msk [tilespmem:v3+s25+$0x0 ss:$0x1], $0xffff;
	_ =	sdelay $0x4  }
0x56: {  	v5 =	vmov s5;
	_ =	sdelay $0x1  }
0x57: {  	v1 =	vld.idx.msk [tilespmem:v1+s3+$0x0], $0xffff  }
0x58: {  	v6 =	vld.idx.msk [tilespmem:v4+s19+$0x0], $0xffff;
	_ =	sdelay $0x1  }
0x59: {  	v7 =	vld.idx.msk [tilespmem:v5+s25+$0x0 ss:$0x1], $0xffff;
	_ =	sdelay $0x2  }
0x5a: {  	v1 =	vadd.f32 v6, v1;
	_ =	sdelay $0x1  }
0x5b: {  	v1 =	vadd.f32 v7, v1;
	_ =	sdelay $0x1  }
0x5c: {  	v6 =	vmul.f32 $2.000000030e-01, v1  }
0x5d: {  	vm1 =	vgt.f32 v1, $0.0e+00  }
0x5e: {  	v1 =	vsel vm1, v1, v6  }
0x5f: {  	v1 =	vmul.f32 $1.442695020e+00, v1;
	_ =	sdelay $0x1  }
0x60: {  	(erf) = vpow2.f32 v1;
	_ =	sdelay $0x7  }
0x61: {  	v7 =	vsub.s32 v4, v0  }
0x62: {  	vm1 =	vlt.u32 v7, $0x3100;
	v6 =	vmov s0;
	v1 =	vpop (erf)  }
0x63: {  	v4 =	vnsel vm1, $0x0, v1  }
0x64: {  	v1 =	vimm.f32 @p0 $0.0e+00;
	v8 =	vbroadcast @p0 v4, $0x0;
	v10 =	vbroadcast @p0 v4, $0xF  }
0x65: {  	v1 =	vsel @p0 vm0, $0x3F800000, v1;
	v11 =	vbroadcast @p0 v4, $0x4;
	v9 =	vbroadcast @!p0 v4, $0xA  }
0x66: {  	v7 =	vnsel vm1, $0x0, v7;
	v12 =	vbroadcast @p0 v4, $0x2;
	v8 =	vmul.f32 @p0 v1, v8  }
0x67: {  	s28 =	simm.s32 $0x1BA80;
	[tilespmem:v6+s25+$0x0 ss:$0x1] =	vst.idx.msk $0xffff, v7;
	v13 =	vbroadcast @p0 v4, $0x5;
	v15 =	vmul.f32 @p0 v1, v11  }
0x68: {  	v14 =	vbroadcast @!p0 v4, $0x0;
	v18 =	vbroadcast @!p0 v4, $0x4;
	[tilespmem:s28+$0xFFFFFF80] =	vst @p0 v8  }
0x69: {  	v20 =	vbroadcast @p0 v4, $0xA;
	v17 =	vbroadcast @p0 v4, $0xB;
	[tilespmem:s28+$0xFFFFFFC0] =	vst @p0 v15;
	v15 =	vld @!p0 [tilespmem:s28+$0xFFFFFF80]  }
0x6a: {  	v11 =	vmul.f32 @p0 v1, v10;
	v16 =	vmul.f32 @p0 v1, v12;
	v19 =	vld @!p0 [tilespmem:s28+$0xFFFFFFC0]  }
0x6b: {  	v10 =	vbroadcast @p0 v4, $0x9;
	v12 =	vbroadcast @p0 v4, $0x3  }
0x6c: {  	s24 =	simm.s32 $0x40;
	s25 =	simm.s32 $0x1BA80;
	v7 =	vld @!p0 [tilespmem:s28+$0xFFFFFFF0];
	[tilespmem:s28+$0xFFFFFFA0] =	vst @p0 v16;
	v8 =	vbroadcast @p0 v4, $0x6;
	v16 =	vbroadcast @p0 v4, $0x1  }
.LBB2_6:
0x6d: {  	v21 =	vbroadcast @p0 v4, $0x8;
	v20 =	vmul.f32 @p0 v1, v20;
	v22 =	vld @!p0 [tilespmem:s28+$0xFFFFFFA0];
	s25 =	sadd.s32 $0x100, s25;
	s18 =	smov.u32 s24;
	s24 =	sadd.s32 $0x40, s24  }
0x6e: {  	p1 =	sne.s32 s24, $0x200;
	v16 =	vmul.f32 @p0 v1, v16;
	v14 =	vmul.f32 @!p0 v15, v14  }
0x6f: {  	[tilespmem:s28+$0x20] =	vst @p0 v20;
	v15 =	vmul.f32 @!p0 v19, v18;
	v18 =	vbroadcast @!p0 v4, $0x5  }
0x70: {  	v19 =	vmul.f32 @p0 v1, v21;
	[tilespmem:s28+$0x70] =	vst @p0 v11;
	v11 =	vbroadcast @!p0 v4, $0x2;
	v20 =	vld @!p0 [tilespmem:s28+$0x20]  }
0x71: {  	v13 =	vmul.f32 @p0 v1, v13;
	v17 =	vmul.f32 @p0 v1, v17;
	[tilespmem:s28+$0xFFFFFFC0] =	vst @!p0 v15;
	v15 =	vld @!p0 [tilespmem:s28+$0x70]  }
0x72: {  	v12 =	vmul.f32 @p0 v1, v12;
	[tilespmem:s28+$0x0] =	vst @p0 v19;
	v11 =	vmul.f32 @!p0 v22, v11  }
0x73: {  	v10 =	vmul.f32 @p0 v1, v10;
	[tilespmem:s28+$0xFFFFFFD0] =	vst @p0 v13;
	v13 =	vbroadcast @p0 v4, $0xC;
	v19 =	vld @!p0 [tilespmem:s28+$0x0]  }
0x74: {  	v21 =	vbroadcast @p0 v4, $0xD;
	v22 =	vbroadcast @!p0 v4, $0xF;
	[tilespmem:s28+$0xFFFFFFA0] =	vst @!p0 v11;
	v11 =	vld @!p0 [tilespmem:s28+$0xFFFFFFD0]  }
0x75: {  	[tilespmem:s28+$0x30] =	vst @p0 v17;
	v13 =	vmul.f32 @p0 v1, v13;
	v9 =	vmul.f32 @!p0 v20, v9  }
0x76: {  	[tilespmem:s28+$0xFFFFFF80] =	vst @!p0 v14;
	v14 =	vbroadcast @!p0 v4, $0x8;
	v17 =	vld @!p0 [tilespmem:s28+$0x30];
	v15 =	vmul.f32 @!p0 v15, v22  }
0x77: {  	v20 =	vmul.f32 @p0 v1, v21;
	v21 =	vbroadcast @p0 v4, $0xE;
	[tilespmem:s28+$0x20] =	vst @!p0 v9  }
0x78: {  	v9 =	vbroadcast @p0 v4, $0x7;
	v14 =	vmul.f32 @!p0 v19, v14;
	[tilespmem:s28+$0x70] =	vst @!p0 v15  }
0x79: {  	v15 =	vbroadcast @!p0 v4, $0xB;
	[tilespmem:s28+$0xFFFFFFB0] =	vst @p0 v12;
	v12 =	vmul.f32 @p0 v1, v21  }
0x7a: {  	v11 =	vmul.f32 @!p0 v11, v18;
	[tilespmem:s28+$0xFFFFFF90] =	vst @p0 v16;
	v16 =	vld @!p0 [tilespmem:s28+$0xFFFFFFB0]  }
0x7b: {  	v18 =	vld @!p0 [tilespmem:s28+$0xFFFFFF90];
	[tilespmem:s28+$0x0] =	vst @!p0 v14;
	v14 =	vmul.f32 @!p0 v17, v15  }
0x7c: {  	[tilespmem:s28+$0x10] =	vst @p0 v10  }
0x7d: {  	v10 =	vbroadcast @!p0 v4, $0x3;
	v15 =	vld @!p0 [tilespmem:s28+$0x10];
	[tilespmem:s28+$0x30] =	vst @!p0 v14  }
0x7e: {  	[tilespmem:s28+$0x40] =	vst @p0 v13;
	v13 =	vbroadcast @!p0 v4, $0x1  }
0x7f: {  	[tilespmem:s28+$0x60] =	vst @p0 v12;
	v10 =	vmul.f32 @!p0 v16, v10;
	v12 =	vld @!p0 [tilespmem:s28+$0x40]  }
0x80: {  	v14 =	vbroadcast @!p0 v4, $0x9;
	[tilespmem:s28+$0x50] =	vst @p0 v20;
	v13 =	vmul.f32 @!p0 v18, v13;
	v16 =	vld @!p0 [tilespmem:s28+$0x60]  }
0x81: {  	v8 =	vmul.f32 @p0 v1, v8;
	[tilespmem:s28+$0xFFFFFFB0] =	vst @!p0 v10;
	v10 =	vld @!p0 [tilespmem:s28+$0x50]  }
0x82: {  	[tilespmem:s28+$0xFFFFFF90] =	vst @!p0 v13;
	v13 =	vmul.f32 @!p0 v15, v14;
	v14 =	vbroadcast @!p0 v4, $0xC  }
0x83: {  	[tilespmem:s28+$0xFFFFFFE0] =	vst @p0 v8;
	v8 =	vbroadcast @!p0 v4, $0xE  }
0x84: {  	v15 =	vld @!p0 [tilespmem:s28+$0xFFFFFFE0];
	[tilespmem:s28+$0x10] =	vst @!p0 v13;
	v12 =	vmul.f32 @!p0 v12, v14;
	v13 =	vbroadcast @!p0 v4, $0xD  }
0x85: {  	[tilespmem:s28+$0xFFFFFFD0] =	vst @!p0 v11;
	v8 =	vmul.f32 @!p0 v16, v8  }
0x86: {  	v11 =	vbroadcast @!p0 v4, $0x7;
	[tilespmem:s28+$0x40] =	vst @!p0 v12;
	v10 =	vmul.f32 @!p0 v10, v13  }
0x87: {  	v9 =	vmul.f32 @p0 v1, v9;
	v4 =	vbroadcast @!p0 v4, $0x6;
	[tilespmem:s28+$0x60] =	vst @!p0 v8  }
0x88: {  	v7 =	vmul.f32 @!p0 v7, v11;
	[tilespmem:s28+$0x50] =	vst @!p0 v10  }
0x89: {  	s18 =	sshra.s32 s18, $0x2;
	[tilespmem:s28+$0xFFFFFFF0] =	vst @p0 v9;
	v4 =	vmul.f32 @!p0 v15, v4  }
0x8a: {  	[tilespmem:s28+$0xFFFFFFF0] =	vst @!p0 v7  }
0x8b: {  	[tilespmem:s28+$0xFFFFFFE0] =	vst @!p0 v4;
	s28 =	smov.u32 s25  }
0x8c: {  	v4 =	vld.idx.msk [tilespmem:v2+s18+$0x0 ss:$0x1], $0xffff  }
0x8d: {  	v7 =	vld.idx.msk [tilespmem:v3+s18+$0x0 ss:$0x1], $0xffff;
	_ =	sdelay $0x5  }
0x8e: {  	v8 =	vsub.s32 v7, v0  }
0x8f: {  	v4 =	vld.idx.msk [tilespmem:v4+s3+$0x0], $0xffff  }
0x90: {  	v7 =	vld.idx.msk [tilespmem:v7+s19+$0x0], $0xffff;
	_ =	sdelay $0x1  }
0x91: {  	v9 =	vld.idx.msk [tilespmem:v5+s18+$0x0 ss:$0x1], $0xffff;
	_ =	sdelay $0x3  }
0x92: {  	v4 =	vadd.f32 v7, v4;
	_ =	sdelay $0x1  }
0x93: {  	v4 =	vadd.f32 v9, v4;
	_ =	sdelay $0x1  }
0x94: {  	v7 =	vmul.f32 $2.000000030e-01, v4  }
0x95: {  	vm1 =	vgt.f32 v4, $0.0e+00  }
0x96: {  	v4 =	vsel vm1, v4, v7  }
0x97: {  	v4 =	vmul.f32 $1.442695020e+00, v4;
	_ =	sdelay $0x1  }
0x98: {  	(erf) = vpow2.f32 v4;
	_ =	sdelay $0x8  }
0x99: {  	vm1 =	vlt.u32 v8, $0x3100;
	v4 =	vpop (erf)  }
0x9a: {  	v7 =	vnsel vm1, $0x0, v8;
	v4 =	vnsel vm1, $0x0, v4  }
0x9b: {  	v8 =	vbroadcast @p0 v4, $0x0;
	v10 =	vbroadcast @p0 v4, $0xF  }
0x9c: {  	v11 =	vbroadcast @p0 v4, $0x4;
	v9 =	vbroadcast @!p0 v4, $0xA  }
0x9d: {  	v12 =	vbroadcast @p0 v4, $0x2;
	v8 =	vmul.f32 @p0 v1, v8  }
0x9e: {  	v14 =	vmul.f32 @p0 v1, v11;
	v11 =	vmul.f32 @p0 v1, v10;
	[tilespmem:v6+s18+$0x0 ss:$0x1] =	vst.idx.msk $0xffff, v7  }
.Ltmp4:
0x9f: {  	v13 =	vbroadcast @p0 v4, $0x5;
	[tilespmem:s25+$0xFFFFFF80] =	vst @p0 v8;
	v8 =	vmul.f32 @p0 v1, v12;
	v7 =	vld @!p0 [tilespmem:s25+$0xFFFFFFF0];
	(pc) =	sbr.rel @p1 .LBB2_6-.Ltmp4, $4  }
0xa0: {  	v10 =	vbroadcast @p0 v4, $0x9;
	[tilespmem:s25+$0xFFFFFFC0] =	vst @p0 v14;
	v15 =	vld @!p0 [tilespmem:s25+$0xFFFFFF80];
	v14 =	vbroadcast @!p0 v4, $0x0  }
0xa1: {  	v18 =	vbroadcast @!p0 v4, $0x4;
	v12 =	vbroadcast @p0 v4, $0x3;
	[tilespmem:s25+$0xFFFFFFA0] =	vst @p0 v8;
	v19 =	vld @!p0 [tilespmem:s25+$0xFFFFFFC0]  }
0xa2: {  	v20 =	vbroadcast @p0 v4, $0xA;
	v8 =	vbroadcast @p0 v4, $0x6  }
0xa3: {  	v16 =	vbroadcast @p0 v4, $0x1;
	v17 =	vbroadcast @p0 v4, $0xB  }
0xa4: {  	v3 =	vmul.f32 @p0 v1, v20;
	v5 =	vld @!p0 [tilespmem:s28+$0xFFFFFFA0]  }
0xa5: {  	v2 =	vbroadcast @p0 v4, $0x8  }
0xa6: {  	v13 =	vmul.f32 @p0 v1, v13;
	v6 =	vmul.f32 @!p0 v19, v18;
	[tilespmem:s28+$0x20] =	vst @p0 v3  }
0xa7: {  	[tilespmem:s28+$0x70] =	vst @p0 v11;
	v2 =	vmul.f32 @p0 v1, v2;
	v3 =	vbroadcast @!p0 v4, $0x2;
	v18 =	vld @!p0 [tilespmem:s28+$0x20]  }
0xa8: {  	[tilespmem:s28+$0xFFFFFFD0] =	vst @p0 v13  }
0xa9: {  	[tilespmem:s28+$0x0] =	vst @p0 v2;
	v2 =	vmul.f32 @!p0 v5, v3  }
0xaa: {  	[tilespmem:s28+$0xFFFFFFC0] =	vst @!p0 v6;
	v3 =	vmul.f32 @p0 v1, v17;
	v5 =	vld @!p0 [tilespmem:s28+$0x0]  }
0xab: {  	v6 =	vmul.f32 @!p0 v15, v14;
	[tilespmem:s28+$0xFFFFFFA0] =	vst @!p0 v2  }
0xac: {  	v2 =	vld @!p0 [tilespmem:s28+$0x70];
	[tilespmem:s28+$0x30] =	vst @p0 v3;
	v3 =	vmul.f32 @!p0 v18, v9  }
0xad: {  	[tilespmem:s28+$0xFFFFFF80] =	vst @!p0 v6;
	v6 =	vbroadcast @!p0 v4, $0x8;
	v9 =	vmul.f32 @p0 v1, v12  }
0xae: {  	v11 =	vld @!p0 [tilespmem:s28+$0x30];
	v12 =	vmul.f32 @p0 v1, v16;
	[tilespmem:s28+$0x20] =	vst @!p0 v3  }
0xaf: {  	v3 =	vbroadcast @!p0 v4, $0xF;
	v5 =	vmul.f32 @!p0 v5, v6;
	[tilespmem:s28+$0xFFFFFFB0] =	vst @p0 v9  }
0xb0: {  	v6 =	vmul.f32 @p0 v1, v10;
	[tilespmem:s28+$0xFFFFFF90] =	vst @p0 v12;
	v10 =	vbroadcast @p0 v4, $0xC  }
0xb1: {  	v9 =	vbroadcast @!p0 v4, $0xB;
	v2 =	vmul.f32 @!p0 v2, v3;
	[tilespmem:s28+$0x0] =	vst @!p0 v5  }
0xb2: {  	v13 =	vld @!p0 [tilespmem:s28+$0xFFFFFFD0];
	v3 =	vbroadcast @p0 v4, $0xE;
	[tilespmem:s28+$0x10] =	vst @p0 v6;
	v6 =	vmul.f32 @p0 v1, v10  }
0xb3: {  	v5 =	vld @!p0 [tilespmem:s28+$0xFFFFFFB0];
	v10 =	vbroadcast @p0 v4, $0xD;
	v9 =	vmul.f32 @!p0 v11, v9;
	[tilespmem:s28+$0x70] =	vst @!p0 v2  }
0xb4: {  	v2 =	vld @!p0 [tilespmem:s28+$0x10];
	v3 =	vmul.f32 @p0 v1, v3;
	[tilespmem:s28+$0x40] =	vst @p0 v6  }
0xb5: {  	v6 =	vmul.f32 @p0 v1, v10;
	[tilespmem:s28+$0x30] =	vst @!p0 v9;
	v9 =	vld @!p0 [tilespmem:s28+$0xFFFFFF90]  }
0xb6: {  	v8 =	vmul.f32 @p0 v1, v8;
	v10 =	vbroadcast @!p0 v4, $0x3;
	[tilespmem:s28+$0x60] =	vst @p0 v3;
	v3 =	vld @!p0 [tilespmem:s28+$0x40]  }
0xb7: {  	v12 =	vbroadcast @!p0 v4, $0x5;
	[tilespmem:s28+$0x50] =	vst @p0 v6;
	v6 =	vbroadcast @!p0 v4, $0x9  }
0xb8: {  	v11 =	vbroadcast @!p0 v4, $0x1;
	v5 =	vmul.f32 @!p0 v5, v10  }
0xb9: {  	[tilespmem:s28+$0xFFFFFFE0] =	vst @p0 v8;
	v10 =	vld @!p0 [tilespmem:s28+$0x60];
	v2 =	vmul.f32 @!p0 v2, v6;
	v6 =	vbroadcast @!p0 v4, $0xC  }
0xba: {  	v8 =	vmul.f32 @!p0 v13, v12;
	[tilespmem:s28+$0xFFFFFFB0] =	vst @!p0 v5;
	v5 =	vld @!p0 [tilespmem:s28+$0x50];
	v9 =	vmul.f32 @!p0 v9, v11  }
0xbb: {  	[tilespmem:s28+$0x10] =	vst @!p0 v2;
	v2 =	vmul.f32 @!p0 v3, v6;
	v6 =	vbroadcast @p0 v4, $0x7  }
0xbc: {  	v11 =	vld @!p0 [tilespmem:s28+$0xFFFFFFE0];
	[tilespmem:s28+$0xFFFFFF90] =	vst @!p0 v9;
	v9 =	vbroadcast @!p0 v4, $0xE  }
0xbd: {  	[tilespmem:s28+$0xFFFFFFD0] =	vst @!p0 v8;
	v3 =	vbroadcast @!p0 v4, $0xD;
	v1 =	vmul.f32 @p0 v1, v6  }
0xbe: {  	[tilespmem:s28+$0x40] =	vst @!p0 v2;
	v8 =	vmul.f32 @!p0 v10, v9;
	v9 =	vbroadcast @!p0 v4, $0x7  }
0xbf: {  	v2 =	vmul.f32 @!p0 v5, v3;
	v3 =	vbroadcast @!p0 v4, $0x6;
	[tilespmem:s28+$0xFFFFFFF0] =	vst @p0 v1  }
0xc0: {  	[tilespmem:s28+$0x60] =	vst @!p0 v8;
	v4 =	vmul.f32 @!p0 v7, v9  }
0xc1: {  	s18 =	sshll.u32 s11, $0x7;
	s11 =	sadd.s32 $0x1, s11;
	[tilespmem:s28+$0x50] =	vst @!p0 v2;
	v1 =	vmul.f32 @!p0 v11, v3  }
0xc2: {  	s18 =	sand.u32 $0x3FFFFF80, s18;
	p1 =	sne.s32 s11, $0x19;
	[tilespmem:s28+$0xFFFFFFF0] =	vst @!p0 v4  }
.Ltmp5:
0xc3: {  	s18 =	sadd.s32 $0x1A100, s18;
	[tilespmem:s28+$0xFFFFFFE0] =	vst @!p0 v1;
	(pc) =	sbr.rel @p1 .LBB2_5-.Ltmp5, $4  }
0xc4: {  	[spmem:s1] =	stream.indirect.scatter.add.f32 [tilespmem:s23], [sflag:$0x3], $0x10, s18, s22, $0xb8;
	[tilespmem:$0x1F300] =	vst v63  }
0xc5: {  	_ =	swait.ge [sflag:s21], $0x800  }
0xc6: {  	s0 =	sadd.s32 $0x80, s0;
	s5 =	sadd.s32 $0x80, s5;
	[sflag:s21] =	ssyncset.done $0x0  }
0xc7: {  	s17 =	sadd.s32 $0x80, s17;
	s12 =	sadd.s32 $0x80, s12;
	[sflag:s21] =	ssyncadd.s32 $0xFFFFF800  }
0xc8: {  	s7 =	sadd.s32 $0x1, s7  }
0xc9: {  	p1 =	sne.s32 s7, $0x20  }
.Ltmp6:
0xca: {  	_ = 	snop;
	(pc) =	sbr.rel @p1 .LBB2_4-.Ltmp6, $1  }
0xcb: {  	_ =	sdelay $0x3  }
.Ltmp7:
0xcc: {  	(pc) =	sbr.rel @p0 .LBB2_11-.Ltmp7, $2  }
0xcd: {  	_ =	sdelay $0x1  }
0xce: {  	[bflag:$0x0] =	sbarrier.arrive $0xFFFF;
	_ =	sdelay $0x1  }
0xcf: {  	s0 =	sshll.u32 s29, $0x4  }
0xd0: {  	s0 =	sadd.s32 s2, s0  }
0xd1: {  	s5 =	simm.s32 $0x2;
	s7 =	simm.s32 $0x1;
	s0 =	sshrl.u32 s0, $0x3  }
.Ltmp8:
0xd2: {  	s11 =	simm.s32 $0x4;
	s0 =	sadd.s32 s10, s0;
	(pc) =	sbr.rel .LBB2_3-.Ltmp8, $4  }
0xd3: {  	[hbm:s0@s11], [sflag:s20] =	dma.strided [spmem:s16@s5], $0x620, s7, $0x2   }
0xd4: {  	_ =	swait.ge [sflag:s21], $0x620  }
0xd5: {  	[sflag:s21] =	ssyncset.done $0x0  }
0xd6: {  	s29 =	sadd.s32 $0x1, s29;
	[sflag:s21] =	ssyncadd.s32 $0xFFFFF9E0  }
.LBB2_13:
0xd7: {  	_ =	sfence.sel $0x180000  }
0xd8: {  	[bflag:$0x0] =	sbarrier.arrive $0xFFFF  }
0xd9: {  	_ =	strace $0x9000004D  }
0xda: {  	s0 =	stileid.u32;
	[bflag:$0x2] =	sbarrier.arrive $0xFFFF  }
0xdb: {  	p0 =	sne.s32 s0, $0x0;
	s0 =	rddreg [dreg:$0x2]  }
0xdc: {  	s0 =	sadd.s32 @!p0 $0x100000, s0  }
0xdd: {  	[sflag:s0] =	ssyncadd.tile.s32 @!p0 $0x1;
	_ =	shalt  }
.Lfunc_end2:
_tile_overlayer_lowered:
.L_overlay_start_2:
0xde: {  	(tag) =	ssettag $0x2  }
0xdf: {  	s0 =	rddreg [dreg:$0x0];
	s2 =	stileid.u32  }
0xe0: {  	s1 =	rddreg [dreg:$0x1];
	p0 =	sne.s32 s2, $0x0  }
0xe1: {  	s3 =	rddreg [dreg:$0x2];
	[bflag:$0x3] =	sbarrier.arrive $0xFFFF;
	s2 =	simm.s32 @!p0 $0x1C02  }
0xe2: {  	[timem:s3], [sflag:s2] =	dma.local @!p0 [hbm:s0], s1  }
0xe3: {  	s0 =	simm.s32 @!p0 $0x2  }
0xe4: {  	_ =	swait.ge @!p0 [sflag:s0], s1  }
0xe5: {  	s1 =	ssub.s32 @!p0 $0x0, s1;
	[sflag:s0] =	ssyncset.done @!p0 $0x0  }
0xe6: {  	[sflag:s0] =	ssyncadd.s32 @!p0 s1  }
0xe7: {  	[bflag:$0x3] =	sbarrier.arrive $0xFFFF  }
0xe8: {  	_ =	shalt  }

</sc_bundles>
